<compile_context>
chip_gen: v7x
topology: tpu7x:2x2x1
jax: 0.10.2.dev20260603
libtpu: 0.0.44.dev20260713+nightly
codegen_flags: <defaults>
</compile_context>

<pallas_src>
import functools

import jax
import jax.numpy as jnp
import numpy as np
from jax import lax
from jax.experimental import pallas as pl
from jax.experimental.pallas import tpu as pltpu
from jax.experimental.pallas import tpu_sc as plsc

N = 100000
E = 3200000
SUPPORT = 0.05
DELTA = 0.1
C0 = float(10.0 * np.sqrt(2.0 * 9.81 * 0.3))
EPS = SUPPORT * SUPPORT * 0.1
REST_DENSITY = 1000.0
KGRAD_C = float(7.0 / (np.pi * SUPPORT * SUPPORT))
SCALE = float(2.0 * SUPPORT * DELTA * C0)
EPS_LIM = 0.0001 * SUPPORT

NW = 32
EP = 3276800
CH = 2048
NCHT = 100
NG = CH // 16
NP = 100352
NT = NP // 16
NR, NL = 196, 512

_MESH = dict(core_axis_name="c", subcore_axis_name="s", num_cores=2,
             num_subcores=16)


def _ebuf_types():
  return [pltpu.VMEM((CH,), jnp.int32), pltpu.VMEM((CH,), jnp.int32),
          pltpu.VMEM((CH,), jnp.float32), pltpu.VMEM((CH,), jnp.float32),
          pltpu.VMEM((CH,), jnp.float32)]


def _gradw(dxv, dyv, radv):
  q = jnp.clip(radv, 0.0, 1.0)
  omq = 1.0 - q
  f = (-20.0 * KGRAD_C / SUPPORT) * q * omq * omq * omq
  return f * dxv, f * dyv


def _hi16(vf):
  u = lax.bitcast_convert_type(vf, jnp.int32)
  return lax.bitcast_convert_type(u & jnp.int32(-65536), jnp.float32)


def _lo16(vf):
  u = lax.bitcast_convert_type(vf, jnp.int32)
  return lax.bitcast_convert_type(u << 16, jnp.float32)


def _work(c, s, n0, n1):
  nch = jnp.where(c == 0, n0, n1)
  base = c * (16 * n0 * CH) + s * (nch * CH)
  return nch, base


def _zero_accs(z_hbm, tmp, accs, s):
  ns = pl.ds(s * NT, NT)
  for a in accs:
    pltpu.sync_copy(z_hbm.at[ns], tmp)
    pltpu.sync_copy(tmp, a.at[ns])


def _stage_tables(pairs, tmp, s):
  ns = pl.ds(s * NT, NT)
  for hbm, sp in pairs:
    pltpu.sync_copy(hbm.at[ns], tmp)
    pltpu.sync_copy(tmp, sp.at[ns])


def _write_out(accs, tmp, out_hbm, c, s):
  plsc.subcore_barrier()
  ns = pl.ds(s * NT, NT)
  for k, a in enumerate(accs):
    pltpu.sync_copy(a.at[ns], tmp)
    pltpu.sync_copy(tmp, out_hbm.at[c, k, ns])


def _gather_descs(specs, eb, gb, sem):
  return [pltpu.make_async_copy(tbl.at[eb[side]], gb[k], sem)
          for k, (tbl, side) in enumerate(specs)]


def _pipeline(edge_refs, ebufs, gspecs, gbufs, gsems, lsem,
              compute, scatter, nch, ebase):
  def load_linear(q, eb1):
    es = pl.ds(eb1, CH)
    return [pltpu.make_async_copy(r.at[es], b, lsem)
            for r, b in zip(edge_refs, ebufs[q])]

  for d in load_linear(0, ebase):
    d.start()
  for d in load_linear(0, ebase):
    d.wait()
  for d in _gather_descs(gspecs, ebufs[0], gbufs[0], gsems[0]):
    d.start()

  def phase(u, p):
    q = 1 - p
    u1 = u + 1
    eb1 = jnp.where(u1 == nch, ebase, ebase + u1 * CH)
    lds = load_linear(q, eb1)
    for d in lds:
      d.start()
    for d in lds:
      d.wait()
    for d in _gather_descs(gspecs, ebufs[q], gbufs[q], gsems[q]):
      d.start()
    for d in _gather_descs(gspecs, ebufs[p], gbufs[p], gsems[p]):
      d.wait()
    compute(ebufs[p], gbufs[p])
    scatter(ebufs[p])

  @pl.loop(0, nch // 2)
  def _pair(k):
    phase(2 * k, 0)
    phase(2 * k + 1, 1)

  for d in _gather_descs(gspecs, ebufs[0], gbufs[0], gsems[0]):
    d.wait()


def _sc_pass_a(iE, jE, dxE, dyE, radE, volP, zN):
  mesh = plsc.VectorSubcoreMesh(**_MESH)

  @functools.partial(
      pl.kernel,
      out_type=jax.ShapeDtypeStruct((2, 4, NP), jnp.float32),
      mesh=mesh,
      scratch_types=[
          *[pltpu.VMEM_SHARED((NP,), jnp.float32) for _ in range(3)],
          pltpu.VMEM_SHARED((NP,), jnp.float32),
          *_ebuf_types(), *_ebuf_types(),
          *[pltpu.VMEM((CH,), jnp.float32) for _ in range(2)],
          *[pltpu.VMEM((CH,), jnp.float32) for _ in range(3)],
          pltpu.VMEM((NT,), jnp.float32),
          pltpu.SemaphoreType.DMA, pltpu.SemaphoreType.DMA,
          pltpu.SemaphoreType.DMA, pltpu.SemaphoreType.DMA,
      ],
  )
  def body(i_hbm, j_hbm, dx_hbm, dy_hbm, rad_hbm, vol_hbm, z_hbm, out_hbm,
           a0, a1, a2, vol_sp,
           bi0, bj0, bdx0, bdy0, brad0, bi1, bj1, bdx1, bdy1, brad1,
           bvol0, bvol1, v0, v1, v2, tmp,
           lsem, gsemA, gsemB, ssem):
    c = lax.axis_index("c")
    s = lax.axis_index("s")
    nch, ebase = _work(c, s, 56, 44)
    accs = (a0, a1, a2)
    vals = (v0, v1, v2)
    _zero_accs(z_hbm, tmp, accs, s)
    _stage_tables([(vol_hbm, vol_sp)], tmp, s)
    plsc.subcore_barrier()

    def compute(eb, gb):
      bdx, bdy, brad = eb[2], eb[3], eb[4]
      bvol = gb[0]

      @pl.loop(0, NG)
      def _grp(g):
        sl = pl.ds(g * 16, 16)
        dxv = bdx[sl]
        dyv = bdy[sl]
        radv = brad[sl]
        gwx, gwy = _gradw(dxv, dyv, radv)
        rbx = -dxv * radv * SUPPORT
        rby = -dyv * radv * SUPPORT
        fac = bvol[sl] * 2.0
        v0[sl] = rbx * gwx * fac
        v1[sl] = rbx * gwy * fac
        v2[sl] = rby * gwy * fac

    def scatter(eb):
      sds = [pltpu.async_copy(vals[k], accs[k].at[eb[0]], ssem, add=True)
             for k in range(3)]
      for d in sds:
        d.wait()

    _pipeline((i_hbm, j_hbm, dx_hbm, dy_hbm, rad_hbm),
              [(bi0, bj0, bdx0, bdy0, brad0), (bi1, bj1, bdx1, bdy1, brad1)],
              [(vol_sp, 1)], [[bvol0], [bvol1]], (gsemA, gsemB), lsem,
              compute, scatter, nch, ebase)

    _write_out(accs, tmp, out_hbm, c, s)

  return body(iE, jE, dxE, dyE, radE, volP, zN)


def _sc_pass_c(iE, jE, dxE, dyE, radE, li0P, li1P, li2P, rvP, zN):
  mesh = plsc.VectorSubcoreMesh(**_MESH)

  @functools.partial(
      pl.kernel,
      out_type=jax.ShapeDtypeStruct((2, 2, NP), jnp.float32),
      mesh=mesh,
      scratch_types=[
          *[pltpu.VMEM_SHARED((NP,), jnp.float32) for _ in range(2)],
          *[pltpu.VMEM_SHARED((NP,), jnp.float32) for _ in range(4)],
          *_ebuf_types(), *_ebuf_types(),
          *[pltpu.VMEM((CH,), jnp.float32) for _ in range(10)],
          *[pltpu.VMEM((CH,), jnp.float32) for _ in range(2)],
          pltpu.VMEM((NT,), jnp.float32),
          pltpu.SemaphoreType.DMA, pltpu.SemaphoreType.DMA,
          pltpu.SemaphoreType.DMA, pltpu.SemaphoreType.DMA,
      ],
  )
  def body(i_hbm, j_hbm, dx_hbm, dy_hbm, rad_hbm, l0_hbm, l1_hbm, l2_hbm,
           rv_hbm, z_hbm, out_hbm,
           ax, ay, l0_sp, l1_sp, l2_sp, rv_sp,
           bi0, bj0, bdx0, bdy0, brad0, bi1, bj1, bdx1, bdy1, brad1,
           g00, g01, g02, g03, g04,
           g10, g11, g12, g13, g14,
           vx, vy, tmp, lsem, gsemA, gsemB, ssem):
    c = lax.axis_index("c")
    s = lax.axis_index("s")
    nch, ebase = _work(c, s, 56, 44)
    accs = (ax, ay)
    _zero_accs(z_hbm, tmp, accs, s)
    _stage_tables([(l0_hbm, l0_sp), (l1_hbm, l1_sp), (l2_hbm, l2_sp),
                   (rv_hbm, rv_sp)], tmp, s)
    plsc.subcore_barrier()

    gspecs = [(l0_sp, 0), (l1_sp, 0), (l2_sp, 0),
              (rv_sp, 0), (rv_sp, 1)]

    def compute(eb, gb):
      bdx, bdy, brad = eb[2], eb[3], eb[4]
      bl0, bl1, bl2, brvi, brvj = gb

      @pl.loop(0, NG)
      def _grp(g):
        sl = pl.ds(g * 16, 16)
        dxv = bdx[sl]
        dyv = bdy[sl]
        radv = brad[sl]
        gwx, gwy = _gradw(dxv, dyv, radv)
        l01 = bl1[sl]
        ngx = bl0[sl] * gwx + l01 * gwy
        ngy = l01 * gwx + bl2[sl] * gwy
        dwij_mag = jnp.abs(gwx) + jnp.abs(gwy)
        norm_mag = jnp.abs(ngx) + jnp.abs(ngy)
        change = jnp.abs(norm_mag - dwij_mag) / (dwij_mag + EPS_LIM)
        sel = change < 0.1
        gx = jnp.where(sel, ngx, gwx)
        gy = jnp.where(sel, ngy, gwy)
        fac2 = (_hi16(brvj[sl]) - _hi16(brvi[sl])) * _lo16(brvj[sl]) * 2.0
        vx[sl] = fac2 * gx
        vy[sl] = fac2 * gy

    def scatter(eb):
      sds = [pltpu.async_copy(vx, ax.at[eb[0]], ssem, add=True),
             pltpu.async_copy(vy, ay.at[eb[0]], ssem, add=True)]
      for d in sds:
        d.wait()

    _pipeline((i_hbm, j_hbm, dx_hbm, dy_hbm, rad_hbm),
              [(bi0, bj0, bdx0, bdy0, brad0), (bi1, bj1, bdx1, bdy1, brad1)],
              gspecs, [[g00, g01, g02, g03, g04],
                       [g10, g11, g12, g13, g14]],
              (gsemA, gsemB), lsem, compute, scatter, nch, ebase)

    _write_out(accs, tmp, out_hbm, c, s)

  return body(iE, jE, dxE, dyE, radE, li0P, li1P, li2P, rvP, zN)


def _sc_pass_e(iE, jE, dxE, dyE, radE, gxyP, rvP, zN):
  mesh = plsc.VectorSubcoreMesh(**_MESH)

  @functools.partial(
      pl.kernel,
      out_type=jax.ShapeDtypeStruct((2, 1, NP), jnp.float32),
      mesh=mesh,
      scratch_types=[
          pltpu.VMEM_SHARED((NP,), jnp.float32),
          *[pltpu.VMEM_SHARED((NP,), jnp.float32) for _ in range(2)],
          *_ebuf_types(), *_ebuf_types(),
          *[pltpu.VMEM((CH,), jnp.float32) for _ in range(8)],
          pltpu.VMEM((CH,), jnp.float32),
          pltpu.VMEM((NT,), jnp.float32),
          pltpu.SemaphoreType.DMA, pltpu.SemaphoreType.DMA,
          pltpu.SemaphoreType.DMA, pltpu.SemaphoreType.DMA,
      ],
  )
  def body(i_hbm, j_hbm, dx_hbm, dy_hbm, rad_hbm, gxy_hbm, rv_hbm,
           z_hbm, out_hbm,
           acc, gxy_sp, rv_sp,
           bi0, bj0, bdx0, bdy0, brad0, bi1, bj1, bdx1, bdy1, brad1,
           g00, g01, g02, g03,
           g10, g11, g12, g13,
           vv, tmp, lsem, gsemA, gsemB, ssem):
    c = lax.axis_index("c")
    s = lax.axis_index("s")
    nch, ebase = _work(c, s, 56, 44)
    _zero_accs(z_hbm, tmp, (acc,), s)
    _stage_tables([(gxy_hbm, gxy_sp), (rv_hbm, rv_sp)], tmp, s)
    plsc.subcore_barrier()

    gspecs = [(gxy_sp, 0), (rv_sp, 0), (gxy_sp, 1), (rv_sp, 1)]

    def compute(eb, gb):
      bdx, bdy, brad = eb[2], eb[3], eb[4]
      bgxyi, brvi, bgxyj, brvj = gb

      @pl.loop(0, NG)
      def _grp(g):
        sl = pl.ds(g * 16, 16)
        dxv = bdx[sl]
        dyv = bdy[sl]
        radv = brad[sl]
        gwx, gwy = _gradw(dxv, dyv, radv)
        rbx = -dxv * radv * SUPPORT
        rby = -dyv * radv * SUPPORT
        rji2 = rbx * rbx + rby * rby + EPS
        gxyi = bgxyi[sl]
        gxyj = bgxyj[sl]
        density_term = 0.5 * ((_hi16(gxyi) + _hi16(gxyj)) * rbx +
                              (_lo16(gxyi) + _lo16(gxyj)) * rby)
        diffusion_term = _hi16(brvj[sl]) - _hi16(brvi[sl])
        grad_term = (gwx * rbx + gwy * rby) / rji2
        prod = (diffusion_term + density_term) * grad_term
        vv[sl] = prod * _lo16(brvj[sl])

    def scatter(eb):
      pltpu.async_copy(vv, acc.at[eb[0]], ssem, add=True).wait()

    _pipeline((i_hbm, j_hbm, dx_hbm, dy_hbm, rad_hbm),
              [(bi0, bj0, bdx0, bdy0, brad0), (bi1, bj1, bdx1, bdy1, brad1)],
              gspecs, [[g00, g01, g02, g03],
                       [g10, g11, g12, g13]],
              (gsemA, gsemB), lsem, compute, scatter, nch, ebase)

    _write_out((acc,), tmp, out_hbm, c, s)

  return body(iE, jE, dxE, dyE, radE, gxyP, rvP, zN)


def _pack2(x, y):
  xb = lax.bitcast_convert_type(x.astype(jnp.bfloat16), jnp.uint16)
  yb = lax.bitcast_convert_type(y.astype(jnp.bfloat16), jnp.uint16)
  packed = (xb.astype(jnp.uint32) << 16) | yb.astype(jnp.uint32)
  return lax.bitcast_convert_type(packed, jnp.float32)


def _tc_pinv_body(m_ref, dens, vol, li0, li1, li2, rv):
  a = m_ref[0, 0] + m_ref[1, 0]
  b = m_ref[0, 1] + m_ref[1, 1]
  d = m_ref[0, 2] + m_ref[1, 2]
  det = a * d - b * b
  frob2 = a * a + 2.0 * (b * b) + d * d
  use = jnp.abs(det) > 1e-6 * frob2
  sdet = jnp.where(use, det, 1.0)
  sfro = jnp.maximum(frob2, 1e-30)
  li0[...] = jnp.where(use, d / sdet, a / sfro)
  li1[...] = jnp.where(use, -b / sdet, b / sfro)
  li2[...] = jnp.where(use, a / sdet, d / sfro)
  rv[...] = _pack2(dens[...] * REST_DENSITY, vol[...])


def _tc_combine2_body(g_ref, gxy):
  gxy[...] = _pack2(g_ref[0, 0] + g_ref[1, 0], g_ref[0, 1] + g_ref[1, 1])


def _tc_final_body(dp, out):
  out[...] = SCALE * (dp[0, 0] + dp[1, 0])


def kernel(fluidPosition, fluidVolume, fluidDistances, fluidRadialDistances,
           fluidDensity, i, j):
  del fluidPosition
  i = i.astype(jnp.int32)
  j = j.astype(jnp.int32)
  pad = EP - E
  iE = jnp.pad(i, (0, pad))
  jE = jnp.pad(j, (0, pad))
  dxE = jnp.pad(fluidDistances[:, 0], (0, pad))
  dyE = jnp.pad(fluidDistances[:, 1], (0, pad))
  radE = jnp.pad(fluidRadialDistances, (0, pad))
  volP = jnp.pad(fluidVolume, (0, NP - N))
  densP = jnp.pad(fluidDensity, (0, NP - N))
  zN = jnp.zeros((NP,), jnp.float32)
  f32 = jnp.float32
  shp = jax.ShapeDtypeStruct((NR, NL), f32)

  Mpart = _sc_pass_a(iE, jE, dxE, dyE, radE, volP, zN)

  li0, li1, li2, rv2 = pl.pallas_call(
      _tc_pinv_body, out_shape=[shp] * 4)(
          Mpart.reshape(2, 4, NR, NL), densP.reshape(NR, NL),
          volP.reshape(NR, NL))

  Gpart = _sc_pass_c(iE, jE, dxE, dyE, radE,
                     li0.reshape(NP), li1.reshape(NP), li2.reshape(NP),
                     rv2.reshape(NP), zN)

  gxy2 = pl.pallas_call(_tc_combine2_body, out_shape=shp)(
      Gpart.reshape(2, 2, NR, NL))

  Dpart = _sc_pass_e(iE, jE, dxE, dyE, radE,
                     gxy2.reshape(NP), rv2.reshape(NP), zN)

  out2 = pl.pallas_call(_tc_final_body, out_shape=shp)(
      Dpart.reshape(2, 1, NR, NL))
  return out2.reshape(NP)[:N]

# --- scband reference (transcript-rebuilt; emitter-appended) ---
"""Pipeline reference for scband-density-diffusion-module-55482387530424 (READ-ONLY COPY).

The authoritative reference and input builder live on the scoring server;
editing this copy changes nothing except your own understanding.
"""

import jax, jax.numpy as jnp
import numpy as np

N = 100000
E = 3200000
SUPPORT = 0.05
DELTA = 0.1
C0 = float(10.0 * np.sqrt(2.0 * 9.81 * 0.3))
EPS = SUPPORT * SUPPORT * 0.1
REST_DENSITY = 1000.0


def kernel_gradient(radialDistances, distances, support):
    # Wendland C2 kernel gradient in 2D: W(q) = C (1-q)^4 (1+4q), C = 7/(pi h^2)
    C = 7.0 / (np.pi * support * support)
    q = jnp.clip(radialDistances, 0.0, 1.0)
    dwdq = -20.0 * C * q * (1.0 - q) ** 3
    return (dwdq / support)[:, None] * distances


def setup_inputs(seed: int = 0) -> dict:
    key = jax.random.key(seed)
    ks = jax.random.split(key, 7)
    i = jax.random.randint(ks[0], (E,), 0, N, dtype=jnp.int64) if jax.config.jax_enable_x64 else jax.random.randint(ks[0], (E,), 0, N)
    j = jax.random.randint(ks[1], (E,), 0, N)
    fluidPosition = jax.random.normal(ks[2], (N, 2), dtype=jnp.float32)
    fluidVolume = jax.random.uniform(ks[3], (N,), dtype=jnp.float32)
    fluidDistances = jax.random.normal(ks[4], (E, 2), dtype=jnp.float32)
    fluidRadialDistances = jax.random.uniform(ks[5], (E,), dtype=jnp.float32)
    fluidDensity = jax.random.uniform(ks[6], (N,), dtype=jnp.float32)
    return {
        "fluidPosition": fluidPosition,
        "fluidVolume": fluidVolume,
        "fluidDistances": fluidDistances,
        "fluidRadialDistances": fluidRadialDistances,
        "fluidDensity": fluidDensity,
        "i": i,
        "j": j,
    }


def reference(fluidPosition, fluidVolume, fluidDistances, fluidRadialDistances, fluidDensity, i, j):
    gradW = kernel_gradient(fluidRadialDistances, fluidDistances, SUPPORT)

    # --- computeNormalizationMatrix ---
    r_ba = -fluidDistances * fluidRadialDistances[:, None] * SUPPORT
    fac = fluidVolume[j] * 2.0
    term = jnp.einsum('nu,nv->nuv', r_ba, gradW) * fac[:, None, None]
    normalizationMatrix = jax.ops.segment_sum(term, i, num_segments=N)

    # --- invertNormalizationMatrix_PINV ---
    Li = jnp.linalg.pinv(normalizationMatrix)
    normalizedGradients = jnp.einsum('nuv,nv->nu', Li[i], gradW)

    # gradient limiter (L1 norms, tol = 0.1)
    dwij_mag = jnp.sum(jnp.abs(gradW), axis=1)
    norm_mag = jnp.sum(jnp.abs(normalizedGradients), axis=1)
    eps_lim = 0.0001 * SUPPORT
    change = jnp.abs(norm_mag - dwij_mag) / (dwij_mag + eps_lim)
    grad = jnp.where((change < 0.1)[:, None], normalizedGradients, gradW)

    # --- computeRenormalizedDensityGradient ---
    rho = fluidDensity * REST_DENSITY
    rho_ba = rho[j] - rho[i]
    renormalizedDensityGradient = jax.ops.segment_sum(
        (rho_ba * fluidVolume[j] * 2.0)[:, None] * grad, i, num_segments=N)

    # --- computeDensityDiffusionDeltaSPH ---
    rji = r_ba
    rji2 = jnp.sum(rji * rji, axis=1) + EPS
    gradRho = renormalizedDensityGradient
    densityTerm = 0.5 * jnp.sum((gradRho[i] + gradRho[j]) * rji, axis=1)
    diffusionTerm = rho[j] - rho[i]
    gradTerm = jnp.sum(gradW * (rji / rji2[:, None]), axis=1)
    prod = (diffusionTerm + densityTerm) * gradTerm
    densityDiffusion = 2.0 * SUPPORT * DELTA * C0 * jax.ops.segment_sum(
        prod * fluidVolume[j], i, num_segments=N)
    return densityDiffusion

if __name__ == "__main__":
    import jax
    _d = setup_inputs()
    print(jax.jit(kernel)(*tuple(_d.values())))

</pallas_src>

<mosaic_0001>
#map = affine_map<(d0, d1) -> (0)>
#map1 = affine_map<(d0, d1) -> (0, 0, 0)>
module attributes {stable_mosaic.version = 14 : i64} {
  func.func @body(%arg0: i32, %arg1: i32, %arg2: memref<3276800xi32, #tpu.memory_space<hbm>>, %arg3: memref<3276800xi32, #tpu.memory_space<hbm>>, %arg4: memref<3276800xf32, #tpu.memory_space<hbm>>, %arg5: memref<3276800xf32, #tpu.memory_space<hbm>>, %arg6: memref<3276800xf32, #tpu.memory_space<hbm>>, %arg7: memref<100352xf32, #tpu.memory_space<hbm>>, %arg8: memref<100352xf32, #tpu.memory_space<hbm>>, %arg9: memref<100352xf32, #tpu.memory_space<hbm>>, %arg10: memref<2x1x100352xf32, #tpu.memory_space<hbm>>, %arg11: memref<100352xf32, #tpu.memory_space<vmem_shared>>, %arg12: memref<100352xf32, #tpu.memory_space<vmem_shared>>, %arg13: memref<100352xf32, #tpu.memory_space<vmem_shared>>, %arg14: memref<2048xi32, #tpu.memory_space<vmem>>, %arg15: memref<2048xi32, #tpu.memory_space<vmem>>, %arg16: memref<2048xf32, #tpu.memory_space<vmem>>, %arg17: memref<2048xf32, #tpu.memory_space<vmem>>, %arg18: memref<2048xf32, #tpu.memory_space<vmem>>, %arg19: memref<2048xi32, #tpu.memory_space<vmem>>, %arg20: memref<2048xi32, #tpu.memory_space<vmem>>, %arg21: memref<2048xf32, #tpu.memory_space<vmem>>, %arg22: memref<2048xf32, #tpu.memory_space<vmem>>, %arg23: memref<2048xf32, #tpu.memory_space<vmem>>, %arg24: memref<2048xf32, #tpu.memory_space<vmem>>, %arg25: memref<2048xf32, #tpu.memory_space<vmem>>, %arg26: memref<2048xf32, #tpu.memory_space<vmem>>, %arg27: memref<2048xf32, #tpu.memory_space<vmem>>, %arg28: memref<2048xf32, #tpu.memory_space<vmem>>, %arg29: memref<2048xf32, #tpu.memory_space<vmem>>, %arg30: memref<2048xf32, #tpu.memory_space<vmem>>, %arg31: memref<2048xf32, #tpu.memory_space<vmem>>, %arg32: memref<2048xf32, #tpu.memory_space<vmem>>, %arg33: memref<6272xf32, #tpu.memory_space<vmem>>, %arg34: memref<!tpu.dma_semaphore, #tpu.memory_space<semaphore_mem>>, %arg35: memref<!tpu.dma_semaphore, #tpu.memory_space<semaphore_mem>>, %arg36: memref<!tpu.dma_semaphore, #tpu.memory_space<semaphore_mem>>, %arg37: memref<!tpu.dma_semaphore, #tpu.memory_space<semaphore_mem>>) attributes {dimension_semantics = [#tpu.dimension_semantics<core_parallel>, #tpu.dimension_semantics<subcore_parallel>], iteration_bounds = array<i64: 2, 16>, scalar_prefetch = 0 : i64, scratch_operands = 27 : i64, tpu.core_type = #tpu.core_type<sc_vector_subcore>, window_params = [{transform_indices = #map}, {transform_indices = #map}, {transform_indices = #map}, {transform_indices = #map}, {transform_indices = #map}, {transform_indices = #map}, {transform_indices = #map}, {transform_indices = #map}, {transform_indices = #map1}]} {
    %eq3A = arith.constant 0 : i32
    %eq3A_0 = arith.cmpi eq, %arg0, %eq3A : i32
    %jit3A = arith.constant 56 : i32
    %jit3A_1 = arith.constant 44 : i32
    %select_n3A = arith.select %eq3A_0, %jit3A, %jit3A_1 : i32
    %mul3A = arith.constant 1835008 : i32
    %mul3A_2 = arith.muli %arg0, %mul3A : i32
    %mul3A_3 = arith.constant 2048 : i32
    %mul3A_4 = arith.muli %select_n3A, %mul3A_3 : i32
    %mul3A_5 = arith.muli %arg1, %mul3A_4 : i32
    %add3A = arith.addi %mul3A_2, %mul3A_5 : i32
    %mul3A_6 = arith.constant 6272 : i32
    %mul3A_7 = arith.muli %arg1, %mul3A_6 : i32
    "tpu.region"() ({
      %run_scoped3A_83 = tpu.sem_alloc : memref<!tpu.dma_semaphore, #tpu.memory_space<semaphore_mem>>
      %dma_start3A_84 = tpu.memref_slice %arg9[%mul3A_7] : memref<100352xf32, #tpu.memory_space<hbm>> -> memref<6272xf32, #tpu.memory_space<hbm>>
      %dma_start3A_85 = tpu.memref_slice %arg9[%mul3A_7] : memref<100352xf32, #tpu.memory_space<hbm>> -> memref<6272xf32, #tpu.memory_space<hbm>>
      tpu.enqueue_dma source(%dma_start3A_85 : memref<6272xf32, #tpu.memory_space<hbm>>) target(%arg33 : memref<6272xf32, #tpu.memory_space<vmem>>) target_semaphore(%run_scoped3A_83 : memref<!tpu.dma_semaphore, #tpu.memory_space<semaphore_mem>>)
      %dma_wait3A_86 = tpu.memref_slice %arg9[%mul3A_7] : memref<100352xf32, #tpu.memory_space<hbm>> -> memref<6272xf32, #tpu.memory_space<hbm>>
      %dma_wait3A_87 = tpu.memref_slice %arg9[%mul3A_7] : memref<100352xf32, #tpu.memory_space<hbm>> -> memref<6272xf32, #tpu.memory_space<hbm>>
      tpu.wait_dma2 semaphore(%run_scoped3A_83 : memref<!tpu.dma_semaphore, #tpu.memory_space<semaphore_mem>>) src(%dma_wait3A_87 : memref<6272xf32, #tpu.memory_space<hbm>>) dst(%arg33 : memref<6272xf32, #tpu.memory_space<vmem>>)
      tpu.yield
    }) : () -> ()
    "tpu.region"() ({
      %run_scoped3A_83 = tpu.sem_alloc : memref<!tpu.dma_semaphore, #tpu.memory_space<semaphore_mem>>
      %dma_start3A_84 = tpu.memref_slice %arg11[%mul3A_7] : memref<100352xf32, #tpu.memory_space<vmem_shared>> -> memref<6272xf32, #tpu.memory_space<vmem_shared>>
      %dma_start3A_85 = tpu.memref_slice %arg11[%mul3A_7] : memref<100352xf32, #tpu.memory_space<vmem_shared>> -> memref<6272xf32, #tpu.memory_space<vmem_shared>>
      tpu.enqueue_dma source(%arg33 : memref<6272xf32, #tpu.memory_space<vmem>>) target(%dma_start3A_85 : memref<6272xf32, #tpu.memory_space<vmem_shared>>) target_semaphore(%run_scoped3A_83 : memref<!tpu.dma_semaphore, #tpu.memory_space<semaphore_mem>>)
      %dma_wait3A_86 = tpu.memref_slice %arg11[%mul3A_7] : memref<100352xf32, #tpu.memory_space<vmem_shared>> -> memref<6272xf32, #tpu.memory_space<vmem_shared>>
      %dma_wait3A_87 = tpu.memref_slice %arg11[%mul3A_7] : memref<100352xf32, #tpu.memory_space<vmem_shared>> -> memref<6272xf32, #tpu.memory_space<vmem_shared>>
      tpu.wait_dma2 semaphore(%run_scoped3A_83 : memref<!tpu.dma_semaphore, #tpu.memory_space<semaphore_mem>>) src(%arg33 : memref<6272xf32, #tpu.memory_space<vmem>>) dst(%dma_wait3A_87 : memref<6272xf32, #tpu.memory_space<vmem_shared>>)
      tpu.yield
    }) : () -> ()
    %mul3A_8 = arith.constant 6272 : i32
    %mul3A_9 = arith.muli %arg1, %mul3A_8 : i32
    "tpu.region"() ({
      %run_scoped3A_83 = tpu.sem_alloc : memref<!tpu.dma_semaphore, #tpu.memory_space<semaphore_mem>>
      %dma_start3A_84 = tpu.memref_slice %arg7[%mul3A_9] : memref<100352xf32, #tpu.memory_space<hbm>> -> memref<6272xf32, #tpu.memory_space<hbm>>
      %dma_start3A_85 = tpu.memref_slice %arg7[%mul3A_9] : memref<100352xf32, #tpu.memory_space<hbm>> -> memref<6272xf32, #tpu.memory_space<hbm>>
      tpu.enqueue_dma source(%dma_start3A_85 : memref<6272xf32, #tpu.memory_space<hbm>>) target(%arg33 : memref<6272xf32, #tpu.memory_space<vmem>>) target_semaphore(%run_scoped3A_83 : memref<!tpu.dma_semaphore, #tpu.memory_space<semaphore_mem>>)
      %dma_wait3A_86 = tpu.memref_slice %arg7[%mul3A_9] : memref<100352xf32, #tpu.memory_space<hbm>> -> memref<6272xf32, #tpu.memory_space<hbm>>
      %dma_wait3A_87 = tpu.memref_slice %arg7[%mul3A_9] : memref<100352xf32, #tpu.memory_space<hbm>> -> memref<6272xf32, #tpu.memory_space<hbm>>
      tpu.wait_dma2 semaphore(%run_scoped3A_83 : memref<!tpu.dma_semaphore, #tpu.memory_space<semaphore_mem>>) src(%dma_wait3A_87 : memref<6272xf32, #tpu.memory_space<hbm>>) dst(%arg33 : memref<6272xf32, #tpu.memory_space<vmem>>)
      tpu.yield
    }) : () -> ()
    "tpu.region"() ({
      %run_scoped3A_83 = tpu.sem_alloc : memref<!tpu.dma_semaphore, #tpu.memory_space<semaphore_mem>>
      %dma_start3A_84 = tpu.memref_slice %arg12[%mul3A_9] : memref<100352xf32, #tpu.memory_space<vmem_shared>> -> memref<6272xf32, #tpu.memory_space<vmem_shared>>
      %dma_start3A_85 = tpu.memref_slice %arg12[%mul3A_9] : memref<100352xf32, #tpu.memory_space<vmem_shared>> -> memref<6272xf32, #tpu.memory_space<vmem_shared>>
      tpu.enqueue_dma source(%arg33 : memref<6272xf32, #tpu.memory_space<vmem>>) target(%dma_start3A_85 : memref<6272xf32, #tpu.memory_space<vmem_shared>>) target_semaphore(%run_scoped3A_83 : memref<!tpu.dma_semaphore, #tpu.memory_space<semaphore_mem>>)
      %dma_wait3A_86 = tpu.memref_slice %arg12[%mul3A_9] : memref<100352xf32, #tpu.memory_space<vmem_shared>> -> memref<6272xf32, #tpu.memory_space<vmem_shared>>
      %dma_wait3A_87 = tpu.memref_slice %arg12[%mul3A_9] : memref<100352xf32, #tpu.memory_space<vmem_shared>> -> memref<6272xf32, #tpu.memory_space<vmem_shared>>
      tpu.wait_dma2 semaphore(%run_scoped3A_83 : memref<!tpu.dma_semaphore, #tpu.memory_space<semaphore_mem>>) src(%arg33 : memref<6272xf32, #tpu.memory_space<vmem>>) dst(%dma_wait3A_87 : memref<6272xf32, #tpu.memory_space<vmem_shared>>)
      tpu.yield
    }) : () -> ()
    "tpu.region"() ({
      %run_scoped3A_83 = tpu.sem_alloc : memref<!tpu.dma_semaphore, #tpu.memory_space<semaphore_mem>>
      %dma_start3A_84 = tpu.memref_slice %arg8[%mul3A_9] : memref<100352xf32, #tpu.memory_space<hbm>> -> memref<6272xf32, #tpu.memory_space<hbm>>
      %dma_start3A_85 = tpu.memref_slice %arg8[%mul3A_9] : memref<100352xf32, #tpu.memory_space<hbm>> -> memref<6272xf32, #tpu.memory_space<hbm>>
      tpu.enqueue_dma source(%dma_start3A_85 : memref<6272xf32, #tpu.memory_space<hbm>>) target(%arg33 : memref<6272xf32, #tpu.memory_space<vmem>>) target_semaphore(%run_scoped3A_83 : memref<!tpu.dma_semaphore, #tpu.memory_space<semaphore_mem>>)
      %dma_wait3A_86 = tpu.memref_slice %arg8[%mul3A_9] : memref<100352xf32, #tpu.memory_space<hbm>> -> memref<6272xf32, #tpu.memory_space<hbm>>
      %dma_wait3A_87 = tpu.memref_slice %arg8[%mul3A_9] : memref<100352xf32, #tpu.memory_space<hbm>> -> memref<6272xf32, #tpu.memory_space<hbm>>
      tpu.wait_dma2 semaphore(%run_scoped3A_83 : memref<!tpu.dma_semaphore, #tpu.memory_space<semaphore_mem>>) src(%dma_wait3A_87 : memref<6272xf32, #tpu.memory_space<hbm>>) dst(%arg33 : memref<6272xf32, #tpu.memory_space<vmem>>)
      tpu.yield
    }) : () -> ()
    "tpu.region"() ({
      %run_scoped3A_83 = tpu.sem_alloc : memref<!tpu.dma_semaphore, #tpu.memory_space<semaphore_mem>>
      %dma_start3A_84 = tpu.memref_slice %arg13[%mul3A_9] : memref<100352xf32, #tpu.memory_space<vmem_shared>> -> memref<6272xf32, #tpu.memory_space<vmem_shared>>
      %dma_start3A_85 = tpu.memref_slice %arg13[%mul3A_9] : memref<100352xf32, #tpu.memory_space<vmem_shared>> -> memref<6272xf32, #tpu.memory_space<vmem_shared>>
      tpu.enqueue_dma source(%arg33 : memref<6272xf32, #tpu.memory_space<vmem>>) target(%dma_start3A_85 : memref<6272xf32, #tpu.memory_space<vmem_shared>>) target_semaphore(%run_scoped3A_83 : memref<!tpu.dma_semaphore, #tpu.memory_space<semaphore_mem>>)
      %dma_wait3A_86 = tpu.memref_slice %arg13[%mul3A_9] : memref<100352xf32, #tpu.memory_space<vmem_shared>> -> memref<6272xf32, #tpu.memory_space<vmem_shared>>
      %dma_wait3A_87 = tpu.memref_slice %arg13[%mul3A_9] : memref<100352xf32, #tpu.memory_space<vmem_shared>> -> memref<6272xf32, #tpu.memory_space<vmem_shared>>
      tpu.wait_dma2 semaphore(%run_scoped3A_83 : memref<!tpu.dma_semaphore, #tpu.memory_space<semaphore_mem>>) src(%arg33 : memref<6272xf32, #tpu.memory_space<vmem>>) dst(%dma_wait3A_87 : memref<6272xf32, #tpu.memory_space<vmem_shared>>)
      tpu.yield
    }) : () -> ()
    %barrier3A = arith.constant 0 : index
    tpu.barrier barrier_id(%barrier3A)
    %dma_start3A = tpu.memref_slice %arg2[%add3A] : memref<3276800xi32, #tpu.memory_space<hbm>> -> memref<2048xi32, #tpu.memory_space<hbm>>
    %dma_start3A_10 = tpu.memref_slice %arg2[%add3A] : memref<3276800xi32, #tpu.memory_space<hbm>> -> memref<2048xi32, #tpu.memory_space<hbm>>
    tpu.enqueue_dma source(%dma_start3A_10 : memref<2048xi32, #tpu.memory_space<hbm>>) target(%arg14 : memref<2048xi32, #tpu.memory_space<vmem>>) target_semaphore(%arg34 : memref<!tpu.dma_semaphore, #tpu.memory_space<semaphore_mem>>)
    %dma_start3A_11 = tpu.memref_slice %arg3[%add3A] : memref<3276800xi32, #tpu.memory_space<hbm>> -> memref<2048xi32, #tpu.memory_space<hbm>>
    %dma_start3A_12 = tpu.memref_slice %arg3[%add3A] : memref<3276800xi32, #tpu.memory_space<hbm>> -> memref<2048xi32, #tpu.memory_space<hbm>>
    tpu.enqueue_dma source(%dma_start3A_12 : memref<2048xi32, #tpu.memory_space<hbm>>) target(%arg15 : memref<2048xi32, #tpu.memory_space<vmem>>) target_semaphore(%arg34 : memref<!tpu.dma_semaphore, #tpu.memory_space<semaphore_mem>>)
    %dma_start3A_13 = tpu.memref_slice %arg4[%add3A] : memref<3276800xf32, #tpu.memory_space<hbm>> -> memref<2048xf32, #tpu.memory_space<hbm>>
    %dma_start3A_14 = tpu.memref_slice %arg4[%add3A] : memref<3276800xf32, #tpu.memory_space<hbm>> -> memref<2048xf32, #tpu.memory_space<hbm>>
    tpu.enqueue_dma source(%dma_start3A_14 : memref<2048xf32, #tpu.memory_space<hbm>>) target(%arg16 : memref<2048xf32, #tpu.memory_space<vmem>>) target_semaphore(%arg34 : memref<!tpu.dma_semaphore, #tpu.memory_space<semaphore_mem>>)
    %dma_start3A_15 = tpu.memref_slice %arg5[%add3A] : memref<3276800xf32, #tpu.memory_space<hbm>> -> memref<2048xf32, #tpu.memory_space<hbm>>
    %dma_start3A_16 = tpu.memref_slice %arg5[%add3A] : memref<3276800xf32, #tpu.memory_space<hbm>> -> memref<2048xf32, #tpu.memory_space<hbm>>
    tpu.enqueue_dma source(%dma_start3A_16 : memref<2048xf32, #tpu.memory_space<hbm>>) target(%arg17 : memref<2048xf32, #tpu.memory_space<vmem>>) target_semaphore(%arg34 : memref<!tpu.dma_semaphore, #tpu.memory_space<semaphore_mem>>)
    %dma_start3A_17 = tpu.memref_slice %arg6[%add3A] : memref<3276800xf32, #tpu.memory_space<hbm>> -> memref<2048xf32, #tpu.memory_space<hbm>>
    %dma_start3A_18 = tpu.memref_slice %arg6[%add3A] : memref<3276800xf32, #tpu.memory_space<hbm>> -> memref<2048xf32, #tpu.memory_space<hbm>>
    tpu.enqueue_dma source(%dma_start3A_18 : memref<2048xf32, #tpu.memory_space<hbm>>) target(%arg18 : memref<2048xf32, #tpu.memory_space<vmem>>) target_semaphore(%arg34 : memref<!tpu.dma_semaphore, #tpu.memory_space<semaphore_mem>>)
    %dma_wait3A = tpu.memref_slice %arg2[%add3A] : memref<3276800xi32, #tpu.memory_space<hbm>> -> memref<2048xi32, #tpu.memory_space<hbm>>
    %dma_wait3A_19 = tpu.memref_slice %arg2[%add3A] : memref<3276800xi32, #tpu.memory_space<hbm>> -> memref<2048xi32, #tpu.memory_space<hbm>>
    tpu.wait_dma2 semaphore(%arg34 : memref<!tpu.dma_semaphore, #tpu.memory_space<semaphore_mem>>) src(%dma_wait3A_19 : memref<2048xi32, #tpu.memory_space<hbm>>) dst(%arg14 : memref<2048xi32, #tpu.memory_space<vmem>>)
    %dma_wait3A_20 = tpu.memref_slice %arg3[%add3A] : memref<3276800xi32, #tpu.memory_space<hbm>> -> memref<2048xi32, #tpu.memory_space<hbm>>
    %dma_wait3A_21 = tpu.memref_slice %arg3[%add3A] : memref<3276800xi32, #tpu.memory_space<hbm>> -> memref<2048xi32, #tpu.memory_space<hbm>>
    tpu.wait_dma2 semaphore(%arg34 : memref<!tpu.dma_semaphore, #tpu.memory_space<semaphore_mem>>) src(%dma_wait3A_21 : memref<2048xi32, #tpu.memory_space<hbm>>) dst(%arg15 : memref<2048xi32, #tpu.memory_space<vmem>>)
    %dma_wait3A_22 = tpu.memref_slice %arg4[%add3A] : memref<3276800xf32, #tpu.memory_space<hbm>> -> memref<2048xf32, #tpu.memory_space<hbm>>
    %dma_wait3A_23 = tpu.memref_slice %arg4[%add3A] : memref<3276800xf32, #tpu.memory_space<hbm>> -> memref<2048xf32, #tpu.memory_space<hbm>>
    tpu.wait_dma2 semaphore(%arg34 : memref<!tpu.dma_semaphore, #tpu.memory_space<semaphore_mem>>) src(%dma_wait3A_23 : memref<2048xf32, #tpu.memory_space<hbm>>) dst(%arg16 : memref<2048xf32, #tpu.memory_space<vmem>>)
    %dma_wait3A_24 = tpu.memref_slice %arg5[%add3A] : memref<3276800xf32, #tpu.memory_space<hbm>> -> memref<2048xf32, #tpu.memory_space<hbm>>
    %dma_wait3A_25 = tpu.memref_slice %arg5[%add3A] : memref<3276800xf32, #tpu.memory_space<hbm>> -> memref<2048xf32, #tpu.memory_space<hbm>>
    tpu.wait_dma2 semaphore(%arg34 : memref<!tpu.dma_semaphore, #tpu.memory_space<semaphore_mem>>) src(%dma_wait3A_25 : memref<2048xf32, #tpu.memory_space<hbm>>) dst(%arg17 : memref<2048xf32, #tpu.memory_space<vmem>>)
    %dma_wait3A_26 = tpu.memref_slice %arg6[%add3A] : memref<3276800xf32, #tpu.memory_space<hbm>> -> memref<2048xf32, #tpu.memory_space<hbm>>
    %dma_wait3A_27 = tpu.memref_slice %arg6[%add3A] : memref<3276800xf32, #tpu.memory_space<hbm>> -> memref<2048xf32, #tpu.memory_space<hbm>>
    tpu.wait_dma2 semaphore(%arg34 : memref<!tpu.dma_semaphore, #tpu.memory_space<semaphore_mem>>) src(%dma_wait3A_27 : memref<2048xf32, #tpu.memory_space<hbm>>) dst(%arg18 : memref<2048xf32, #tpu.memory_space<vmem>>)
    %dma_start3A_28 = arith.constant 0 : i32
    %dma_start3A_29 = tpu.memref_slice %arg12[%dma_start3A_28] : memref<100352xf32, #tpu.memory_space<vmem_shared>> -> memref<100352xf32, #tpu.memory_space<vmem_shared>>
    tpu.enqueue_indirect_dma source(%dma_start3A_29 : memref<100352xf32, #tpu.memory_space<vmem_shared>>) target(%arg24 : memref<2048xf32, #tpu.memory_space<vmem>>) offsets(%arg14 : memref<2048xi32, #tpu.memory_space<vmem>>) semaphore(%arg35 : memref<!tpu.dma_semaphore, #tpu.memory_space<semaphore_mem>>)
    %dma_start3A_30 = arith.constant 0 : i32
    %dma_start3A_31 = tpu.memref_slice %arg13[%dma_start3A_30] : memref<100352xf32, #tpu.memory_space<vmem_shared>> -> memref<100352xf32, #tpu.memory_space<vmem_shared>>
    tpu.enqueue_indirect_dma source(%dma_start3A_31 : memref<100352xf32, #tpu.memory_space<vmem_shared>>) target(%arg25 : memref<2048xf32, #tpu.memory_space<vmem>>) offsets(%arg14 : memref<2048xi32, #tpu.memory_space<vmem>>) semaphore(%arg35 : memref<!tpu.dma_semaphore, #tpu.memory_space<semaphore_mem>>)
    %dma_start3A_32 = arith.constant 0 : i32
    %dma_start3A_33 = tpu.memref_slice %arg12[%dma_start3A_32] : memref<100352xf32, #tpu.memory_space<vmem_shared>> -> memref<100352xf32, #tpu.memory_space<vmem_shared>>
    tpu.enqueue_indirect_dma source(%dma_start3A_33 : memref<100352xf32, #tpu.memory_space<vmem_shared>>) target(%arg26 : memref<2048xf32, #tpu.memory_space<vmem>>) offsets(%arg15 : memref<2048xi32, #tpu.memory_space<vmem>>) semaphore(%arg35 : memref<!tpu.dma_semaphore, #tpu.memory_space<semaphore_mem>>)
    %dma_start3A_34 = arith.constant 0 : i32
    %dma_start3A_35 = tpu.memref_slice %arg13[%dma_start3A_34] : memref<100352xf32, #tpu.memory_space<vmem_shared>> -> memref<100352xf32, #tpu.memory_space<vmem_shared>>
    tpu.enqueue_indirect_dma source(%dma_start3A_35 : memref<100352xf32, #tpu.memory_space<vmem_shared>>) target(%arg27 : memref<2048xf32, #tpu.memory_space<vmem>>) offsets(%arg15 : memref<2048xi32, #tpu.memory_space<vmem>>) semaphore(%arg35 : memref<!tpu.dma_semaphore, #tpu.memory_space<semaphore_mem>>)
    %jit3A_36 = arith.constant 2 : i32
    %div3A = arith.divsi %select_n3A, %jit3A_36 : i32
    %sign3A = arith.constant 0 : i32
    %sign3A_37 = arith.cmpi sgt, %select_n3A, %sign3A : i32
    %sign3A_38 = arith.extui %sign3A_37 : i1 to i32
    %sign3A_39 = arith.constant 0 : i32
    %sign3A_40 = arith.cmpi slt, %select_n3A, %sign3A_39 : i32
    %sign3A_41 = arith.extui %sign3A_40 : i1 to i32
    %sign3A_42 = arith.subi %sign3A_38, %sign3A_41 : i32
    %sign3A_43 = arith.constant 0 : i32
    %sign3A_44 = arith.cmpi sgt, %jit3A_36, %sign3A_43 : i32
    %sign3A_45 = arith.extui %sign3A_44 : i1 to i32
    %sign3A_46 = arith.constant 0 : i32
    %sign3A_47 = arith.cmpi slt, %jit3A_36, %sign3A_46 : i32
    %sign3A_48 = arith.extui %sign3A_47 : i1 to i32
    %sign3A_49 = arith.subi %sign3A_45, %sign3A_48 : i32
    %ne3A = arith.cmpi ne, %sign3A_42, %sign3A_49 : i32
    %rem3A = arith.remsi %select_n3A, %jit3A_36 : i32
    %ne3A_50 = arith.constant 0 : i32
    %ne3A_51 = arith.cmpi ne, %rem3A, %ne3A_50 : i32
    %and3A = arith.andi %ne3A, %ne3A_51 : i1
    %sub3A = arith.constant 1 : i32
    %sub3A_52 = arith.subi %div3A, %sub3A : i32
    %select_n3A_53 = arith.select %and3A, %sub3A_52, %div3A : i32
    %sub3A_54 = arith.constant 0 : i32
    %sub3A_55 = arith.subi %select_n3A_53, %sub3A_54 : i32
    %sub3A_56 = arith.constant 1 : i32
    %sub3A_57 = arith.constant 1 : i32
    %sub3A_58 = arith.subi %sub3A_56, %sub3A_57 : i32
    %add3A_59 = arith.addi %sub3A_55, %sub3A_58 : i32
    %div3A_60 = arith.constant 1 : i32
    %div3A_61 = arith.divsi %add3A_59, %div3A_60 : i32
    %while3A = arith.constant 1 : i32
    %while3A_62 = arith.constant 0 : i32
    %while3A_63 = arith.constant 0 : i32
    %while3A_64 = arith.subi %div3A_61, %while3A_63 : i32
    %while3A_65 = arith.addi %while3A_63, %while3A_64 : i32
    %while3A_66 = arith.constant 1 : i32
    %while3A_67 = arith.divsi %while3A_64, %while3A_66 : i32
    %while3A_68 = arith.muli %while3A_67, %while3A_66 : i32
    %while3A_69 = arith.addi %while3A_63, %while3A_68 : i32
    %while3A_70 = arith.constant 1 : i32
    scf.for %while3A_83 = %while3A_63 to %while3A_69 step %while3A_70  : i32 {
      %mul3A_84 = arith.muli %while3A_83, %while3A : i32
      %add3A_85 = arith.addi %while3A_62, %mul3A_84 : i32
      %mul3A_86 = arith.constant 2 : i32
      %mul3A_87 = arith.muli %mul3A_86, %add3A_85 : i32
      %add3A_88 = arith.constant 1 : i32
      %add3A_89 = arith.addi %mul3A_87, %add3A_88 : i32
      %eq3A_90 = arith.cmpi eq, %add3A_89, %select_n3A : i32
      %mul3A_91 = arith.constant 2048 : i32
      %mul3A_92 = arith.muli %add3A_89, %mul3A_91 : i32
      %add3A_93 = arith.addi %add3A, %mul3A_92 : i32
      %select_n3A_94 = arith.select %eq3A_90, %add3A, %add3A_93 : i32
      %dma_start3A_95 = tpu.memref_slice %arg2[%select_n3A_94] : memref<3276800xi32, #tpu.memory_space<hbm>> -> memref<2048xi32, #tpu.memory_space<hbm>>
      %dma_start3A_96 = tpu.memref_slice %arg2[%select_n3A_94] : memref<3276800xi32, #tpu.memory_space<hbm>> -> memref<2048xi32, #tpu.memory_space<hbm>>
      tpu.enqueue_dma source(%dma_start3A_96 : memref<2048xi32, #tpu.memory_space<hbm>>) target(%arg19 : memref<2048xi32, #tpu.memory_space<vmem>>) target_semaphore(%arg34 : memref<!tpu.dma_semaphore, #tpu.memory_space<semaphore_mem>>)
      %dma_start3A_97 = tpu.memref_slice %arg3[%select_n3A_94] : memref<3276800xi32, #tpu.memory_space<hbm>> -> memref<2048xi32, #tpu.memory_space<hbm>>
      %dma_start3A_98 = tpu.memref_slice %arg3[%select_n3A_94] : memref<3276800xi32, #tpu.memory_space<hbm>> -> memref<2048xi32, #tpu.memory_space<hbm>>
      tpu.enqueue_dma source(%dma_start3A_98 : memref<2048xi32, #tpu.memory_space<hbm>>) target(%arg20 : memref<2048xi32, #tpu.memory_space<vmem>>) target_semaphore(%arg34 : memref<!tpu.dma_semaphore, #tpu.memory_space<semaphore_mem>>)
      %dma_start3A_99 = tpu.memref_slice %arg4[%select_n3A_94] : memref<3276800xf32, #tpu.memory_space<hbm>> -> memref<2048xf32, #tpu.memory_space<hbm>>
      %dma_start3A_100 = tpu.memref_slice %arg4[%select_n3A_94] : memref<3276800xf32, #tpu.memory_space<hbm>> -> memref<2048xf32, #tpu.memory_space<hbm>>
      tpu.enqueue_dma source(%dma_start3A_100 : memref<2048xf32, #tpu.memory_space<hbm>>) target(%arg21 : memref<2048xf32, #tpu.memory_space<vmem>>) target_semaphore(%arg34 : memref<!tpu.dma_semaphore, #tpu.memory_space<semaphore_mem>>)
      %dma_start3A_101 = tpu.memref_slice %arg5[%select_n3A_94] : memref<3276800xf32, #tpu.memory_space<hbm>> -> memref<2048xf32, #tpu.memory_space<hbm>>
      %dma_start3A_102 = tpu.memref_slice %arg5[%select_n3A_94] : memref<3276800xf32, #tpu.memory_space<hbm>> -> memref<2048xf32, #tpu.memory_space<hbm>>
      tpu.enqueue_dma source(%dma_start3A_102 : memref<2048xf32, #tpu.memory_space<hbm>>) target(%arg22 : memref<2048xf32, #tpu.memory_space<vmem>>) target_semaphore(%arg34 : memref<!tpu.dma_semaphore, #tpu.memory_space<semaphore_mem>>)
      %dma_start3A_103 = tpu.memref_slice %arg6[%select_n3A_94] : memref<3276800xf32, #tpu.memory_space<hbm>> -> memref<2048xf32, #tpu.memory_space<hbm>>
      %dma_start3A_104 = tpu.memref_slice %arg6[%select_n3A_94] : memref<3276800xf32, #tpu.memory_space<hbm>> -> memref<2048xf32, #tpu.memory_space<hbm>>
      tpu.enqueue_dma source(%dma_start3A_104 : memref<2048xf32, #tpu.memory_space<hbm>>) target(%arg23 : memref<2048xf32, #tpu.memory_space<vmem>>) target_semaphore(%arg34 : memref<!tpu.dma_semaphore, #tpu.memory_space<semaphore_mem>>)
      %dma_wait3A_105 = tpu.memref_slice %arg2[%select_n3A_94] : memref<3276800xi32, #tpu.memory_space<hbm>> -> memref<2048xi32, #tpu.memory_space<hbm>>
      %dma_wait3A_106 = tpu.memref_slice %arg2[%select_n3A_94] : memref<3276800xi32, #tpu.memory_space<hbm>> -> memref<2048xi32, #tpu.memory_space<hbm>>
      tpu.wait_dma2 semaphore(%arg34 : memref<!tpu.dma_semaphore, #tpu.memory_space<semaphore_mem>>) src(%dma_wait3A_106 : memref<2048xi32, #tpu.memory_space<hbm>>) dst(%arg19 : memref<2048xi32, #tpu.memory_space<vmem>>)
      %dma_wait3A_107 = tpu.memref_slice %arg3[%select_n3A_94] : memref<3276800xi32, #tpu.memory_space<hbm>> -> memref<2048xi32, #tpu.memory_space<hbm>>
      %dma_wait3A_108 = tpu.memref_slice %arg3[%select_n3A_94] : memref<3276800xi32, #tpu.memory_space<hbm>> -> memref<2048xi32, #tpu.memory_space<hbm>>
      tpu.wait_dma2 semaphore(%arg34 : memref<!tpu.dma_semaphore, #tpu.memory_space<semaphore_mem>>) src(%dma_wait3A_108 : memref<2048xi32, #tpu.memory_space<hbm>>) dst(%arg20 : memref<2048xi32, #tpu.memory_space<vmem>>)
      %dma_wait3A_109 = tpu.memref_slice %arg4[%select_n3A_94] : memref<3276800xf32, #tpu.memory_space<hbm>> -> memref<2048xf32, #tpu.memory_space<hbm>>
      %dma_wait3A_110 = tpu.memref_slice %arg4[%select_n3A_94] : memref<3276800xf32, #tpu.memory_space<hbm>> -> memref<2048xf32, #tpu.memory_space<hbm>>
      tpu.wait_dma2 semaphore(%arg34 : memref<!tpu.dma_semaphore, #tpu.memory_space<semaphore_mem>>) src(%dma_wait3A_110 : memref<2048xf32, #tpu.memory_space<hbm>>) dst(%arg21 : memref<2048xf32, #tpu.memory_space<vmem>>)
      %dma_wait3A_111 = tpu.memref_slice %arg5[%select_n3A_94] : memref<3276800xf32, #tpu.memory_space<hbm>> -> memref<2048xf32, #tpu.memory_space<hbm>>
      %dma_wait3A_112 = tpu.memref_slice %arg5[%select_n3A_94] : memref<3276800xf32, #tpu.memory_space<hbm>> -> memref<2048xf32, #tpu.memory_space<hbm>>
      tpu.wait_dma2 semaphore(%arg34 : memref<!tpu.dma_semaphore, #tpu.memory_space<semaphore_mem>>) src(%dma_wait3A_112 : memref<2048xf32, #tpu.memory_space<hbm>>) dst(%arg22 : memref<2048xf32, #tpu.memory_space<vmem>>)
      %dma_wait3A_113 = tpu.memref_slice %arg6[%select_n3A_94] : memref<3276800xf32, #tpu.memory_space<hbm>> -> memref<2048xf32, #tpu.memory_space<hbm>>
      %dma_wait3A_114 = tpu.memref_slice %arg6[%select_n3A_94] : memref<3276800xf32, #tpu.memory_space<hbm>> -> memref<2048xf32, #tpu.memory_space<hbm>>
      tpu.wait_dma2 semaphore(%arg34 : memref<!tpu.dma_semaphore, #tpu.memory_space<semaphore_mem>>) src(%dma_wait3A_114 : memref<2048xf32, #tpu.memory_space<hbm>>) dst(%arg23 : memref<2048xf32, #tpu.memory_space<vmem>>)
      %dma_start3A_115 = arith.constant 0 : i32
      %dma_start3A_116 = tpu.memref_slice %arg12[%dma_start3A_115] : memref<100352xf32, #tpu.memory_space<vmem_shared>> -> memref<100352xf32, #tpu.memory_space<vmem_shared>>
      tpu.enqueue_indirect_dma source(%dma_start3A_116 : memref<100352xf32, #tpu.memory_space<vmem_shared>>) target(%arg28 : memref<2048xf32, #tpu.memory_space<vmem>>) offsets(%arg19 : memref<2048xi32, #tpu.memory_space<vmem>>) semaphore(%arg36 : memref<!tpu.dma_semaphore, #tpu.memory_space<semaphore_mem>>)
      %dma_start3A_117 = arith.constant 0 : i32
      %dma_start3A_118 = tpu.memref_slice %arg13[%dma_start3A_117] : memref<100352xf32, #tpu.memory_space<vmem_shared>> -> memref<100352xf32, #tpu.memory_space<vmem_shared>>
      tpu.enqueue_indirect_dma source(%dma_start3A_118 : memref<100352xf32, #tpu.memory_space<vmem_shared>>) target(%arg29 : memref<2048xf32, #tpu.memory_space<vmem>>) offsets(%arg19 : memref<2048xi32, #tpu.memory_space<vmem>>) semaphore(%arg36 : memref<!tpu.dma_semaphore, #tpu.memory_space<semaphore_mem>>)
      %dma_start3A_119 = arith.constant 0 : i32
      %dma_start3A_120 = tpu.memref_slice %arg12[%dma_start3A_119] : memref<100352xf32, #tpu.memory_space<vmem_shared>> -> memref<100352xf32, #tpu.memory_space<vmem_shared>>
      tpu.enqueue_indirect_dma source(%dma_start3A_120 : memref<100352xf32, #tpu.memory_space<vmem_shared>>) target(%arg30 : memref<2048xf32, #tpu.memory_space<vmem>>) offsets(%arg20 : memref<2048xi32, #tpu.memory_space<vmem>>) semaphore(%arg36 : memref<!tpu.dma_semaphore, #tpu.memory_space<semaphore_mem>>)
      %dma_start3A_121 = arith.constant 0 : i32
      %dma_start3A_122 = tpu.memref_slice %arg13[%dma_start3A_121] : memref<100352xf32, #tpu.memory_space<vmem_shared>> -> memref<100352xf32, #tpu.memory_space<vmem_shared>>
      tpu.enqueue_indirect_dma source(%dma_start3A_122 : memref<100352xf32, #tpu.memory_space<vmem_shared>>) target(%arg31 : memref<2048xf32, #tpu.memory_space<vmem>>) offsets(%arg20 : memref<2048xi32, #tpu.memory_space<vmem>>) semaphore(%arg36 : memref<!tpu.dma_semaphore, #tpu.memory_space<semaphore_mem>>)
      %dma_wait3A_123 = arith.constant 0 : i32
      %dma_wait3A_124 = tpu.memref_slice %arg12[%dma_wait3A_123] : memref<100352xf32, #tpu.memory_space<vmem_shared>> -> memref<100352xf32, #tpu.memory_space<vmem_shared>>
      tpu.wait_indirect_dma semaphore(%arg35 : memref<!tpu.dma_semaphore, #tpu.memory_space<semaphore_mem>>) src(%dma_wait3A_124 : memref<100352xf32, #tpu.memory_space<vmem_shared>>) dst(%arg24 : memref<2048xf32, #tpu.memory_space<vmem>>)
      %dma_wait3A_125 = arith.constant 0 : i32
      %dma_wait3A_126 = tpu.memref_slice %arg13[%dma_wait3A_125] : memref<100352xf32, #tpu.memory_space<vmem_shared>> -> memref<100352xf32, #tpu.memory_space<vmem_shared>>
      tpu.wait_indirect_dma semaphore(%arg35 : memref<!tpu.dma_semaphore, #tpu.memory_space<semaphore_mem>>) src(%dma_wait3A_126 : memref<100352xf32, #tpu.memory_space<vmem_shared>>) dst(%arg25 : memref<2048xf32, #tpu.memory_space<vmem>>)
      %dma_wait3A_127 = arith.constant 0 : i32
      %dma_wait3A_128 = tpu.memref_slice %arg12[%dma_wait3A_127] : memref<100352xf32, #tpu.memory_space<vmem_shared>> -> memref<100352xf32, #tpu.memory_space<vmem_shared>>
      tpu.wait_indirect_dma semaphore(%arg35 : memref<!tpu.dma_semaphore, #tpu.memory_space<semaphore_mem>>) src(%dma_wait3A_128 : memref<100352xf32, #tpu.memory_space<vmem_shared>>) dst(%arg26 : memref<2048xf32, #tpu.memory_space<vmem>>)
      %dma_wait3A_129 = arith.constant 0 : i32
      %dma_wait3A_130 = tpu.memref_slice %arg13[%dma_wait3A_129] : memref<100352xf32, #tpu.memory_space<vmem_shared>> -> memref<100352xf32, #tpu.memory_space<vmem_shared>>
      tpu.wait_indirect_dma semaphore(%arg35 : memref<!tpu.dma_semaphore, #tpu.memory_space<semaphore_mem>>) src(%dma_wait3A_130 : memref<100352xf32, #tpu.memory_space<vmem_shared>>) dst(%arg27 : memref<2048xf32, #tpu.memory_space<vmem>>)
      %scan3A = arith.constant 0 : i32
      %scan3A_131 = arith.constant 128 : i32
      %scan3A_132 = arith.addi %scan3A, %scan3A_131 : i32
      %scan3A_133 = arith.constant 1 : i32
      scf.for %scan3A_195 = %scan3A to %scan3A_132 step %scan3A_133  : i32 {
        %mul3A_196 = arith.constant 1 : i32
        %mul3A_197 = arith.muli %scan3A_195, %mul3A_196 : i32
        %add3A_198 = arith.constant 0 : i32
        %add3A_199 = arith.addi %add3A_198, %mul3A_197 : i32
        %mul3A_200 = arith.constant 16 : i32
        %mul3A_201 = arith.muli %add3A_199, %mul3A_200 : i32
        %get3A = arith.index_cast %mul3A_201 : i32 to index
        %get3A_202 = tpu.vector_load %arg16[%get3A] {strides = array<i32>} : memref<2048xf32, #tpu.memory_space<vmem>>, vector<16xf32>,
        %get3A_203 = vector.shape_cast %get3A_202 : vector<16xf32> to vector<16xf32>
        %get3A_204 = arith.index_cast %mul3A_201 : i32 to index
        %get3A_205 = tpu.vector_load %arg17[%get3A_204] {strides = array<i32>} : memref<2048xf32, #tpu.memory_space<vmem>>, vector<16xf32>,
        %get3A_206 = vector.shape_cast %get3A_205 : vector<16xf32> to vector<16xf32>
        %get3A_207 = arith.index_cast %mul3A_201 : i32 to index
        %get3A_208 = tpu.vector_load %arg18[%get3A_207] {strides = array<i32>} : memref<2048xf32, #tpu.memory_space<vmem>>, vector<16xf32>,
        %get3A_209 = vector.shape_cast %get3A_208 : vector<16xf32> to vector<16xf32>
        %jit3A_210 = arith.constant 0.000000e+00 : f32
        %jit3A_211 = arith.constant 1.000000e+00 : f32
        %max3A = vector.broadcast %jit3A_210 : f32 to vector<16xf32>
        %max3A_212 = arith.maximumf %max3A, %get3A_209 : vector<16xf32>
        %min3A = vector.broadcast %jit3A_211 : f32 to vector<16xf32>
        %min3A_213 = arith.minimumf %min3A, %max3A_212 : vector<16xf32>
        %sub3A_214 = arith.constant 1.000000e+00 : f32
        %sub3A_215 = vector.broadcast %sub3A_214 : f32 to vector<16xf32>
        %sub3A_216 = arith.subf %sub3A_215, %min3A_213 : vector<16xf32>
        %mul3A_217 = arith.constant -356507.063 : f32
        %mul3A_218 = vector.broadcast %mul3A_217 : f32 to vector<16xf32>
        %mul3A_219 = arith.mulf %mul3A_218, %min3A_213 : vector<16xf32>
        %mul3A_220 = arith.mulf %mul3A_219, %sub3A_216 : vector<16xf32>
        %mul3A_221 = arith.mulf %mul3A_220, %sub3A_216 : vector<16xf32>
        %mul3A_222 = arith.mulf %mul3A_221, %sub3A_216 : vector<16xf32>
        %mul3A_223 = arith.mulf %mul3A_222, %get3A_203 : vector<16xf32>
        %mul3A_224 = arith.mulf %mul3A_222, %get3A_206 : vector<16xf32>
        %neg3A = arith.constant 0.000000e+00 : f32
        %neg3A_225 = vector.broadcast %neg3A : f32 to vector<16xf32>
        %neg3A_226 = arith.subf %neg3A_225, %get3A_203 : vector<16xf32>
        %mul3A_227 = arith.mulf %neg3A_226, %get3A_209 : vector<16xf32>
        %mul3A_228 = arith.constant 5.000000e-02 : f32
        %mul3A_229 = vector.broadcast %mul3A_228 : f32 to vector<16xf32>
        %mul3A_230 = arith.mulf %mul3A_227, %mul3A_229 : vector<16xf32>
        %neg3A_231 = arith.constant 0.000000e+00 : f32
        %neg3A_232 = vector.broadcast %neg3A_231 : f32 to vector<16xf32>
        %neg3A_233 = arith.subf %neg3A_232, %get3A_206 : vector<16xf32>
        %mul3A_234 = arith.mulf %neg3A_233, %get3A_209 : vector<16xf32>
        %mul3A_235 = arith.constant 5.000000e-02 : f32
        %mul3A_236 = vector.broadcast %mul3A_235 : f32 to vector<16xf32>
        %mul3A_237 = arith.mulf %mul3A_234, %mul3A_236 : vector<16xf32>
        %mul3A_238 = arith.mulf %mul3A_230, %mul3A_230 : vector<16xf32>
        %mul3A_239 = arith.mulf %mul3A_237, %mul3A_237 : vector<16xf32>
        %add3A_240 = arith.addf %mul3A_238, %mul3A_239 : vector<16xf32>
        %add3A_241 = arith.constant 2.500000e-04 : f32
        %add3A_242 = vector.broadcast %add3A_241 : f32 to vector<16xf32>
        %add3A_243 = arith.addf %add3A_240, %add3A_242 : vector<16xf32>
        %get3A_244 = arith.index_cast %mul3A_201 : i32 to index
        %get3A_245 = tpu.vector_load %arg24[%get3A_244] {strides = array<i32>} : memref<2048xf32, #tpu.memory_space<vmem>>, vector<16xf32>,
        %get3A_246 = vector.shape_cast %get3A_245 : vector<16xf32> to vector<16xf32>
        %get3A_247 = arith.index_cast %mul3A_201 : i32 to index
        %get3A_248 = tpu.vector_load %arg26[%get3A_247] {strides = array<i32>} : memref<2048xf32, #tpu.memory_space<vmem>>, vector<16xf32>,
        %get3A_249 = vector.shape_cast %get3A_248 : vector<16xf32> to vector<16xf32>
        %bitcast_convert_type3A = tpu.bitcast %get3A_246 : vector<16xf32> -> vector<16xi32>
        %and3A_250 = arith.constant -65536 : i32
        %and3A_251 = vector.broadcast %and3A_250 : i32 to vector<16xi32>
        %and3A_252 = arith.andi %bitcast_convert_type3A, %and3A_251 : vector<16xi32>
        %bitcast_convert_type3A_253 = tpu.bitcast %and3A_252 : vector<16xi32> -> vector<16xf32>
        %bitcast_convert_type3A_254 = tpu.bitcast %get3A_249 : vector<16xf32> -> vector<16xi32>
        %and3A_255 = arith.constant -65536 : i32
        %and3A_256 = vector.broadcast %and3A_255 : i32 to vector<16xi32>
        %and3A_257 = arith.andi %bitcast_convert_type3A_254, %and3A_256 : vector<16xi32>
        %bitcast_convert_type3A_258 = tpu.bitcast %and3A_257 : vector<16xi32> -> vector<16xf32>
        %add3A_259 = arith.addf %bitcast_convert_type3A_253, %bitcast_convert_type3A_258 : vector<16xf32>
        %mul3A_260 = arith.mulf %add3A_259, %mul3A_230 : vector<16xf32>
        %bitcast_convert_type3A_261 = tpu.bitcast %get3A_246 : vector<16xf32> -> vector<16xi32>
        %shift_left3A = arith.constant 16 : i32
        %shift_left3A_262 = vector.broadcast %shift_left3A : i32 to vector<16xi32>
        %shift_left3A_263 = arith.shli %bitcast_convert_type3A_261, %shift_left3A_262 : vector<16xi32>
        %bitcast_convert_type3A_264 = tpu.bitcast %shift_left3A_263 : vector<16xi32> -> vector<16xf32>
        %bitcast_convert_type3A_265 = tpu.bitcast %get3A_249 : vector<16xf32> -> vector<16xi32>
        %shift_left3A_266 = arith.constant 16 : i32
        %shift_left3A_267 = vector.broadcast %shift_left3A_266 : i32 to vector<16xi32>
        %shift_left3A_268 = arith.shli %bitcast_convert_type3A_265, %shift_left3A_267 : vector<16xi32>
        %bitcast_convert_type3A_269 = tpu.bitcast %shift_left3A_268 : vector<16xi32> -> vector<16xf32>
        %add3A_270 = arith.addf %bitcast_convert_type3A_264, %bitcast_convert_type3A_269 : vector<16xf32>
        %mul3A_271 = arith.mulf %add3A_270, %mul3A_237 : vector<16xf32>
        %add3A_272 = arith.addf %mul3A_260, %mul3A_271 : vector<16xf32>
        %mul3A_273 = arith.constant 5.000000e-01 : f32
        %mul3A_274 = vector.broadcast %mul3A_273 : f32 to vector<16xf32>
        %mul3A_275 = arith.mulf %mul3A_274, %add3A_272 : vector<16xf32>
        %get3A_276 = arith.index_cast %mul3A_201 : i32 to index
        %get3A_277 = tpu.vector_load %arg27[%get3A_276] {strides = array<i32>} : memref<2048xf32, #tpu.memory_space<vmem>>, vector<16xf32>,
        %get3A_278 = vector.shape_cast %get3A_277 : vector<16xf32> to vector<16xf32>
        %bitcast_convert_type3A_279 = tpu.bitcast %get3A_278 : vector<16xf32> -> vector<16xi32>
        %and3A_280 = arith.constant -65536 : i32
        %and3A_281 = vector.broadcast %and3A_280 : i32 to vector<16xi32>
        %and3A_282 = arith.andi %bitcast_convert_type3A_279, %and3A_281 : vector<16xi32>
        %bitcast_convert_type3A_283 = tpu.bitcast %and3A_282 : vector<16xi32> -> vector<16xf32>
        %get3A_284 = arith.index_cast %mul3A_201 : i32 to index
        %get3A_285 = tpu.vector_load %arg25[%get3A_284] {strides = array<i32>} : memref<2048xf32, #tpu.memory_space<vmem>>, vector<16xf32>,
        %get3A_286 = vector.shape_cast %get3A_285 : vector<16xf32> to vector<16xf32>
        %bitcast_convert_type3A_287 = tpu.bitcast %get3A_286 : vector<16xf32> -> vector<16xi32>
        %and3A_288 = arith.constant -65536 : i32
        %and3A_289 = vector.broadcast %and3A_288 : i32 to vector<16xi32>
        %and3A_290 = arith.andi %bitcast_convert_type3A_287, %and3A_289 : vector<16xi32>
        %bitcast_convert_type3A_291 = tpu.bitcast %and3A_290 : vector<16xi32> -> vector<16xf32>
        %sub3A_292 = arith.subf %bitcast_convert_type3A_283, %bitcast_convert_type3A_291 : vector<16xf32>
        %mul3A_293 = arith.mulf %mul3A_223, %mul3A_230 : vector<16xf32>
        %mul3A_294 = arith.mulf %mul3A_224, %mul3A_237 : vector<16xf32>
        %add3A_295 = arith.addf %mul3A_293, %mul3A_294 : vector<16xf32>
        %div3A_296 = arith.divf %add3A_295, %add3A_243 : vector<16xf32>
        %add3A_297 = arith.addf %sub3A_292, %mul3A_275 : vector<16xf32>
        %mul3A_298 = arith.mulf %add3A_297, %div3A_296 : vector<16xf32>
        %get3A_299 = arith.index_cast %mul3A_201 : i32 to index
        %get3A_300 = tpu.vector_load %arg27[%get3A_299] {strides = array<i32>} : memref<2048xf32, #tpu.memory_space<vmem>>, vector<16xf32>,
        %get3A_301 = vector.shape_cast %get3A_300 : vector<16xf32> to vector<16xf32>
        %bitcast_convert_type3A_302 = tpu.bitcast %get3A_301 : vector<16xf32> -> vector<16xi32>
        %shift_left3A_303 = arith.constant 16 : i32
        %shift_left3A_304 = vector.broadcast %shift_left3A_303 : i32 to vector<16xi32>
        %shift_left3A_305 = arith.shli %bitcast_convert_type3A_302, %shift_left3A_304 : vector<16xi32>
        %bitcast_convert_type3A_306 = tpu.bitcast %shift_left3A_305 : vector<16xi32> -> vector<16xf32>
        %mul3A_307 = arith.mulf %mul3A_298, %bitcast_convert_type3A_306 : vector<16xf32>
        %swap3A = arith.index_cast %mul3A_201 : i32 to index
        %swap3A_308 = tpu.vector_load %arg32[%swap3A] {strides = array<i32>} : memref<2048xf32, #tpu.memory_space<vmem>>, vector<16xf32>,
        %swap3A_309 = vector.shape_cast %swap3A_308 : vector<16xf32> to vector<16xf32>
        %swap3A_310 = vector.shape_cast %mul3A_307 : vector<16xf32> to vector<16xf32>
        tpu.vector_store %arg32[%swap3A], %swap3A_310 {strides = array<i32>} : memref<2048xf32, #tpu.memory_space<vmem>>, vector<16xf32>,
      }
      %scan3A_134 = arith.constant 128 : i32
      %dma_start3A_135 = arith.constant 0 : i32
      %dma_start3A_136 = tpu.memref_slice %arg11[%dma_start3A_135] : memref<100352xf32, #tpu.memory_space<vmem_shared>> -> memref<100352xf32, #tpu.memory_space<vmem_shared>>
      tpu.enqueue_indirect_dma source(%arg32 : memref<2048xf32, #tpu.memory_space<vmem>>) target(%dma_start3A_136 : memref<100352xf32, #tpu.memory_space<vmem_shared>>) offsets(%arg14 : memref<2048xi32, #tpu.memory_space<vmem>>) semaphore(%arg37 : memref<!tpu.dma_semaphore, #tpu.memory_space<semaphore_mem>>) {add = true}
      %dma_wait3A_137 = arith.constant 0 : i32
      %dma_wait3A_138 = tpu.memref_slice %arg11[%dma_wait3A_137] : memref<100352xf32, #tpu.memory_space<vmem_shared>> -> memref<100352xf32, #tpu.memory_space<vmem_shared>>
      tpu.wait_indirect_dma semaphore(%arg37 : memref<!tpu.dma_semaphore, #tpu.memory_space<semaphore_mem>>) src(%arg32 : memref<2048xf32, #tpu.memory_space<vmem>>) dst(%dma_wait3A_138 : memref<100352xf32, #tpu.memory_space<vmem_shared>>)
      %mul3A_139 = arith.constant 2 : i32
      %mul3A_140 = arith.muli %mul3A_139, %add3A_85 : i32
      %add3A_141 = arith.constant 1 : i32
      %add3A_142 = arith.addi %mul3A_140, %add3A_141 : i32
      %add3A_143 = arith.constant 1 : i32
      %add3A_144 = arith.addi %add3A_142, %add3A_143 : i32
      %eq3A_145 = arith.cmpi eq, %add3A_144, %select_n3A : i32
      %mul3A_146 = arith.constant 2048 : i32
      %mul3A_147 = arith.muli %add3A_144, %mul3A_146 : i32
      %add3A_148 = arith.addi %add3A, %mul3A_147 : i32
      %select_n3A_149 = arith.select %eq3A_145, %add3A, %add3A_148 : i32
      %dma_start3A_150 = tpu.memref_slice %arg2[%select_n3A_149] : memref<3276800xi32, #tpu.memory_space<hbm>> -> memref<2048xi32, #tpu.memory_space<hbm>>
      %dma_start3A_151 = tpu.memref_slice %arg2[%select_n3A_149] : memref<3276800xi32, #tpu.memory_space<hbm>> -> memref<2048xi32, #tpu.memory_space<hbm>>
      tpu.enqueue_dma source(%dma_start3A_151 : memref<2048xi32, #tpu.memory_space<hbm>>) target(%arg14 : memref<2048xi32, #tpu.memory_space<vmem>>) target_semaphore(%arg34 : memref<!tpu.dma_semaphore, #tpu.memory_space<semaphore_mem>>)
      %dma_start3A_152 = tpu.memref_slice %arg3[%select_n3A_149] : memref<3276800xi32, #tpu.memory_space<hbm>> -> memref<2048xi32, #tpu.memory_space<hbm>>
      %dma_start3A_153 = tpu.memref_slice %arg3[%select_n3A_149] : memref<3276800xi32, #tpu.memory_space<hbm>> -> memref<2048xi32, #tpu.memory_space<hbm>>
      tpu.enqueue_dma source(%dma_start3A_153 : memref<2048xi32, #tpu.memory_space<hbm>>) target(%arg15 : memref<2048xi32, #tpu.memory_space<vmem>>) target_semaphore(%arg34 : memref<!tpu.dma_semaphore, #tpu.memory_space<semaphore_mem>>)
      %dma_start3A_154 = tpu.memref_slice %arg4[%select_n3A_149] : memref<3276800xf32, #tpu.memory_space<hbm>> -> memref<2048xf32, #tpu.memory_space<hbm>>
      %dma_start3A_155 = tpu.memref_slice %arg4[%select_n3A_149] : memref<3276800xf32, #tpu.memory_space<hbm>> -> memref<2048xf32, #tpu.memory_space<hbm>>
      tpu.enqueue_dma source(%dma_start3A_155 : memref<2048xf32, #tpu.memory_space<hbm>>) target(%arg16 : memref<2048xf32, #tpu.memory_space<vmem>>) target_semaphore(%arg34 : memref<!tpu.dma_semaphore, #tpu.memory_space<semaphore_mem>>)
      %dma_start3A_156 = tpu.memref_slice %arg5[%select_n3A_149] : memref<3276800xf32, #tpu.memory_space<hbm>> -> memref<2048xf32, #tpu.memory_space<hbm>>
      %dma_start3A_157 = tpu.memref_slice %arg5[%select_n3A_149] : memref<3276800xf32, #tpu.memory_space<hbm>> -> memref<2048xf32, #tpu.memory_space<hbm>>
      tpu.enqueue_dma source(%dma_start3A_157 : memref<2048xf32, #tpu.memory_space<hbm>>) target(%arg17 : memref<2048xf32, #tpu.memory_space<vmem>>) target_semaphore(%arg34 : memref<!tpu.dma_semaphore, #tpu.memory_space<semaphore_mem>>)
      %dma_start3A_158 = tpu.memref_slice %arg6[%select_n3A_149] : memref<3276800xf32, #tpu.memory_space<hbm>> -> memref<2048xf32, #tpu.memory_space<hbm>>
      %dma_start3A_159 = tpu.memref_slice %arg6[%select_n3A_149] : memref<3276800xf32, #tpu.memory_space<hbm>> -> memref<2048xf32, #tpu.memory_space<hbm>>
      tpu.enqueue_dma source(%dma_start3A_159 : memref<2048xf32, #tpu.memory_space<hbm>>) target(%arg18 : memref<2048xf32, #tpu.memory_space<vmem>>) target_semaphore(%arg34 : memref<!tpu.dma_semaphore, #tpu.memory_space<semaphore_mem>>)
      %dma_wait3A_160 = tpu.memref_slice %arg2[%select_n3A_149] : memref<3276800xi32, #tpu.memory_space<hbm>> -> memref<2048xi32, #tpu.memory_space<hbm>>
      %dma_wait3A_161 = tpu.memref_slice %arg2[%select_n3A_149] : memref<3276800xi32, #tpu.memory_space<hbm>> -> memref<2048xi32, #tpu.memory_space<hbm>>
      tpu.wait_dma2 semaphore(%arg34 : memref<!tpu.dma_semaphore, #tpu.memory_space<semaphore_mem>>) src(%dma_wait3A_161 : memref<2048xi32, #tpu.memory_space<hbm>>) dst(%arg14 : memref<2048xi32, #tpu.memory_space<vmem>>)
      %dma_wait3A_162 = tpu.memref_slice %arg3[%select_n3A_149] : memref<3276800xi32, #tpu.memory_space<hbm>> -> memref<2048xi32, #tpu.memory_space<hbm>>
      %dma_wait3A_163 = tpu.memref_slice %arg3[%select_n3A_149] : memref<3276800xi32, #tpu.memory_space<hbm>> -> memref<2048xi32, #tpu.memory_space<hbm>>
      tpu.wait_dma2 semaphore(%arg34 : memref<!tpu.dma_semaphore, #tpu.memory_space<semaphore_mem>>) src(%dma_wait3A_163 : memref<2048xi32, #tpu.memory_space<hbm>>) dst(%arg15 : memref<2048xi32, #tpu.memory_space<vmem>>)
      %dma_wait3A_164 = tpu.memref_slice %arg4[%select_n3A_149] : memref<3276800xf32, #tpu.memory_space<hbm>> -> memref<2048xf32, #tpu.memory_space<hbm>>
      %dma_wait3A_165 = tpu.memref_slice %arg4[%select_n3A_149] : memref<3276800xf32, #tpu.memory_space<hbm>> -> memref<2048xf32, #tpu.memory_space<hbm>>
      tpu.wait_dma2 semaphore(%arg34 : memref<!tpu.dma_semaphore, #tpu.memory_space<semaphore_mem>>) src(%dma_wait3A_165 : memref<2048xf32, #tpu.memory_space<hbm>>) dst(%arg16 : memref<2048xf32, #tpu.memory_space<vmem>>)
      %dma_wait3A_166 = tpu.memref_slice %arg5[%select_n3A_149] : memref<3276800xf32, #tpu.memory_space<hbm>> -> memref<2048xf32, #tpu.memory_space<hbm>>
      %dma_wait3A_167 = tpu.memref_slice %arg5[%select_n3A_149] : memref<3276800xf32, #tpu.memory_space<hbm>> -> memref<2048xf32, #tpu.memory_space<hbm>>
      tpu.wait_dma2 semaphore(%arg34 : memref<!tpu.dma_semaphore, #tpu.memory_space<semaphore_mem>>) src(%dma_wait3A_167 : memref<2048xf32, #tpu.memory_space<hbm>>) dst(%arg17 : memref<2048xf32, #tpu.memory_space<vmem>>)
      %dma_wait3A_168 = tpu.memref_slice %arg6[%select_n3A_149] : memref<3276800xf32, #tpu.memory_space<hbm>> -> memref<2048xf32, #tpu.memory_space<hbm>>
      %dma_wait3A_169 = tpu.memref_slice %arg6[%select_n3A_149] : memref<3276800xf32, #tpu.memory_space<hbm>> -> memref<2048xf32, #tpu.memory_space<hbm>>
      tpu.wait_dma2 semaphore(%arg34 : memref<!tpu.dma_semaphore, #tpu.memory_space<semaphore_mem>>) src(%dma_wait3A_169 : memref<2048xf32, #tpu.memory_space<hbm>>) dst(%arg18 : memref<2048xf32, #tpu.memory_space<vmem>>)
      %dma_start3A_170 = arith.constant 0 : i32
      %dma_start3A_171 = tpu.memref_slice %arg12[%dma_start3A_170] : memref<100352xf32, #tpu.memory_space<vmem_shared>> -> memref<100352xf32, #tpu.memory_space<vmem_shared>>
      tpu.enqueue_indirect_dma source(%dma_start3A_171 : memref<100352xf32, #tpu.memory_space<vmem_shared>>) target(%arg24 : memref<2048xf32, #tpu.memory_space<vmem>>) offsets(%arg14 : memref<2048xi32, #tpu.memory_space<vmem>>) semaphore(%arg35 : memref<!tpu.dma_semaphore, #tpu.memory_space<semaphore_mem>>)
      %dma_start3A_172 = arith.constant 0 : i32
      %dma_start3A_173 = tpu.memref_slice %arg13[%dma_start3A_172] : memref<100352xf32, #tpu.memory_space<vmem_shared>> -> memref<100352xf32, #tpu.memory_space<vmem_shared>>
      tpu.enqueue_indirect_dma source(%dma_start3A_173 : memref<100352xf32, #tpu.memory_space<vmem_shared>>) target(%arg25 : memref<2048xf32, #tpu.memory_space<vmem>>) offsets(%arg14 : memref<2048xi32, #tpu.memory_space<vmem>>) semaphore(%arg35 : memref<!tpu.dma_semaphore, #tpu.memory_space<semaphore_mem>>)
      %dma_start3A_174 = arith.constant 0 : i32
      %dma_start3A_175 = tpu.memref_slice %arg12[%dma_start3A_174] : memref<100352xf32, #tpu.memory_space<vmem_shared>> -> memref<100352xf32, #tpu.memory_space<vmem_shared>>
      tpu.enqueue_indirect_dma source(%dma_start3A_175 : memref<100352xf32, #tpu.memory_space<vmem_shared>>) target(%arg26 : memref<2048xf32, #tpu.memory_space<vmem>>) offsets(%arg15 : memref<2048xi32, #tpu.memory_space<vmem>>) semaphore(%arg35 : memref<!tpu.dma_semaphore, #tpu.memory_space<semaphore_mem>>)
      %dma_start3A_176 = arith.constant 0 : i32
      %dma_start3A_177 = tpu.memref_slice %arg13[%dma_start3A_176] : memref<100352xf32, #tpu.memory_space<vmem_shared>> -> memref<100352xf32, #tpu.memory_space<vmem_shared>>
      tpu.enqueue_indirect_dma source(%dma_start3A_177 : memref<100352xf32, #tpu.memory_space<vmem_shared>>) target(%arg27 : memref<2048xf32, #tpu.memory_space<vmem>>) offsets(%arg15 : memref<2048xi32, #tpu.memory_space<vmem>>) semaphore(%arg35 : memref<!tpu.dma_semaphore, #tpu.memory_space<semaphore_mem>>)
      %dma_wait3A_178 = arith.constant 0 : i32
      %dma_wait3A_179 = tpu.memref_slice %arg12[%dma_wait3A_178] : memref<100352xf32, #tpu.memory_space<vmem_shared>> -> memref<100352xf32, #tpu.memory_space<vmem_shared>>
      tpu.wait_indirect_dma semaphore(%arg36 : memref<!tpu.dma_semaphore, #tpu.memory_space<semaphore_mem>>) src(%dma_wait3A_179 : memref<100352xf32, #tpu.memory_space<vmem_shared>>) dst(%arg28 : memref<2048xf32, #tpu.memory_space<vmem>>)
      %dma_wait3A_180 = arith.constant 0 : i32
      %dma_wait3A_181 = tpu.memref_slice %arg13[%dma_wait3A_180] : memref<100352xf32, #tpu.memory_space<vmem_shared>> -> memref<100352xf32, #tpu.memory_space<vmem_shared>>
      tpu.wait_indirect_dma semaphore(%arg36 : memref<!tpu.dma_semaphore, #tpu.memory_space<semaphore_mem>>) src(%dma_wait3A_181 : memref<100352xf32, #tpu.memory_space<vmem_shared>>) dst(%arg29 : memref<2048xf32, #tpu.memory_space<vmem>>)
      %dma_wait3A_182 = arith.constant 0 : i32
      %dma_wait3A_183 = tpu.memref_slice %arg12[%dma_wait3A_182] : memref<100352xf32, #tpu.memory_space<vmem_shared>> -> memref<100352xf32, #tpu.memory_space<vmem_shared>>
      tpu.wait_indirect_dma semaphore(%arg36 : memref<!tpu.dma_semaphore, #tpu.memory_space<semaphore_mem>>) src(%dma_wait3A_183 : memref<100352xf32, #tpu.memory_space<vmem_shared>>) dst(%arg30 : memref<2048xf32, #tpu.memory_space<vmem>>)
      %dma_wait3A_184 = arith.constant 0 : i32
      %dma_wait3A_185 = tpu.memref_slice %arg13[%dma_wait3A_184] : memref<100352xf32, #tpu.memory_space<vmem_shared>> -> memref<100352xf32, #tpu.memory_space<vmem_shared>>
      tpu.wait_indirect_dma semaphore(%arg36 : memref<!tpu.dma_semaphore, #tpu.memory_space<semaphore_mem>>) src(%dma_wait3A_185 : memref<100352xf32, #tpu.memory_space<vmem_shared>>) dst(%arg31 : memref<2048xf32, #tpu.memory_space<vmem>>)
      %scan3A_186 = arith.constant 0 : i32
      %scan3A_187 = arith.constant 128 : i32
      %scan3A_188 = arith.addi %scan3A_186, %scan3A_187 : i32
      %scan3A_189 = arith.constant 1 : i32
      scf.for %scan3A_195 = %scan3A_186 to %scan3A_188 step %scan3A_189  : i32 {
        %mul3A_196 = arith.constant 1 : i32
        %mul3A_197 = arith.muli %scan3A_195, %mul3A_196 : i32
        %add3A_198 = arith.constant 0 : i32
        %add3A_199 = arith.addi %add3A_198, %mul3A_197 : i32
        %mul3A_200 = arith.constant 16 : i32
        %mul3A_201 = arith.muli %add3A_199, %mul3A_200 : i32
        %get3A = arith.index_cast %mul3A_201 : i32 to index
        %get3A_202 = tpu.vector_load %arg21[%get3A] {strides = array<i32>} : memref<2048xf32, #tpu.memory_space<vmem>>, vector<16xf32>,
        %get3A_203 = vector.shape_cast %get3A_202 : vector<16xf32> to vector<16xf32>
        %get3A_204 = arith.index_cast %mul3A_201 : i32 to index
        %get3A_205 = tpu.vector_load %arg22[%get3A_204] {strides = array<i32>} : memref<2048xf32, #tpu.memory_space<vmem>>, vector<16xf32>,
        %get3A_206 = vector.shape_cast %get3A_205 : vector<16xf32> to vector<16xf32>
        %get3A_207 = arith.index_cast %mul3A_201 : i32 to index
        %get3A_208 = tpu.vector_load %arg23[%get3A_207] {strides = array<i32>} : memref<2048xf32, #tpu.memory_space<vmem>>, vector<16xf32>,
        %get3A_209 = vector.shape_cast %get3A_208 : vector<16xf32> to vector<16xf32>
        %jit3A_210 = arith.constant 0.000000e+00 : f32
        %jit3A_211 = arith.constant 1.000000e+00 : f32
        %max3A = vector.broadcast %jit3A_210 : f32 to vector<16xf32>
        %max3A_212 = arith.maximumf %max3A, %get3A_209 : vector<16xf32>
        %min3A = vector.broadcast %jit3A_211 : f32 to vector<16xf32>
        %min3A_213 = arith.minimumf %min3A, %max3A_212 : vector<16xf32>
        %sub3A_214 = arith.constant 1.000000e+00 : f32
        %sub3A_215 = vector.broadcast %sub3A_214 : f32 to vector<16xf32>
        %sub3A_216 = arith.subf %sub3A_215, %min3A_213 : vector<16xf32>
        %mul3A_217 = arith.constant -356507.063 : f32
        %mul3A_218 = vector.broadcast %mul3A_217 : f32 to vector<16xf32>
        %mul3A_219 = arith.mulf %mul3A_218, %min3A_213 : vector<16xf32>
        %mul3A_220 = arith.mulf %mul3A_219, %sub3A_216 : vector<16xf32>
        %mul3A_221 = arith.mulf %mul3A_220, %sub3A_216 : vector<16xf32>
        %mul3A_222 = arith.mulf %mul3A_221, %sub3A_216 : vector<16xf32>
        %mul3A_223 = arith.mulf %mul3A_222, %get3A_203 : vector<16xf32>
        %mul3A_224 = arith.mulf %mul3A_222, %get3A_206 : vector<16xf32>
        %neg3A = arith.constant 0.000000e+00 : f32
        %neg3A_225 = vector.broadcast %neg3A : f32 to vector<16xf32>
        %neg3A_226 = arith.subf %neg3A_225, %get3A_203 : vector<16xf32>
        %mul3A_227 = arith.mulf %neg3A_226, %get3A_209 : vector<16xf32>
        %mul3A_228 = arith.constant 5.000000e-02 : f32
        %mul3A_229 = vector.broadcast %mul3A_228 : f32 to vector<16xf32>
        %mul3A_230 = arith.mulf %mul3A_227, %mul3A_229 : vector<16xf32>
        %neg3A_231 = arith.constant 0.000000e+00 : f32
        %neg3A_232 = vector.broadcast %neg3A_231 : f32 to vector<16xf32>
        %neg3A_233 = arith.subf %neg3A_232, %get3A_206 : vector<16xf32>
        %mul3A_234 = arith.mulf %neg3A_233, %get3A_209 : vector<16xf32>
        %mul3A_235 = arith.constant 5.000000e-02 : f32
        %mul3A_236 = vector.broadcast %mul3A_235 : f32 to vector<16xf32>
        %mul3A_237 = arith.mulf %mul3A_234, %mul3A_236 : vector<16xf32>
        %mul3A_238 = arith.mulf %mul3A_230, %mul3A_230 : vector<16xf32>
        %mul3A_239 = arith.mulf %mul3A_237, %mul3A_237 : vector<16xf32>
        %add3A_240 = arith.addf %mul3A_238, %mul3A_239 : vector<16xf32>
        %add3A_241 = arith.constant 2.500000e-04 : f32
        %add3A_242 = vector.broadcast %add3A_241 : f32 to vector<16xf32>
        %add3A_243 = arith.addf %add3A_240, %add3A_242 : vector<16xf32>
        %get3A_244 = arith.index_cast %mul3A_201 : i32 to index
        %get3A_245 = tpu.vector_load %arg28[%get3A_244] {strides = array<i32>} : memref<2048xf32, #tpu.memory_space<vmem>>, vector<16xf32>,
        %get3A_246 = vector.shape_cast %get3A_245 : vector<16xf32> to vector<16xf32>
        %get3A_247 = arith.index_cast %mul3A_201 : i32 to index
        %get3A_248 = tpu.vector_load %arg30[%get3A_247] {strides = array<i32>} : memref<2048xf32, #tpu.memory_space<vmem>>, vector<16xf32>,
        %get3A_249 = vector.shape_cast %get3A_248 : vector<16xf32> to vector<16xf32>
        %bitcast_convert_type3A = tpu.bitcast %get3A_246 : vector<16xf32> -> vector<16xi32>
        %and3A_250 = arith.constant -65536 : i32
        %and3A_251 = vector.broadcast %and3A_250 : i32 to vector<16xi32>
        %and3A_252 = arith.andi %bitcast_convert_type3A, %and3A_251 : vector<16xi32>
        %bitcast_convert_type3A_253 = tpu.bitcast %and3A_252 : vector<16xi32> -> vector<16xf32>
        %bitcast_convert_type3A_254 = tpu.bitcast %get3A_249 : vector<16xf32> -> vector<16xi32>
        %and3A_255 = arith.constant -65536 : i32
        %and3A_256 = vector.broadcast %and3A_255 : i32 to vector<16xi32>
        %and3A_257 = arith.andi %bitcast_convert_type3A_254, %and3A_256 : vector<16xi32>
        %bitcast_convert_type3A_258 = tpu.bitcast %and3A_257 : vector<16xi32> -> vector<16xf32>
        %add3A_259 = arith.addf %bitcast_convert_type3A_253, %bitcast_convert_type3A_258 : vector<16xf32>
        %mul3A_260 = arith.mulf %add3A_259, %mul3A_230 : vector<16xf32>
        %bitcast_convert_type3A_261 = tpu.bitcast %get3A_246 : vector<16xf32> -> vector<16xi32>
        %shift_left3A = arith.constant 16 : i32
        %shift_left3A_262 = vector.broadcast %shift_left3A : i32 to vector<16xi32>
        %shift_left3A_263 = arith.shli %bitcast_convert_type3A_261, %shift_left3A_262 : vector<16xi32>
        %bitcast_convert_type3A_264 = tpu.bitcast %shift_left3A_263 : vector<16xi32> -> vector<16xf32>
        %bitcast_convert_type3A_265 = tpu.bitcast %get3A_249 : vector<16xf32> -> vector<16xi32>
        %shift_left3A_266 = arith.constant 16 : i32
        %shift_left3A_267 = vector.broadcast %shift_left3A_266 : i32 to vector<16xi32>
        %shift_left3A_268 = arith.shli %bitcast_convert_type3A_265, %shift_left3A_267 : vector<16xi32>
        %bitcast_convert_type3A_269 = tpu.bitcast %shift_left3A_268 : vector<16xi32> -> vector<16xf32>
        %add3A_270 = arith.addf %bitcast_convert_type3A_264, %bitcast_convert_type3A_269 : vector<16xf32>
        %mul3A_271 = arith.mulf %add3A_270, %mul3A_237 : vector<16xf32>
        %add3A_272 = arith.addf %mul3A_260, %mul3A_271 : vector<16xf32>
        %mul3A_273 = arith.constant 5.000000e-01 : f32
        %mul3A_274 = vector.broadcast %mul3A_273 : f32 to vector<16xf32>
        %mul3A_275 = arith.mulf %mul3A_274, %add3A_272 : vector<16xf32>
        %get3A_276 = arith.index_cast %mul3A_201 : i32 to index
        %get3A_277 = tpu.vector_load %arg31[%get3A_276] {strides = array<i32>} : memref<2048xf32, #tpu.memory_space<vmem>>, vector<16xf32>,
        %get3A_278 = vector.shape_cast %get3A_277 : vector<16xf32> to vector<16xf32>
        %bitcast_convert_type3A_279 = tpu.bitcast %get3A_278 : vector<16xf32> -> vector<16xi32>
        %and3A_280 = arith.constant -65536 : i32
        %and3A_281 = vector.broadcast %and3A_280 : i32 to vector<16xi32>
        %and3A_282 = arith.andi %bitcast_convert_type3A_279, %and3A_281 : vector<16xi32>
        %bitcast_convert_type3A_283 = tpu.bitcast %and3A_282 : vector<16xi32> -> vector<16xf32>
        %get3A_284 = arith.index_cast %mul3A_201 : i32 to index
        %get3A_285 = tpu.vector_load %arg29[%get3A_284] {strides = array<i32>} : memref<2048xf32, #tpu.memory_space<vmem>>, vector<16xf32>,
        %get3A_286 = vector.shape_cast %get3A_285 : vector<16xf32> to vector<16xf32>
        %bitcast_convert_type3A_287 = tpu.bitcast %get3A_286 : vector<16xf32> -> vector<16xi32>
        %and3A_288 = arith.constant -65536 : i32
        %and3A_289 = vector.broadcast %and3A_288 : i32 to vector<16xi32>
        %and3A_290 = arith.andi %bitcast_convert_type3A_287, %and3A_289 : vector<16xi32>
        %bitcast_convert_type3A_291 = tpu.bitcast %and3A_290 : vector<16xi32> -> vector<16xf32>
        %sub3A_292 = arith.subf %bitcast_convert_type3A_283, %bitcast_convert_type3A_291 : vector<16xf32>
        %mul3A_293 = arith.mulf %mul3A_223, %mul3A_230 : vector<16xf32>
        %mul3A_294 = arith.mulf %mul3A_224, %mul3A_237 : vector<16xf32>
        %add3A_295 = arith.addf %mul3A_293, %mul3A_294 : vector<16xf32>
        %div3A_296 = arith.divf %add3A_295, %add3A_243 : vector<16xf32>
        %add3A_297 = arith.addf %sub3A_292, %mul3A_275 : vector<16xf32>
        %mul3A_298 = arith.mulf %add3A_297, %div3A_296 : vector<16xf32>
        %get3A_299 = arith.index_cast %mul3A_201 : i32 to index
        %get3A_300 = tpu.vector_load %arg31[%get3A_299] {strides = array<i32>} : memref<2048xf32, #tpu.memory_space<vmem>>, vector<16xf32>,
        %get3A_301 = vector.shape_cast %get3A_300 : vector<16xf32> to vector<16xf32>
        %bitcast_convert_type3A_302 = tpu.bitcast %get3A_301 : vector<16xf32> -> vector<16xi32>
        %shift_left3A_303 = arith.constant 16 : i32
        %shift_left3A_304 = vector.broadcast %shift_left3A_303 : i32 to vector<16xi32>
        %shift_left3A_305 = arith.shli %bitcast_convert_type3A_302, %shift_left3A_304 : vector<16xi32>
        %bitcast_convert_type3A_306 = tpu.bitcast %shift_left3A_305 : vector<16xi32> -> vector<16xf32>
        %mul3A_307 = arith.mulf %mul3A_298, %bitcast_convert_type3A_306 : vector<16xf32>
        %swap3A = arith.index_cast %mul3A_201 : i32 to index
        %swap3A_308 = tpu.vector_load %arg32[%swap3A] {strides = array<i32>} : memref<2048xf32, #tpu.memory_space<vmem>>, vector<16xf32>,
        %swap3A_309 = vector.shape_cast %swap3A_308 : vector<16xf32> to vector<16xf32>
        %swap3A_310 = vector.shape_cast %mul3A_307 : vector<16xf32> to vector<16xf32>
        tpu.vector_store %arg32[%swap3A], %swap3A_310 {strides = array<i32>} : memref<2048xf32, #tpu.memory_space<vmem>>, vector<16xf32>,
      }
      %scan3A_190 = arith.constant 128 : i32
      %dma_start3A_191 = arith.constant 0 : i32
      %dma_start3A_192 = tpu.memref_slice %arg11[%dma_start3A_191] : memref<100352xf32, #tpu.memory_space<vmem_shared>> -> memref<100352xf32, #tpu.memory_space<vmem_shared>>
      tpu.enqueue_indirect_dma source(%arg32 : memref<2048xf32, #tpu.memory_space<vmem>>) target(%dma_start3A_192 : memref<100352xf32, #tpu.memory_space<vmem_shared>>) offsets(%arg19 : memref<2048xi32, #tpu.memory_space<vmem>>) semaphore(%arg37 : memref<!tpu.dma_semaphore, #tpu.memory_space<semaphore_mem>>) {add = true}
      %dma_wait3A_193 = arith.constant 0 : i32
      %dma_wait3A_194 = tpu.memref_slice %arg11[%dma_wait3A_193] : memref<100352xf32, #tpu.memory_space<vmem_shared>> -> memref<100352xf32, #tpu.memory_space<vmem_shared>>
      tpu.wait_indirect_dma semaphore(%arg37 : memref<!tpu.dma_semaphore, #tpu.memory_space<semaphore_mem>>) src(%arg32 : memref<2048xf32, #tpu.memory_space<vmem>>) dst(%dma_wait3A_194 : memref<100352xf32, #tpu.memory_space<vmem_shared>>)
    }
    %while3A_71 = arith.constant 1 : i32
    scf.for %while3A_83 = %while3A_69 to %while3A_65 step %while3A_71  : i32 {
      %mul3A_84 = arith.muli %while3A_83, %while3A : i32
      %add3A_85 = arith.addi %while3A_62, %mul3A_84 : i32
      %mul3A_86 = arith.constant 2 : i32
      %mul3A_87 = arith.muli %mul3A_86, %add3A_85 : i32
      %add3A_88 = arith.constant 1 : i32
      %add3A_89 = arith.addi %mul3A_87, %add3A_88 : i32
      %eq3A_90 = arith.cmpi eq, %add3A_89, %select_n3A : i32
      %mul3A_91 = arith.constant 2048 : i32
      %mul3A_92 = arith.muli %add3A_89, %mul3A_91 : i32
      %add3A_93 = arith.addi %add3A, %mul3A_92 : i32
      %select_n3A_94 = arith.select %eq3A_90, %add3A, %add3A_93 : i32
      %dma_start3A_95 = tpu.memref_slice %arg2[%select_n3A_94] : memref<3276800xi32, #tpu.memory_space<hbm>> -> memref<2048xi32, #tpu.memory_space<hbm>>
      %dma_start3A_96 = tpu.memref_slice %arg2[%select_n3A_94] : memref<3276800xi32, #tpu.memory_space<hbm>> -> memref<2048xi32, #tpu.memory_space<hbm>>
      tpu.enqueue_dma source(%dma_start3A_96 : memref<2048xi32, #tpu.memory_space<hbm>>) target(%arg19 : memref<2048xi32, #tpu.memory_space<vmem>>) target_semaphore(%arg34 : memref<!tpu.dma_semaphore, #tpu.memory_space<semaphore_mem>>)
      %dma_start3A_97 = tpu.memref_slice %arg3[%select_n3A_94] : memref<3276800xi32, #tpu.memory_space<hbm>> -> memref<2048xi32, #tpu.memory_space<hbm>>
      %dma_start3A_98 = tpu.memref_slice %arg3[%select_n3A_94] : memref<3276800xi32, #tpu.memory_space<hbm>> -> memref<2048xi32, #tpu.memory_space<hbm>>
      tpu.enqueue_dma source(%dma_start3A_98 : memref<2048xi32, #tpu.memory_space<hbm>>) target(%arg20 : memref<2048xi32, #tpu.memory_space<vmem>>) target_semaphore(%arg34 : memref<!tpu.dma_semaphore, #tpu.memory_space<semaphore_mem>>)
      %dma_start3A_99 = tpu.memref_slice %arg4[%select_n3A_94] : memref<3276800xf32, #tpu.memory_space<hbm>> -> memref<2048xf32, #tpu.memory_space<hbm>>
      %dma_start3A_100 = tpu.memref_slice %arg4[%select_n3A_94] : memref<3276800xf32, #tpu.memory_space<hbm>> -> memref<2048xf32, #tpu.memory_space<hbm>>
      tpu.enqueue_dma source(%dma_start3A_100 : memref<2048xf32, #tpu.memory_space<hbm>>) target(%arg21 : memref<2048xf32, #tpu.memory_space<vmem>>) target_semaphore(%arg34 : memref<!tpu.dma_semaphore, #tpu.memory_space<semaphore_mem>>)
      %dma_start3A_101 = tpu.memref_slice %arg5[%select_n3A_94] : memref<3276800xf32, #tpu.memory_space<hbm>> -> memref<2048xf32, #tpu.memory_space<hbm>>
      %dma_start3A_102 = tpu.memref_slice %arg5[%select_n3A_94] : memref<3276800xf32, #tpu.memory_space<hbm>> -> memref<2048xf32, #tpu.memory_space<hbm>>
      tpu.enqueue_dma source(%dma_start3A_102 : memref<2048xf32, #tpu.memory_space<hbm>>) target(%arg22 : memref<2048xf32, #tpu.memory_space<vmem>>) target_semaphore(%arg34 : memref<!tpu.dma_semaphore, #tpu.memory_space<semaphore_mem>>)
      %dma_start3A_103 = tpu.memref_slice %arg6[%select_n3A_94] : memref<3276800xf32, #tpu.memory_space<hbm>> -> memref<2048xf32, #tpu.memory_space<hbm>>
      %dma_start3A_104 = tpu.memref_slice %arg6[%select_n3A_94] : memref<3276800xf32, #tpu.memory_space<hbm>> -> memref<2048xf32, #tpu.memory_space<hbm>>
      tpu.enqueue_dma source(%dma_start3A_104 : memref<2048xf32, #tpu.memory_space<hbm>>) target(%arg23 : memref<2048xf32, #tpu.memory_space<vmem>>) target_semaphore(%arg34 : memref<!tpu.dma_semaphore, #tpu.memory_space<semaphore_mem>>)
      %dma_wait3A_105 = tpu.memref_slice %arg2[%select_n3A_94] : memref<3276800xi32, #tpu.memory_space<hbm>> -> memref<2048xi32, #tpu.memory_space<hbm>>
      %dma_wait3A_106 = tpu.memref_slice %arg2[%select_n3A_94] : memref<3276800xi32, #tpu.memory_space<hbm>> -> memref<2048xi32, #tpu.memory_space<hbm>>
      tpu.wait_dma2 semaphore(%arg34 : memref<!tpu.dma_semaphore, #tpu.memory_space<semaphore_mem>>) src(%dma_wait3A_106 : memref<2048xi32, #tpu.memory_space<hbm>>) dst(%arg19 : memref<2048xi32, #tpu.memory_space<vmem>>)
      %dma_wait3A_107 = tpu.memref_slice %arg3[%select_n3A_94] : memref<3276800xi32, #tpu.memory_space<hbm>> -> memref<2048xi32, #tpu.memory_space<hbm>>
      %dma_wait3A_108 = tpu.memref_slice %arg3[%select_n3A_94] : memref<3276800xi32, #tpu.memory_space<hbm>> -> memref<2048xi32, #tpu.memory_space<hbm>>
      tpu.wait_dma2 semaphore(%arg34 : memref<!tpu.dma_semaphore, #tpu.memory_space<semaphore_mem>>) src(%dma_wait3A_108 : memref<2048xi32, #tpu.memory_space<hbm>>) dst(%arg20 : memref<2048xi32, #tpu.memory_space<vmem>>)
      %dma_wait3A_109 = tpu.memref_slice %arg4[%select_n3A_94] : memref<3276800xf32, #tpu.memory_space<hbm>> -> memref<2048xf32, #tpu.memory_space<hbm>>
      %dma_wait3A_110 = tpu.memref_slice %arg4[%select_n3A_94] : memref<3276800xf32, #tpu.memory_space<hbm>> -> memref<2048xf32, #tpu.memory_space<hbm>>
      tpu.wait_dma2 semaphore(%arg34 : memref<!tpu.dma_semaphore, #tpu.memory_space<semaphore_mem>>) src(%dma_wait3A_110 : memref<2048xf32, #tpu.memory_space<hbm>>) dst(%arg21 : memref<2048xf32, #tpu.memory_space<vmem>>)
      %dma_wait3A_111 = tpu.memref_slice %arg5[%select_n3A_94] : memref<3276800xf32, #tpu.memory_space<hbm>> -> memref<2048xf32, #tpu.memory_space<hbm>>
      %dma_wait3A_112 = tpu.memref_slice %arg5[%select_n3A_94] : memref<3276800xf32, #tpu.memory_space<hbm>> -> memref<2048xf32, #tpu.memory_space<hbm>>
      tpu.wait_dma2 semaphore(%arg34 : memref<!tpu.dma_semaphore, #tpu.memory_space<semaphore_mem>>) src(%dma_wait3A_112 : memref<2048xf32, #tpu.memory_space<hbm>>) dst(%arg22 : memref<2048xf32, #tpu.memory_space<vmem>>)
      %dma_wait3A_113 = tpu.memref_slice %arg6[%select_n3A_94] : memref<3276800xf32, #tpu.memory_space<hbm>> -> memref<2048xf32, #tpu.memory_space<hbm>>
      %dma_wait3A_114 = tpu.memref_slice %arg6[%select_n3A_94] : memref<3276800xf32, #tpu.memory_space<hbm>> -> memref<2048xf32, #tpu.memory_space<hbm>>
      tpu.wait_dma2 semaphore(%arg34 : memref<!tpu.dma_semaphore, #tpu.memory_space<semaphore_mem>>) src(%dma_wait3A_114 : memref<2048xf32, #tpu.memory_space<hbm>>) dst(%arg23 : memref<2048xf32, #tpu.memory_space<vmem>>)
      %dma_start3A_115 = arith.constant 0 : i32
      %dma_start3A_116 = tpu.memref_slice %arg12[%dma_start3A_115] : memref<100352xf32, #tpu.memory_space<vmem_shared>> -> memref<100352xf32, #tpu.memory_space<vmem_shared>>
      tpu.enqueue_indirect_dma source(%dma_start3A_116 : memref<100352xf32, #tpu.memory_space<vmem_shared>>) target(%arg28 : memref<2048xf32, #tpu.memory_space<vmem>>) offsets(%arg19 : memref<2048xi32, #tpu.memory_space<vmem>>) semaphore(%arg36 : memref<!tpu.dma_semaphore, #tpu.memory_space<semaphore_mem>>)
      %dma_start3A_117 = arith.constant 0 : i32
      %dma_start3A_118 = tpu.memref_slice %arg13[%dma_start3A_117] : memref<100352xf32, #tpu.memory_space<vmem_shared>> -> memref<100352xf32, #tpu.memory_space<vmem_shared>>
      tpu.enqueue_indirect_dma source(%dma_start3A_118 : memref<100352xf32, #tpu.memory_space<vmem_shared>>) target(%arg29 : memref<2048xf32, #tpu.memory_space<vmem>>) offsets(%arg19 : memref<2048xi32, #tpu.memory_space<vmem>>) semaphore(%arg36 : memref<!tpu.dma_semaphore, #tpu.memory_space<semaphore_mem>>)
      %dma_start3A_119 = arith.constant 0 : i32
      %dma_start3A_120 = tpu.memref_slice %arg12[%dma_start3A_119] : memref<100352xf32, #tpu.memory_space<vmem_shared>> -> memref<100352xf32, #tpu.memory_space<vmem_shared>>
      tpu.enqueue_indirect_dma source(%dma_start3A_120 : memref<100352xf32, #tpu.memory_space<vmem_shared>>) target(%arg30 : memref<2048xf32, #tpu.memory_space<vmem>>) offsets(%arg20 : memref<2048xi32, #tpu.memory_space<vmem>>) semaphore(%arg36 : memref<!tpu.dma_semaphore, #tpu.memory_space<semaphore_mem>>)
      %dma_start3A_121 = arith.constant 0 : i32
      %dma_start3A_122 = tpu.memref_slice %arg13[%dma_start3A_121] : memref<100352xf32, #tpu.memory_space<vmem_shared>> -> memref<100352xf32, #tpu.memory_space<vmem_shared>>
      tpu.enqueue_indirect_dma source(%dma_start3A_122 : memref<100352xf32, #tpu.memory_space<vmem_shared>>) target(%arg31 : memref<2048xf32, #tpu.memory_space<vmem>>) offsets(%arg20 : memref<2048xi32, #tpu.memory_space<vmem>>) semaphore(%arg36 : memref<!tpu.dma_semaphore, #tpu.memory_space<semaphore_mem>>)
      %dma_wait3A_123 = arith.constant 0 : i32
      %dma_wait3A_124 = tpu.memref_slice %arg12[%dma_wait3A_123] : memref<100352xf32, #tpu.memory_space<vmem_shared>> -> memref<100352xf32, #tpu.memory_space<vmem_shared>>
      tpu.wait_indirect_dma semaphore(%arg35 : memref<!tpu.dma_semaphore, #tpu.memory_space<semaphore_mem>>) src(%dma_wait3A_124 : memref<100352xf32, #tpu.memory_space<vmem_shared>>) dst(%arg24 : memref<2048xf32, #tpu.memory_space<vmem>>)
      %dma_wait3A_125 = arith.constant 0 : i32
      %dma_wait3A_126 = tpu.memref_slice %arg13[%dma_wait3A_125] : memref<100352xf32, #tpu.memory_space<vmem_shared>> -> memref<100352xf32, #tpu.memory_space<vmem_shared>>
      tpu.wait_indirect_dma semaphore(%arg35 : memref<!tpu.dma_semaphore, #tpu.memory_space<semaphore_mem>>) src(%dma_wait3A_126 : memref<100352xf32, #tpu.memory_space<vmem_shared>>) dst(%arg25 : memref<2048xf32, #tpu.memory_space<vmem>>)
      %dma_wait3A_127 = arith.constant 0 : i32
      %dma_wait3A_128 = tpu.memref_slice %arg12[%dma_wait3A_127] : memref<100352xf32, #tpu.memory_space<vmem_shared>> -> memref<100352xf32, #tpu.memory_space<vmem_shared>>
      tpu.wait_indirect_dma semaphore(%arg35 : memref<!tpu.dma_semaphore, #tpu.memory_space<semaphore_mem>>) src(%dma_wait3A_128 : memref<100352xf32, #tpu.memory_space<vmem_shared>>) dst(%arg26 : memref<2048xf32, #tpu.memory_space<vmem>>)
      %dma_wait3A_129 = arith.constant 0 : i32
      %dma_wait3A_130 = tpu.memref_slice %arg13[%dma_wait3A_129] : memref<100352xf32, #tpu.memory_space<vmem_shared>> -> memref<100352xf32, #tpu.memory_space<vmem_shared>>
      tpu.wait_indirect_dma semaphore(%arg35 : memref<!tpu.dma_semaphore, #tpu.memory_space<semaphore_mem>>) src(%dma_wait3A_130 : memref<100352xf32, #tpu.memory_space<vmem_shared>>) dst(%arg27 : memref<2048xf32, #tpu.memory_space<vmem>>)
      %scan3A = arith.constant 0 : i32
      %scan3A_131 = arith.constant 128 : i32
      %scan3A_132 = arith.addi %scan3A, %scan3A_131 : i32
      %scan3A_133 = arith.constant 1 : i32
      scf.for %scan3A_195 = %scan3A to %scan3A_132 step %scan3A_133  : i32 {
        %mul3A_196 = arith.constant 1 : i32
        %mul3A_197 = arith.muli %scan3A_195, %mul3A_196 : i32
        %add3A_198 = arith.constant 0 : i32
        %add3A_199 = arith.addi %add3A_198, %mul3A_197 : i32
        %mul3A_200 = arith.constant 16 : i32
        %mul3A_201 = arith.muli %add3A_199, %mul3A_200 : i32
        %get3A = arith.index_cast %mul3A_201 : i32 to index
        %get3A_202 = tpu.vector_load %arg16[%get3A] {strides = array<i32>} : memref<2048xf32, #tpu.memory_space<vmem>>, vector<16xf32>,
        %get3A_203 = vector.shape_cast %get3A_202 : vector<16xf32> to vector<16xf32>
        %get3A_204 = arith.index_cast %mul3A_201 : i32 to index
        %get3A_205 = tpu.vector_load %arg17[%get3A_204] {strides = array<i32>} : memref<2048xf32, #tpu.memory_space<vmem>>, vector<16xf32>,
        %get3A_206 = vector.shape_cast %get3A_205 : vector<16xf32> to vector<16xf32>
        %get3A_207 = arith.index_cast %mul3A_201 : i32 to index
        %get3A_208 = tpu.vector_load %arg18[%get3A_207] {strides = array<i32>} : memref<2048xf32, #tpu.memory_space<vmem>>, vector<16xf32>,
        %get3A_209 = vector.shape_cast %get3A_208 : vector<16xf32> to vector<16xf32>
        %jit3A_210 = arith.constant 0.000000e+00 : f32
        %jit3A_211 = arith.constant 1.000000e+00 : f32
        %max3A = vector.broadcast %jit3A_210 : f32 to vector<16xf32>
        %max3A_212 = arith.maximumf %max3A, %get3A_209 : vector<16xf32>
        %min3A = vector.broadcast %jit3A_211 : f32 to vector<16xf32>
        %min3A_213 = arith.minimumf %min3A, %max3A_212 : vector<16xf32>
        %sub3A_214 = arith.constant 1.000000e+00 : f32
        %sub3A_215 = vector.broadcast %sub3A_214 : f32 to vector<16xf32>
        %sub3A_216 = arith.subf %sub3A_215, %min3A_213 : vector<16xf32>
        %mul3A_217 = arith.constant -356507.063 : f32
        %mul3A_218 = vector.broadcast %mul3A_217 : f32 to vector<16xf32>
        %mul3A_219 = arith.mulf %mul3A_218, %min3A_213 : vector<16xf32>
        %mul3A_220 = arith.mulf %mul3A_219, %sub3A_216 : vector<16xf32>
        %mul3A_221 = arith.mulf %mul3A_220, %sub3A_216 : vector<16xf32>
        %mul3A_222 = arith.mulf %mul3A_221, %sub3A_216 : vector<16xf32>
        %mul3A_223 = arith.mulf %mul3A_222, %get3A_203 : vector<16xf32>
        %mul3A_224 = arith.mulf %mul3A_222, %get3A_206 : vector<16xf32>
        %neg3A = arith.constant 0.000000e+00 : f32
        %neg3A_225 = vector.broadcast %neg3A : f32 to vector<16xf32>
        %neg3A_226 = arith.subf %neg3A_225, %get3A_203 : vector<16xf32>
        %mul3A_227 = arith.mulf %neg3A_226, %get3A_209 : vector<16xf32>
        %mul3A_228 = arith.constant 5.000000e-02 : f32
        %mul3A_229 = vector.broadcast %mul3A_228 : f32 to vector<16xf32>
        %mul3A_230 = arith.mulf %mul3A_227, %mul3A_229 : vector<16xf32>
        %neg3A_231 = arith.constant 0.000000e+00 : f32
        %neg3A_232 = vector.broadcast %neg3A_231 : f32 to vector<16xf32>
        %neg3A_233 = arith.subf %neg3A_232, %get3A_206 : vector<16xf32>
        %mul3A_234 = arith.mulf %neg3A_233, %get3A_209 : vector<16xf32>
        %mul3A_235 = arith.constant 5.000000e-02 : f32
        %mul3A_236 = vector.broadcast %mul3A_235 : f32 to vector<16xf32>
        %mul3A_237 = arith.mulf %mul3A_234, %mul3A_236 : vector<16xf32>
        %mul3A_238 = arith.mulf %mul3A_230, %mul3A_230 : vector<16xf32>
        %mul3A_239 = arith.mulf %mul3A_237, %mul3A_237 : vector<16xf32>
        %add3A_240 = arith.addf %mul3A_238, %mul3A_239 : vector<16xf32>
        %add3A_241 = arith.constant 2.500000e-04 : f32
        %add3A_242 = vector.broadcast %add3A_241 : f32 to vector<16xf32>
        %add3A_243 = arith.addf %add3A_240, %add3A_242 : vector<16xf32>
        %get3A_244 = arith.index_cast %mul3A_201 : i32 to index
        %get3A_245 = tpu.vector_load %arg24[%get3A_244] {strides = array<i32>} : memref<2048xf32, #tpu.memory_space<vmem>>, vector<16xf32>,
        %get3A_246 = vector.shape_cast %get3A_245 : vector<16xf32> to vector<16xf32>
        %get3A_247 = arith.index_cast %mul3A_201 : i32 to index
        %get3A_248 = tpu.vector_load %arg26[%get3A_247] {strides = array<i32>} : memref<2048xf32, #tpu.memory_space<vmem>>, vector<16xf32>,
        %get3A_249 = vector.shape_cast %get3A_248 : vector<16xf32> to vector<16xf32>
        %bitcast_convert_type3A = tpu.bitcast %get3A_246 : vector<16xf32> -> vector<16xi32>
        %and3A_250 = arith.constant -65536 : i32
        %and3A_251 = vector.broadcast %and3A_250 : i32 to vector<16xi32>
        %and3A_252 = arith.andi %bitcast_convert_type3A, %and3A_251 : vector<16xi32>
        %bitcast_convert_type3A_253 = tpu.bitcast %and3A_252 : vector<16xi32> -> vector<16xf32>
        %bitcast_convert_type3A_254 = tpu.bitcast %get3A_249 : vector<16xf32> -> vector<16xi32>
        %and3A_255 = arith.constant -65536 : i32
        %and3A_256 = vector.broadcast %and3A_255 : i32 to vector<16xi32>
        %and3A_257 = arith.andi %bitcast_convert_type3A_254, %and3A_256 : vector<16xi32>
        %bitcast_convert_type3A_258 = tpu.bitcast %and3A_257 : vector<16xi32> -> vector<16xf32>
        %add3A_259 = arith.addf %bitcast_convert_type3A_253, %bitcast_convert_type3A_258 : vector<16xf32>
        %mul3A_260 = arith.mulf %add3A_259, %mul3A_230 : vector<16xf32>
        %bitcast_convert_type3A_261 = tpu.bitcast %get3A_246 : vector<16xf32> -> vector<16xi32>
        %shift_left3A = arith.constant 16 : i32
        %shift_left3A_262 = vector.broadcast %shift_left3A : i32 to vector<16xi32>
        %shift_left3A_263 = arith.shli %bitcast_convert_type3A_261, %shift_left3A_262 : vector<16xi32>
        %bitcast_convert_type3A_264 = tpu.bitcast %shift_left3A_263 : vector<16xi32> -> vector<16xf32>
        %bitcast_convert_type3A_265 = tpu.bitcast %get3A_249 : vector<16xf32> -> vector<16xi32>
        %shift_left3A_266 = arith.constant 16 : i32
        %shift_left3A_267 = vector.broadcast %shift_left3A_266 : i32 to vector<16xi32>
        %shift_left3A_268 = arith.shli %bitcast_convert_type3A_265, %shift_left3A_267 : vector<16xi32>
        %bitcast_convert_type3A_269 = tpu.bitcast %shift_left3A_268 : vector<16xi32> -> vector<16xf32>
        %add3A_270 = arith.addf %bitcast_convert_type3A_264, %bitcast_convert_type3A_269 : vector<16xf32>
        %mul3A_271 = arith.mulf %add3A_270, %mul3A_237 : vector<16xf32>
        %add3A_272 = arith.addf %mul3A_260, %mul3A_271 : vector<16xf32>
        %mul3A_273 = arith.constant 5.000000e-01 : f32
        %mul3A_274 = vector.broadcast %mul3A_273 : f32 to vector<16xf32>
        %mul3A_275 = arith.mulf %mul3A_274, %add3A_272 : vector<16xf32>
        %get3A_276 = arith.index_cast %mul3A_201 : i32 to index
        %get3A_277 = tpu.vector_load %arg27[%get3A_276] {strides = array<i32>} : memref<2048xf32, #tpu.memory_space<vmem>>, vector<16xf32>,
        %get3A_278 = vector.shape_cast %get3A_277 : vector<16xf32> to vector<16xf32>
        %bitcast_convert_type3A_279 = tpu.bitcast %get3A_278 : vector<16xf32> -> vector<16xi32>
        %and3A_280 = arith.constant -65536 : i32
        %and3A_281 = vector.broadcast %and3A_280 : i32 to vector<16xi32>
        %and3A_282 = arith.andi %bitcast_convert_type3A_279, %and3A_281 : vector<16xi32>
        %bitcast_convert_type3A_283 = tpu.bitcast %and3A_282 : vector<16xi32> -> vector<16xf32>
        %get3A_284 = arith.index_cast %mul3A_201 : i32 to index
        %get3A_285 = tpu.vector_load %arg25[%get3A_284] {strides = array<i32>} : memref<2048xf32, #tpu.memory_space<vmem>>, vector<16xf32>,
        %get3A_286 = vector.shape_cast %get3A_285 : vector<16xf32> to vector<16xf32>
        %bitcast_convert_type3A_287 = tpu.bitcast %get3A_286 : vector<16xf32> -> vector<16xi32>
        %and3A_288 = arith.constant -65536 : i32
        %and3A_289 = vector.broadcast %and3A_288 : i32 to vector<16xi32>
        %and3A_290 = arith.andi %bitcast_convert_type3A_287, %and3A_289 : vector<16xi32>
        %bitcast_convert_type3A_291 = tpu.bitcast %and3A_290 : vector<16xi32> -> vector<16xf32>
        %sub3A_292 = arith.subf %bitcast_convert_type3A_283, %bitcast_convert_type3A_291 : vector<16xf32>
        %mul3A_293 = arith.mulf %mul3A_223, %mul3A_230 : vector<16xf32>
        %mul3A_294 = arith.mulf %mul3A_224, %mul3A_237 : vector<16xf32>
        %add3A_295 = arith.addf %mul3A_293, %mul3A_294 : vector<16xf32>
        %div3A_296 = arith.divf %add3A_295, %add3A_243 : vector<16xf32>
        %add3A_297 = arith.addf %sub3A_292, %mul3A_275 : vector<16xf32>
        %mul3A_298 = arith.mulf %add3A_297, %div3A_296 : vector<16xf32>
        %get3A_299 = arith.index_cast %mul3A_201 : i32 to index
        %get3A_300 = tpu.vector_load %arg27[%get3A_299] {strides = array<i32>} : memref<2048xf32, #tpu.memory_space<vmem>>, vector<16xf32>,
        %get3A_301 = vector.shape_cast %get3A_300 : vector<16xf32> to vector<16xf32>
        %bitcast_convert_type3A_302 = tpu.bitcast %get3A_301 : vector<16xf32> -> vector<16xi32>
        %shift_left3A_303 = arith.constant 16 : i32
        %shift_left3A_304 = vector.broadcast %shift_left3A_303 : i32 to vector<16xi32>
        %shift_left3A_305 = arith.shli %bitcast_convert_type3A_302, %shift_left3A_304 : vector<16xi32>
        %bitcast_convert_type3A_306 = tpu.bitcast %shift_left3A_305 : vector<16xi32> -> vector<16xf32>
        %mul3A_307 = arith.mulf %mul3A_298, %bitcast_convert_type3A_306 : vector<16xf32>
        %swap3A = arith.index_cast %mul3A_201 : i32 to index
        %swap3A_308 = tpu.vector_load %arg32[%swap3A] {strides = array<i32>} : memref<2048xf32, #tpu.memory_space<vmem>>, vector<16xf32>,
        %swap3A_309 = vector.shape_cast %swap3A_308 : vector<16xf32> to vector<16xf32>
        %swap3A_310 = vector.shape_cast %mul3A_307 : vector<16xf32> to vector<16xf32>
        tpu.vector_store %arg32[%swap3A], %swap3A_310 {strides = array<i32>} : memref<2048xf32, #tpu.memory_space<vmem>>, vector<16xf32>,
      }
      %scan3A_134 = arith.constant 128 : i32
      %dma_start3A_135 = arith.constant 0 : i32
      %dma_start3A_136 = tpu.memref_slice %arg11[%dma_start3A_135] : memref<100352xf32, #tpu.memory_space<vmem_shared>> -> memref<100352xf32, #tpu.memory_space<vmem_shared>>
      tpu.enqueue_indirect_dma source(%arg32 : memref<2048xf32, #tpu.memory_space<vmem>>) target(%dma_start3A_136 : memref<100352xf32, #tpu.memory_space<vmem_shared>>) offsets(%arg14 : memref<2048xi32, #tpu.memory_space<vmem>>) semaphore(%arg37 : memref<!tpu.dma_semaphore, #tpu.memory_space<semaphore_mem>>) {add = true}
      %dma_wait3A_137 = arith.constant 0 : i32
      %dma_wait3A_138 = tpu.memref_slice %arg11[%dma_wait3A_137] : memref<100352xf32, #tpu.memory_space<vmem_shared>> -> memref<100352xf32, #tpu.memory_space<vmem_shared>>
      tpu.wait_indirect_dma semaphore(%arg37 : memref<!tpu.dma_semaphore, #tpu.memory_space<semaphore_mem>>) src(%arg32 : memref<2048xf32, #tpu.memory_space<vmem>>) dst(%dma_wait3A_138 : memref<100352xf32, #tpu.memory_space<vmem_shared>>)
      %mul3A_139 = arith.constant 2 : i32
      %mul3A_140 = arith.muli %mul3A_139, %add3A_85 : i32
      %add3A_141 = arith.constant 1 : i32
      %add3A_142 = arith.addi %mul3A_140, %add3A_141 : i32
      %add3A_143 = arith.constant 1 : i32
      %add3A_144 = arith.addi %add3A_142, %add3A_143 : i32
      %eq3A_145 = arith.cmpi eq, %add3A_144, %select_n3A : i32
      %mul3A_146 = arith.constant 2048 : i32
      %mul3A_147 = arith.muli %add3A_144, %mul3A_146 : i32
      %add3A_148 = arith.addi %add3A, %mul3A_147 : i32
      %select_n3A_149 = arith.select %eq3A_145, %add3A, %add3A_148 : i32
      %dma_start3A_150 = tpu.memref_slice %arg2[%select_n3A_149] : memref<3276800xi32, #tpu.memory_space<hbm>> -> memref<2048xi32, #tpu.memory_space<hbm>>
      %dma_start3A_151 = tpu.memref_slice %arg2[%select_n3A_149] : memref<3276800xi32, #tpu.memory_space<hbm>> -> memref<2048xi32, #tpu.memory_space<hbm>>
      tpu.enqueue_dma source(%dma_start3A_151 : memref<2048xi32, #tpu.memory_space<hbm>>) target(%arg14 : memref<2048xi32, #tpu.memory_space<vmem>>) target_semaphore(%arg34 : memref<!tpu.dma_semaphore, #tpu.memory_space<semaphore_mem>>)
      %dma_start3A_152 = tpu.memref_slice %arg3[%select_n3A_149] : memref<3276800xi32, #tpu.memory_space<hbm>> -> memref<2048xi32, #tpu.memory_space<hbm>>
      %dma_start3A_153 = tpu.memref_slice %arg3[%select_n3A_149] : memref<3276800xi32, #tpu.memory_space<hbm>> -> memref<2048xi32, #tpu.memory_space<hbm>>
      tpu.enqueue_dma source(%dma_start3A_153 : memref<2048xi32, #tpu.memory_space<hbm>>) target(%arg15 : memref<2048xi32, #tpu.memory_space<vmem>>) target_semaphore(%arg34 : memref<!tpu.dma_semaphore, #tpu.memory_space<semaphore_mem>>)
      %dma_start3A_154 = tpu.memref_slice %arg4[%select_n3A_149] : memref<3276800xf32, #tpu.memory_space<hbm>> -> memref<2048xf32, #tpu.memory_space<hbm>>
      %dma_start3A_155 = tpu.memref_slice %arg4[%select_n3A_149] : memref<3276800xf32, #tpu.memory_space<hbm>> -> memref<2048xf32, #tpu.memory_space<hbm>>
      tpu.enqueue_dma source(%dma_start3A_155 : memref<2048xf32, #tpu.memory_space<hbm>>) target(%arg16 : memref<2048xf32, #tpu.memory_space<vmem>>) target_semaphore(%arg34 : memref<!tpu.dma_semaphore, #tpu.memory_space<semaphore_mem>>)
      %dma_start3A_156 = tpu.memref_slice %arg5[%select_n3A_149] : memref<3276800xf32, #tpu.memory_space<hbm>> -> memref<2048xf32, #tpu.memory_space<hbm>>
      %dma_start3A_157 = tpu.memref_slice %arg5[%select_n3A_149] : memref<3276800xf32, #tpu.memory_space<hbm>> -> memref<2048xf32, #tpu.memory_space<hbm>>
      tpu.enqueue_dma source(%dma_start3A_157 : memref<2048xf32, #tpu.memory_space<hbm>>) target(%arg17 : memref<2048xf32, #tpu.memory_space<vmem>>) target_semaphore(%arg34 : memref<!tpu.dma_semaphore, #tpu.memory_space<semaphore_mem>>)
      %dma_start3A_158 = tpu.memref_slice %arg6[%select_n3A_149] : memref<3276800xf32, #tpu.memory_space<hbm>> -> memref<2048xf32, #tpu.memory_space<hbm>>
      %dma_start3A_159 = tpu.memref_slice %arg6[%select_n3A_149] : memref<3276800xf32, #tpu.memory_space<hbm>> -> memref<2048xf32, #tpu.memory_space<hbm>>
      tpu.enqueue_dma source(%dma_start3A_159 : memref<2048xf32, #tpu.memory_space<hbm>>) target(%arg18 : memref<2048xf32, #tpu.memory_space<vmem>>) target_semaphore(%arg34 : memref<!tpu.dma_semaphore, #tpu.memory_space<semaphore_mem>>)
      %dma_wait3A_160 = tpu.memref_slice %arg2[%select_n3A_149] : memref<3276800xi32, #tpu.memory_space<hbm>> -> memref<2048xi32, #tpu.memory_space<hbm>>
      %dma_wait3A_161 = tpu.memref_slice %arg2[%select_n3A_149] : memref<3276800xi32, #tpu.memory_space<hbm>> -> memref<2048xi32, #tpu.memory_space<hbm>>
      tpu.wait_dma2 semaphore(%arg34 : memref<!tpu.dma_semaphore, #tpu.memory_space<semaphore_mem>>) src(%dma_wait3A_161 : memref<2048xi32, #tpu.memory_space<hbm>>) dst(%arg14 : memref<2048xi32, #tpu.memory_space<vmem>>)
      %dma_wait3A_162 = tpu.memref_slice %arg3[%select_n3A_149] : memref<3276800xi32, #tpu.memory_space<hbm>> -> memref<2048xi32, #tpu.memory_space<hbm>>
      %dma_wait3A_163 = tpu.memref_slice %arg3[%select_n3A_149] : memref<3276800xi32, #tpu.memory_space<hbm>> -> memref<2048xi32, #tpu.memory_space<hbm>>
      tpu.wait_dma2 semaphore(%arg34 : memref<!tpu.dma_semaphore, #tpu.memory_space<semaphore_mem>>) src(%dma_wait3A_163 : memref<2048xi32, #tpu.memory_space<hbm>>) dst(%arg15 : memref<2048xi32, #tpu.memory_space<vmem>>)
      %dma_wait3A_164 = tpu.memref_slice %arg4[%select_n3A_149] : memref<3276800xf32, #tpu.memory_space<hbm>> -> memref<2048xf32, #tpu.memory_space<hbm>>
      %dma_wait3A_165 = tpu.memref_slice %arg4[%select_n3A_149] : memref<3276800xf32, #tpu.memory_space<hbm>> -> memref<2048xf32, #tpu.memory_space<hbm>>
      tpu.wait_dma2 semaphore(%arg34 : memref<!tpu.dma_semaphore, #tpu.memory_space<semaphore_mem>>) src(%dma_wait3A_165 : memref<2048xf32, #tpu.memory_space<hbm>>) dst(%arg16 : memref<2048xf32, #tpu.memory_space<vmem>>)
      %dma_wait3A_166 = tpu.memref_slice %arg5[%select_n3A_149] : memref<3276800xf32, #tpu.memory_space<hbm>> -> memref<2048xf32, #tpu.memory_space<hbm>>
      %dma_wait3A_167 = tpu.memref_slice %arg5[%select_n3A_149] : memref<3276800xf32, #tpu.memory_space<hbm>> -> memref<2048xf32, #tpu.memory_space<hbm>>
      tpu.wait_dma2 semaphore(%arg34 : memref<!tpu.dma_semaphore, #tpu.memory_space<semaphore_mem>>) src(%dma_wait3A_167 : memref<2048xf32, #tpu.memory_space<hbm>>) dst(%arg17 : memref<2048xf32, #tpu.memory_space<vmem>>)
      %dma_wait3A_168 = tpu.memref_slice %arg6[%select_n3A_149] : memref<3276800xf32, #tpu.memory_space<hbm>> -> memref<2048xf32, #tpu.memory_space<hbm>>
      %dma_wait3A_169 = tpu.memref_slice %arg6[%select_n3A_149] : memref<3276800xf32, #tpu.memory_space<hbm>> -> memref<2048xf32, #tpu.memory_space<hbm>>
      tpu.wait_dma2 semaphore(%arg34 : memref<!tpu.dma_semaphore, #tpu.memory_space<semaphore_mem>>) src(%dma_wait3A_169 : memref<2048xf32, #tpu.memory_space<hbm>>) dst(%arg18 : memref<2048xf32, #tpu.memory_space<vmem>>)
      %dma_start3A_170 = arith.constant 0 : i32
      %dma_start3A_171 = tpu.memref_slice %arg12[%dma_start3A_170] : memref<100352xf32, #tpu.memory_space<vmem_shared>> -> memref<100352xf32, #tpu.memory_space<vmem_shared>>
      tpu.enqueue_indirect_dma source(%dma_start3A_171 : memref<100352xf32, #tpu.memory_space<vmem_shared>>) target(%arg24 : memref<2048xf32, #tpu.memory_space<vmem>>) offsets(%arg14 : memref<2048xi32, #tpu.memory_space<vmem>>) semaphore(%arg35 : memref<!tpu.dma_semaphore, #tpu.memory_space<semaphore_mem>>)
      %dma_start3A_172 = arith.constant 0 : i32
      %dma_start3A_173 = tpu.memref_slice %arg13[%dma_start3A_172] : memref<100352xf32, #tpu.memory_space<vmem_shared>> -> memref<100352xf32, #tpu.memory_space<vmem_shared>>
      tpu.enqueue_indirect_dma source(%dma_start3A_173 : memref<100352xf32, #tpu.memory_space<vmem_shared>>) target(%arg25 : memref<2048xf32, #tpu.memory_space<vmem>>) offsets(%arg14 : memref<2048xi32, #tpu.memory_space<vmem>>) semaphore(%arg35 : memref<!tpu.dma_semaphore, #tpu.memory_space<semaphore_mem>>)
      %dma_start3A_174 = arith.constant 0 : i32
      %dma_start3A_175 = tpu.memref_slice %arg12[%dma_start3A_174] : memref<100352xf32, #tpu.memory_space<vmem_shared>> -> memref<100352xf32, #tpu.memory_space<vmem_shared>>
      tpu.enqueue_indirect_dma source(%dma_start3A_175 : memref<100352xf32, #tpu.memory_space<vmem_shared>>) target(%arg26 : memref<2048xf32, #tpu.memory_space<vmem>>) offsets(%arg15 : memref<2048xi32, #tpu.memory_space<vmem>>) semaphore(%arg35 : memref<!tpu.dma_semaphore, #tpu.memory_space<semaphore_mem>>)
      %dma_start3A_176 = arith.constant 0 : i32
      %dma_start3A_177 = tpu.memref_slice %arg13[%dma_start3A_176] : memref<100352xf32, #tpu.memory_space<vmem_shared>> -> memref<100352xf32, #tpu.memory_space<vmem_shared>>
      tpu.enqueue_indirect_dma source(%dma_start3A_177 : memref<100352xf32, #tpu.memory_space<vmem_shared>>) target(%arg27 : memref<2048xf32, #tpu.memory_space<vmem>>) offsets(%arg15 : memref<2048xi32, #tpu.memory_space<vmem>>) semaphore(%arg35 : memref<!tpu.dma_semaphore, #tpu.memory_space<semaphore_mem>>)
      %dma_wait3A_178 = arith.constant 0 : i32
      %dma_wait3A_179 = tpu.memref_slice %arg12[%dma_wait3A_178] : memref<100352xf32, #tpu.memory_space<vmem_shared>> -> memref<100352xf32, #tpu.memory_space<vmem_shared>>
      tpu.wait_indirect_dma semaphore(%arg36 : memref<!tpu.dma_semaphore, #tpu.memory_space<semaphore_mem>>) src(%dma_wait3A_179 : memref<100352xf32, #tpu.memory_space<vmem_shared>>) dst(%arg28 : memref<2048xf32, #tpu.memory_space<vmem>>)
      %dma_wait3A_180 = arith.constant 0 : i32
      %dma_wait3A_181 = tpu.memref_slice %arg13[%dma_wait3A_180] : memref<100352xf32, #tpu.memory_space<vmem_shared>> -> memref<100352xf32, #tpu.memory_space<vmem_shared>>
      tpu.wait_indirect_dma semaphore(%arg36 : memref<!tpu.dma_semaphore, #tpu.memory_space<semaphore_mem>>) src(%dma_wait3A_181 : memref<100352xf32, #tpu.memory_space<vmem_shared>>) dst(%arg29 : memref<2048xf32, #tpu.memory_space<vmem>>)
      %dma_wait3A_182 = arith.constant 0 : i32
      %dma_wait3A_183 = tpu.memref_slice %arg12[%dma_wait3A_182] : memref<100352xf32, #tpu.memory_space<vmem_shared>> -> memref<100352xf32, #tpu.memory_space<vmem_shared>>
      tpu.wait_indirect_dma semaphore(%arg36 : memref<!tpu.dma_semaphore, #tpu.memory_space<semaphore_mem>>) src(%dma_wait3A_183 : memref<100352xf32, #tpu.memory_space<vmem_shared>>) dst(%arg30 : memref<2048xf32, #tpu.memory_space<vmem>>)
      %dma_wait3A_184 = arith.constant 0 : i32
      %dma_wait3A_185 = tpu.memref_slice %arg13[%dma_wait3A_184] : memref<100352xf32, #tpu.memory_space<vmem_shared>> -> memref<100352xf32, #tpu.memory_space<vmem_shared>>
      tpu.wait_indirect_dma semaphore(%arg36 : memref<!tpu.dma_semaphore, #tpu.memory_space<semaphore_mem>>) src(%dma_wait3A_185 : memref<100352xf32, #tpu.memory_space<vmem_shared>>) dst(%arg31 : memref<2048xf32, #tpu.memory_space<vmem>>)
      %scan3A_186 = arith.constant 0 : i32
      %scan3A_187 = arith.constant 128 : i32
      %scan3A_188 = arith.addi %scan3A_186, %scan3A_187 : i32
      %scan3A_189 = arith.constant 1 : i32
      scf.for %scan3A_195 = %scan3A_186 to %scan3A_188 step %scan3A_189  : i32 {
        %mul3A_196 = arith.constant 1 : i32
        %mul3A_197 = arith.muli %scan3A_195, %mul3A_196 : i32
        %add3A_198 = arith.constant 0 : i32
        %add3A_199 = arith.addi %add3A_198, %mul3A_197 : i32
        %mul3A_200 = arith.constant 16 : i32
        %mul3A_201 = arith.muli %add3A_199, %mul3A_200 : i32
        %get3A = arith.index_cast %mul3A_201 : i32 to index
        %get3A_202 = tpu.vector_load %arg21[%get3A] {strides = array<i32>} : memref<2048xf32, #tpu.memory_space<vmem>>, vector<16xf32>,
        %get3A_203 = vector.shape_cast %get3A_202 : vector<16xf32> to vector<16xf32>
        %get3A_204 = arith.index_cast %mul3A_201 : i32 to index
        %get3A_205 = tpu.vector_load %arg22[%get3A_204] {strides = array<i32>} : memref<2048xf32, #tpu.memory_space<vmem>>, vector<16xf32>,
        %get3A_206 = vector.shape_cast %get3A_205 : vector<16xf32> to vector<16xf32>
        %get3A_207 = arith.index_cast %mul3A_201 : i32 to index
        %get3A_208 = tpu.vector_load %arg23[%get3A_207] {strides = array<i32>} : memref<2048xf32, #tpu.memory_space<vmem>>, vector<16xf32>,
        %get3A_209 = vector.shape_cast %get3A_208 : vector<16xf32> to vector<16xf32>
        %jit3A_210 = arith.constant 0.000000e+00 : f32
        %jit3A_211 = arith.constant 1.000000e+00 : f32
        %max3A = vector.broadcast %jit3A_210 : f32 to vector<16xf32>
        %max3A_212 = arith.maximumf %max3A, %get3A_209 : vector<16xf32>
        %min3A = vector.broadcast %jit3A_211 : f32 to vector<16xf32>
        %min3A_213 = arith.minimumf %min3A, %max3A_212 : vector<16xf32>
        %sub3A_214 = arith.constant 1.000000e+00 : f32
        %sub3A_215 = vector.broadcast %sub3A_214 : f32 to vector<16xf32>
        %sub3A_216 = arith.subf %sub3A_215, %min3A_213 : vector<16xf32>
        %mul3A_217 = arith.constant -356507.063 : f32
        %mul3A_218 = vector.broadcast %mul3A_217 : f32 to vector<16xf32>
        %mul3A_219 = arith.mulf %mul3A_218, %min3A_213 : vector<16xf32>
        %mul3A_220 = arith.mulf %mul3A_219, %sub3A_216 : vector<16xf32>
        %mul3A_221 = arith.mulf %mul3A_220, %sub3A_216 : vector<16xf32>
        %mul3A_222 = arith.mulf %mul3A_221, %sub3A_216 : vector<16xf32>
        %mul3A_223 = arith.mulf %mul3A_222, %get3A_203 : vector<16xf32>
        %mul3A_224 = arith.mulf %mul3A_222, %get3A_206 : vector<16xf32>
        %neg3A = arith.constant 0.000000e+00 : f32
        %neg3A_225 = vector.broadcast %neg3A : f32 to vector<16xf32>
        %neg3A_226 = arith.subf %neg3A_225, %get3A_203 : vector<16xf32>
        %mul3A_227 = arith.mulf %neg3A_226, %get3A_209 : vector<16xf32>
        %mul3A_228 = arith.constant 5.000000e-02 : f32
        %mul3A_229 = vector.broadcast %mul3A_228 : f32 to vector<16xf32>
        %mul3A_230 = arith.mulf %mul3A_227, %mul3A_229 : vector<16xf32>
        %neg3A_231 = arith.constant 0.000000e+00 : f32
        %neg3A_232 = vector.broadcast %neg3A_231 : f32 to vector<16xf32>
        %neg3A_233 = arith.subf %neg3A_232, %get3A_206 : vector<16xf32>
        %mul3A_234 = arith.mulf %neg3A_233, %get3A_209 : vector<16xf32>
        %mul3A_235 = arith.constant 5.000000e-02 : f32
        %mul3A_236 = vector.broadcast %mul3A_235 : f32 to vector<16xf32>
        %mul3A_237 = arith.mulf %mul3A_234, %mul3A_236 : vector<16xf32>
        %mul3A_238 = arith.mulf %mul3A_230, %mul3A_230 : vector<16xf32>
        %mul3A_239 = arith.mulf %mul3A_237, %mul3A_237 : vector<16xf32>
        %add3A_240 = arith.addf %mul3A_238, %mul3A_239 : vector<16xf32>
        %add3A_241 = arith.constant 2.500000e-04 : f32
        %add3A_242 = vector.broadcast %add3A_241 : f32 to vector<16xf32>
        %add3A_243 = arith.addf %add3A_240, %add3A_242 : vector<16xf32>
        %get3A_244 = arith.index_cast %mul3A_201 : i32 to index
        %get3A_245 = tpu.vector_load %arg28[%get3A_244] {strides = array<i32>} : memref<2048xf32, #tpu.memory_space<vmem>>, vector<16xf32>,
        %get3A_246 = vector.shape_cast %get3A_245 : vector<16xf32> to vector<16xf32>
        %get3A_247 = arith.index_cast %mul3A_201 : i32 to index
        %get3A_248 = tpu.vector_load %arg30[%get3A_247] {strides = array<i32>} : memref<2048xf32, #tpu.memory_space<vmem>>, vector<16xf32>,
        %get3A_249 = vector.shape_cast %get3A_248 : vector<16xf32> to vector<16xf32>
        %bitcast_convert_type3A = tpu.bitcast %get3A_246 : vector<16xf32> -> vector<16xi32>
        %and3A_250 = arith.constant -65536 : i32
        %and3A_251 = vector.broadcast %and3A_250 : i32 to vector<16xi32>
        %and3A_252 = arith.andi %bitcast_convert_type3A, %and3A_251 : vector<16xi32>
        %bitcast_convert_type3A_253 = tpu.bitcast %and3A_252 : vector<16xi32> -> vector<16xf32>
        %bitcast_convert_type3A_254 = tpu.bitcast %get3A_249 : vector<16xf32> -> vector<16xi32>
        %and3A_255 = arith.constant -65536 : i32
        %and3A_256 = vector.broadcast %and3A_255 : i32 to vector<16xi32>
        %and3A_257 = arith.andi %bitcast_convert_type3A_254, %and3A_256 : vector<16xi32>
        %bitcast_convert_type3A_258 = tpu.bitcast %and3A_257 : vector<16xi32> -> vector<16xf32>
        %add3A_259 = arith.addf %bitcast_convert_type3A_253, %bitcast_convert_type3A_258 : vector<16xf32>
        %mul3A_260 = arith.mulf %add3A_259, %mul3A_230 : vector<16xf32>
        %bitcast_convert_type3A_261 = tpu.bitcast %get3A_246 : vector<16xf32> -> vector<16xi32>
        %shift_left3A = arith.constant 16 : i32
        %shift_left3A_262 = vector.broadcast %shift_left3A : i32 to vector<16xi32>
        %shift_left3A_263 = arith.shli %bitcast_convert_type3A_261, %shift_left3A_262 : vector<16xi32>
        %bitcast_convert_type3A_264 = tpu.bitcast %shift_left3A_263 : vector<16xi32> -> vector<16xf32>
        %bitcast_convert_type3A_265 = tpu.bitcast %get3A_249 : vector<16xf32> -> vector<16xi32>
        %shift_left3A_266 = arith.constant 16 : i32
        %shift_left3A_267 = vector.broadcast %shift_left3A_266 : i32 to vector<16xi32>
        %shift_left3A_268 = arith.shli %bitcast_convert_type3A_265, %shift_left3A_267 : vector<16xi32>
        %bitcast_convert_type3A_269 = tpu.bitcast %shift_left3A_268 : vector<16xi32> -> vector<16xf32>
        %add3A_270 = arith.addf %bitcast_convert_type3A_264, %bitcast_convert_type3A_269 : vector<16xf32>
        %mul3A_271 = arith.mulf %add3A_270, %mul3A_237 : vector<16xf32>
        %add3A_272 = arith.addf %mul3A_260, %mul3A_271 : vector<16xf32>
        %mul3A_273 = arith.constant 5.000000e-01 : f32
        %mul3A_274 = vector.broadcast %mul3A_273 : f32 to vector<16xf32>
        %mul3A_275 = arith.mulf %mul3A_274, %add3A_272 : vector<16xf32>
        %get3A_276 = arith.index_cast %mul3A_201 : i32 to index
        %get3A_277 = tpu.vector_load %arg31[%get3A_276] {strides = array<i32>} : memref<2048xf32, #tpu.memory_space<vmem>>, vector<16xf32>,
        %get3A_278 = vector.shape_cast %get3A_277 : vector<16xf32> to vector<16xf32>
        %bitcast_convert_type3A_279 = tpu.bitcast %get3A_278 : vector<16xf32> -> vector<16xi32>
        %and3A_280 = arith.constant -65536 : i32
        %and3A_281 = vector.broadcast %and3A_280 : i32 to vector<16xi32>
        %and3A_282 = arith.andi %bitcast_convert_type3A_279, %and3A_281 : vector<16xi32>
        %bitcast_convert_type3A_283 = tpu.bitcast %and3A_282 : vector<16xi32> -> vector<16xf32>
        %get3A_284 = arith.index_cast %mul3A_201 : i32 to index
        %get3A_285 = tpu.vector_load %arg29[%get3A_284] {strides = array<i32>} : memref<2048xf32, #tpu.memory_space<vmem>>, vector<16xf32>,
        %get3A_286 = vector.shape_cast %get3A_285 : vector<16xf32> to vector<16xf32>
        %bitcast_convert_type3A_287 = tpu.bitcast %get3A_286 : vector<16xf32> -> vector<16xi32>
        %and3A_288 = arith.constant -65536 : i32
        %and3A_289 = vector.broadcast %and3A_288 : i32 to vector<16xi32>
        %and3A_290 = arith.andi %bitcast_convert_type3A_287, %and3A_289 : vector<16xi32>
        %bitcast_convert_type3A_291 = tpu.bitcast %and3A_290 : vector<16xi32> -> vector<16xf32>
        %sub3A_292 = arith.subf %bitcast_convert_type3A_283, %bitcast_convert_type3A_291 : vector<16xf32>
        %mul3A_293 = arith.mulf %mul3A_223, %mul3A_230 : vector<16xf32>
        %mul3A_294 = arith.mulf %mul3A_224, %mul3A_237 : vector<16xf32>
        %add3A_295 = arith.addf %mul3A_293, %mul3A_294 : vector<16xf32>
        %div3A_296 = arith.divf %add3A_295, %add3A_243 : vector<16xf32>
        %add3A_297 = arith.addf %sub3A_292, %mul3A_275 : vector<16xf32>
        %mul3A_298 = arith.mulf %add3A_297, %div3A_296 : vector<16xf32>
        %get3A_299 = arith.index_cast %mul3A_201 : i32 to index
        %get3A_300 = tpu.vector_load %arg31[%get3A_299] {strides = array<i32>} : memref<2048xf32, #tpu.memory_space<vmem>>, vector<16xf32>,
        %get3A_301 = vector.shape_cast %get3A_300 : vector<16xf32> to vector<16xf32>
        %bitcast_convert_type3A_302 = tpu.bitcast %get3A_301 : vector<16xf32> -> vector<16xi32>
        %shift_left3A_303 = arith.constant 16 : i32
        %shift_left3A_304 = vector.broadcast %shift_left3A_303 : i32 to vector<16xi32>
        %shift_left3A_305 = arith.shli %bitcast_convert_type3A_302, %shift_left3A_304 : vector<16xi32>
        %bitcast_convert_type3A_306 = tpu.bitcast %shift_left3A_305 : vector<16xi32> -> vector<16xf32>
        %mul3A_307 = arith.mulf %mul3A_298, %bitcast_convert_type3A_306 : vector<16xf32>
        %swap3A = arith.index_cast %mul3A_201 : i32 to index
        %swap3A_308 = tpu.vector_load %arg32[%swap3A] {strides = array<i32>} : memref<2048xf32, #tpu.memory_space<vmem>>, vector<16xf32>,
        %swap3A_309 = vector.shape_cast %swap3A_308 : vector<16xf32> to vector<16xf32>
        %swap3A_310 = vector.shape_cast %mul3A_307 : vector<16xf32> to vector<16xf32>
        tpu.vector_store %arg32[%swap3A], %swap3A_310 {strides = array<i32>} : memref<2048xf32, #tpu.memory_space<vmem>>, vector<16xf32>,
      }
      %scan3A_190 = arith.constant 128 : i32
      %dma_start3A_191 = arith.constant 0 : i32
      %dma_start3A_192 = tpu.memref_slice %arg11[%dma_start3A_191] : memref<100352xf32, #tpu.memory_space<vmem_shared>> -> memref<100352xf32, #tpu.memory_space<vmem_shared>>
      tpu.enqueue_indirect_dma source(%arg32 : memref<2048xf32, #tpu.memory_space<vmem>>) target(%dma_start3A_192 : memref<100352xf32, #tpu.memory_space<vmem_shared>>) offsets(%arg19 : memref<2048xi32, #tpu.memory_space<vmem>>) semaphore(%arg37 : memref<!tpu.dma_semaphore, #tpu.memory_space<semaphore_mem>>) {add = true}
      %dma_wait3A_193 = arith.constant 0 : i32
      %dma_wait3A_194 = tpu.memref_slice %arg11[%dma_wait3A_193] : memref<100352xf32, #tpu.memory_space<vmem_shared>> -> memref<100352xf32, #tpu.memory_space<vmem_shared>>
      tpu.wait_indirect_dma semaphore(%arg37 : memref<!tpu.dma_semaphore, #tpu.memory_space<semaphore_mem>>) src(%arg32 : memref<2048xf32, #tpu.memory_space<vmem>>) dst(%dma_wait3A_194 : memref<100352xf32, #tpu.memory_space<vmem_shared>>)
    }
    %dma_wait3A_72 = arith.constant 0 : i32
    %dma_wait3A_73 = tpu.memref_slice %arg12[%dma_wait3A_72] : memref<100352xf32, #tpu.memory_space<vmem_shared>> -> memref<100352xf32, #tpu.memory_space<vmem_shared>>
    tpu.wait_indirect_dma semaphore(%arg35 : memref<!tpu.dma_semaphore, #tpu.memory_space<semaphore_mem>>) src(%dma_wait3A_73 : memref<100352xf32, #tpu.memory_space<vmem_shared>>) dst(%arg24 : memref<2048xf32, #tpu.memory_space<vmem>>)
    %dma_wait3A_74 = arith.constant 0 : i32
    %dma_wait3A_75 = tpu.memref_slice %arg13[%dma_wait3A_74] : memref<100352xf32, #tpu.memory_space<vmem_shared>> -> memref<100352xf32, #tpu.memory_space<vmem_shared>>
    tpu.wait_indirect_dma semaphore(%arg35 : memref<!tpu.dma_semaphore, #tpu.memory_space<semaphore_mem>>) src(%dma_wait3A_75 : memref<100352xf32, #tpu.memory_space<vmem_shared>>) dst(%arg25 : memref<2048xf32, #tpu.memory_space<vmem>>)
    %dma_wait3A_76 = arith.constant 0 : i32
    %dma_wait3A_77 = tpu.memref_slice %arg12[%dma_wait3A_76] : memref<100352xf32, #tpu.memory_space<vmem_shared>> -> memref<100352xf32, #tpu.memory_space<vmem_shared>>
    tpu.wait_indirect_dma semaphore(%arg35 : memref<!tpu.dma_semaphore, #tpu.memory_space<semaphore_mem>>) src(%dma_wait3A_77 : memref<100352xf32, #tpu.memory_space<vmem_shared>>) dst(%arg26 : memref<2048xf32, #tpu.memory_space<vmem>>)
    %dma_wait3A_78 = arith.constant 0 : i32
    %dma_wait3A_79 = tpu.memref_slice %arg13[%dma_wait3A_78] : memref<100352xf32, #tpu.memory_space<vmem_shared>> -> memref<100352xf32, #tpu.memory_space<vmem_shared>>
    tpu.wait_indirect_dma semaphore(%arg35 : memref<!tpu.dma_semaphore, #tpu.memory_space<semaphore_mem>>) src(%dma_wait3A_79 : memref<100352xf32, #tpu.memory_space<vmem_shared>>) dst(%arg27 : memref<2048xf32, #tpu.memory_space<vmem>>)
    %barrier3A_80 = arith.constant 0 : index
    tpu.barrier barrier_id(%barrier3A_80)
    %mul3A_81 = arith.constant 6272 : i32
    %mul3A_82 = arith.muli %arg1, %mul3A_81 : i32
    "tpu.region"() ({
      %run_scoped3A_83 = tpu.sem_alloc : memref<!tpu.dma_semaphore, #tpu.memory_space<semaphore_mem>>
      %dma_start3A_84 = tpu.memref_slice %arg11[%mul3A_82] : memref<100352xf32, #tpu.memory_space<vmem_shared>> -> memref<6272xf32, #tpu.memory_space<vmem_shared>>
      %dma_start3A_85 = tpu.memref_slice %arg11[%mul3A_82] : memref<100352xf32, #tpu.memory_space<vmem_shared>> -> memref<6272xf32, #tpu.memory_space<vmem_shared>>
      tpu.enqueue_dma source(%dma_start3A_85 : memref<6272xf32, #tpu.memory_space<vmem_shared>>) target(%arg33 : memref<6272xf32, #tpu.memory_space<vmem>>) target_semaphore(%run_scoped3A_83 : memref<!tpu.dma_semaphore, #tpu.memory_space<semaphore_mem>>)
      %dma_wait3A_86 = tpu.memref_slice %arg11[%mul3A_82] : memref<100352xf32, #tpu.memory_space<vmem_shared>> -> memref<6272xf32, #tpu.memory_space<vmem_shared>>
      %dma_wait3A_87 = tpu.memref_slice %arg11[%mul3A_82] : memref<100352xf32, #tpu.memory_space<vmem_shared>> -> memref<6272xf32, #tpu.memory_space<vmem_shared>>
      tpu.wait_dma2 semaphore(%run_scoped3A_83 : memref<!tpu.dma_semaphore, #tpu.memory_space<semaphore_mem>>) src(%dma_wait3A_87 : memref<6272xf32, #tpu.memory_space<vmem_shared>>) dst(%arg33 : memref<6272xf32, #tpu.memory_space<vmem>>)
      tpu.yield
    }) : () -> ()
    %run_scoped3A = arith.constant 0 : i32
    "tpu.region"() ({
      %run_scoped3A_83 = tpu.sem_alloc : memref<!tpu.dma_semaphore, #tpu.memory_space<semaphore_mem>>
      %dma_start3A_84 = tpu.memref_slice %arg10[%arg0, %run_scoped3A, %mul3A_82] : memref<2x1x100352xf32, #tpu.memory_space<hbm>> -> memref<1x1x6272xf32, #tpu.memory_space<hbm>>
      %dma_start3A_85 = tpu.memref_squeeze %dma_start3A_84 : memref<1x1x6272xf32, #tpu.memory_space<hbm>> -> memref<6272xf32, #tpu.memory_space<hbm>>
      %dma_start3A_86 = tpu.memref_slice %arg10[%arg0, %run_scoped3A, %mul3A_82] : memref<2x1x100352xf32, #tpu.memory_space<hbm>> -> memref<1x1x6272xf32, #tpu.memory_space<hbm>>
      %dma_start3A_87 = tpu.memref_squeeze %dma_start3A_86 : memref<1x1x6272xf32, #tpu.memory_space<hbm>> -> memref<6272xf32, #tpu.memory_space<hbm>>
      tpu.enqueue_dma source(%arg33 : memref<6272xf32, #tpu.memory_space<vmem>>) target(%dma_start3A_87 : memref<6272xf32, #tpu.memory_space<hbm>>) target_semaphore(%run_scoped3A_83 : memref<!tpu.dma_semaphore, #tpu.memory_space<semaphore_mem>>)
      %dma_wait3A_88 = tpu.memref_slice %arg10[%arg0, %run_scoped3A, %mul3A_82] : memref<2x1x100352xf32, #tpu.memory_space<hbm>> -> memref<1x1x6272xf32, #tpu.memory_space<hbm>>
      %dma_wait3A_89 = tpu.memref_squeeze %dma_wait3A_88 : memref<1x1x6272xf32, #tpu.memory_space<hbm>> -> memref<6272xf32, #tpu.memory_space<hbm>>
      %dma_wait3A_90 = tpu.memref_slice %arg10[%arg0, %run_scoped3A, %mul3A_82] : memref<2x1x100352xf32, #tpu.memory_space<hbm>> -> memref<1x1x6272xf32, #tpu.memory_space<hbm>>
      %dma_wait3A_91 = tpu.memref_squeeze %dma_wait3A_90 : memref<1x1x6272xf32, #tpu.memory_space<hbm>> -> memref<6272xf32, #tpu.memory_space<hbm>>
      tpu.wait_dma2 semaphore(%run_scoped3A_83 : memref<!tpu.dma_semaphore, #tpu.memory_space<semaphore_mem>>) src(%arg33 : memref<6272xf32, #tpu.memory_space<vmem>>) dst(%dma_wait3A_91 : memref<6272xf32, #tpu.memory_space<hbm>>)
      tpu.yield
    }) : () -> ()
    return
  }
}

#map = affine_map<(d0, d1) -> (0)>
#map1 = affine_map<(d0, d1) -> (0, 0, 0)>
module attributes {stable_mosaic.version = 14 : i64} {
  func.func @body(%arg0: i32, %arg1: i32, %arg2: memref<3276800xi32, #tpu.memory_space<hbm>>, %arg3: memref<3276800xi32, #tpu.memory_space<hbm>>, %arg4: memref<3276800xf32, #tpu.memory_space<hbm>>, %arg5: memref<3276800xf32, #tpu.memory_space<hbm>>, %arg6: memref<3276800xf32, #tpu.memory_space<hbm>>, %arg7: memref<100352xf32, #tpu.memory_space<hbm>>, %arg8: memref<100352xf32, #tpu.memory_space<hbm>>, %arg9: memref<100352xf32, #tpu.memory_space<hbm>>, %arg10: memref<100352xf32, #tpu.memory_space<hbm>>, %arg11: memref<100352xf32, #tpu.memory_space<hbm>>, %arg12: memref<2x2x100352xf32, #tpu.memory_space<hbm>>, %arg13: memref<100352xf32, #tpu.memory_space<vmem_shared>>, %arg14: memref<100352xf32, #tpu.memory_space<vmem_shared>>, %arg15: memref<100352xf32, #tpu.memory_space<vmem_shared>>, %arg16: memref<100352xf32, #tpu.memory_space<vmem_shared>>, %arg17: memref<100352xf32, #tpu.memory_space<vmem_shared>>, %arg18: memref<100352xf32, #tpu.memory_space<vmem_shared>>, %arg19: memref<2048xi32, #tpu.memory_space<vmem>>, %arg20: memref<2048xi32, #tpu.memory_space<vmem>>, %arg21: memref<2048xf32, #tpu.memory_space<vmem>>, %arg22: memref<2048xf32, #tpu.memory_space<vmem>>, %arg23: memref<2048xf32, #tpu.memory_space<vmem>>, %arg24: memref<2048xi32, #tpu.memory_space<vmem>>, %arg25: memref<2048xi32, #tpu.memory_space<vmem>>, %arg26: memref<2048xf32, #tpu.memory_space<vmem>>, %arg27: memref<2048xf32, #tpu.memory_space<vmem>>, %arg28: memref<2048xf32, #tpu.memory_space<vmem>>, %arg29: memref<2048xf32, #tpu.memory_space<vmem>>, %arg30: memref<2048xf32, #tpu.memory_space<vmem>>, %arg31: memref<2048xf32, #tpu.memory_space<vmem>>, %arg32: memref<2048xf32, #tpu.memory_space<vmem>>, %arg33: memref<2048xf32, #tpu.memory_space<vmem>>, %arg34: memref<2048xf32, #tpu.memory_space<vmem>>, %arg35: memref<2048xf32, #tpu.memory_space<vmem>>, %arg36: memref<2048xf32, #tpu.memory_space<vmem>>, %arg37: memref<2048xf32, #tpu.memory_space<vmem>>, %arg38: memref<2048xf32, #tpu.memory_space<vmem>>, %arg39: memref<2048xf32, #tpu.memory_space<vmem>>, %arg40: memref<2048xf32, #tpu.memory_space<vmem>>, %arg41: memref<6272xf32, #tpu.memory_space<vmem>>, %arg42: memref<!tpu.dma_semaphore, #tpu.memory_space<semaphore_mem>>, %arg43: memref<!tpu.dma_semaphore, #tpu.memory_space<semaphore_mem>>, %arg44: memref<!tpu.dma_semaphore, #tpu.memory_space<semaphore_mem>>, %arg45: memref<!tpu.dma_semaphore, #tpu.memory_space<semaphore_mem>>) attributes {dimension_semantics = [#tpu.dimension_semantics<core_parallel>, #tpu.dimension_semantics<subcore_parallel>], iteration_bounds = array<i64: 2, 16>, scalar_prefetch = 0 : i64, scratch_operands = 33 : i64, tpu.core_type = #tpu.core_type<sc_vector_subcore>, window_params = [{transform_indices = #map}, {transform_indices = #map}, {transform_indices = #map}, {transform_indices = #map}, {transform_indices = #map}, {transform_indices = #map}, {transform_indices = #map}, {transform_indices = #map}, {transform_indices = #map}, {transform_indices = #map}, {transform_indices = #map1}]} {
    %eq3A = arith.constant 0 : i32
    %eq3A_0 = arith.cmpi eq, %arg0, %eq3A : i32
    %jit3A = arith.constant 56 : i32
    %jit3A_1 = arith.constant 44 : i32
    %select_n3A = arith.select %eq3A_0, %jit3A, %jit3A_1 : i32
    %mul3A = arith.constant 1835008 : i32
    %mul3A_2 = arith.muli %arg0, %mul3A : i32
    %mul3A_3 = arith.constant 2048 : i32
    %mul3A_4 = arith.muli %select_n3A, %mul3A_3 : i32
    %mul3A_5 = arith.muli %arg1, %mul3A_4 : i32
    %add3A = arith.addi %mul3A_2, %mul3A_5 : i32
    %mul3A_6 = arith.constant 6272 : i32
    %mul3A_7 = arith.muli %arg1, %mul3A_6 : i32
    "tpu.region"() ({
      %run_scoped3A_88 = tpu.sem_alloc : memref<!tpu.dma_semaphore, #tpu.memory_space<semaphore_mem>>
      %dma_start3A_89 = tpu.memref_slice %arg11[%mul3A_7] : memref<100352xf32, #tpu.memory_space<hbm>> -> memref<6272xf32, #tpu.memory_space<hbm>>
      %dma_start3A_90 = tpu.memref_slice %arg11[%mul3A_7] : memref<100352xf32, #tpu.memory_space<hbm>> -> memref<6272xf32, #tpu.memory_space<hbm>>
      tpu.enqueue_dma source(%dma_start3A_90 : memref<6272xf32, #tpu.memory_space<hbm>>) target(%arg41 : memref<6272xf32, #tpu.memory_space<vmem>>) target_semaphore(%run_scoped3A_88 : memref<!tpu.dma_semaphore, #tpu.memory_space<semaphore_mem>>)
      %dma_wait3A_91 = tpu.memref_slice %arg11[%mul3A_7] : memref<100352xf32, #tpu.memory_space<hbm>> -> memref<6272xf32, #tpu.memory_space<hbm>>
      %dma_wait3A_92 = tpu.memref_slice %arg11[%mul3A_7] : memref<100352xf32, #tpu.memory_space<hbm>> -> memref<6272xf32, #tpu.memory_space<hbm>>
      tpu.wait_dma2 semaphore(%run_scoped3A_88 : memref<!tpu.dma_semaphore, #tpu.memory_space<semaphore_mem>>) src(%dma_wait3A_92 : memref<6272xf32, #tpu.memory_space<hbm>>) dst(%arg41 : memref<6272xf32, #tpu.memory_space<vmem>>)
      tpu.yield
    }) : () -> ()
    "tpu.region"() ({
      %run_scoped3A_88 = tpu.sem_alloc : memref<!tpu.dma_semaphore, #tpu.memory_space<semaphore_mem>>
      %dma_start3A_89 = tpu.memref_slice %arg13[%mul3A_7] : memref<100352xf32, #tpu.memory_space<vmem_shared>> -> memref<6272xf32, #tpu.memory_space<vmem_shared>>
      %dma_start3A_90 = tpu.memref_slice %arg13[%mul3A_7] : memref<100352xf32, #tpu.memory_space<vmem_shared>> -> memref<6272xf32, #tpu.memory_space<vmem_shared>>
      tpu.enqueue_dma source(%arg41 : memref<6272xf32, #tpu.memory_space<vmem>>) target(%dma_start3A_90 : memref<6272xf32, #tpu.memory_space<vmem_shared>>) target_semaphore(%run_scoped3A_88 : memref<!tpu.dma_semaphore, #tpu.memory_space<semaphore_mem>>)
      %dma_wait3A_91 = tpu.memref_slice %arg13[%mul3A_7] : memref<100352xf32, #tpu.memory_space<vmem_shared>> -> memref<6272xf32, #tpu.memory_space<vmem_shared>>
      %dma_wait3A_92 = tpu.memref_slice %arg13[%mul3A_7] : memref<100352xf32, #tpu.memory_space<vmem_shared>> -> memref<6272xf32, #tpu.memory_space<vmem_shared>>
      tpu.wait_dma2 semaphore(%run_scoped3A_88 : memref<!tpu.dma_semaphore, #tpu.memory_space<semaphore_mem>>) src(%arg41 : memref<6272xf32, #tpu.memory_space<vmem>>) dst(%dma_wait3A_92 : memref<6272xf32, #tpu.memory_space<vmem_shared>>)
      tpu.yield
    }) : () -> ()
    "tpu.region"() ({
      %run_scoped3A_88 = tpu.sem_alloc : memref<!tpu.dma_semaphore, #tpu.memory_space<semaphore_mem>>
      %dma_start3A_89 = tpu.memref_slice %arg11[%mul3A_7] : memref<100352xf32, #tpu.memory_space<hbm>> -> memref<6272xf32, #tpu.memory_space<hbm>>
      %dma_start3A_90 = tpu.memref_slice %arg11[%mul3A_7] : memref<100352xf32, #tpu.memory_space<hbm>> -> memref<6272xf32, #tpu.memory_space<hbm>>
      tpu.enqueue_dma source(%dma_start3A_90 : memref<6272xf32, #tpu.memory_space<hbm>>) target(%arg41 : memref<6272xf32, #tpu.memory_space<vmem>>) target_semaphore(%run_scoped3A_88 : memref<!tpu.dma_semaphore, #tpu.memory_space<semaphore_mem>>)
      %dma_wait3A_91 = tpu.memref_slice %arg11[%mul3A_7] : memref<100352xf32, #tpu.memory_space<hbm>> -> memref<6272xf32, #tpu.memory_space<hbm>>
      %dma_wait3A_92 = tpu.memref_slice %arg11[%mul3A_7] : memref<100352xf32, #tpu.memory_space<hbm>> -> memref<6272xf32, #tpu.memory_space<hbm>>
      tpu.wait_dma2 semaphore(%run_scoped3A_88 : memref<!tpu.dma_semaphore, #tpu.memory_space<semaphore_mem>>) src(%dma_wait3A_92 : memref<6272xf32, #tpu.memory_space<hbm>>) dst(%arg41 : memref<6272xf32, #tpu.memory_space<vmem>>)
      tpu.yield
    }) : () -> ()
    "tpu.region"() ({
      %run_scoped3A_88 = tpu.sem_alloc : memref<!tpu.dma_semaphore, #tpu.memory_space<semaphore_mem>>
      %dma_start3A_89 = tpu.memref_slice %arg14[%mul3A_7] : memref<100352xf32, #tpu.memory_space<vmem_shared>> -> memref<6272xf32, #tpu.memory_space<vmem_shared>>
      %dma_start3A_90 = tpu.memref_slice %arg14[%mul3A_7] : memref<100352xf32, #tpu.memory_space<vmem_shared>> -> memref<6272xf32, #tpu.memory_space<vmem_shared>>
      tpu.enqueue_dma source(%arg41 : memref<6272xf32, #tpu.memory_space<vmem>>) target(%dma_start3A_90 : memref<6272xf32, #tpu.memory_space<vmem_shared>>) target_semaphore(%run_scoped3A_88 : memref<!tpu.dma_semaphore, #tpu.memory_space<semaphore_mem>>)
      %dma_wait3A_91 = tpu.memref_slice %arg14[%mul3A_7] : memref<100352xf32, #tpu.memory_space<vmem_shared>> -> memref<6272xf32, #tpu.memory_space<vmem_shared>>
      %dma_wait3A_92 = tpu.memref_slice %arg14[%mul3A_7] : memref<100352xf32, #tpu.memory_space<vmem_shared>> -> memref<6272xf32, #tpu.memory_space<vmem_shared>>
      tpu.wait_dma2 semaphore(%run_scoped3A_88 : memref<!tpu.dma_semaphore, #tpu.memory_space<semaphore_mem>>) src(%arg41 : memref<6272xf32, #tpu.memory_space<vmem>>) dst(%dma_wait3A_92 : memref<6272xf32, #tpu.memory_space<vmem_shared>>)
      tpu.yield
    }) : () -> ()
    %mul3A_8 = arith.constant 6272 : i32
    %mul3A_9 = arith.muli %arg1, %mul3A_8 : i32
    "tpu.region"() ({
      %run_scoped3A_88 = tpu.sem_alloc : memref<!tpu.dma_semaphore, #tpu.memory_space<semaphore_mem>>
      %dma_start3A_89 = tpu.memref_slice %arg7[%mul3A_9] : memref<100352xf32, #tpu.memory_space<hbm>> -> memref<6272xf32, #tpu.memory_space<hbm>>
      %dma_start3A_90 = tpu.memref_slice %arg7[%mul3A_9] : memref<100352xf32, #tpu.memory_space<hbm>> -> memref<6272xf32, #tpu.memory_space<hbm>>
      tpu.enqueue_dma source(%dma_start3A_90 : memref<6272xf32, #tpu.memory_space<hbm>>) target(%arg41 : memref<6272xf32, #tpu.memory_space<vmem>>) target_semaphore(%run_scoped3A_88 : memref<!tpu.dma_semaphore, #tpu.memory_space<semaphore_mem>>)
      %dma_wait3A_91 = tpu.memref_slice %arg7[%mul3A_9] : memref<100352xf32, #tpu.memory_space<hbm>> -> memref<6272xf32, #tpu.memory_space<hbm>>
      %dma_wait3A_92 = tpu.memref_slice %arg7[%mul3A_9] : memref<100352xf32, #tpu.memory_space<hbm>> -> memref<6272xf32, #tpu.memory_space<hbm>>
      tpu.wait_dma2 semaphore(%run_scoped3A_88 : memref<!tpu.dma_semaphore, #tpu.memory_space<semaphore_mem>>) src(%dma_wait3A_92 : memref<6272xf32, #tpu.memory_space<hbm>>) dst(%arg41 : memref<6272xf32, #tpu.memory_space<vmem>>)
      tpu.yield
    }) : () -> ()
    "tpu.region"() ({
      %run_scoped3A_88 = tpu.sem_alloc : memref<!tpu.dma_semaphore, #tpu.memory_space<semaphore_mem>>
      %dma_start3A_89 = tpu.memref_slice %arg15[%mul3A_9] : memref<100352xf32, #tpu.memory_space<vmem_shared>> -> memref<6272xf32, #tpu.memory_space<vmem_shared>>
      %dma_start3A_90 = tpu.memref_slice %arg15[%mul3A_9] : memref<100352xf32, #tpu.memory_space<vmem_shared>> -> memref<6272xf32, #tpu.memory_space<vmem_shared>>
      tpu.enqueue_dma source(%arg41 : memref<6272xf32, #tpu.memory_space<vmem>>) target(%dma_start3A_90 : memref<6272xf32, #tpu.memory_space<vmem_shared>>) target_semaphore(%run_scoped3A_88 : memref<!tpu.dma_semaphore, #tpu.memory_space<semaphore_mem>>)
      %dma_wait3A_91 = tpu.memref_slice %arg15[%mul3A_9] : memref<100352xf32, #tpu.memory_space<vmem_shared>> -> memref<6272xf32, #tpu.memory_space<vmem_shared>>
      %dma_wait3A_92 = tpu.memref_slice %arg15[%mul3A_9] : memref<100352xf32, #tpu.memory_space<vmem_shared>> -> memref<6272xf32, #tpu.memory_space<vmem_shared>>
      tpu.wait_dma2 semaphore(%run_scoped3A_88 : memref<!tpu.dma_semaphore, #tpu.memory_space<semaphore_mem>>) src(%arg41 : memref<6272xf32, #tpu.memory_space<vmem>>) dst(%dma_wait3A_92 : memref<6272xf32, #tpu.memory_space<vmem_shared>>)
      tpu.yield
    }) : () -> ()
    "tpu.region"() ({
      %run_scoped3A_88 = tpu.sem_alloc : memref<!tpu.dma_semaphore, #tpu.memory_space<semaphore_mem>>
      %dma_start3A_89 = tpu.memref_slice %arg8[%mul3A_9] : memref<100352xf32, #tpu.memory_space<hbm>> -> memref<6272xf32, #tpu.memory_space<hbm>>
      %dma_start3A_90 = tpu.memref_slice %arg8[%mul3A_9] : memref<100352xf32, #tpu.memory_space<hbm>> -> memref<6272xf32, #tpu.memory_space<hbm>>
      tpu.enqueue_dma source(%dma_start3A_90 : memref<6272xf32, #tpu.memory_space<hbm>>) target(%arg41 : memref<6272xf32, #tpu.memory_space<vmem>>) target_semaphore(%run_scoped3A_88 : memref<!tpu.dma_semaphore, #tpu.memory_space<semaphore_mem>>)
      %dma_wait3A_91 = tpu.memref_slice %arg8[%mul3A_9] : memref<100352xf32, #tpu.memory_space<hbm>> -> memref<6272xf32, #tpu.memory_space<hbm>>
      %dma_wait3A_92 = tpu.memref_slice %arg8[%mul3A_9] : memref<100352xf32, #tpu.memory_space<hbm>> -> memref<6272xf32, #tpu.memory_space<hbm>>
      tpu.wait_dma2 semaphore(%run_scoped3A_88 : memref<!tpu.dma_semaphore, #tpu.memory_space<semaphore_mem>>) src(%dma_wait3A_92 : memref<6272xf32, #tpu.memory_space<hbm>>) dst(%arg41 : memref<6272xf32, #tpu.memory_space<vmem>>)
      tpu.yield
    }) : () -> ()
    "tpu.region"() ({
      %run_scoped3A_88 = tpu.sem_alloc : memref<!tpu.dma_semaphore, #tpu.memory_space<semaphore_mem>>
      %dma_start3A_89 = tpu.memref_slice %arg16[%mul3A_9] : memref<100352xf32, #tpu.memory_space<vmem_shared>> -> memref<6272xf32, #tpu.memory_space<vmem_shared>>
      %dma_start3A_90 = tpu.memref_slice %arg16[%mul3A_9] : memref<100352xf32, #tpu.memory_space<vmem_shared>> -> memref<6272xf32, #tpu.memory_space<vmem_shared>>
      tpu.enqueue_dma source(%arg41 : memref<6272xf32, #tpu.memory_space<vmem>>) target(%dma_start3A_90 : memref<6272xf32, #tpu.memory_space<vmem_shared>>) target_semaphore(%run_scoped3A_88 : memref<!tpu.dma_semaphore, #tpu.memory_space<semaphore_mem>>)
      %dma_wait3A_91 = tpu.memref_slice %arg16[%mul3A_9] : memref<100352xf32, #tpu.memory_space<vmem_shared>> -> memref<6272xf32, #tpu.memory_space<vmem_shared>>
      %dma_wait3A_92 = tpu.memref_slice %arg16[%mul3A_9] : memref<100352xf32, #tpu.memory_space<vmem_shared>> -> memref<6272xf32, #tpu.memory_space<vmem_shared>>
      tpu.wait_dma2 semaphore(%run_scoped3A_88 : memref<!tpu.dma_semaphore, #tpu.memory_space<semaphore_mem>>) src(%arg41 : memref<6272xf32, #tpu.memory_space<vmem>>) dst(%dma_wait3A_92 : memref<6272xf32, #tpu.memory_space<vmem_shared>>)
      tpu.yield
    }) : () -> ()
    "tpu.region"() ({
      %run_scoped3A_88 = tpu.sem_alloc : memref<!tpu.dma_semaphore, #tpu.memory_space<semaphore_mem>>
      %dma_start3A_89 = tpu.memref_slice %arg9[%mul3A_9] : memref<100352xf32, #tpu.memory_space<hbm>> -> memref<6272xf32, #tpu.memory_space<hbm>>
      %dma_start3A_90 = tpu.memref_slice %arg9[%mul3A_9] : memref<100352xf32, #tpu.memory_space<hbm>> -> memref<6272xf32, #tpu.memory_space<hbm>>
      tpu.enqueue_dma source(%dma_start3A_90 : memref<6272xf32, #tpu.memory_space<hbm>>) target(%arg41 : memref<6272xf32, #tpu.memory_space<vmem>>) target_semaphore(%run_scoped3A_88 : memref<!tpu.dma_semaphore, #tpu.memory_space<semaphore_mem>>)
      %dma_wait3A_91 = tpu.memref_slice %arg9[%mul3A_9] : memref<100352xf32, #tpu.memory_space<hbm>> -> memref<6272xf32, #tpu.memory_space<hbm>>
      %dma_wait3A_92 = tpu.memref_slice %arg9[%mul3A_9] : memref<100352xf32, #tpu.memory_space<hbm>> -> memref<6272xf32, #tpu.memory_space<hbm>>
      tpu.wait_dma2 semaphore(%run_scoped3A_88 : memref<!tpu.dma_semaphore, #tpu.memory_space<semaphore_mem>>) src(%dma_wait3A_92 : memref<6272xf32, #tpu.memory_space<hbm>>) dst(%arg41 : memref<6272xf32, #tpu.memory_space<vmem>>)
      tpu.yield
    }) : () -> ()
    "tpu.region"() ({
      %run_scoped3A_88 = tpu.sem_alloc : memref<!tpu.dma_semaphore, #tpu.memory_space<semaphore_mem>>
      %dma_start3A_89 = tpu.memref_slice %arg17[%mul3A_9] : memref<100352xf32, #tpu.memory_space<vmem_shared>> -> memref<6272xf32, #tpu.memory_space<vmem_shared>>
      %dma_start3A_90 = tpu.memref_slice %arg17[%mul3A_9] : memref<100352xf32, #tpu.memory_space<vmem_shared>> -> memref<6272xf32, #tpu.memory_space<vmem_shared>>
      tpu.enqueue_dma source(%arg41 : memref<6272xf32, #tpu.memory_space<vmem>>) target(%dma_start3A_90 : memref<6272xf32, #tpu.memory_space<vmem_shared>>) target_semaphore(%run_scoped3A_88 : memref<!tpu.dma_semaphore, #tpu.memory_space<semaphore_mem>>)
      %dma_wait3A_91 = tpu.memref_slice %arg17[%mul3A_9] : memref<100352xf32, #tpu.memory_space<vmem_shared>> -> memref<6272xf32, #tpu.memory_space<vmem_shared>>
      %dma_wait3A_92 = tpu.memref_slice %arg17[%mul3A_9] : memref<100352xf32, #tpu.memory_space<vmem_shared>> -> memref<6272xf32, #tpu.memory_space<vmem_shared>>
      tpu.wait_dma2 semaphore(%run_scoped3A_88 : memref<!tpu.dma_semaphore, #tpu.memory_space<semaphore_mem>>) src(%arg41 : memref<6272xf32, #tpu.memory_space<vmem>>) dst(%dma_wait3A_92 : memref<6272xf32, #tpu.memory_space<vmem_shared>>)
      tpu.yield
    }) : () -> ()
    "tpu.region"() ({
      %run_scoped3A_88 = tpu.sem_alloc : memref<!tpu.dma_semaphore, #tpu.memory_space<semaphore_mem>>
      %dma_start3A_89 = tpu.memref_slice %arg10[%mul3A_9] : memref<100352xf32, #tpu.memory_space<hbm>> -> memref<6272xf32, #tpu.memory_space<hbm>>
      %dma_start3A_90 = tpu.memref_slice %arg10[%mul3A_9] : memref<100352xf32, #tpu.memory_space<hbm>> -> memref<6272xf32, #tpu.memory_space<hbm>>
      tpu.enqueue_dma source(%dma_start3A_90 : memref<6272xf32, #tpu.memory_space<hbm>>) target(%arg41 : memref<6272xf32, #tpu.memory_space<vmem>>) target_semaphore(%run_scoped3A_88 : memref<!tpu.dma_semaphore, #tpu.memory_space<semaphore_mem>>)
      %dma_wait3A_91 = tpu.memref_slice %arg10[%mul3A_9] : memref<100352xf32, #tpu.memory_space<hbm>> -> memref<6272xf32, #tpu.memory_space<hbm>>
      %dma_wait3A_92 = tpu.memref_slice %arg10[%mul3A_9] : memref<100352xf32, #tpu.memory_space<hbm>> -> memref<6272xf32, #tpu.memory_space<hbm>>
      tpu.wait_dma2 semaphore(%run_scoped3A_88 : memref<!tpu.dma_semaphore, #tpu.memory_space<semaphore_mem>>) src(%dma_wait3A_92 : memref<6272xf32, #tpu.memory_space<hbm>>) dst(%arg41 : memref<6272xf32, #tpu.memory_space<vmem>>)
      tpu.yield
    }) : () -> ()
    "tpu.region"() ({
      %run_scoped3A_88 = tpu.sem_alloc : memref<!tpu.dma_semaphore, #tpu.memory_space<semaphore_mem>>
      %dma_start3A_89 = tpu.memref_slice %arg18[%mul3A_9] : memref<100352xf32, #tpu.memory_space<vmem_shared>> -> memref<6272xf32, #tpu.memory_space<vmem_shared>>
      %dma_start3A_90 = tpu.memref_slice %arg18[%mul3A_9] : memref<100352xf32, #tpu.memory_space<vmem_shared>> -> memref<6272xf32, #tpu.memory_space<vmem_shared>>
      tpu.enqueue_dma source(%arg41 : memref<6272xf32, #tpu.memory_space<vmem>>) target(%dma_start3A_90 : memref<6272xf32, #tpu.memory_space<vmem_shared>>) target_semaphore(%run_scoped3A_88 : memref<!tpu.dma_semaphore, #tpu.memory_space<semaphore_mem>>)
      %dma_wait3A_91 = tpu.memref_slice %arg18[%mul3A_9] : memref<100352xf32, #tpu.memory_space<vmem_shared>> -> memref<6272xf32, #tpu.memory_space<vmem_shared>>
      %dma_wait3A_92 = tpu.memref_slice %arg18[%mul3A_9] : memref<100352xf32, #tpu.memory_space<vmem_shared>> -> memref<6272xf32, #tpu.memory_space<vmem_shared>>
      tpu.wait_dma2 semaphore(%run_scoped3A_88 : memref<!tpu.dma_semaphore, #tpu.memory_space<semaphore_mem>>) src(%arg41 : memref<6272xf32, #tpu.memory_space<vmem>>) dst(%dma_wait3A_92 : memref<6272xf32, #tpu.memory_space<vmem_shared>>)
      tpu.yield
    }) : () -> ()
    %barrier3A = arith.constant 0 : index
    tpu.barrier barrier_id(%barrier3A)
    %dma_start3A = tpu.memref_slice %arg2[%add3A] : memref<3276800xi32, #tpu.memory_space<hbm>> -> memref<2048xi32, #tpu.memory_space<hbm>>
    %dma_start3A_10 = tpu.memref_slice %arg2[%add3A] : memref<3276800xi32, #tpu.memory_space<hbm>> -> memref<2048xi32, #tpu.memory_space<hbm>>
    tpu.enqueue_dma source(%dma_start3A_10 : memref<2048xi32, #tpu.memory_space<hbm>>) target(%arg19 : memref<2048xi32, #tpu.memory_space<vmem>>) target_semaphore(%arg42 : memref<!tpu.dma_semaphore, #tpu.memory_space<semaphore_mem>>)
    %dma_start3A_11 = tpu.memref_slice %arg3[%add3A] : memref<3276800xi32, #tpu.memory_space<hbm>> -> memref<2048xi32, #tpu.memory_space<hbm>>
    %dma_start3A_12 = tpu.memref_slice %arg3[%add3A] : memref<3276800xi32, #tpu.memory_space<hbm>> -> memref<2048xi32, #tpu.memory_space<hbm>>
    tpu.enqueue_dma source(%dma_start3A_12 : memref<2048xi32, #tpu.memory_space<hbm>>) target(%arg20 : memref<2048xi32, #tpu.memory_space<vmem>>) target_semaphore(%arg42 : memref<!tpu.dma_semaphore, #tpu.memory_space<semaphore_mem>>)
    %dma_start3A_13 = tpu.memref_slice %arg4[%add3A] : memref<3276800xf32, #tpu.memory_space<hbm>> -> memref<2048xf32, #tpu.memory_space<hbm>>
    %dma_start3A_14 = tpu.memref_slice %arg4[%add3A] : memref<3276800xf32, #tpu.memory_space<hbm>> -> memref<2048xf32, #tpu.memory_space<hbm>>
    tpu.enqueue_dma source(%dma_start3A_14 : memref<2048xf32, #tpu.memory_space<hbm>>) target(%arg21 : memref<2048xf32, #tpu.memory_space<vmem>>) target_semaphore(%arg42 : memref<!tpu.dma_semaphore, #tpu.memory_space<semaphore_mem>>)
    %dma_start3A_15 = tpu.memref_slice %arg5[%add3A] : memref<3276800xf32, #tpu.memory_space<hbm>> -> memref<2048xf32, #tpu.memory_space<hbm>>
    %dma_start3A_16 = tpu.memref_slice %arg5[%add3A] : memref<3276800xf32, #tpu.memory_space<hbm>> -> memref<2048xf32, #tpu.memory_space<hbm>>
    tpu.enqueue_dma source(%dma_start3A_16 : memref<2048xf32, #tpu.memory_space<hbm>>) target(%arg22 : memref<2048xf32, #tpu.memory_space<vmem>>) target_semaphore(%arg42 : memref<!tpu.dma_semaphore, #tpu.memory_space<semaphore_mem>>)
    %dma_start3A_17 = tpu.memref_slice %arg6[%add3A] : memref<3276800xf32, #tpu.memory_space<hbm>> -> memref<2048xf32, #tpu.memory_space<hbm>>
    %dma_start3A_18 = tpu.memref_slice %arg6[%add3A] : memref<3276800xf32, #tpu.memory_space<hbm>> -> memref<2048xf32, #tpu.memory_space<hbm>>
    tpu.enqueue_dma source(%dma_start3A_18 : memref<2048xf32, #tpu.memory_space<hbm>>) target(%arg23 : memref<2048xf32, #tpu.memory_space<vmem>>) target_semaphore(%arg42 : memref<!tpu.dma_semaphore, #tpu.memory_space<semaphore_mem>>)
    %dma_wait3A = tpu.memref_slice %arg2[%add3A] : memref<3276800xi32, #tpu.memory_space<hbm>> -> memref<2048xi32, #tpu.memory_space<hbm>>
    %dma_wait3A_19 = tpu.memref_slice %arg2[%add3A] : memref<3276800xi32, #tpu.memory_space<hbm>> -> memref<2048xi32, #tpu.memory_space<hbm>>
    tpu.wait_dma2 semaphore(%arg42 : memref<!tpu.dma_semaphore, #tpu.memory_space<semaphore_mem>>) src(%dma_wait3A_19 : memref<2048xi32, #tpu.memory_space<hbm>>) dst(%arg19 : memref<2048xi32, #tpu.memory_space<vmem>>)
    %dma_wait3A_20 = tpu.memref_slice %arg3[%add3A] : memref<3276800xi32, #tpu.memory_space<hbm>> -> memref<2048xi32, #tpu.memory_space<hbm>>
    %dma_wait3A_21 = tpu.memref_slice %arg3[%add3A] : memref<3276800xi32, #tpu.memory_space<hbm>> -> memref<2048xi32, #tpu.memory_space<hbm>>
    tpu.wait_dma2 semaphore(%arg42 : memref<!tpu.dma_semaphore, #tpu.memory_space<semaphore_mem>>) src(%dma_wait3A_21 : memref<2048xi32, #tpu.memory_space<hbm>>) dst(%arg20 : memref<2048xi32, #tpu.memory_space<vmem>>)
    %dma_wait3A_22 = tpu.memref_slice %arg4[%add3A] : memref<3276800xf32, #tpu.memory_space<hbm>> -> memref<2048xf32, #tpu.memory_space<hbm>>
    %dma_wait3A_23 = tpu.memref_slice %arg4[%add3A] : memref<3276800xf32, #tpu.memory_space<hbm>> -> memref<2048xf32, #tpu.memory_space<hbm>>
    tpu.wait_dma2 semaphore(%arg42 : memref<!tpu.dma_semaphore, #tpu.memory_space<semaphore_mem>>) src(%dma_wait3A_23 : memref<2048xf32, #tpu.memory_space<hbm>>) dst(%arg21 : memref<2048xf32, #tpu.memory_space<vmem>>)
    %dma_wait3A_24 = tpu.memref_slice %arg5[%add3A] : memref<3276800xf32, #tpu.memory_space<hbm>> -> memref<2048xf32, #tpu.memory_space<hbm>>
    %dma_wait3A_25 = tpu.memref_slice %arg5[%add3A] : memref<3276800xf32, #tpu.memory_space<hbm>> -> memref<2048xf32, #tpu.memory_space<hbm>>
    tpu.wait_dma2 semaphore(%arg42 : memref<!tpu.dma_semaphore, #tpu.memory_space<semaphore_mem>>) src(%dma_wait3A_25 : memref<2048xf32, #tpu.memory_space<hbm>>) dst(%arg22 : memref<2048xf32, #tpu.memory_space<vmem>>)
    %dma_wait3A_26 = tpu.memref_slice %arg6[%add3A] : memref<3276800xf32, #tpu.memory_space<hbm>> -> memref<2048xf32, #tpu.memory_space<hbm>>
    %dma_wait3A_27 = tpu.memref_slice %arg6[%add3A] : memref<3276800xf32, #tpu.memory_space<hbm>> -> memref<2048xf32, #tpu.memory_space<hbm>>
    tpu.wait_dma2 semaphore(%arg42 : memref<!tpu.dma_semaphore, #tpu.memory_space<semaphore_mem>>) src(%dma_wait3A_27 : memref<2048xf32, #tpu.memory_space<hbm>>) dst(%arg23 : memref<2048xf32, #tpu.memory_space<vmem>>)
    %dma_start3A_28 = arith.constant 0 : i32
    %dma_start3A_29 = tpu.memref_slice %arg15[%dma_start3A_28] : memref<100352xf32, #tpu.memory_space<vmem_shared>> -> memref<100352xf32, #tpu.memory_space<vmem_shared>>
    tpu.enqueue_indirect_dma source(%dma_start3A_29 : memref<100352xf32, #tpu.memory_space<vmem_shared>>) target(%arg29 : memref<2048xf32, #tpu.memory_space<vmem>>) offsets(%arg19 : memref<2048xi32, #tpu.memory_space<vmem>>) semaphore(%arg43 : memref<!tpu.dma_semaphore, #tpu.memory_space<semaphore_mem>>)
    %dma_start3A_30 = arith.constant 0 : i32
    %dma_start3A_31 = tpu.memref_slice %arg16[%dma_start3A_30] : memref<100352xf32, #tpu.memory_space<vmem_shared>> -> memref<100352xf32, #tpu.memory_space<vmem_shared>>
    tpu.enqueue_indirect_dma source(%dma_start3A_31 : memref<100352xf32, #tpu.memory_space<vmem_shared>>) target(%arg30 : memref<2048xf32, #tpu.memory_space<vmem>>) offsets(%arg19 : memref<2048xi32, #tpu.memory_space<vmem>>) semaphore(%arg43 : memref<!tpu.dma_semaphore, #tpu.memory_space<semaphore_mem>>)
    %dma_start3A_32 = arith.constant 0 : i32
    %dma_start3A_33 = tpu.memref_slice %arg17[%dma_start3A_32] : memref<100352xf32, #tpu.memory_space<vmem_shared>> -> memref<100352xf32, #tpu.memory_space<vmem_shared>>
    tpu.enqueue_indirect_dma source(%dma_start3A_33 : memref<100352xf32, #tpu.memory_space<vmem_shared>>) target(%arg31 : memref<2048xf32, #tpu.memory_space<vmem>>) offsets(%arg19 : memref<2048xi32, #tpu.memory_space<vmem>>) semaphore(%arg43 : memref<!tpu.dma_semaphore, #tpu.memory_space<semaphore_mem>>)
    %dma_start3A_34 = arith.constant 0 : i32
    %dma_start3A_35 = tpu.memref_slice %arg18[%dma_start3A_34] : memref<100352xf32, #tpu.memory_space<vmem_shared>> -> memref<100352xf32, #tpu.memory_space<vmem_shared>>
    tpu.enqueue_indirect_dma source(%dma_start3A_35 : memref<100352xf32, #tpu.memory_space<vmem_shared>>) target(%arg32 : memref<2048xf32, #tpu.memory_space<vmem>>) offsets(%arg19 : memref<2048xi32, #tpu.memory_space<vmem>>) semaphore(%arg43 : memref<!tpu.dma_semaphore, #tpu.memory_space<semaphore_mem>>)
    %dma_start3A_36 = arith.constant 0 : i32
    %dma_start3A_37 = tpu.memref_slice %arg18[%dma_start3A_36] : memref<100352xf32, #tpu.memory_space<vmem_shared>> -> memref<100352xf32, #tpu.memory_space<vmem_shared>>
    tpu.enqueue_indirect_dma source(%dma_start3A_37 : memref<100352xf32, #tpu.memory_space<vmem_shared>>) target(%arg33 : memref<2048xf32, #tpu.memory_space<vmem>>) offsets(%arg20 : memref<2048xi32, #tpu.memory_space<vmem>>) semaphore(%arg43 : memref<!tpu.dma_semaphore, #tpu.memory_space<semaphore_mem>>)
    %jit3A_38 = arith.constant 2 : i32
    %div3A = arith.divsi %select_n3A, %jit3A_38 : i32
    %sign3A = arith.constant 0 : i32
    %sign3A_39 = arith.cmpi sgt, %select_n3A, %sign3A : i32
    %sign3A_40 = arith.extui %sign3A_39 : i1 to i32
    %sign3A_41 = arith.constant 0 : i32
    %sign3A_42 = arith.cmpi slt, %select_n3A, %sign3A_41 : i32
    %sign3A_43 = arith.extui %sign3A_42 : i1 to i32
    %sign3A_44 = arith.subi %sign3A_40, %sign3A_43 : i32
    %sign3A_45 = arith.constant 0 : i32
    %sign3A_46 = arith.cmpi sgt, %jit3A_38, %sign3A_45 : i32
    %sign3A_47 = arith.extui %sign3A_46 : i1 to i32
    %sign3A_48 = arith.constant 0 : i32
    %sign3A_49 = arith.cmpi slt, %jit3A_38, %sign3A_48 : i32
    %sign3A_50 = arith.extui %sign3A_49 : i1 to i32
    %sign3A_51 = arith.subi %sign3A_47, %sign3A_50 : i32
    %ne3A = arith.cmpi ne, %sign3A_44, %sign3A_51 : i32
    %rem3A = arith.remsi %select_n3A, %jit3A_38 : i32
    %ne3A_52 = arith.constant 0 : i32
    %ne3A_53 = arith.cmpi ne, %rem3A, %ne3A_52 : i32
    %and3A = arith.andi %ne3A, %ne3A_53 : i1
    %sub3A = arith.constant 1 : i32
    %sub3A_54 = arith.subi %div3A, %sub3A : i32
    %select_n3A_55 = arith.select %and3A, %sub3A_54, %div3A : i32
    %sub3A_56 = arith.constant 0 : i32
    %sub3A_57 = arith.subi %select_n3A_55, %sub3A_56 : i32
    %sub3A_58 = arith.constant 1 : i32
    %sub3A_59 = arith.constant 1 : i32
    %sub3A_60 = arith.subi %sub3A_58, %sub3A_59 : i32
    %add3A_61 = arith.addi %sub3A_57, %sub3A_60 : i32
    %div3A_62 = arith.constant 1 : i32
    %div3A_63 = arith.divsi %add3A_61, %div3A_62 : i32
    %while3A = arith.constant 1 : i32
    %while3A_64 = arith.constant 0 : i32
    %while3A_65 = arith.constant 0 : i32
    %while3A_66 = arith.subi %div3A_63, %while3A_65 : i32
    %while3A_67 = arith.addi %while3A_65, %while3A_66 : i32
    %while3A_68 = arith.constant 1 : i32
    %while3A_69 = arith.divsi %while3A_66, %while3A_68 : i32
    %while3A_70 = arith.muli %while3A_69, %while3A_68 : i32
    %while3A_71 = arith.addi %while3A_65, %while3A_70 : i32
    %while3A_72 = arith.constant 1 : i32
    scf.for %while3A_88 = %while3A_65 to %while3A_71 step %while3A_72  : i32 {
      %mul3A_89 = arith.muli %while3A_88, %while3A : i32
      %add3A_90 = arith.addi %while3A_64, %mul3A_89 : i32
      %mul3A_91 = arith.constant 2 : i32
      %mul3A_92 = arith.muli %mul3A_91, %add3A_90 : i32
      %add3A_93 = arith.constant 1 : i32
      %add3A_94 = arith.addi %mul3A_92, %add3A_93 : i32
      %eq3A_95 = arith.cmpi eq, %add3A_94, %select_n3A : i32
      %mul3A_96 = arith.constant 2048 : i32
      %mul3A_97 = arith.muli %add3A_94, %mul3A_96 : i32
      %add3A_98 = arith.addi %add3A, %mul3A_97 : i32
      %select_n3A_99 = arith.select %eq3A_95, %add3A, %add3A_98 : i32
      %dma_start3A_100 = tpu.memref_slice %arg2[%select_n3A_99] : memref<3276800xi32, #tpu.memory_space<hbm>> -> memref<2048xi32, #tpu.memory_space<hbm>>
      %dma_start3A_101 = tpu.memref_slice %arg2[%select_n3A_99] : memref<3276800xi32, #tpu.memory_space<hbm>> -> memref<2048xi32, #tpu.memory_space<hbm>>
      tpu.enqueue_dma source(%dma_start3A_101 : memref<2048xi32, #tpu.memory_space<hbm>>) target(%arg24 : memref<2048xi32, #tpu.memory_space<vmem>>) target_semaphore(%arg42 : memref<!tpu.dma_semaphore, #tpu.memory_space<semaphore_mem>>)
      %dma_start3A_102 = tpu.memref_slice %arg3[%select_n3A_99] : memref<3276800xi32, #tpu.memory_space<hbm>> -> memref<2048xi32, #tpu.memory_space<hbm>>
      %dma_start3A_103 = tpu.memref_slice %arg3[%select_n3A_99] : memref<3276800xi32, #tpu.memory_space<hbm>> -> memref<2048xi32, #tpu.memory_space<hbm>>
      tpu.enqueue_dma source(%dma_start3A_103 : memref<2048xi32, #tpu.memory_space<hbm>>) target(%arg25 : memref<2048xi32, #tpu.memory_space<vmem>>) target_semaphore(%arg42 : memref<!tpu.dma_semaphore, #tpu.memory_space<semaphore_mem>>)
      %dma_start3A_104 = tpu.memref_slice %arg4[%select_n3A_99] : memref<3276800xf32, #tpu.memory_space<hbm>> -> memref<2048xf32, #tpu.memory_space<hbm>>
      %dma_start3A_105 = tpu.memref_slice %arg4[%select_n3A_99] : memref<3276800xf32, #tpu.memory_space<hbm>> -> memref<2048xf32, #tpu.memory_space<hbm>>
      tpu.enqueue_dma source(%dma_start3A_105 : memref<2048xf32, #tpu.memory_space<hbm>>) target(%arg26 : memref<2048xf32, #tpu.memory_space<vmem>>) target_semaphore(%arg42 : memref<!tpu.dma_semaphore, #tpu.memory_space<semaphore_mem>>)
      %dma_start3A_106 = tpu.memref_slice %arg5[%select_n3A_99] : memref<3276800xf32, #tpu.memory_space<hbm>> -> memref<2048xf32, #tpu.memory_space<hbm>>
      %dma_start3A_107 = tpu.memref_slice %arg5[%select_n3A_99] : memref<3276800xf32, #tpu.memory_space<hbm>> -> memref<2048xf32, #tpu.memory_space<hbm>>
      tpu.enqueue_dma source(%dma_start3A_107 : memref<2048xf32, #tpu.memory_space<hbm>>) target(%arg27 : memref<2048xf32, #tpu.memory_space<vmem>>) target_semaphore(%arg42 : memref<!tpu.dma_semaphore, #tpu.memory_space<semaphore_mem>>)
      %dma_start3A_108 = tpu.memref_slice %arg6[%select_n3A_99] : memref<3276800xf32, #tpu.memory_space<hbm>> -> memref<2048xf32, #tpu.memory_space<hbm>>
      %dma_start3A_109 = tpu.memref_slice %arg6[%select_n3A_99] : memref<3276800xf32, #tpu.memory_space<hbm>> -> memref<2048xf32, #tpu.memory_space<hbm>>
      tpu.enqueue_dma source(%dma_start3A_109 : memref<2048xf32, #tpu.memory_space<hbm>>) target(%arg28 : memref<2048xf32, #tpu.memory_space<vmem>>) target_semaphore(%arg42 : memref<!tpu.dma_semaphore, #tpu.memory_space<semaphore_mem>>)
      %dma_wait3A_110 = tpu.memref_slice %arg2[%select_n3A_99] : memref<3276800xi32, #tpu.memory_space<hbm>> -> memref<2048xi32, #tpu.memory_space<hbm>>
      %dma_wait3A_111 = tpu.memref_slice %arg2[%select_n3A_99] : memref<3276800xi32, #tpu.memory_space<hbm>> -> memref<2048xi32, #tpu.memory_space<hbm>>
      tpu.wait_dma2 semaphore(%arg42 : memref<!tpu.dma_semaphore, #tpu.memory_space<semaphore_mem>>) src(%dma_wait3A_111 : memref<2048xi32, #tpu.memory_space<hbm>>) dst(%arg24 : memref<2048xi32, #tpu.memory_space<vmem>>)
      %dma_wait3A_112 = tpu.memref_slice %arg3[%select_n3A_99] : memref<3276800xi32, #tpu.memory_space<hbm>> -> memref<2048xi32, #tpu.memory_space<hbm>>
      %dma_wait3A_113 = tpu.memref_slice %arg3[%select_n3A_99] : memref<3276800xi32, #tpu.memory_space<hbm>> -> memref<2048xi32, #tpu.memory_space<hbm>>
      tpu.wait_dma2 semaphore(%arg42 : memref<!tpu.dma_semaphore, #tpu.memory_space<semaphore_mem>>) src(%dma_wait3A_113 : memref<2048xi32, #tpu.memory_space<hbm>>) dst(%arg25 : memref<2048xi32, #tpu.memory_space<vmem>>)
      %dma_wait3A_114 = tpu.memref_slice %arg4[%select_n3A_99] : memref<3276800xf32, #tpu.memory_space<hbm>> -> memref<2048xf32, #tpu.memory_space<hbm>>
      %dma_wait3A_115 = tpu.memref_slice %arg4[%select_n3A_99] : memref<3276800xf32, #tpu.memory_space<hbm>> -> memref<2048xf32, #tpu.memory_space<hbm>>
      tpu.wait_dma2 semaphore(%arg42 : memref<!tpu.dma_semaphore, #tpu.memory_space<semaphore_mem>>) src(%dma_wait3A_115 : memref<2048xf32, #tpu.memory_space<hbm>>) dst(%arg26 : memref<2048xf32, #tpu.memory_space<vmem>>)
      %dma_wait3A_116 = tpu.memref_slice %arg5[%select_n3A_99] : memref<3276800xf32, #tpu.memory_space<hbm>> -> memref<2048xf32, #tpu.memory_space<hbm>>
      %dma_wait3A_117 = tpu.memref_slice %arg5[%select_n3A_99] : memref<3276800xf32, #tpu.memory_space<hbm>> -> memref<2048xf32, #tpu.memory_space<hbm>>
      tpu.wait_dma2 semaphore(%arg42 : memref<!tpu.dma_semaphore, #tpu.memory_space<semaphore_mem>>) src(%dma_wait3A_117 : memref<2048xf32, #tpu.memory_space<hbm>>) dst(%arg27 : memref<2048xf32, #tpu.memory_space<vmem>>)
      %dma_wait3A_118 = tpu.memref_slice %arg6[%select_n3A_99] : memref<3276800xf32, #tpu.memory_space<hbm>> -> memref<2048xf32, #tpu.memory_space<hbm>>
      %dma_wait3A_119 = tpu.memref_slice %arg6[%select_n3A_99] : memref<3276800xf32, #tpu.memory_space<hbm>> -> memref<2048xf32, #tpu.memory_space<hbm>>
      tpu.wait_dma2 semaphore(%arg42 : memref<!tpu.dma_semaphore, #tpu.memory_space<semaphore_mem>>) src(%dma_wait3A_119 : memref<2048xf32, #tpu.memory_space<hbm>>) dst(%arg28 : memref<2048xf32, #tpu.memory_space<vmem>>)
      %dma_start3A_120 = arith.constant 0 : i32
      %dma_start3A_121 = tpu.memref_slice %arg15[%dma_start3A_120] : memref<100352xf32, #tpu.memory_space<vmem_shared>> -> memref<100352xf32, #tpu.memory_space<vmem_shared>>
      tpu.enqueue_indirect_dma source(%dma_start3A_121 : memref<100352xf32, #tpu.memory_space<vmem_shared>>) target(%arg34 : memref<2048xf32, #tpu.memory_space<vmem>>) offsets(%arg24 : memref<2048xi32, #tpu.memory_space<vmem>>) semaphore(%arg44 : memref<!tpu.dma_semaphore, #tpu.memory_space<semaphore_mem>>)
      %dma_start3A_122 = arith.constant 0 : i32
      %dma_start3A_123 = tpu.memref_slice %arg16[%dma_start3A_122] : memref<100352xf32, #tpu.memory_space<vmem_shared>> -> memref<100352xf32, #tpu.memory_space<vmem_shared>>
      tpu.enqueue_indirect_dma source(%dma_start3A_123 : memref<100352xf32, #tpu.memory_space<vmem_shared>>) target(%arg35 : memref<2048xf32, #tpu.memory_space<vmem>>) offsets(%arg24 : memref<2048xi32, #tpu.memory_space<vmem>>) semaphore(%arg44 : memref<!tpu.dma_semaphore, #tpu.memory_space<semaphore_mem>>)
      %dma_start3A_124 = arith.constant 0 : i32
      %dma_start3A_125 = tpu.memref_slice %arg17[%dma_start3A_124] : memref<100352xf32, #tpu.memory_space<vmem_shared>> -> memref<100352xf32, #tpu.memory_space<vmem_shared>>
      tpu.enqueue_indirect_dma source(%dma_start3A_125 : memref<100352xf32, #tpu.memory_space<vmem_shared>>) target(%arg36 : memref<2048xf32, #tpu.memory_space<vmem>>) offsets(%arg24 : memref<2048xi32, #tpu.memory_space<vmem>>) semaphore(%arg44 : memref<!tpu.dma_semaphore, #tpu.memory_space<semaphore_mem>>)
      %dma_start3A_126 = arith.constant 0 : i32
      %dma_start3A_127 = tpu.memref_slice %arg18[%dma_start3A_126] : memref<100352xf32, #tpu.memory_space<vmem_shared>> -> memref<100352xf32, #tpu.memory_space<vmem_shared>>
      tpu.enqueue_indirect_dma source(%dma_start3A_127 : memref<100352xf32, #tpu.memory_space<vmem_shared>>) target(%arg37 : memref<2048xf32, #tpu.memory_space<vmem>>) offsets(%arg24 : memref<2048xi32, #tpu.memory_space<vmem>>) semaphore(%arg44 : memref<!tpu.dma_semaphore, #tpu.memory_space<semaphore_mem>>)
      %dma_start3A_128 = arith.constant 0 : i32
      %dma_start3A_129 = tpu.memref_slice %arg18[%dma_start3A_128] : memref<100352xf32, #tpu.memory_space<vmem_shared>> -> memref<100352xf32, #tpu.memory_space<vmem_shared>>
      tpu.enqueue_indirect_dma source(%dma_start3A_129 : memref<100352xf32, #tpu.memory_space<vmem_shared>>) target(%arg38 : memref<2048xf32, #tpu.memory_space<vmem>>) offsets(%arg25 : memref<2048xi32, #tpu.memory_space<vmem>>) semaphore(%arg44 : memref<!tpu.dma_semaphore, #tpu.memory_space<semaphore_mem>>)
      %dma_wait3A_130 = arith.constant 0 : i32
      %dma_wait3A_131 = tpu.memref_slice %arg15[%dma_wait3A_130] : memref<100352xf32, #tpu.memory_space<vmem_shared>> -> memref<100352xf32, #tpu.memory_space<vmem_shared>>
      tpu.wait_indirect_dma semaphore(%arg43 : memref<!tpu.dma_semaphore, #tpu.memory_space<semaphore_mem>>) src(%dma_wait3A_131 : memref<100352xf32, #tpu.memory_space<vmem_shared>>) dst(%arg29 : memref<2048xf32, #tpu.memory_space<vmem>>)
      %dma_wait3A_132 = arith.constant 0 : i32
      %dma_wait3A_133 = tpu.memref_slice %arg16[%dma_wait3A_132] : memref<100352xf32, #tpu.memory_space<vmem_shared>> -> memref<100352xf32, #tpu.memory_space<vmem_shared>>
      tpu.wait_indirect_dma semaphore(%arg43 : memref<!tpu.dma_semaphore, #tpu.memory_space<semaphore_mem>>) src(%dma_wait3A_133 : memref<100352xf32, #tpu.memory_space<vmem_shared>>) dst(%arg30 : memref<2048xf32, #tpu.memory_space<vmem>>)
      %dma_wait3A_134 = arith.constant 0 : i32
      %dma_wait3A_135 = tpu.memref_slice %arg17[%dma_wait3A_134] : memref<100352xf32, #tpu.memory_space<vmem_shared>> -> memref<100352xf32, #tpu.memory_space<vmem_shared>>
      tpu.wait_indirect_dma semaphore(%arg43 : memref<!tpu.dma_semaphore, #tpu.memory_space<semaphore_mem>>) src(%dma_wait3A_135 : memref<100352xf32, #tpu.memory_space<vmem_shared>>) dst(%arg31 : memref<2048xf32, #tpu.memory_space<vmem>>)
      %dma_wait3A_136 = arith.constant 0 : i32
      %dma_wait3A_137 = tpu.memref_slice %arg18[%dma_wait3A_136] : memref<100352xf32, #tpu.memory_space<vmem_shared>> -> memref<100352xf32, #tpu.memory_space<vmem_shared>>
      tpu.wait_indirect_dma semaphore(%arg43 : memref<!tpu.dma_semaphore, #tpu.memory_space<semaphore_mem>>) src(%dma_wait3A_137 : memref<100352xf32, #tpu.memory_space<vmem_shared>>) dst(%arg32 : memref<2048xf32, #tpu.memory_space<vmem>>)
      %dma_wait3A_138 = arith.constant 0 : i32
      %dma_wait3A_139 = tpu.memref_slice %arg18[%dma_wait3A_138] : memref<100352xf32, #tpu.memory_space<vmem_shared>> -> memref<100352xf32, #tpu.memory_space<vmem_shared>>
      tpu.wait_indirect_dma semaphore(%arg43 : memref<!tpu.dma_semaphore, #tpu.memory_space<semaphore_mem>>) src(%dma_wait3A_139 : memref<100352xf32, #tpu.memory_space<vmem_shared>>) dst(%arg33 : memref<2048xf32, #tpu.memory_space<vmem>>)
      %scan3A = arith.constant 0 : i32
      %scan3A_140 = arith.constant 128 : i32
      %scan3A_141 = arith.addi %scan3A, %scan3A_140 : i32
      %scan3A_142 = arith.constant 1 : i32
      scf.for %scan3A_216 = %scan3A to %scan3A_141 step %scan3A_142  : i32 {
        %mul3A_217 = arith.constant 1 : i32
        %mul3A_218 = arith.muli %scan3A_216, %mul3A_217 : i32
        %add3A_219 = arith.constant 0 : i32
        %add3A_220 = arith.addi %add3A_219, %mul3A_218 : i32
        %mul3A_221 = arith.constant 16 : i32
        %mul3A_222 = arith.muli %add3A_220, %mul3A_221 : i32
        %get3A = arith.index_cast %mul3A_222 : i32 to index
        %get3A_223 = tpu.vector_load %arg21[%get3A] {strides = array<i32>} : memref<2048xf32, #tpu.memory_space<vmem>>, vector<16xf32>,
        %get3A_224 = vector.shape_cast %get3A_223 : vector<16xf32> to vector<16xf32>
        %get3A_225 = arith.index_cast %mul3A_222 : i32 to index
        %get3A_226 = tpu.vector_load %arg22[%get3A_225] {strides = array<i32>} : memref<2048xf32, #tpu.memory_space<vmem>>, vector<16xf32>,
        %get3A_227 = vector.shape_cast %get3A_226 : vector<16xf32> to vector<16xf32>
        %get3A_228 = arith.index_cast %mul3A_222 : i32 to index
        %get3A_229 = tpu.vector_load %arg23[%get3A_228] {strides = array<i32>} : memref<2048xf32, #tpu.memory_space<vmem>>, vector<16xf32>,
        %get3A_230 = vector.shape_cast %get3A_229 : vector<16xf32> to vector<16xf32>
        %jit3A_231 = arith.constant 0.000000e+00 : f32
        %jit3A_232 = arith.constant 1.000000e+00 : f32
        %max3A = vector.broadcast %jit3A_231 : f32 to vector<16xf32>
        %max3A_233 = arith.maximumf %max3A, %get3A_230 : vector<16xf32>
        %min3A = vector.broadcast %jit3A_232 : f32 to vector<16xf32>
        %min3A_234 = arith.minimumf %min3A, %max3A_233 : vector<16xf32>
        %sub3A_235 = arith.constant 1.000000e+00 : f32
        %sub3A_236 = vector.broadcast %sub3A_235 : f32 to vector<16xf32>
        %sub3A_237 = arith.subf %sub3A_236, %min3A_234 : vector<16xf32>
        %mul3A_238 = arith.constant -356507.063 : f32
        %mul3A_239 = vector.broadcast %mul3A_238 : f32 to vector<16xf32>
        %mul3A_240 = arith.mulf %mul3A_239, %min3A_234 : vector<16xf32>
        %mul3A_241 = arith.mulf %mul3A_240, %sub3A_237 : vector<16xf32>
        %mul3A_242 = arith.mulf %mul3A_241, %sub3A_237 : vector<16xf32>
        %mul3A_243 = arith.mulf %mul3A_242, %sub3A_237 : vector<16xf32>
        %mul3A_244 = arith.mulf %mul3A_243, %get3A_224 : vector<16xf32>
        %mul3A_245 = arith.mulf %mul3A_243, %get3A_227 : vector<16xf32>
        %get3A_246 = arith.index_cast %mul3A_222 : i32 to index
        %get3A_247 = tpu.vector_load %arg30[%get3A_246] {strides = array<i32>} : memref<2048xf32, #tpu.memory_space<vmem>>, vector<16xf32>,
        %get3A_248 = vector.shape_cast %get3A_247 : vector<16xf32> to vector<16xf32>
        %get3A_249 = arith.index_cast %mul3A_222 : i32 to index
        %get3A_250 = tpu.vector_load %arg29[%get3A_249] {strides = array<i32>} : memref<2048xf32, #tpu.memory_space<vmem>>, vector<16xf32>,
        %get3A_251 = vector.shape_cast %get3A_250 : vector<16xf32> to vector<16xf32>
        %mul3A_252 = arith.mulf %get3A_251, %mul3A_244 : vector<16xf32>
        %mul3A_253 = arith.mulf %get3A_248, %mul3A_245 : vector<16xf32>
        %add3A_254 = arith.addf %mul3A_252, %mul3A_253 : vector<16xf32>
        %mul3A_255 = arith.mulf %get3A_248, %mul3A_244 : vector<16xf32>
        %get3A_256 = arith.index_cast %mul3A_222 : i32 to index
        %get3A_257 = tpu.vector_load %arg31[%get3A_256] {strides = array<i32>} : memref<2048xf32, #tpu.memory_space<vmem>>, vector<16xf32>,
        %get3A_258 = vector.shape_cast %get3A_257 : vector<16xf32> to vector<16xf32>
        %mul3A_259 = arith.mulf %get3A_258, %mul3A_245 : vector<16xf32>
        %add3A_260 = arith.addf %mul3A_255, %mul3A_259 : vector<16xf32>
        %abs3A = math.absf %mul3A_244 : vector<16xf32>
        %abs3A_261 = math.absf %mul3A_245 : vector<16xf32>
        %add3A_262 = arith.addf %abs3A, %abs3A_261 : vector<16xf32>
        %abs3A_263 = math.absf %add3A_254 : vector<16xf32>
        %abs3A_264 = math.absf %add3A_260 : vector<16xf32>
        %add3A_265 = arith.addf %abs3A_263, %abs3A_264 : vector<16xf32>
        %sub3A_266 = arith.subf %add3A_265, %add3A_262 : vector<16xf32>
        %abs3A_267 = math.absf %sub3A_266 : vector<16xf32>
        %add3A_268 = arith.constant 5.000000e-06 : f32
        %add3A_269 = vector.broadcast %add3A_268 : f32 to vector<16xf32>
        %add3A_270 = arith.addf %add3A_262, %add3A_269 : vector<16xf32>
        %div3A_271 = arith.divf %abs3A_267, %add3A_270 : vector<16xf32>
        %lt3A = arith.constant 1.000000e-01 : f32
        %lt3A_272 = vector.broadcast %lt3A : f32 to vector<16xf32>
        %lt3A_273 = arith.cmpf olt, %div3A_271, %lt3A_272 : vector<16xf32>
        %select_n3A_274 = arith.select %lt3A_273, %add3A_254, %mul3A_244 : vector<16xi1>, vector<16xf32>
        %select_n3A_275 = arith.select %lt3A_273, %add3A_260, %mul3A_245 : vector<16xi1>, vector<16xf32>
        %get3A_276 = arith.index_cast %mul3A_222 : i32 to index
        %get3A_277 = tpu.vector_load %arg33[%get3A_276] {strides = array<i32>} : memref<2048xf32, #tpu.memory_space<vmem>>, vector<16xf32>,
        %get3A_278 = vector.shape_cast %get3A_277 : vector<16xf32> to vector<16xf32>
        %bitcast_convert_type3A = tpu.bitcast %get3A_278 : vector<16xf32> -> vector<16xi32>
        %and3A_279 = arith.constant -65536 : i32
        %and3A_280 = vector.broadcast %and3A_279 : i32 to vector<16xi32>
        %and3A_281 = arith.andi %bitcast_convert_type3A, %and3A_280 : vector<16xi32>
        %bitcast_convert_type3A_282 = tpu.bitcast %and3A_281 : vector<16xi32> -> vector<16xf32>
        %get3A_283 = arith.index_cast %mul3A_222 : i32 to index
        %get3A_284 = tpu.vector_load %arg32[%get3A_283] {strides = array<i32>} : memref<2048xf32, #tpu.memory_space<vmem>>, vector<16xf32>,
        %get3A_285 = vector.shape_cast %get3A_284 : vector<16xf32> to vector<16xf32>
        %bitcast_convert_type3A_286 = tpu.bitcast %get3A_285 : vector<16xf32> -> vector<16xi32>
        %and3A_287 = arith.constant -65536 : i32
        %and3A_288 = vector.broadcast %and3A_287 : i32 to vector<16xi32>
        %and3A_289 = arith.andi %bitcast_convert_type3A_286, %and3A_288 : vector<16xi32>
        %bitcast_convert_type3A_290 = tpu.bitcast %and3A_289 : vector<16xi32> -> vector<16xf32>
        %sub3A_291 = arith.subf %bitcast_convert_type3A_282, %bitcast_convert_type3A_290 : vector<16xf32>
        %get3A_292 = arith.index_cast %mul3A_222 : i32 to index
        %get3A_293 = tpu.vector_load %arg33[%get3A_292] {strides = array<i32>} : memref<2048xf32, #tpu.memory_space<vmem>>, vector<16xf32>,
        %get3A_294 = vector.shape_cast %get3A_293 : vector<16xf32> to vector<16xf32>
        %bitcast_convert_type3A_295 = tpu.bitcast %get3A_294 : vector<16xf32> -> vector<16xi32>
        %shift_left3A = arith.constant 16 : i32
        %shift_left3A_296 = vector.broadcast %shift_left3A : i32 to vector<16xi32>
        %shift_left3A_297 = arith.shli %bitcast_convert_type3A_295, %shift_left3A_296 : vector<16xi32>
        %bitcast_convert_type3A_298 = tpu.bitcast %shift_left3A_297 : vector<16xi32> -> vector<16xf32>
        %mul3A_299 = arith.mulf %sub3A_291, %bitcast_convert_type3A_298 : vector<16xf32>
        %mul3A_300 = arith.constant 2.000000e+00 : f32
        %mul3A_301 = vector.broadcast %mul3A_300 : f32 to vector<16xf32>
        %mul3A_302 = arith.mulf %mul3A_299, %mul3A_301 : vector<16xf32>
        %mul3A_303 = arith.mulf %mul3A_302, %select_n3A_274 : vector<16xf32>
        %swap3A = arith.index_cast %mul3A_222 : i32 to index
        %swap3A_304 = tpu.vector_load %arg39[%swap3A] {strides = array<i32>} : memref<2048xf32, #tpu.memory_space<vmem>>, vector<16xf32>,
        %swap3A_305 = vector.shape_cast %swap3A_304 : vector<16xf32> to vector<16xf32>
        %swap3A_306 = vector.shape_cast %mul3A_303 : vector<16xf32> to vector<16xf32>
        tpu.vector_store %arg39[%swap3A], %swap3A_306 {strides = array<i32>} : memref<2048xf32, #tpu.memory_space<vmem>>, vector<16xf32>,
        %mul3A_307 = arith.mulf %mul3A_302, %select_n3A_275 : vector<16xf32>
        %swap3A_308 = arith.index_cast %mul3A_222 : i32 to index
        %swap3A_309 = tpu.vector_load %arg40[%swap3A_308] {strides = array<i32>} : memref<2048xf32, #tpu.memory_space<vmem>>, vector<16xf32>,
        %swap3A_310 = vector.shape_cast %swap3A_309 : vector<16xf32> to vector<16xf32>
        %swap3A_311 = vector.shape_cast %mul3A_307 : vector<16xf32> to vector<16xf32>
        tpu.vector_store %arg40[%swap3A_308], %swap3A_311 {strides = array<i32>} : memref<2048xf32, #tpu.memory_space<vmem>>, vector<16xf32>,
      }
      %scan3A_143 = arith.constant 128 : i32
      %dma_start3A_144 = arith.constant 0 : i32
      %dma_start3A_145 = tpu.memref_slice %arg13[%dma_start3A_144] : memref<100352xf32, #tpu.memory_space<vmem_shared>> -> memref<100352xf32, #tpu.memory_space<vmem_shared>>
      tpu.enqueue_indirect_dma source(%arg39 : memref<2048xf32, #tpu.memory_space<vmem>>) target(%dma_start3A_145 : memref<100352xf32, #tpu.memory_space<vmem_shared>>) offsets(%arg19 : memref<2048xi32, #tpu.memory_space<vmem>>) semaphore(%arg45 : memref<!tpu.dma_semaphore, #tpu.memory_space<semaphore_mem>>) {add = true}
      %dma_start3A_146 = arith.constant 0 : i32
      %dma_start3A_147 = tpu.memref_slice %arg14[%dma_start3A_146] : memref<100352xf32, #tpu.memory_space<vmem_shared>> -> memref<100352xf32, #tpu.memory_space<vmem_shared>>
      tpu.enqueue_indirect_dma source(%arg40 : memref<2048xf32, #tpu.memory_space<vmem>>) target(%dma_start3A_147 : memref<100352xf32, #tpu.memory_space<vmem_shared>>) offsets(%arg19 : memref<2048xi32, #tpu.memory_space<vmem>>) semaphore(%arg45 : memref<!tpu.dma_semaphore, #tpu.memory_space<semaphore_mem>>) {add = true}
      %dma_wait3A_148 = arith.constant 0 : i32
      %dma_wait3A_149 = tpu.memref_slice %arg13[%dma_wait3A_148] : memref<100352xf32, #tpu.memory_space<vmem_shared>> -> memref<100352xf32, #tpu.memory_space<vmem_shared>>
      tpu.wait_indirect_dma semaphore(%arg45 : memref<!tpu.dma_semaphore, #tpu.memory_space<semaphore_mem>>) src(%arg39 : memref<2048xf32, #tpu.memory_space<vmem>>) dst(%dma_wait3A_149 : memref<100352xf32, #tpu.memory_space<vmem_shared>>)
      %dma_wait3A_150 = arith.constant 0 : i32
      %dma_wait3A_151 = tpu.memref_slice %arg14[%dma_wait3A_150] : memref<100352xf32, #tpu.memory_space<vmem_shared>> -> memref<100352xf32, #tpu.memory_space<vmem_shared>>
      tpu.wait_indirect_dma semaphore(%arg45 : memref<!tpu.dma_semaphore, #tpu.memory_space<semaphore_mem>>) src(%arg40 : memref<2048xf32, #tpu.memory_space<vmem>>) dst(%dma_wait3A_151 : memref<100352xf32, #tpu.memory_space<vmem_shared>>)
      %mul3A_152 = arith.constant 2 : i32
      %mul3A_153 = arith.muli %mul3A_152, %add3A_90 : i32
      %add3A_154 = arith.constant 1 : i32
      %add3A_155 = arith.addi %mul3A_153, %add3A_154 : i32
      %add3A_156 = arith.constant 1 : i32
      %add3A_157 = arith.addi %add3A_155, %add3A_156 : i32
      %eq3A_158 = arith.cmpi eq, %add3A_157, %select_n3A : i32
      %mul3A_159 = arith.constant 2048 : i32
      %mul3A_160 = arith.muli %add3A_157, %mul3A_159 : i32
      %add3A_161 = arith.addi %add3A, %mul3A_160 : i32
      %select_n3A_162 = arith.select %eq3A_158, %add3A, %add3A_161 : i32
      %dma_start3A_163 = tpu.memref_slice %arg2[%select_n3A_162] : memref<3276800xi32, #tpu.memory_space<hbm>> -> memref<2048xi32, #tpu.memory_space<hbm>>
      %dma_start3A_164 = tpu.memref_slice %arg2[%select_n3A_162] : memref<3276800xi32, #tpu.memory_space<hbm>> -> memref<2048xi32, #tpu.memory_space<hbm>>
      tpu.enqueue_dma source(%dma_start3A_164 : memref<2048xi32, #tpu.memory_space<hbm>>) target(%arg19 : memref<2048xi32, #tpu.memory_space<vmem>>) target_semaphore(%arg42 : memref<!tpu.dma_semaphore, #tpu.memory_space<semaphore_mem>>)
      %dma_start3A_165 = tpu.memref_slice %arg3[%select_n3A_162] : memref<3276800xi32, #tpu.memory_space<hbm>> -> memref<2048xi32, #tpu.memory_space<hbm>>
      %dma_start3A_166 = tpu.memref_slice %arg3[%select_n3A_162] : memref<3276800xi32, #tpu.memory_space<hbm>> -> memref<2048xi32, #tpu.memory_space<hbm>>
      tpu.enqueue_dma source(%dma_start3A_166 : memref<2048xi32, #tpu.memory_space<hbm>>) target(%arg20 : memref<2048xi32, #tpu.memory_space<vmem>>) target_semaphore(%arg42 : memref<!tpu.dma_semaphore, #tpu.memory_space<semaphore_mem>>)
      %dma_start3A_167 = tpu.memref_slice %arg4[%select_n3A_162] : memref<3276800xf32, #tpu.memory_space<hbm>> -> memref<2048xf32, #tpu.memory_space<hbm>>
      %dma_start3A_168 = tpu.memref_slice %arg4[%select_n3A_162] : memref<3276800xf32, #tpu.memory_space<hbm>> -> memref<2048xf32, #tpu.memory_space<hbm>>
      tpu.enqueue_dma source(%dma_start3A_168 : memref<2048xf32, #tpu.memory_space<hbm>>) target(%arg21 : memref<2048xf32, #tpu.memory_space<vmem>>) target_semaphore(%arg42 : memref<!tpu.dma_semaphore, #tpu.memory_space<semaphore_mem>>)
      %dma_start3A_169 = tpu.memref_slice %arg5[%select_n3A_162] : memref<3276800xf32, #tpu.memory_space<hbm>> -> memref<2048xf32, #tpu.memory_space<hbm>>
      %dma_start3A_170 = tpu.memref_slice %arg5[%select_n3A_162] : memref<3276800xf32, #tpu.memory_space<hbm>> -> memref<2048xf32, #tpu.memory_space<hbm>>
      tpu.enqueue_dma source(%dma_start3A_170 : memref<2048xf32, #tpu.memory_space<hbm>>) target(%arg22 : memref<2048xf32, #tpu.memory_space<vmem>>) target_semaphore(%arg42 : memref<!tpu.dma_semaphore, #tpu.memory_space<semaphore_mem>>)
      %dma_start3A_171 = tpu.memref_slice %arg6[%select_n3A_162] : memref<3276800xf32, #tpu.memory_space<hbm>> -> memref<2048xf32, #tpu.memory_space<hbm>>
      %dma_start3A_172 = tpu.memref_slice %arg6[%select_n3A_162] : memref<3276800xf32, #tpu.memory_space<hbm>> -> memref<2048xf32, #tpu.memory_space<hbm>>
      tpu.enqueue_dma source(%dma_start3A_172 : memref<2048xf32, #tpu.memory_space<hbm>>) target(%arg23 : memref<2048xf32, #tpu.memory_space<vmem>>) target_semaphore(%arg42 : memref<!tpu.dma_semaphore, #tpu.memory_space<semaphore_mem>>)
      %dma_wait3A_173 = tpu.memref_slice %arg2[%select_n3A_162] : memref<3276800xi32, #tpu.memory_space<hbm>> -> memref<2048xi32, #tpu.memory_space<hbm>>
      %dma_wait3A_174 = tpu.memref_slice %arg2[%select_n3A_162] : memref<3276800xi32, #tpu.memory_space<hbm>> -> memref<2048xi32, #tpu.memory_space<hbm>>
      tpu.wait_dma2 semaphore(%arg42 : memref<!tpu.dma_semaphore, #tpu.memory_space<semaphore_mem>>) src(%dma_wait3A_174 : memref<2048xi32, #tpu.memory_space<hbm>>) dst(%arg19 : memref<2048xi32, #tpu.memory_space<vmem>>)
      %dma_wait3A_175 = tpu.memref_slice %arg3[%select_n3A_162] : memref<3276800xi32, #tpu.memory_space<hbm>> -> memref<2048xi32, #tpu.memory_space<hbm>>
      %dma_wait3A_176 = tpu.memref_slice %arg3[%select_n3A_162] : memref<3276800xi32, #tpu.memory_space<hbm>> -> memref<2048xi32, #tpu.memory_space<hbm>>
      tpu.wait_dma2 semaphore(%arg42 : memref<!tpu.dma_semaphore, #tpu.memory_space<semaphore_mem>>) src(%dma_wait3A_176 : memref<2048xi32, #tpu.memory_space<hbm>>) dst(%arg20 : memref<2048xi32, #tpu.memory_space<vmem>>)
      %dma_wait3A_177 = tpu.memref_slice %arg4[%select_n3A_162] : memref<3276800xf32, #tpu.memory_space<hbm>> -> memref<2048xf32, #tpu.memory_space<hbm>>
      %dma_wait3A_178 = tpu.memref_slice %arg4[%select_n3A_162] : memref<3276800xf32, #tpu.memory_space<hbm>> -> memref<2048xf32, #tpu.memory_space<hbm>>
      tpu.wait_dma2 semaphore(%arg42 : memref<!tpu.dma_semaphore, #tpu.memory_space<semaphore_mem>>) src(%dma_wait3A_178 : memref<2048xf32, #tpu.memory_space<hbm>>) dst(%arg21 : memref<2048xf32, #tpu.memory_space<vmem>>)
      %dma_wait3A_179 = tpu.memref_slice %arg5[%select_n3A_162] : memref<3276800xf32, #tpu.memory_space<hbm>> -> memref<2048xf32, #tpu.memory_space<hbm>>
      %dma_wait3A_180 = tpu.memref_slice %arg5[%select_n3A_162] : memref<3276800xf32, #tpu.memory_space<hbm>> -> memref<2048xf32, #tpu.memory_space<hbm>>
      tpu.wait_dma2 semaphore(%arg42 : memref<!tpu.dma_semaphore, #tpu.memory_space<semaphore_mem>>) src(%dma_wait3A_180 : memref<2048xf32, #tpu.memory_space<hbm>>) dst(%arg22 : memref<2048xf32, #tpu.memory_space<vmem>>)
      %dma_wait3A_181 = tpu.memref_slice %arg6[%select_n3A_162] : memref<3276800xf32, #tpu.memory_space<hbm>> -> memref<2048xf32, #tpu.memory_space<hbm>>
      %dma_wait3A_182 = tpu.memref_slice %arg6[%select_n3A_162] : memref<3276800xf32, #tpu.memory_space<hbm>> -> memref<2048xf32, #tpu.memory_space<hbm>>
      tpu.wait_dma2 semaphore(%arg42 : memref<!tpu.dma_semaphore, #tpu.memory_space<semaphore_mem>>) src(%dma_wait3A_182 : memref<2048xf32, #tpu.memory_space<hbm>>) dst(%arg23 : memref<2048xf32, #tpu.memory_space<vmem>>)
      %dma_start3A_183 = arith.constant 0 : i32
      %dma_start3A_184 = tpu.memref_slice %arg15[%dma_start3A_183] : memref<100352xf32, #tpu.memory_space<vmem_shared>> -> memref<100352xf32, #tpu.memory_space<vmem_shared>>
      tpu.enqueue_indirect_dma source(%dma_start3A_184 : memref<100352xf32, #tpu.memory_space<vmem_shared>>) target(%arg29 : memref<2048xf32, #tpu.memory_space<vmem>>) offsets(%arg19 : memref<2048xi32, #tpu.memory_space<vmem>>) semaphore(%arg43 : memref<!tpu.dma_semaphore, #tpu.memory_space<semaphore_mem>>)
      %dma_start3A_185 = arith.constant 0 : i32
      %dma_start3A_186 = tpu.memref_slice %arg16[%dma_start3A_185] : memref<100352xf32, #tpu.memory_space<vmem_shared>> -> memref<100352xf32, #tpu.memory_space<vmem_shared>>
      tpu.enqueue_indirect_dma source(%dma_start3A_186 : memref<100352xf32, #tpu.memory_space<vmem_shared>>) target(%arg30 : memref<2048xf32, #tpu.memory_space<vmem>>) offsets(%arg19 : memref<2048xi32, #tpu.memory_space<vmem>>) semaphore(%arg43 : memref<!tpu.dma_semaphore, #tpu.memory_space<semaphore_mem>>)
      %dma_start3A_187 = arith.constant 0 : i32
      %dma_start3A_188 = tpu.memref_slice %arg17[%dma_start3A_187] : memref<100352xf32, #tpu.memory_space<vmem_shared>> -> memref<100352xf32, #tpu.memory_space<vmem_shared>>
      tpu.enqueue_indirect_dma source(%dma_start3A_188 : memref<100352xf32, #tpu.memory_space<vmem_shared>>) target(%arg31 : memref<2048xf32, #tpu.memory_space<vmem>>) offsets(%arg19 : memref<2048xi32, #tpu.memory_space<vmem>>) semaphore(%arg43 : memref<!tpu.dma_semaphore, #tpu.memory_space<semaphore_mem>>)
      %dma_start3A_189 = arith.constant 0 : i32
      %dma_start3A_190 = tpu.memref_slice %arg18[%dma_start3A_189] : memref<100352xf32, #tpu.memory_space<vmem_shared>> -> memref<100352xf32, #tpu.memory_space<vmem_shared>>
      tpu.enqueue_indirect_dma source(%dma_start3A_190 : memref<100352xf32, #tpu.memory_space<vmem_shared>>) target(%arg32 : memref<2048xf32, #tpu.memory_space<vmem>>) offsets(%arg19 : memref<2048xi32, #tpu.memory_space<vmem>>) semaphore(%arg43 : memref<!tpu.dma_semaphore, #tpu.memory_space<semaphore_mem>>)
      %dma_start3A_191 = arith.constant 0 : i32
      %dma_start3A_192 = tpu.memref_slice %arg18[%dma_start3A_191] : memref<100352xf32, #tpu.memory_space<vmem_shared>> -> memref<100352xf32, #tpu.memory_space<vmem_shared>>
      tpu.enqueue_indirect_dma source(%dma_start3A_192 : memref<100352xf32, #tpu.memory_space<vmem_shared>>) target(%arg33 : memref<2048xf32, #tpu.memory_space<vmem>>) offsets(%arg20 : memref<2048xi32, #tpu.memory_space<vmem>>) semaphore(%arg43 : memref<!tpu.dma_semaphore, #tpu.memory_space<semaphore_mem>>)
      %dma_wait3A_193 = arith.constant 0 : i32
      %dma_wait3A_194 = tpu.memref_slice %arg15[%dma_wait3A_193] : memref<100352xf32, #tpu.memory_space<vmem_shared>> -> memref<100352xf32, #tpu.memory_space<vmem_shared>>
      tpu.wait_indirect_dma semaphore(%arg44 : memref<!tpu.dma_semaphore, #tpu.memory_space<semaphore_mem>>) src(%dma_wait3A_194 : memref<100352xf32, #tpu.memory_space<vmem_shared>>) dst(%arg34 : memref<2048xf32, #tpu.memory_space<vmem>>)
      %dma_wait3A_195 = arith.constant 0 : i32
      %dma_wait3A_196 = tpu.memref_slice %arg16[%dma_wait3A_195] : memref<100352xf32, #tpu.memory_space<vmem_shared>> -> memref<100352xf32, #tpu.memory_space<vmem_shared>>
      tpu.wait_indirect_dma semaphore(%arg44 : memref<!tpu.dma_semaphore, #tpu.memory_space<semaphore_mem>>) src(%dma_wait3A_196 : memref<100352xf32, #tpu.memory_space<vmem_shared>>) dst(%arg35 : memref<2048xf32, #tpu.memory_space<vmem>>)
      %dma_wait3A_197 = arith.constant 0 : i32
      %dma_wait3A_198 = tpu.memref_slice %arg17[%dma_wait3A_197] : memref<100352xf32, #tpu.memory_space<vmem_shared>> -> memref<100352xf32, #tpu.memory_space<vmem_shared>>
      tpu.wait_indirect_dma semaphore(%arg44 : memref<!tpu.dma_semaphore, #tpu.memory_space<semaphore_mem>>) src(%dma_wait3A_198 : memref<100352xf32, #tpu.memory_space<vmem_shared>>) dst(%arg36 : memref<2048xf32, #tpu.memory_space<vmem>>)
      %dma_wait3A_199 = arith.constant 0 : i32
      %dma_wait3A_200 = tpu.memref_slice %arg18[%dma_wait3A_199] : memref<100352xf32, #tpu.memory_space<vmem_shared>> -> memref<100352xf32, #tpu.memory_space<vmem_shared>>
      tpu.wait_indirect_dma semaphore(%arg44 : memref<!tpu.dma_semaphore, #tpu.memory_space<semaphore_mem>>) src(%dma_wait3A_200 : memref<100352xf32, #tpu.memory_space<vmem_shared>>) dst(%arg37 : memref<2048xf32, #tpu.memory_space<vmem>>)
      %dma_wait3A_201 = arith.constant 0 : i32
      %dma_wait3A_202 = tpu.memref_slice %arg18[%dma_wait3A_201] : memref<100352xf32, #tpu.memory_space<vmem_shared>> -> memref<100352xf32, #tpu.memory_space<vmem_shared>>
      tpu.wait_indirect_dma semaphore(%arg44 : memref<!tpu.dma_semaphore, #tpu.memory_space<semaphore_mem>>) src(%dma_wait3A_202 : memref<100352xf32, #tpu.memory_space<vmem_shared>>) dst(%arg38 : memref<2048xf32, #tpu.memory_space<vmem>>)
      %scan3A_203 = arith.constant 0 : i32
      %scan3A_204 = arith.constant 128 : i32
      %scan3A_205 = arith.addi %scan3A_203, %scan3A_204 : i32
      %scan3A_206 = arith.constant 1 : i32
      scf.for %scan3A_216 = %scan3A_203 to %scan3A_205 step %scan3A_206  : i32 {
        %mul3A_217 = arith.constant 1 : i32
        %mul3A_218 = arith.muli %scan3A_216, %mul3A_217 : i32
        %add3A_219 = arith.constant 0 : i32
        %add3A_220 = arith.addi %add3A_219, %mul3A_218 : i32
        %mul3A_221 = arith.constant 16 : i32
        %mul3A_222 = arith.muli %add3A_220, %mul3A_221 : i32
        %get3A = arith.index_cast %mul3A_222 : i32 to index
        %get3A_223 = tpu.vector_load %arg26[%get3A] {strides = array<i32>} : memref<2048xf32, #tpu.memory_space<vmem>>, vector<16xf32>,
        %get3A_224 = vector.shape_cast %get3A_223 : vector<16xf32> to vector<16xf32>
        %get3A_225 = arith.index_cast %mul3A_222 : i32 to index
        %get3A_226 = tpu.vector_load %arg27[%get3A_225] {strides = array<i32>} : memref<2048xf32, #tpu.memory_space<vmem>>, vector<16xf32>,
        %get3A_227 = vector.shape_cast %get3A_226 : vector<16xf32> to vector<16xf32>
        %get3A_228 = arith.index_cast %mul3A_222 : i32 to index
        %get3A_229 = tpu.vector_load %arg28[%get3A_228] {strides = array<i32>} : memref<2048xf32, #tpu.memory_space<vmem>>, vector<16xf32>,
        %get3A_230 = vector.shape_cast %get3A_229 : vector<16xf32> to vector<16xf32>
        %jit3A_231 = arith.constant 0.000000e+00 : f32
        %jit3A_232 = arith.constant 1.000000e+00 : f32
        %max3A = vector.broadcast %jit3A_231 : f32 to vector<16xf32>
        %max3A_233 = arith.maximumf %max3A, %get3A_230 : vector<16xf32>
        %min3A = vector.broadcast %jit3A_232 : f32 to vector<16xf32>
        %min3A_234 = arith.minimumf %min3A, %max3A_233 : vector<16xf32>
        %sub3A_235 = arith.constant 1.000000e+00 : f32
        %sub3A_236 = vector.broadcast %sub3A_235 : f32 to vector<16xf32>
        %sub3A_237 = arith.subf %sub3A_236, %min3A_234 : vector<16xf32>
        %mul3A_238 = arith.constant -356507.063 : f32
        %mul3A_239 = vector.broadcast %mul3A_238 : f32 to vector<16xf32>
        %mul3A_240 = arith.mulf %mul3A_239, %min3A_234 : vector<16xf32>
        %mul3A_241 = arith.mulf %mul3A_240, %sub3A_237 : vector<16xf32>
        %mul3A_242 = arith.mulf %mul3A_241, %sub3A_237 : vector<16xf32>
        %mul3A_243 = arith.mulf %mul3A_242, %sub3A_237 : vector<16xf32>
        %mul3A_244 = arith.mulf %mul3A_243, %get3A_224 : vector<16xf32>
        %mul3A_245 = arith.mulf %mul3A_243, %get3A_227 : vector<16xf32>
        %get3A_246 = arith.index_cast %mul3A_222 : i32 to index
        %get3A_247 = tpu.vector_load %arg35[%get3A_246] {strides = array<i32>} : memref<2048xf32, #tpu.memory_space<vmem>>, vector<16xf32>,
        %get3A_248 = vector.shape_cast %get3A_247 : vector<16xf32> to vector<16xf32>
        %get3A_249 = arith.index_cast %mul3A_222 : i32 to index
        %get3A_250 = tpu.vector_load %arg34[%get3A_249] {strides = array<i32>} : memref<2048xf32, #tpu.memory_space<vmem>>, vector<16xf32>,
        %get3A_251 = vector.shape_cast %get3A_250 : vector<16xf32> to vector<16xf32>
        %mul3A_252 = arith.mulf %get3A_251, %mul3A_244 : vector<16xf32>
        %mul3A_253 = arith.mulf %get3A_248, %mul3A_245 : vector<16xf32>
        %add3A_254 = arith.addf %mul3A_252, %mul3A_253 : vector<16xf32>
        %mul3A_255 = arith.mulf %get3A_248, %mul3A_244 : vector<16xf32>
        %get3A_256 = arith.index_cast %mul3A_222 : i32 to index
        %get3A_257 = tpu.vector_load %arg36[%get3A_256] {strides = array<i32>} : memref<2048xf32, #tpu.memory_space<vmem>>, vector<16xf32>,
        %get3A_258 = vector.shape_cast %get3A_257 : vector<16xf32> to vector<16xf32>
        %mul3A_259 = arith.mulf %get3A_258, %mul3A_245 : vector<16xf32>
        %add3A_260 = arith.addf %mul3A_255, %mul3A_259 : vector<16xf32>
        %abs3A = math.absf %mul3A_244 : vector<16xf32>
        %abs3A_261 = math.absf %mul3A_245 : vector<16xf32>
        %add3A_262 = arith.addf %abs3A, %abs3A_261 : vector<16xf32>
        %abs3A_263 = math.absf %add3A_254 : vector<16xf32>
        %abs3A_264 = math.absf %add3A_260 : vector<16xf32>
        %add3A_265 = arith.addf %abs3A_263, %abs3A_264 : vector<16xf32>
        %sub3A_266 = arith.subf %add3A_265, %add3A_262 : vector<16xf32>
        %abs3A_267 = math.absf %sub3A_266 : vector<16xf32>
        %add3A_268 = arith.constant 5.000000e-06 : f32
        %add3A_269 = vector.broadcast %add3A_268 : f32 to vector<16xf32>
        %add3A_270 = arith.addf %add3A_262, %add3A_269 : vector<16xf32>
        %div3A_271 = arith.divf %abs3A_267, %add3A_270 : vector<16xf32>
        %lt3A = arith.constant 1.000000e-01 : f32
        %lt3A_272 = vector.broadcast %lt3A : f32 to vector<16xf32>
        %lt3A_273 = arith.cmpf olt, %div3A_271, %lt3A_272 : vector<16xf32>
        %select_n3A_274 = arith.select %lt3A_273, %add3A_254, %mul3A_244 : vector<16xi1>, vector<16xf32>
        %select_n3A_275 = arith.select %lt3A_273, %add3A_260, %mul3A_245 : vector<16xi1>, vector<16xf32>
        %get3A_276 = arith.index_cast %mul3A_222 : i32 to index
        %get3A_277 = tpu.vector_load %arg38[%get3A_276] {strides = array<i32>} : memref<2048xf32, #tpu.memory_space<vmem>>, vector<16xf32>,
        %get3A_278 = vector.shape_cast %get3A_277 : vector<16xf32> to vector<16xf32>
        %bitcast_convert_type3A = tpu.bitcast %get3A_278 : vector<16xf32> -> vector<16xi32>
        %and3A_279 = arith.constant -65536 : i32
        %and3A_280 = vector.broadcast %and3A_279 : i32 to vector<16xi32>
        %and3A_281 = arith.andi %bitcast_convert_type3A, %and3A_280 : vector<16xi32>
        %bitcast_convert_type3A_282 = tpu.bitcast %and3A_281 : vector<16xi32> -> vector<16xf32>
        %get3A_283 = arith.index_cast %mul3A_222 : i32 to index
        %get3A_284 = tpu.vector_load %arg37[%get3A_283] {strides = array<i32>} : memref<2048xf32, #tpu.memory_space<vmem>>, vector<16xf32>,
        %get3A_285 = vector.shape_cast %get3A_284 : vector<16xf32> to vector<16xf32>
        %bitcast_convert_type3A_286 = tpu.bitcast %get3A_285 : vector<16xf32> -> vector<16xi32>
        %and3A_287 = arith.constant -65536 : i32
        %and3A_288 = vector.broadcast %and3A_287 : i32 to vector<16xi32>
        %and3A_289 = arith.andi %bitcast_convert_type3A_286, %and3A_288 : vector<16xi32>
        %bitcast_convert_type3A_290 = tpu.bitcast %and3A_289 : vector<16xi32> -> vector<16xf32>
        %sub3A_291 = arith.subf %bitcast_convert_type3A_282, %bitcast_convert_type3A_290 : vector<16xf32>
        %get3A_292 = arith.index_cast %mul3A_222 : i32 to index
        %get3A_293 = tpu.vector_load %arg38[%get3A_292] {strides = array<i32>} : memref<2048xf32, #tpu.memory_space<vmem>>, vector<16xf32>,
        %get3A_294 = vector.shape_cast %get3A_293 : vector<16xf32> to vector<16xf32>
        %bitcast_convert_type3A_295 = tpu.bitcast %get3A_294 : vector<16xf32> -> vector<16xi32>
        %shift_left3A = arith.constant 16 : i32
        %shift_left3A_296 = vector.broadcast %shift_left3A : i32 to vector<16xi32>
        %shift_left3A_297 = arith.shli %bitcast_convert_type3A_295, %shift_left3A_296 : vector<16xi32>
        %bitcast_convert_type3A_298 = tpu.bitcast %shift_left3A_297 : vector<16xi32> -> vector<16xf32>
        %mul3A_299 = arith.mulf %sub3A_291, %bitcast_convert_type3A_298 : vector<16xf32>
        %mul3A_300 = arith.constant 2.000000e+00 : f32
        %mul3A_301 = vector.broadcast %mul3A_300 : f32 to vector<16xf32>
        %mul3A_302 = arith.mulf %mul3A_299, %mul3A_301 : vector<16xf32>
        %mul3A_303 = arith.mulf %mul3A_302, %select_n3A_274 : vector<16xf32>
        %swap3A = arith.index_cast %mul3A_222 : i32 to index
        %swap3A_304 = tpu.vector_load %arg39[%swap3A] {strides = array<i32>} : memref<2048xf32, #tpu.memory_space<vmem>>, vector<16xf32>,
        %swap3A_305 = vector.shape_cast %swap3A_304 : vector<16xf32> to vector<16xf32>
        %swap3A_306 = vector.shape_cast %mul3A_303 : vector<16xf32> to vector<16xf32>
        tpu.vector_store %arg39[%swap3A], %swap3A_306 {strides = array<i32>} : memref<2048xf32, #tpu.memory_space<vmem>>, vector<16xf32>,
        %mul3A_307 = arith.mulf %mul3A_302, %select_n3A_275 : vector<16xf32>
        %swap3A_308 = arith.index_cast %mul3A_222 : i32 to index
        %swap3A_309 = tpu.vector_load %arg40[%swap3A_308] {strides = array<i32>} : memref<2048xf32, #tpu.memory_space<vmem>>, vector<16xf32>,
        %swap3A_310 = vector.shape_cast %swap3A_309 : vector<16xf32> to vector<16xf32>
        %swap3A_311 = vector.shape_cast %mul3A_307 : vector<16xf32> to vector<16xf32>
        tpu.vector_store %arg40[%swap3A_308], %swap3A_311 {strides = array<i32>} : memref<2048xf32, #tpu.memory_space<vmem>>, vector<16xf32>,
      }
      %scan3A_207 = arith.constant 128 : i32
      %dma_start3A_208 = arith.constant 0 : i32
      %dma_start3A_209 = tpu.memref_slice %arg13[%dma_start3A_208] : memref<100352xf32, #tpu.memory_space<vmem_shared>> -> memref<100352xf32, #tpu.memory_space<vmem_shared>>
      tpu.enqueue_indirect_dma source(%arg39 : memref<2048xf32, #tpu.memory_space<vmem>>) target(%dma_start3A_209 : memref<100352xf32, #tpu.memory_space<vmem_shared>>) offsets(%arg24 : memref<2048xi32, #tpu.memory_space<vmem>>) semaphore(%arg45 : memref<!tpu.dma_semaphore, #tpu.memory_space<semaphore_mem>>) {add = true}
      %dma_start3A_210 = arith.constant 0 : i32
      %dma_start3A_211 = tpu.memref_slice %arg14[%dma_start3A_210] : memref<100352xf32, #tpu.memory_space<vmem_shared>> -> memref<100352xf32, #tpu.memory_space<vmem_shared>>
      tpu.enqueue_indirect_dma source(%arg40 : memref<2048xf32, #tpu.memory_space<vmem>>) target(%dma_start3A_211 : memref<100352xf32, #tpu.memory_space<vmem_shared>>) offsets(%arg24 : memref<2048xi32, #tpu.memory_space<vmem>>) semaphore(%arg45 : memref<!tpu.dma_semaphore, #tpu.memory_space<semaphore_mem>>) {add = true}
      %dma_wait3A_212 = arith.constant 0 : i32
      %dma_wait3A_213 = tpu.memref_slice %arg13[%dma_wait3A_212] : memref<100352xf32, #tpu.memory_space<vmem_shared>> -> memref<100352xf32, #tpu.memory_space<vmem_shared>>
      tpu.wait_indirect_dma semaphore(%arg45 : memref<!tpu.dma_semaphore, #tpu.memory_space<semaphore_mem>>) src(%arg39 : memref<2048xf32, #tpu.memory_space<vmem>>) dst(%dma_wait3A_213 : memref<100352xf32, #tpu.memory_space<vmem_shared>>)
      %dma_wait3A_214 = arith.constant 0 : i32
      %dma_wait3A_215 = tpu.memref_slice %arg14[%dma_wait3A_214] : memref<100352xf32, #tpu.memory_space<vmem_shared>> -> memref<100352xf32, #tpu.memory_space<vmem_shared>>
      tpu.wait_indirect_dma semaphore(%arg45 : memref<!tpu.dma_semaphore, #tpu.memory_space<semaphore_mem>>) src(%arg40 : memref<2048xf32, #tpu.memory_space<vmem>>) dst(%dma_wait3A_215 : memref<100352xf32, #tpu.memory_space<vmem_shared>>)
    }
    %while3A_73 = arith.constant 1 : i32
    scf.for %while3A_88 = %while3A_71 to %while3A_67 step %while3A_73  : i32 {
      %mul3A_89 = arith.muli %while3A_88, %while3A : i32
      %add3A_90 = arith.addi %while3A_64, %mul3A_89 : i32
      %mul3A_91 = arith.constant 2 : i32
      %mul3A_92 = arith.muli %mul3A_91, %add3A_90 : i32
      %add3A_93 = arith.constant 1 : i32
      %add3A_94 = arith.addi %mul3A_92, %add3A_93 : i32
      %eq3A_95 = arith.cmpi eq, %add3A_94, %select_n3A : i32
      %mul3A_96 = arith.constant 2048 : i32
      %mul3A_97 = arith.muli %add3A_94, %mul3A_96 : i32
      %add3A_98 = arith.addi %add3A, %mul3A_97 : i32
      %select_n3A_99 = arith.select %eq3A_95, %add3A, %add3A_98 : i32
      %dma_start3A_100 = tpu.memref_slice %arg2[%select_n3A_99] : memref<3276800xi32, #tpu.memory_space<hbm>> -> memref<2048xi32, #tpu.memory_space<hbm>>
      %dma_start3A_101 = tpu.memref_slice %arg2[%select_n3A_99] : memref<3276800xi32, #tpu.memory_space<hbm>> -> memref<2048xi32, #tpu.memory_space<hbm>>
      tpu.enqueue_dma source(%dma_start3A_101 : memref<2048xi32, #tpu.memory_space<hbm>>) target(%arg24 : memref<2048xi32, #tpu.memory_space<vmem>>) target_semaphore(%arg42 : memref<!tpu.dma_semaphore, #tpu.memory_space<semaphore_mem>>)
      %dma_start3A_102 = tpu.memref_slice %arg3[%select_n3A_99] : memref<3276800xi32, #tpu.memory_space<hbm>> -> memref<2048xi32, #tpu.memory_space<hbm>>
      %dma_start3A_103 = tpu.memref_slice %arg3[%select_n3A_99] : memref<3276800xi32, #tpu.memory_space<hbm>> -> memref<2048xi32, #tpu.memory_space<hbm>>
      tpu.enqueue_dma source(%dma_start3A_103 : memref<2048xi32, #tpu.memory_space<hbm>>) target(%arg25 : memref<2048xi32, #tpu.memory_space<vmem>>) target_semaphore(%arg42 : memref<!tpu.dma_semaphore, #tpu.memory_space<semaphore_mem>>)
      %dma_start3A_104 = tpu.memref_slice %arg4[%select_n3A_99] : memref<3276800xf32, #tpu.memory_space<hbm>> -> memref<2048xf32, #tpu.memory_space<hbm>>
      %dma_start3A_105 = tpu.memref_slice %arg4[%select_n3A_99] : memref<3276800xf32, #tpu.memory_space<hbm>> -> memref<2048xf32, #tpu.memory_space<hbm>>
      tpu.enqueue_dma source(%dma_start3A_105 : memref<2048xf32, #tpu.memory_space<hbm>>) target(%arg26 : memref<2048xf32, #tpu.memory_space<vmem>>) target_semaphore(%arg42 : memref<!tpu.dma_semaphore, #tpu.memory_space<semaphore_mem>>)
      %dma_start3A_106 = tpu.memref_slice %arg5[%select_n3A_99] : memref<3276800xf32, #tpu.memory_space<hbm>> -> memref<2048xf32, #tpu.memory_space<hbm>>
      %dma_start3A_107 = tpu.memref_slice %arg5[%select_n3A_99] : memref<3276800xf32, #tpu.memory_space<hbm>> -> memref<2048xf32, #tpu.memory_space<hbm>>
      tpu.enqueue_dma source(%dma_start3A_107 : memref<2048xf32, #tpu.memory_space<hbm>>) target(%arg27 : memref<2048xf32, #tpu.memory_space<vmem>>) target_semaphore(%arg42 : memref<!tpu.dma_semaphore, #tpu.memory_space<semaphore_mem>>)
      %dma_start3A_108 = tpu.memref_slice %arg6[%select_n3A_99] : memref<3276800xf32, #tpu.memory_space<hbm>> -> memref<2048xf32, #tpu.memory_space<hbm>>
      %dma_start3A_109 = tpu.memref_slice %arg6[%select_n3A_99] : memref<3276800xf32, #tpu.memory_space<hbm>> -> memref<2048xf32, #tpu.memory_space<hbm>>
      tpu.enqueue_dma source(%dma_start3A_109 : memref<2048xf32, #tpu.memory_space<hbm>>) target(%arg28 : memref<2048xf32, #tpu.memory_space<vmem>>) target_semaphore(%arg42 : memref<!tpu.dma_semaphore, #tpu.memory_space<semaphore_mem>>)
      %dma_wait3A_110 = tpu.memref_slice %arg2[%select_n3A_99] : memref<3276800xi32, #tpu.memory_space<hbm>> -> memref<2048xi32, #tpu.memory_space<hbm>>
      %dma_wait3A_111 = tpu.memref_slice %arg2[%select_n3A_99] : memref<3276800xi32, #tpu.memory_space<hbm>> -> memref<2048xi32, #tpu.memory_space<hbm>>
      tpu.wait_dma2 semaphore(%arg42 : memref<!tpu.dma_semaphore, #tpu.memory_space<semaphore_mem>>) src(%dma_wait3A_111 : memref<2048xi32, #tpu.memory_space<hbm>>) dst(%arg24 : memref<2048xi32, #tpu.memory_space<vmem>>)
      %dma_wait3A_112 = tpu.memref_slice %arg3[%select_n3A_99] : memref<3276800xi32, #tpu.memory_space<hbm>> -> memref<2048xi32, #tpu.memory_space<hbm>>
      %dma_wait3A_113 = tpu.memref_slice %arg3[%select_n3A_99] : memref<3276800xi32, #tpu.memory_space<hbm>> -> memref<2048xi32, #tpu.memory_space<hbm>>
      tpu.wait_dma2 semaphore(%arg42 : memref<!tpu.dma_semaphore, #tpu.memory_space<semaphore_mem>>) src(%dma_wait3A_113 : memref<2048xi32, #tpu.memory_space<hbm>>) dst(%arg25 : memref<2048xi32, #tpu.memory_space<vmem>>)
      %dma_wait3A_114 = tpu.memref_slice %arg4[%select_n3A_99] : memref<3276800xf32, #tpu.memory_space<hbm>> -> memref<2048xf32, #tpu.memory_space<hbm>>
      %dma_wait3A_115 = tpu.memref_slice %arg4[%select_n3A_99] : memref<3276800xf32, #tpu.memory_space<hbm>> -> memref<2048xf32, #tpu.memory_space<hbm>>
      tpu.wait_dma2 semaphore(%arg42 : memref<!tpu.dma_semaphore, #tpu.memory_space<semaphore_mem>>) src(%dma_wait3A_115 : memref<2048xf32, #tpu.memory_space<hbm>>) dst(%arg26 : memref<2048xf32, #tpu.memory_space<vmem>>)
      %dma_wait3A_116 = tpu.memref_slice %arg5[%select_n3A_99] : memref<3276800xf32, #tpu.memory_space<hbm>> -> memref<2048xf32, #tpu.memory_space<hbm>>
      %dma_wait3A_117 = tpu.memref_slice %arg5[%select_n3A_99] : memref<3276800xf32, #tpu.memory_space<hbm>> -> memref<2048xf32, #tpu.memory_space<hbm>>
      tpu.wait_dma2 semaphore(%arg42 : memref<!tpu.dma_semaphore, #tpu.memory_space<semaphore_mem>>) src(%dma_wait3A_117 : memref<2048xf32, #tpu.memory_space<hbm>>) dst(%arg27 : memref<2048xf32, #tpu.memory_space<vmem>>)
      %dma_wait3A_118 = tpu.memref_slice %arg6[%select_n3A_99] : memref<3276800xf32, #tpu.memory_space<hbm>> -> memref<2048xf32, #tpu.memory_space<hbm>>
      %dma_wait3A_119 = tpu.memref_slice %arg6[%select_n3A_99] : memref<3276800xf32, #tpu.memory_space<hbm>> -> memref<2048xf32, #tpu.memory_space<hbm>>
      tpu.wait_dma2 semaphore(%arg42 : memref<!tpu.dma_semaphore, #tpu.memory_space<semaphore_mem>>) src(%dma_wait3A_119 : memref<2048xf32, #tpu.memory_space<hbm>>) dst(%arg28 : memref<2048xf32, #tpu.memory_space<vmem>>)
      %dma_start3A_120 = arith.constant 0 : i32
      %dma_start3A_121 = tpu.memref_slice %arg15[%dma_start3A_120] : memref<100352xf32, #tpu.memory_space<vmem_shared>> -> memref<100352xf32, #tpu.memory_space<vmem_shared>>
      tpu.enqueue_indirect_dma source(%dma_start3A_121 : memref<100352xf32, #tpu.memory_space<vmem_shared>>) target(%arg34 : memref<2048xf32, #tpu.memory_space<vmem>>) offsets(%arg24 : memref<2048xi32, #tpu.memory_space<vmem>>) semaphore(%arg44 : memref<!tpu.dma_semaphore, #tpu.memory_space<semaphore_mem>>)
      %dma_start3A_122 = arith.constant 0 : i32
      %dma_start3A_123 = tpu.memref_slice %arg16[%dma_start3A_122] : memref<100352xf32, #tpu.memory_space<vmem_shared>> -> memref<100352xf32, #tpu.memory_space<vmem_shared>>
      tpu.enqueue_indirect_dma source(%dma_start3A_123 : memref<100352xf32, #tpu.memory_space<vmem_shared>>) target(%arg35 : memref<2048xf32, #tpu.memory_space<vmem>>) offsets(%arg24 : memref<2048xi32, #tpu.memory_space<vmem>>) semaphore(%arg44 : memref<!tpu.dma_semaphore, #tpu.memory_space<semaphore_mem>>)
      %dma_start3A_124 = arith.constant 0 : i32
      %dma_start3A_125 = tpu.memref_slice %arg17[%dma_start3A_124] : memref<100352xf32, #tpu.memory_space<vmem_shared>> -> memref<100352xf32, #tpu.memory_space<vmem_shared>>
      tpu.enqueue_indirect_dma source(%dma_start3A_125 : memref<100352xf32, #tpu.memory_space<vmem_shared>>) target(%arg36 : memref<2048xf32, #tpu.memory_space<vmem>>) offsets(%arg24 : memref<2048xi32, #tpu.memory_space<vmem>>) semaphore(%arg44 : memref<!tpu.dma_semaphore, #tpu.memory_space<semaphore_mem>>)
      %dma_start3A_126 = arith.constant 0 : i32
      %dma_start3A_127 = tpu.memref_slice %arg18[%dma_start3A_126] : memref<100352xf32, #tpu.memory_space<vmem_shared>> -> memref<100352xf32, #tpu.memory_space<vmem_shared>>
      tpu.enqueue_indirect_dma source(%dma_start3A_127 : memref<100352xf32, #tpu.memory_space<vmem_shared>>) target(%arg37 : memref<2048xf32, #tpu.memory_space<vmem>>) offsets(%arg24 : memref<2048xi32, #tpu.memory_space<vmem>>) semaphore(%arg44 : memref<!tpu.dma_semaphore, #tpu.memory_space<semaphore_mem>>)
      %dma_start3A_128 = arith.constant 0 : i32
      %dma_start3A_129 = tpu.memref_slice %arg18[%dma_start3A_128] : memref<100352xf32, #tpu.memory_space<vmem_shared>> -> memref<100352xf32, #tpu.memory_space<vmem_shared>>
      tpu.enqueue_indirect_dma source(%dma_start3A_129 : memref<100352xf32, #tpu.memory_space<vmem_shared>>) target(%arg38 : memref<2048xf32, #tpu.memory_space<vmem>>) offsets(%arg25 : memref<2048xi32, #tpu.memory_space<vmem>>) semaphore(%arg44 : memref<!tpu.dma_semaphore, #tpu.memory_space<semaphore_mem>>)
      %dma_wait3A_130 = arith.constant 0 : i32
      %dma_wait3A_131 = tpu.memref_slice %arg15[%dma_wait3A_130] : memref<100352xf32, #tpu.memory_space<vmem_shared>> -> memref<100352xf32, #tpu.memory_space<vmem_shared>>
      tpu.wait_indirect_dma semaphore(%arg43 : memref<!tpu.dma_semaphore, #tpu.memory_space<semaphore_mem>>) src(%dma_wait3A_131 : memref<100352xf32, #tpu.memory_space<vmem_shared>>) dst(%arg29 : memref<2048xf32, #tpu.memory_space<vmem>>)
      %dma_wait3A_132 = arith.constant 0 : i32
      %dma_wait3A_133 = tpu.memref_slice %arg16[%dma_wait3A_132] : memref<100352xf32, #tpu.memory_space<vmem_shared>> -> memref<100352xf32, #tpu.memory_space<vmem_shared>>
      tpu.wait_indirect_dma semaphore(%arg43 : memref<!tpu.dma_semaphore, #tpu.memory_space<semaphore_mem>>) src(%dma_wait3A_133 : memref<100352xf32, #tpu.memory_space<vmem_shared>>) dst(%arg30 : memref<2048xf32, #tpu.memory_space<vmem>>)
      %dma_wait3A_134 = arith.constant 0 : i32
      %dma_wait3A_135 = tpu.memref_slice %arg17[%dma_wait3A_134] : memref<100352xf32, #tpu.memory_space<vmem_shared>> -> memref<100352xf32, #tpu.memory_space<vmem_shared>>
      tpu.wait_indirect_dma semaphore(%arg43 : memref<!tpu.dma_semaphore, #tpu.memory_space<semaphore_mem>>) src(%dma_wait3A_135 : memref<100352xf32, #tpu.memory_space<vmem_shared>>) dst(%arg31 : memref<2048xf32, #tpu.memory_space<vmem>>)
      %dma_wait3A_136 = arith.constant 0 : i32
      %dma_wait3A_137 = tpu.memref_slice %arg18[%dma_wait3A_136] : memref<100352xf32, #tpu.memory_space<vmem_shared>> -> memref<100352xf32, #tpu.memory_space<vmem_shared>>
      tpu.wait_indirect_dma semaphore(%arg43 : memref<!tpu.dma_semaphore, #tpu.memory_space<semaphore_mem>>) src(%dma_wait3A_137 : memref<100352xf32, #tpu.memory_space<vmem_shared>>) dst(%arg32 : memref<2048xf32, #tpu.memory_space<vmem>>)
      %dma_wait3A_138 = arith.constant 0 : i32
      %dma_wait3A_139 = tpu.memref_slice %arg18[%dma_wait3A_138] : memref<100352xf32, #tpu.memory_space<vmem_shared>> -> memref<100352xf32, #tpu.memory_space<vmem_shared>>
      tpu.wait_indirect_dma semaphore(%arg43 : memref<!tpu.dma_semaphore, #tpu.memory_space<semaphore_mem>>) src(%dma_wait3A_139 : memref<100352xf32, #tpu.memory_space<vmem_shared>>) dst(%arg33 : memref<2048xf32, #tpu.memory_space<vmem>>)
      %scan3A = arith.constant 0 : i32
      %scan3A_140 = arith.constant 128 : i32
      %scan3A_141 = arith.addi %scan3A, %scan3A_140 : i32
      %scan3A_142 = arith.constant 1 : i32
      scf.for %scan3A_216 = %scan3A to %scan3A_141 step %scan3A_142  : i32 {
        %mul3A_217 = arith.constant 1 : i32
        %mul3A_218 = arith.muli %scan3A_216, %mul3A_217 : i32
        %add3A_219 = arith.constant 0 : i32
        %add3A_220 = arith.addi %add3A_219, %mul3A_218 : i32
        %mul3A_221 = arith.constant 16 : i32
        %mul3A_222 = arith.muli %add3A_220, %mul3A_221 : i32
        %get3A = arith.index_cast %mul3A_222 : i32 to index
        %get3A_223 = tpu.vector_load %arg21[%get3A] {strides = array<i32>} : memref<2048xf32, #tpu.memory_space<vmem>>, vector<16xf32>,
        %get3A_224 = vector.shape_cast %get3A_223 : vector<16xf32> to vector<16xf32>
        %get3A_225 = arith.index_cast %mul3A_222 : i32 to index
        %get3A_226 = tpu.vector_load %arg22[%get3A_225] {strides = array<i32>} : memref<2048xf32, #tpu.memory_space<vmem>>, vector<16xf32>,
        %get3A_227 = vector.shape_cast %get3A_226 : vector<16xf32> to vector<16xf32>
        %get3A_228 = arith.index_cast %mul3A_222 : i32 to index
        %get3A_229 = tpu.vector_load %arg23[%get3A_228] {strides = array<i32>} : memref<2048xf32, #tpu.memory_space<vmem>>, vector<16xf32>,
        %get3A_230 = vector.shape_cast %get3A_229 : vector<16xf32> to vector<16xf32>
        %jit3A_231 = arith.constant 0.000000e+00 : f32
        %jit3A_232 = arith.constant 1.000000e+00 : f32
        %max3A = vector.broadcast %jit3A_231 : f32 to vector<16xf32>
        %max3A_233 = arith.maximumf %max3A, %get3A_230 : vector<16xf32>
        %min3A = vector.broadcast %jit3A_232 : f32 to vector<16xf32>
        %min3A_234 = arith.minimumf %min3A, %max3A_233 : vector<16xf32>
        %sub3A_235 = arith.constant 1.000000e+00 : f32
        %sub3A_236 = vector.broadcast %sub3A_235 : f32 to vector<16xf32>
        %sub3A_237 = arith.subf %sub3A_236, %min3A_234 : vector<16xf32>
        %mul3A_238 = arith.constant -356507.063 : f32
        %mul3A_239 = vector.broadcast %mul3A_238 : f32 to vector<16xf32>
        %mul3A_240 = arith.mulf %mul3A_239, %min3A_234 : vector<16xf32>
        %mul3A_241 = arith.mulf %mul3A_240, %sub3A_237 : vector<16xf32>
        %mul3A_242 = arith.mulf %mul3A_241, %sub3A_237 : vector<16xf32>
        %mul3A_243 = arith.mulf %mul3A_242, %sub3A_237 : vector<16xf32>
        %mul3A_244 = arith.mulf %mul3A_243, %get3A_224 : vector<16xf32>
        %mul3A_245 = arith.mulf %mul3A_243, %get3A_227 : vector<16xf32>
        %get3A_246 = arith.index_cast %mul3A_222 : i32 to index
        %get3A_247 = tpu.vector_load %arg30[%get3A_246] {strides = array<i32>} : memref<2048xf32, #tpu.memory_space<vmem>>, vector<16xf32>,
        %get3A_248 = vector.shape_cast %get3A_247 : vector<16xf32> to vector<16xf32>
        %get3A_249 = arith.index_cast %mul3A_222 : i32 to index
        %get3A_250 = tpu.vector_load %arg29[%get3A_249] {strides = array<i32>} : memref<2048xf32, #tpu.memory_space<vmem>>, vector<16xf32>,
        %get3A_251 = vector.shape_cast %get3A_250 : vector<16xf32> to vector<16xf32>
        %mul3A_252 = arith.mulf %get3A_251, %mul3A_244 : vector<16xf32>
        %mul3A_253 = arith.mulf %get3A_248, %mul3A_245 : vector<16xf32>
        %add3A_254 = arith.addf %mul3A_252, %mul3A_253 : vector<16xf32>
        %mul3A_255 = arith.mulf %get3A_248, %mul3A_244 : vector<16xf32>
        %get3A_256 = arith.index_cast %mul3A_222 : i32 to index
        %get3A_257 = tpu.vector_load %arg31[%get3A_256] {strides = array<i32>} : memref<2048xf32, #tpu.memory_space<vmem>>, vector<16xf32>,
        %get3A_258 = vector.shape_cast %get3A_257 : vector<16xf32> to vector<16xf32>
        %mul3A_259 = arith.mulf %get3A_258, %mul3A_245 : vector<16xf32>
        %add3A_260 = arith.addf %mul3A_255, %mul3A_259 : vector<16xf32>
        %abs3A = math.absf %mul3A_244 : vector<16xf32>
        %abs3A_261 = math.absf %mul3A_245 : vector<16xf32>
        %add3A_262 = arith.addf %abs3A, %abs3A_261 : vector<16xf32>
        %abs3A_263 = math.absf %add3A_254 : vector<16xf32>
        %abs3A_264 = math.absf %add3A_260 : vector<16xf32>
        %add3A_265 = arith.addf %abs3A_263, %abs3A_264 : vector<16xf32>
        %sub3A_266 = arith.subf %add3A_265, %add3A_262 : vector<16xf32>
        %abs3A_267 = math.absf %sub3A_266 : vector<16xf32>
        %add3A_268 = arith.constant 5.000000e-06 : f32
        %add3A_269 = vector.broadcast %add3A_268 : f32 to vector<16xf32>
        %add3A_270 = arith.addf %add3A_262, %add3A_269 : vector<16xf32>
        %div3A_271 = arith.divf %abs3A_267, %add3A_270 : vector<16xf32>
        %lt3A = arith.constant 1.000000e-01 : f32
        %lt3A_272 = vector.broadcast %lt3A : f32 to vector<16xf32>
        %lt3A_273 = arith.cmpf olt, %div3A_271, %lt3A_272 : vector<16xf32>
        %select_n3A_274 = arith.select %lt3A_273, %add3A_254, %mul3A_244 : vector<16xi1>, vector<16xf32>
        %select_n3A_275 = arith.select %lt3A_273, %add3A_260, %mul3A_245 : vector<16xi1>, vector<16xf32>
        %get3A_276 = arith.index_cast %mul3A_222 : i32 to index
        %get3A_277 = tpu.vector_load %arg33[%get3A_276] {strides = array<i32>} : memref<2048xf32, #tpu.memory_space<vmem>>, vector<16xf32>,
        %get3A_278 = vector.shape_cast %get3A_277 : vector<16xf32> to vector<16xf32>
        %bitcast_convert_type3A = tpu.bitcast %get3A_278 : vector<16xf32> -> vector<16xi32>
        %and3A_279 = arith.constant -65536 : i32
        %and3A_280 = vector.broadcast %and3A_279 : i32 to vector<16xi32>
        %and3A_281 = arith.andi %bitcast_convert_type3A, %and3A_280 : vector<16xi32>
        %bitcast_convert_type3A_282 = tpu.bitcast %and3A_281 : vector<16xi32> -> vector<16xf32>
        %get3A_283 = arith.index_cast %mul3A_222 : i32 to index
        %get3A_284 = tpu.vector_load %arg32[%get3A_283] {strides = array<i32>} : memref<2048xf32, #tpu.memory_space<vmem>>, vector<16xf32>,
        %get3A_285 = vector.shape_cast %get3A_284 : vector<16xf32> to vector<16xf32>
        %bitcast_convert_type3A_286 = tpu.bitcast %get3A_285 : vector<16xf32> -> vector<16xi32>
        %and3A_287 = arith.constant -65536 : i32
        %and3A_288 = vector.broadcast %and3A_287 : i32 to vector<16xi32>
        %and3A_289 = arith.andi %bitcast_convert_type3A_286, %and3A_288 : vector<16xi32>
        %bitcast_convert_type3A_290 = tpu.bitcast %and3A_289 : vector<16xi32> -> vector<16xf32>
        %sub3A_291 = arith.subf %bitcast_convert_type3A_282, %bitcast_convert_type3A_290 : vector<16xf32>
        %get3A_292 = arith.index_cast %mul3A_222 : i32 to index
        %get3A_293 = tpu.vector_load %arg33[%get3A_292] {strides = array<i32>} : memref<2048xf32, #tpu.memory_space<vmem>>, vector<16xf32>,
        %get3A_294 = vector.shape_cast %get3A_293 : vector<16xf32> to vector<16xf32>
        %bitcast_convert_type3A_295 = tpu.bitcast %get3A_294 : vector<16xf32> -> vector<16xi32>
        %shift_left3A = arith.constant 16 : i32
        %shift_left3A_296 = vector.broadcast %shift_left3A : i32 to vector<16xi32>
        %shift_left3A_297 = arith.shli %bitcast_convert_type3A_295, %shift_left3A_296 : vector<16xi32>
        %bitcast_convert_type3A_298 = tpu.bitcast %shift_left3A_297 : vector<16xi32> -> vector<16xf32>
        %mul3A_299 = arith.mulf %sub3A_291, %bitcast_convert_type3A_298 : vector<16xf32>
        %mul3A_300 = arith.constant 2.000000e+00 : f32
        %mul3A_301 = vector.broadcast %mul3A_300 : f32 to vector<16xf32>
        %mul3A_302 = arith.mulf %mul3A_299, %mul3A_301 : vector<16xf32>
        %mul3A_303 = arith.mulf %mul3A_302, %select_n3A_274 : vector<16xf32>
        %swap3A = arith.index_cast %mul3A_222 : i32 to index
        %swap3A_304 = tpu.vector_load %arg39[%swap3A] {strides = array<i32>} : memref<2048xf32, #tpu.memory_space<vmem>>, vector<16xf32>,
        %swap3A_305 = vector.shape_cast %swap3A_304 : vector<16xf32> to vector<16xf32>
        %swap3A_306 = vector.shape_cast %mul3A_303 : vector<16xf32> to vector<16xf32>
        tpu.vector_store %arg39[%swap3A], %swap3A_306 {strides = array<i32>} : memref<2048xf32, #tpu.memory_space<vmem>>, vector<16xf32>,
        %mul3A_307 = arith.mulf %mul3A_302, %select_n3A_275 : vector<16xf32>
        %swap3A_308 = arith.index_cast %mul3A_222 : i32 to index
        %swap3A_309 = tpu.vector_load %arg40[%swap3A_308] {strides = array<i32>} : memref<2048xf32, #tpu.memory_space<vmem>>, vector<16xf32>,
        %swap3A_310 = vector.shape_cast %swap3A_309 : vector<16xf32> to vector<16xf32>
        %swap3A_311 = vector.shape_cast %mul3A_307 : vector<16xf32> to vector<16xf32>
        tpu.vector_store %arg40[%swap3A_308], %swap3A_311 {strides = array<i32>} : memref<2048xf32, #tpu.memory_space<vmem>>, vector<16xf32>,
      }
      %scan3A_143 = arith.constant 128 : i32
      %dma_start3A_144 = arith.constant 0 : i32
      %dma_start3A_145 = tpu.memref_slice %arg13[%dma_start3A_144] : memref<100352xf32, #tpu.memory_space<vmem_shared>> -> memref<100352xf32, #tpu.memory_space<vmem_shared>>
      tpu.enqueue_indirect_dma source(%arg39 : memref<2048xf32, #tpu.memory_space<vmem>>) target(%dma_start3A_145 : memref<100352xf32, #tpu.memory_space<vmem_shared>>) offsets(%arg19 : memref<2048xi32, #tpu.memory_space<vmem>>) semaphore(%arg45 : memref<!tpu.dma_semaphore, #tpu.memory_space<semaphore_mem>>) {add = true}
      %dma_start3A_146 = arith.constant 0 : i32
      %dma_start3A_147 = tpu.memref_slice %arg14[%dma_start3A_146] : memref<100352xf32, #tpu.memory_space<vmem_shared>> -> memref<100352xf32, #tpu.memory_space<vmem_shared>>
      tpu.enqueue_indirect_dma source(%arg40 : memref<2048xf32, #tpu.memory_space<vmem>>) target(%dma_start3A_147 : memref<100352xf32, #tpu.memory_space<vmem_shared>>) offsets(%arg19 : memref<2048xi32, #tpu.memory_space<vmem>>) semaphore(%arg45 : memref<!tpu.dma_semaphore, #tpu.memory_space<semaphore_mem>>) {add = true}
      %dma_wait3A_148 = arith.constant 0 : i32
      %dma_wait3A_149 = tpu.memref_slice %arg13[%dma_wait3A_148] : memref<100352xf32, #tpu.memory_space<vmem_shared>> -> memref<100352xf32, #tpu.memory_space<vmem_shared>>
      tpu.wait_indirect_dma semaphore(%arg45 : memref<!tpu.dma_semaphore, #tpu.memory_space<semaphore_mem>>) src(%arg39 : memref<2048xf32, #tpu.memory_space<vmem>>) dst(%dma_wait3A_149 : memref<100352xf32, #tpu.memory_space<vmem_shared>>)
      %dma_wait3A_150 = arith.constant 0 : i32
      %dma_wait3A_151 = tpu.memref_slice %arg14[%dma_wait3A_150] : memref<100352xf32, #tpu.memory_space<vmem_shared>> -> memref<100352xf32, #tpu.memory_space<vmem_shared>>
      tpu.wait_indirect_dma semaphore(%arg45 : memref<!tpu.dma_semaphore, #tpu.memory_space<semaphore_mem>>) src(%arg40 : memref<2048xf32, #tpu.memory_space<vmem>>) dst(%dma_wait3A_151 : memref<100352xf32, #tpu.memory_space<vmem_shared>>)
      %mul3A_152 = arith.constant 2 : i32
      %mul3A_153 = arith.muli %mul3A_152, %add3A_90 : i32
      %add3A_154 = arith.constant 1 : i32
      %add3A_155 = arith.addi %mul3A_153, %add3A_154 : i32
      %add3A_156 = arith.constant 1 : i32
      %add3A_157 = arith.addi %add3A_155, %add3A_156 : i32
      %eq3A_158 = arith.cmpi eq, %add3A_157, %select_n3A : i32
      %mul3A_159 = arith.constant 2048 : i32
      %mul3A_160 = arith.muli %add3A_157, %mul3A_159 : i32
      %add3A_161 = arith.addi %add3A, %mul3A_160 : i32
      %select_n3A_162 = arith.select %eq3A_158, %add3A, %add3A_161 : i32
      %dma_start3A_163 = tpu.memref_slice %arg2[%select_n3A_162] : memref<3276800xi32, #tpu.memory_space<hbm>> -> memref<2048xi32, #tpu.memory_space<hbm>>
      %dma_start3A_164 = tpu.memref_slice %arg2[%select_n3A_162] : memref<3276800xi32, #tpu.memory_space<hbm>> -> memref<2048xi32, #tpu.memory_space<hbm>>
      tpu.enqueue_dma source(%dma_start3A_164 : memref<2048xi32, #tpu.memory_space<hbm>>) target(%arg19 : memref<2048xi32, #tpu.memory_space<vmem>>) target_semaphore(%arg42 : memref<!tpu.dma_semaphore, #tpu.memory_space<semaphore_mem>>)
      %dma_start3A_165 = tpu.memref_slice %arg3[%select_n3A_162] : memref<3276800xi32, #tpu.memory_space<hbm>> -> memref<2048xi32, #tpu.memory_space<hbm>>
      %dma_start3A_166 = tpu.memref_slice %arg3[%select_n3A_162] : memref<3276800xi32, #tpu.memory_space<hbm>> -> memref<2048xi32, #tpu.memory_space<hbm>>
      tpu.enqueue_dma source(%dma_start3A_166 : memref<2048xi32, #tpu.memory_space<hbm>>) target(%arg20 : memref<2048xi32, #tpu.memory_space<vmem>>) target_semaphore(%arg42 : memref<!tpu.dma_semaphore, #tpu.memory_space<semaphore_mem>>)
      %dma_start3A_167 = tpu.memref_slice %arg4[%select_n3A_162] : memref<3276800xf32, #tpu.memory_space<hbm>> -> memref<2048xf32, #tpu.memory_space<hbm>>
      %dma_start3A_168 = tpu.memref_slice %arg4[%select_n3A_162] : memref<3276800xf32, #tpu.memory_space<hbm>> -> memref<2048xf32, #tpu.memory_space<hbm>>
      tpu.enqueue_dma source(%dma_start3A_168 : memref<2048xf32, #tpu.memory_space<hbm>>) target(%arg21 : memref<2048xf32, #tpu.memory_space<vmem>>) target_semaphore(%arg42 : memref<!tpu.dma_semaphore, #tpu.memory_space<semaphore_mem>>)
      %dma_start3A_169 = tpu.memref_slice %arg5[%select_n3A_162] : memref<3276800xf32, #tpu.memory_space<hbm>> -> memref<2048xf32, #tpu.memory_space<hbm>>
      %dma_start3A_170 = tpu.memref_slice %arg5[%select_n3A_162] : memref<3276800xf32, #tpu.memory_space<hbm>> -> memref<2048xf32, #tpu.memory_space<hbm>>
      tpu.enqueue_dma source(%dma_start3A_170 : memref<2048xf32, #tpu.memory_space<hbm>>) target(%arg22 : memref<2048xf32, #tpu.memory_space<vmem>>) target_semaphore(%arg42 : memref<!tpu.dma_semaphore, #tpu.memory_space<semaphore_mem>>)
      %dma_start3A_171 = tpu.memref_slice %arg6[%select_n3A_162] : memref<3276800xf32, #tpu.memory_space<hbm>> -> memref<2048xf32, #tpu.memory_space<hbm>>
      %dma_start3A_172 = tpu.memref_slice %arg6[%select_n3A_162] : memref<3276800xf32, #tpu.memory_space<hbm>> -> memref<2048xf32, #tpu.memory_space<hbm>>
      tpu.enqueue_dma source(%dma_start3A_172 : memref<2048xf32, #tpu.memory_space<hbm>>) target(%arg23 : memref<2048xf32, #tpu.memory_space<vmem>>) target_semaphore(%arg42 : memref<!tpu.dma_semaphore, #tpu.memory_space<semaphore_mem>>)
      %dma_wait3A_173 = tpu.memref_slice %arg2[%select_n3A_162] : memref<3276800xi32, #tpu.memory_space<hbm>> -> memref<2048xi32, #tpu.memory_space<hbm>>
      %dma_wait3A_174 = tpu.memref_slice %arg2[%select_n3A_162] : memref<3276800xi32, #tpu.memory_space<hbm>> -> memref<2048xi32, #tpu.memory_space<hbm>>
      tpu.wait_dma2 semaphore(%arg42 : memref<!tpu.dma_semaphore, #tpu.memory_space<semaphore_mem>>) src(%dma_wait3A_174 : memref<2048xi32, #tpu.memory_space<hbm>>) dst(%arg19 : memref<2048xi32, #tpu.memory_space<vmem>>)
      %dma_wait3A_175 = tpu.memref_slice %arg3[%select_n3A_162] : memref<3276800xi32, #tpu.memory_space<hbm>> -> memref<2048xi32, #tpu.memory_space<hbm>>
      %dma_wait3A_176 = tpu.memref_slice %arg3[%select_n3A_162] : memref<3276800xi32, #tpu.memory_space<hbm>> -> memref<2048xi32, #tpu.memory_space<hbm>>
      tpu.wait_dma2 semaphore(%arg42 : memref<!tpu.dma_semaphore, #tpu.memory_space<semaphore_mem>>) src(%dma_wait3A_176 : memref<2048xi32, #tpu.memory_space<hbm>>) dst(%arg20 : memref<2048xi32, #tpu.memory_space<vmem>>)
      %dma_wait3A_177 = tpu.memref_slice %arg4[%select_n3A_162] : memref<3276800xf32, #tpu.memory_space<hbm>> -> memref<2048xf32, #tpu.memory_space<hbm>>
      %dma_wait3A_178 = tpu.memref_slice %arg4[%select_n3A_162] : memref<3276800xf32, #tpu.memory_space<hbm>> -> memref<2048xf32, #tpu.memory_space<hbm>>
      tpu.wait_dma2 semaphore(%arg42 : memref<!tpu.dma_semaphore, #tpu.memory_space<semaphore_mem>>) src(%dma_wait3A_178 : memref<2048xf32, #tpu.memory_space<hbm>>) dst(%arg21 : memref<2048xf32, #tpu.memory_space<vmem>>)
      %dma_wait3A_179 = tpu.memref_slice %arg5[%select_n3A_162] : memref<3276800xf32, #tpu.memory_space<hbm>> -> memref<2048xf32, #tpu.memory_space<hbm>>
      %dma_wait3A_180 = tpu.memref_slice %arg5[%select_n3A_162] : memref<3276800xf32, #tpu.memory_space<hbm>> -> memref<2048xf32, #tpu.memory_space<hbm>>
      tpu.wait_dma2 semaphore(%arg42 : memref<!tpu.dma_semaphore, #tpu.memory_space<semaphore_mem>>) src(%dma_wait3A_180 : memref<2048xf32, #tpu.memory_space<hbm>>) dst(%arg22 : memref<2048xf32, #tpu.memory_space<vmem>>)
      %dma_wait3A_181 = tpu.memref_slice %arg6[%select_n3A_162] : memref<3276800xf32, #tpu.memory_space<hbm>> -> memref<2048xf32, #tpu.memory_space<hbm>>
      %dma_wait3A_182 = tpu.memref_slice %arg6[%select_n3A_162] : memref<3276800xf32, #tpu.memory_space<hbm>> -> memref<2048xf32, #tpu.memory_space<hbm>>
      tpu.wait_dma2 semaphore(%arg42 : memref<!tpu.dma_semaphore, #tpu.memory_space<semaphore_mem>>) src(%dma_wait3A_182 : memref<2048xf32, #tpu.memory_space<hbm>>) dst(%arg23 : memref<2048xf32, #tpu.memory_space<vmem>>)
      %dma_start3A_183 = arith.constant 0 : i32
      %dma_start3A_184 = tpu.memref_slice %arg15[%dma_start3A_183] : memref<100352xf32, #tpu.memory_space<vmem_shared>> -> memref<100352xf32, #tpu.memory_space<vmem_shared>>
      tpu.enqueue_indirect_dma source(%dma_start3A_184 : memref<100352xf32, #tpu.memory_space<vmem_shared>>) target(%arg29 : memref<2048xf32, #tpu.memory_space<vmem>>) offsets(%arg19 : memref<2048xi32, #tpu.memory_space<vmem>>) semaphore(%arg43 : memref<!tpu.dma_semaphore, #tpu.memory_space<semaphore_mem>>)
      %dma_start3A_185 = arith.constant 0 : i32
      %dma_start3A_186 = tpu.memref_slice %arg16[%dma_start3A_185] : memref<100352xf32, #tpu.memory_space<vmem_shared>> -> memref<100352xf32, #tpu.memory_space<vmem_shared>>
      tpu.enqueue_indirect_dma source(%dma_start3A_186 : memref<100352xf32, #tpu.memory_space<vmem_shared>>) target(%arg30 : memref<2048xf32, #tpu.memory_space<vmem>>) offsets(%arg19 : memref<2048xi32, #tpu.memory_space<vmem>>) semaphore(%arg43 : memref<!tpu.dma_semaphore, #tpu.memory_space<semaphore_mem>>)
      %dma_start3A_187 = arith.constant 0 : i32
      %dma_start3A_188 = tpu.memref_slice %arg17[%dma_start3A_187] : memref<100352xf32, #tpu.memory_space<vmem_shared>> -> memref<100352xf32, #tpu.memory_space<vmem_shared>>
      tpu.enqueue_indirect_dma source(%dma_start3A_188 : memref<100352xf32, #tpu.memory_space<vmem_shared>>) target(%arg31 : memref<2048xf32, #tpu.memory_space<vmem>>) offsets(%arg19 : memref<2048xi32, #tpu.memory_space<vmem>>) semaphore(%arg43 : memref<!tpu.dma_semaphore, #tpu.memory_space<semaphore_mem>>)
      %dma_start3A_189 = arith.constant 0 : i32
      %dma_start3A_190 = tpu.memref_slice %arg18[%dma_start3A_189] : memref<100352xf32, #tpu.memory_space<vmem_shared>> -> memref<100352xf32, #tpu.memory_space<vmem_shared>>
      tpu.enqueue_indirect_dma source(%dma_start3A_190 : memref<100352xf32, #tpu.memory_space<vmem_shared>>) target(%arg32 : memref<2048xf32, #tpu.memory_space<vmem>>) offsets(%arg19 : memref<2048xi32, #tpu.memory_space<vmem>>) semaphore(%arg43 : memref<!tpu.dma_semaphore, #tpu.memory_space<semaphore_mem>>)
      %dma_start3A_191 = arith.constant 0 : i32
      %dma_start3A_192 = tpu.memref_slice %arg18[%dma_start3A_191] : memref<100352xf32, #tpu.memory_space<vmem_shared>> -> memref<100352xf32, #tpu.memory_space<vmem_shared>>
      tpu.enqueue_indirect_dma source(%dma_start3A_192 : memref<100352xf32, #tpu.memory_space<vmem_shared>>) target(%arg33 : memref<2048xf32, #tpu.memory_space<vmem>>) offsets(%arg20 : memref<2048xi32, #tpu.memory_space<vmem>>) semaphore(%arg43 : memref<!tpu.dma_semaphore, #tpu.memory_space<semaphore_mem>>)
      %dma_wait3A_193 = arith.constant 0 : i32
      %dma_wait3A_194 = tpu.memref_slice %arg15[%dma_wait3A_193] : memref<100352xf32, #tpu.memory_space<vmem_shared>> -> memref<100352xf32, #tpu.memory_space<vmem_shared>>
      tpu.wait_indirect_dma semaphore(%arg44 : memref<!tpu.dma_semaphore, #tpu.memory_space<semaphore_mem>>) src(%dma_wait3A_194 : memref<100352xf32, #tpu.memory_space<vmem_shared>>) dst(%arg34 : memref<2048xf32, #tpu.memory_space<vmem>>)
      %dma_wait3A_195 = arith.constant 0 : i32
      %dma_wait3A_196 = tpu.memref_slice %arg16[%dma_wait3A_195] : memref<100352xf32, #tpu.memory_space<vmem_shared>> -> memref<100352xf32, #tpu.memory_space<vmem_shared>>
      tpu.wait_indirect_dma semaphore(%arg44 : memref<!tpu.dma_semaphore, #tpu.memory_space<semaphore_mem>>) src(%dma_wait3A_196 : memref<100352xf32, #tpu.memory_space<vmem_shared>>) dst(%arg35 : memref<2048xf32, #tpu.memory_space<vmem>>)
      %dma_wait3A_197 = arith.constant 0 : i32
      %dma_wait3A_198 = tpu.memref_slice %arg17[%dma_wait3A_197] : memref<100352xf32, #tpu.memory_space<vmem_shared>> -> memref<100352xf32, #tpu.memory_space<vmem_shared>>
      tpu.wait_indirect_dma semaphore(%arg44 : memref<!tpu.dma_semaphore, #tpu.memory_space<semaphore_mem>>) src(%dma_wait3A_198 : memref<100352xf32, #tpu.memory_space<vmem_shared>>) dst(%arg36 : memref<2048xf32, #tpu.memory_space<vmem>>)
      %dma_wait3A_199 = arith.constant 0 : i32
      %dma_wait3A_200 = tpu.memref_slice %arg18[%dma_wait3A_199] : memref<100352xf32, #tpu.memory_space<vmem_shared>> -> memref<100352xf32, #tpu.memory_space<vmem_shared>>
      tpu.wait_indirect_dma semaphore(%arg44 : memref<!tpu.dma_semaphore, #tpu.memory_space<semaphore_mem>>) src(%dma_wait3A_200 : memref<100352xf32, #tpu.memory_space<vmem_shared>>) dst(%arg37 : memref<2048xf32, #tpu.memory_space<vmem>>)
      %dma_wait3A_201 = arith.constant 0 : i32
      %dma_wait3A_202 = tpu.memref_slice %arg18[%dma_wait3A_201] : memref<100352xf32, #tpu.memory_space<vmem_shared>> -> memref<100352xf32, #tpu.memory_space<vmem_shared>>
      tpu.wait_indirect_dma semaphore(%arg44 : memref<!tpu.dma_semaphore, #tpu.memory_space<semaphore_mem>>) src(%dma_wait3A_202 : memref<100352xf32, #tpu.memory_space<vmem_shared>>) dst(%arg38 : memref<2048xf32, #tpu.memory_space<vmem>>)
      %scan3A_203 = arith.constant 0 : i32
      %scan3A_204 = arith.constant 128 : i32
      %scan3A_205 = arith.addi %scan3A_203, %scan3A_204 : i32
      %scan3A_206 = arith.constant 1 : i32
      scf.for %scan3A_216 = %scan3A_203 to %scan3A_205 step %scan3A_206  : i32 {
        %mul3A_217 = arith.constant 1 : i32
        %mul3A_218 = arith.muli %scan3A_216, %mul3A_217 : i32
        %add3A_219 = arith.constant 0 : i32
        %add3A_220 = arith.addi %add3A_219, %mul3A_218 : i32
        %mul3A_221 = arith.constant 16 : i32
        %mul3A_222 = arith.muli %add3A_220, %mul3A_221 : i32
        %get3A = arith.index_cast %mul3A_222 : i32 to index
        %get3A_223 = tpu.vector_load %arg26[%get3A] {strides = array<i32>} : memref<2048xf32, #tpu.memory_space<vmem>>, vector<16xf32>,
        %get3A_224 = vector.shape_cast %get3A_223 : vector<16xf32> to vector<16xf32>
        %get3A_225 = arith.index_cast %mul3A_222 : i32 to index
        %get3A_226 = tpu.vector_load %arg27[%get3A_225] {strides = array<i32>} : memref<2048xf32, #tpu.memory_space<vmem>>, vector<16xf32>,
        %get3A_227 = vector.shape_cast %get3A_226 : vector<16xf32> to vector<16xf32>
        %get3A_228 = arith.index_cast %mul3A_222 : i32 to index
        %get3A_229 = tpu.vector_load %arg28[%get3A_228] {strides = array<i32>} : memref<2048xf32, #tpu.memory_space<vmem>>, vector<16xf32>,
        %get3A_230 = vector.shape_cast %get3A_229 : vector<16xf32> to vector<16xf32>
        %jit3A_231 = arith.constant 0.000000e+00 : f32
        %jit3A_232 = arith.constant 1.000000e+00 : f32
        %max3A = vector.broadcast %jit3A_231 : f32 to vector<16xf32>
        %max3A_233 = arith.maximumf %max3A, %get3A_230 : vector<16xf32>
        %min3A = vector.broadcast %jit3A_232 : f32 to vector<16xf32>
        %min3A_234 = arith.minimumf %min3A, %max3A_233 : vector<16xf32>
        %sub3A_235 = arith.constant 1.000000e+00 : f32
        %sub3A_236 = vector.broadcast %sub3A_235 : f32 to vector<16xf32>
        %sub3A_237 = arith.subf %sub3A_236, %min3A_234 : vector<16xf32>
        %mul3A_238 = arith.constant -356507.063 : f32
        %mul3A_239 = vector.broadcast %mul3A_238 : f32 to vector<16xf32>
        %mul3A_240 = arith.mulf %mul3A_239, %min3A_234 : vector<16xf32>
        %mul3A_241 = arith.mulf %mul3A_240, %sub3A_237 : vector<16xf32>
        %mul3A_242 = arith.mulf %mul3A_241, %sub3A_237 : vector<16xf32>
        %mul3A_243 = arith.mulf %mul3A_242, %sub3A_237 : vector<16xf32>
        %mul3A_244 = arith.mulf %mul3A_243, %get3A_224 : vector<16xf32>
        %mul3A_245 = arith.mulf %mul3A_243, %get3A_227 : vector<16xf32>
        %get3A_246 = arith.index_cast %mul3A_222 : i32 to index
        %get3A_247 = tpu.vector_load %arg35[%get3A_246] {strides = array<i32>} : memref<2048xf32, #tpu.memory_space<vmem>>, vector<16xf32>,
        %get3A_248 = vector.shape_cast %get3A_247 : vector<16xf32> to vector<16xf32>
        %get3A_249 = arith.index_cast %mul3A_222 : i32 to index
        %get3A_250 = tpu.vector_load %arg34[%get3A_249] {strides = array<i32>} : memref<2048xf32, #tpu.memory_space<vmem>>, vector<16xf32>,
        %get3A_251 = vector.shape_cast %get3A_250 : vector<16xf32> to vector<16xf32>
        %mul3A_252 = arith.mulf %get3A_251, %mul3A_244 : vector<16xf32>
        %mul3A_253 = arith.mulf %get3A_248, %mul3A_245 : vector<16xf32>
        %add3A_254 = arith.addf %mul3A_252, %mul3A_253 : vector<16xf32>
        %mul3A_255 = arith.mulf %get3A_248, %mul3A_244 : vector<16xf32>
        %get3A_256 = arith.index_cast %mul3A_222 : i32 to index
        %get3A_257 = tpu.vector_load %arg36[%get3A_256] {strides = array<i32>} : memref<2048xf32, #tpu.memory_space<vmem>>, vector<16xf32>,
        %get3A_258 = vector.shape_cast %get3A_257 : vector<16xf32> to vector<16xf32>
        %mul3A_259 = arith.mulf %get3A_258, %mul3A_245 : vector<16xf32>
        %add3A_260 = arith.addf %mul3A_255, %mul3A_259 : vector<16xf32>
        %abs3A = math.absf %mul3A_244 : vector<16xf32>
        %abs3A_261 = math.absf %mul3A_245 : vector<16xf32>
        %add3A_262 = arith.addf %abs3A, %abs3A_261 : vector<16xf32>
        %abs3A_263 = math.absf %add3A_254 : vector<16xf32>
        %abs3A_264 = math.absf %add3A_260 : vector<16xf32>
        %add3A_265 = arith.addf %abs3A_263, %abs3A_264 : vector<16xf32>
        %sub3A_266 = arith.subf %add3A_265, %add3A_262 : vector<16xf32>
        %abs3A_267 = math.absf %sub3A_266 : vector<16xf32>
        %add3A_268 = arith.constant 5.000000e-06 : f32
        %add3A_269 = vector.broadcast %add3A_268 : f32 to vector<16xf32>
        %add3A_270 = arith.addf %add3A_262, %add3A_269 : vector<16xf32>
        %div3A_271 = arith.divf %abs3A_267, %add3A_270 : vector<16xf32>
        %lt3A = arith.constant 1.000000e-01 : f32
        %lt3A_272 = vector.broadcast %lt3A : f32 to vector<16xf32>
        %lt3A_273 = arith.cmpf olt, %div3A_271, %lt3A_272 : vector<16xf32>
        %select_n3A_274 = arith.select %lt3A_273, %add3A_254, %mul3A_244 : vector<16xi1>, vector<16xf32>
        %select_n3A_275 = arith.select %lt3A_273, %add3A_260, %mul3A_245 : vector<16xi1>, vector<16xf32>
        %get3A_276 = arith.index_cast %mul3A_222 : i32 to index
        %get3A_277 = tpu.vector_load %arg38[%get3A_276] {strides = array<i32>} : memref<2048xf32, #tpu.memory_space<vmem>>, vector<16xf32>,
        %get3A_278 = vector.shape_cast %get3A_277 : vector<16xf32> to vector<16xf32>
        %bitcast_convert_type3A = tpu.bitcast %get3A_278 : vector<16xf32> -> vector<16xi32>
        %and3A_279 = arith.constant -65536 : i32
        %and3A_280 = vector.broadcast %and3A_279 : i32 to vector<16xi32>
        %and3A_281 = arith.andi %bitcast_convert_type3A, %and3A_280 : vector<16xi32>
        %bitcast_convert_type3A_282 = tpu.bitcast %and3A_281 : vector<16xi32> -> vector<16xf32>
        %get3A_283 = arith.index_cast %mul3A_222 : i32 to index
        %get3A_284 = tpu.vector_load %arg37[%get3A_283] {strides = array<i32>} : memref<2048xf32, #tpu.memory_space<vmem>>, vector<16xf32>,
        %get3A_285 = vector.shape_cast %get3A_284 : vector<16xf32> to vector<16xf32>
        %bitcast_convert_type3A_286 = tpu.bitcast %get3A_285 : vector<16xf32> -> vector<16xi32>
        %and3A_287 = arith.constant -65536 : i32
        %and3A_288 = vector.broadcast %and3A_287 : i32 to vector<16xi32>
        %and3A_289 = arith.andi %bitcast_convert_type3A_286, %and3A_288 : vector<16xi32>
        %bitcast_convert_type3A_290 = tpu.bitcast %and3A_289 : vector<16xi32> -> vector<16xf32>
        %sub3A_291 = arith.subf %bitcast_convert_type3A_282, %bitcast_convert_type3A_290 : vector<16xf32>
        %get3A_292 = arith.index_cast %mul3A_222 : i32 to index
        %get3A_293 = tpu.vector_load %arg38[%get3A_292] {strides = array<i32>} : memref<2048xf32, #tpu.memory_space<vmem>>, vector<16xf32>,
        %get3A_294 = vector.shape_cast %get3A_293 : vector<16xf32> to vector<16xf32>
        %bitcast_convert_type3A_295 = tpu.bitcast %get3A_294 : vector<16xf32> -> vector<16xi32>
        %shift_left3A = arith.constant 16 : i32
        %shift_left3A_296 = vector.broadcast %shift_left3A : i32 to vector<16xi32>
        %shift_left3A_297 = arith.shli %bitcast_convert_type3A_295, %shift_left3A_296 : vector<16xi32>
        %bitcast_convert_type3A_298 = tpu.bitcast %shift_left3A_297 : vector<16xi32> -> vector<16xf32>
        %mul3A_299 = arith.mulf %sub3A_291, %bitcast_convert_type3A_298 : vector<16xf32>
        %mul3A_300 = arith.constant 2.000000e+00 : f32
        %mul3A_301 = vector.broadcast %mul3A_300 : f32 to vector<16xf32>
        %mul3A_302 = arith.mulf %mul3A_299, %mul3A_301 : vector<16xf32>
        %mul3A_303 = arith.mulf %mul3A_302, %select_n3A_274 : vector<16xf32>
        %swap3A = arith.index_cast %mul3A_222 : i32 to index
        %swap3A_304 = tpu.vector_load %arg39[%swap3A] {strides = array<i32>} : memref<2048xf32, #tpu.memory_space<vmem>>, vector<16xf32>,
        %swap3A_305 = vector.shape_cast %swap3A_304 : vector<16xf32> to vector<16xf32>
        %swap3A_306 = vector.shape_cast %mul3A_303 : vector<16xf32> to vector<16xf32>
        tpu.vector_store %arg39[%swap3A], %swap3A_306 {strides = array<i32>} : memref<2048xf32, #tpu.memory_space<vmem>>, vector<16xf32>,
        %mul3A_307 = arith.mulf %mul3A_302, %select_n3A_275 : vector<16xf32>
        %swap3A_308 = arith.index_cast %mul3A_222 : i32 to index
        %swap3A_309 = tpu.vector_load %arg40[%swap3A_308] {strides = array<i32>} : memref<2048xf32, #tpu.memory_space<vmem>>, vector<16xf32>,
        %swap3A_310 = vector.shape_cast %swap3A_309 : vector<16xf32> to vector<16xf32>
        %swap3A_311 = vector.shape_cast %mul3A_307 : vector<16xf32> to vector<16xf32>
        tpu.vector_store %arg40[%swap3A_308], %swap3A_311 {strides = array<i32>} : memref<2048xf32, #tpu.memory_space<vmem>>, vector<16xf32>,
      }
      %scan3A_207 = arith.constant 128 : i32
      %dma_start3A_208 = arith.constant 0 : i32
      %dma_start3A_209 = tpu.memref_slice %arg13[%dma_start3A_208] : memref<100352xf32, #tpu.memory_space<vmem_shared>> -> memref<100352xf32, #tpu.memory_space<vmem_shared>>
      tpu.enqueue_indirect_dma source(%arg39 : memref<2048xf32, #tpu.memory_space<vmem>>) target(%dma_start3A_209 : memref<100352xf32, #tpu.memory_space<vmem_shared>>) offsets(%arg24 : memref<2048xi32, #tpu.memory_space<vmem>>) semaphore(%arg45 : memref<!tpu.dma_semaphore, #tpu.memory_space<semaphore_mem>>) {add = true}
      %dma_start3A_210 = arith.constant 0 : i32
      %dma_start3A_211 = tpu.memref_slice %arg14[%dma_start3A_210] : memref<100352xf32, #tpu.memory_space<vmem_shared>> -> memref<100352xf32, #tpu.memory_space<vmem_shared>>
      tpu.enqueue_indirect_dma source(%arg40 : memref<2048xf32, #tpu.memory_space<vmem>>) target(%dma_start3A_211 : memref<100352xf32, #tpu.memory_space<vmem_shared>>) offsets(%arg24 : memref<2048xi32, #tpu.memory_space<vmem>>) semaphore(%arg45 : memref<!tpu.dma_semaphore, #tpu.memory_space<semaphore_mem>>) {add = true}
      %dma_wait3A_212 = arith.constant 0 : i32
      %dma_wait3A_213 = tpu.memref_slice %arg13[%dma_wait3A_212] : memref<100352xf32, #tpu.memory_space<vmem_shared>> -> memref<100352xf32, #tpu.memory_space<vmem_shared>>
      tpu.wait_indirect_dma semaphore(%arg45 : memref<!tpu.dma_semaphore, #tpu.memory_space<semaphore_mem>>) src(%arg39 : memref<2048xf32, #tpu.memory_space<vmem>>) dst(%dma_wait3A_213 : memref<100352xf32, #tpu.memory_space<vmem_shared>>)
      %dma_wait3A_214 = arith.constant 0 : i32
      %dma_wait3A_215 = tpu.memref_slice %arg14[%dma_wait3A_214] : memref<100352xf32, #tpu.memory_space<vmem_shared>> -> memref<100352xf32, #tpu.memory_space<vmem_shared>>
      tpu.wait_indirect_dma semaphore(%arg45 : memref<!tpu.dma_semaphore, #tpu.memory_space<semaphore_mem>>) src(%arg40 : memref<2048xf32, #tpu.memory_space<vmem>>) dst(%dma_wait3A_215 : memref<100352xf32, #tpu.memory_space<vmem_shared>>)
    }
    %dma_wait3A_74 = arith.constant 0 : i32
    %dma_wait3A_75 = tpu.memref_slice %arg15[%dma_wait3A_74] : memref<100352xf32, #tpu.memory_space<vmem_shared>> -> memref<100352xf32, #tpu.memory_space<vmem_shared>>
    tpu.wait_indirect_dma semaphore(%arg43 : memref<!tpu.dma_semaphore, #tpu.memory_space<semaphore_mem>>) src(%dma_wait3A_75 : memref<100352xf32, #tpu.memory_space<vmem_shared>>) dst(%arg29 : memref<2048xf32, #tpu.memory_space<vmem>>)
    %dma_wait3A_76 = arith.constant 0 : i32
    %dma_wait3A_77 = tpu.memref_slice %arg16[%dma_wait3A_76] : memref<100352xf32, #tpu.memory_space<vmem_shared>> -> memref<100352xf32, #tpu.memory_space<vmem_shared>>
    tpu.wait_indirect_dma semaphore(%arg43 : memref<!tpu.dma_semaphore, #tpu.memory_space<semaphore_mem>>) src(%dma_wait3A_77 : memref<100352xf32, #tpu.memory_space<vmem_shared>>) dst(%arg30 : memref<2048xf32, #tpu.memory_space<vmem>>)
    %dma_wait3A_78 = arith.constant 0 : i32
    %dma_wait3A_79 = tpu.memref_slice %arg17[%dma_wait3A_78] : memref<100352xf32, #tpu.memory_space<vmem_shared>> -> memref<100352xf32, #tpu.memory_space<vmem_shared>>
    tpu.wait_indirect_dma semaphore(%arg43 : memref<!tpu.dma_semaphore, #tpu.memory_space<semaphore_mem>>) src(%dma_wait3A_79 : memref<100352xf32, #tpu.memory_space<vmem_shared>>) dst(%arg31 : memref<2048xf32, #tpu.memory_space<vmem>>)
    %dma_wait3A_80 = arith.constant 0 : i32
    %dma_wait3A_81 = tpu.memref_slice %arg18[%dma_wait3A_80] : memref<100352xf32, #tpu.memory_space<vmem_shared>> -> memref<100352xf32, #tpu.memory_space<vmem_shared>>
    tpu.wait_indirect_dma semaphore(%arg43 : memref<!tpu.dma_semaphore, #tpu.memory_space<semaphore_mem>>) src(%dma_wait3A_81 : memref<100352xf32, #tpu.memory_space<vmem_shared>>) dst(%arg32 : memref<2048xf32, #tpu.memory_space<vmem>>)
    %dma_wait3A_82 = arith.constant 0 : i32
    %dma_wait3A_83 = tpu.memref_slice %arg18[%dma_wait3A_82] : memref<100352xf32, #tpu.memory_space<vmem_shared>> -> memref<100352xf32, #tpu.memory_space<vmem_shared>>
    tpu.wait_indirect_dma semaphore(%arg43 : memref<!tpu.dma_semaphore, #tpu.memory_space<semaphore_mem>>) src(%dma_wait3A_83 : memref<100352xf32, #tpu.memory_space<vmem_shared>>) dst(%arg33 : memref<2048xf32, #tpu.memory_space<vmem>>)
    %barrier3A_84 = arith.constant 0 : index
    tpu.barrier barrier_id(%barrier3A_84)
    %mul3A_85 = arith.constant 6272 : i32
    %mul3A_86 = arith.muli %arg1, %mul3A_85 : i32
    "tpu.region"() ({
      %run_scoped3A_88 = tpu.sem_alloc : memref<!tpu.dma_semaphore, #tpu.memory_space<semaphore_mem>>
      %dma_start3A_89 = tpu.memref_slice %arg13[%mul3A_86] : memref<100352xf32, #tpu.memory_space<vmem_shared>> -> memref<6272xf32, #tpu.memory_space<vmem_shared>>
      %dma_start3A_90 = tpu.memref_slice %arg13[%mul3A_86] : memref<100352xf32, #tpu.memory_space<vmem_shared>> -> memref<6272xf32, #tpu.memory_space<vmem_shared>>
      tpu.enqueue_dma source(%dma_start3A_90 : memref<6272xf32, #tpu.memory_space<vmem_shared>>) target(%arg41 : memref<6272xf32, #tpu.memory_space<vmem>>) target_semaphore(%run_scoped3A_88 : memref<!tpu.dma_semaphore, #tpu.memory_space<semaphore_mem>>)
      %dma_wait3A_91 = tpu.memref_slice %arg13[%mul3A_86] : memref<100352xf32, #tpu.memory_space<vmem_shared>> -> memref<6272xf32, #tpu.memory_space<vmem_shared>>
      %dma_wait3A_92 = tpu.memref_slice %arg13[%mul3A_86] : memref<100352xf32, #tpu.memory_space<vmem_shared>> -> memref<6272xf32, #tpu.memory_space<vmem_shared>>
      tpu.wait_dma2 semaphore(%run_scoped3A_88 : memref<!tpu.dma_semaphore, #tpu.memory_space<semaphore_mem>>) src(%dma_wait3A_92 : memref<6272xf32, #tpu.memory_space<vmem_shared>>) dst(%arg41 : memref<6272xf32, #tpu.memory_space<vmem>>)
      tpu.yield
    }) : () -> ()
    %run_scoped3A = arith.constant 0 : i32
    "tpu.region"() ({
      %run_scoped3A_88 = tpu.sem_alloc : memref<!tpu.dma_semaphore, #tpu.memory_space<semaphore_mem>>
      %dma_start3A_89 = tpu.memref_slice %arg12[%arg0, %run_scoped3A, %mul3A_86] : memref<2x2x100352xf32, #tpu.memory_space<hbm>> -> memref<1x1x6272xf32, #tpu.memory_space<hbm>>
      %dma_start3A_90 = tpu.memref_squeeze %dma_start3A_89 : memref<1x1x6272xf32, #tpu.memory_space<hbm>> -> memref<6272xf32, #tpu.memory_space<hbm>>
      %dma_start3A_91 = tpu.memref_slice %arg12[%arg0, %run_scoped3A, %mul3A_86] : memref<2x2x100352xf32, #tpu.memory_space<hbm>> -> memref<1x1x6272xf32, #tpu.memory_space<hbm>>
      %dma_start3A_92 = tpu.memref_squeeze %dma_start3A_91 : memref<1x1x6272xf32, #tpu.memory_space<hbm>> -> memref<6272xf32, #tpu.memory_space<hbm>>
      tpu.enqueue_dma source(%arg41 : memref<6272xf32, #tpu.memory_space<vmem>>) target(%dma_start3A_92 : memref<6272xf32, #tpu.memory_space<hbm>>) target_semaphore(%run_scoped3A_88 : memref<!tpu.dma_semaphore, #tpu.memory_space<semaphore_mem>>)
      %dma_wait3A_93 = tpu.memref_slice %arg12[%arg0, %run_scoped3A, %mul3A_86] : memref<2x2x100352xf32, #tpu.memory_space<hbm>> -> memref<1x1x6272xf32, #tpu.memory_space<hbm>>
      %dma_wait3A_94 = tpu.memref_squeeze %dma_wait3A_93 : memref<1x1x6272xf32, #tpu.memory_space<hbm>> -> memref<6272xf32, #tpu.memory_space<hbm>>
      %dma_wait3A_95 = tpu.memref_slice %arg12[%arg0, %run_scoped3A, %mul3A_86] : memref<2x2x100352xf32, #tpu.memory_space<hbm>> -> memref<1x1x6272xf32, #tpu.memory_space<hbm>>
      %dma_wait3A_96 = tpu.memref_squeeze %dma_wait3A_95 : memref<1x1x6272xf32, #tpu.memory_space<hbm>> -> memref<6272xf32, #tpu.memory_space<hbm>>
      tpu.wait_dma2 semaphore(%run_scoped3A_88 : memref<!tpu.dma_semaphore, #tpu.memory_space<semaphore_mem>>) src(%arg41 : memref<6272xf32, #tpu.memory_space<vmem>>) dst(%dma_wait3A_96 : memref<6272xf32, #tpu.memory_space<hbm>>)
      tpu.yield
    }) : () -> ()
    "tpu.region"() ({
      %run_scoped3A_88 = tpu.sem_alloc : memref<!tpu.dma_semaphore, #tpu.memory_space<semaphore_mem>>
      %dma_start3A_89 = tpu.memref_slice %arg14[%mul3A_86] : memref<100352xf32, #tpu.memory_space<vmem_shared>> -> memref<6272xf32, #tpu.memory_space<vmem_shared>>
      %dma_start3A_90 = tpu.memref_slice %arg14[%mul3A_86] : memref<100352xf32, #tpu.memory_space<vmem_shared>> -> memref<6272xf32, #tpu.memory_space<vmem_shared>>
      tpu.enqueue_dma source(%dma_start3A_90 : memref<6272xf32, #tpu.memory_space<vmem_shared>>) target(%arg41 : memref<6272xf32, #tpu.memory_space<vmem>>) target_semaphore(%run_scoped3A_88 : memref<!tpu.dma_semaphore, #tpu.memory_space<semaphore_mem>>)
      %dma_wait3A_91 = tpu.memref_slice %arg14[%mul3A_86] : memref<100352xf32, #tpu.memory_space<vmem_shared>> -> memref<6272xf32, #tpu.memory_space<vmem_shared>>
      %dma_wait3A_92 = tpu.memref_slice %arg14[%mul3A_86] : memref<100352xf32, #tpu.memory_space<vmem_shared>> -> memref<6272xf32, #tpu.memory_space<vmem_shared>>
      tpu.wait_dma2 semaphore(%run_scoped3A_88 : memref<!tpu.dma_semaphore, #tpu.memory_space<semaphore_mem>>) src(%dma_wait3A_92 : memref<6272xf32, #tpu.memory_space<vmem_shared>>) dst(%arg41 : memref<6272xf32, #tpu.memory_space<vmem>>)
      tpu.yield
    }) : () -> ()
    %run_scoped3A_87 = arith.constant 1 : i32
    "tpu.region"() ({
      %run_scoped3A_88 = tpu.sem_alloc : memref<!tpu.dma_semaphore, #tpu.memory_space<semaphore_mem>>
      %dma_start3A_89 = tpu.memref_slice %arg12[%arg0, %run_scoped3A_87, %mul3A_86] : memref<2x2x100352xf32, #tpu.memory_space<hbm>> -> memref<1x1x6272xf32, #tpu.memory_space<hbm>>
      %dma_start3A_90 = tpu.memref_squeeze %dma_start3A_89 : memref<1x1x6272xf32, #tpu.memory_space<hbm>> -> memref<6272xf32, #tpu.memory_space<hbm>>
      %dma_start3A_91 = tpu.memref_slice %arg12[%arg0, %run_scoped3A_87, %mul3A_86] : memref<2x2x100352xf32, #tpu.memory_space<hbm>> -> memref<1x1x6272xf32, #tpu.memory_space<hbm>>
      %dma_start3A_92 = tpu.memref_squeeze %dma_start3A_91 : memref<1x1x6272xf32, #tpu.memory_space<hbm>> -> memref<6272xf32, #tpu.memory_space<hbm>>
      tpu.enqueue_dma source(%arg41 : memref<6272xf32, #tpu.memory_space<vmem>>) target(%dma_start3A_92 : memref<6272xf32, #tpu.memory_space<hbm>>) target_semaphore(%run_scoped3A_88 : memref<!tpu.dma_semaphore, #tpu.memory_space<semaphore_mem>>)
      %dma_wait3A_93 = tpu.memref_slice %arg12[%arg0, %run_scoped3A_87, %mul3A_86] : memref<2x2x100352xf32, #tpu.memory_space<hbm>> -> memref<1x1x6272xf32, #tpu.memory_space<hbm>>
      %dma_wait3A_94 = tpu.memref_squeeze %dma_wait3A_93 : memref<1x1x6272xf32, #tpu.memory_space<hbm>> -> memref<6272xf32, #tpu.memory_space<hbm>>
      %dma_wait3A_95 = tpu.memref_slice %arg12[%arg0, %run_scoped3A_87, %mul3A_86] : memref<2x2x100352xf32, #tpu.memory_space<hbm>> -> memref<1x1x6272xf32, #tpu.memory_space<hbm>>
      %dma_wait3A_96 = tpu.memref_squeeze %dma_wait3A_95 : memref<1x1x6272xf32, #tpu.memory_space<hbm>> -> memref<6272xf32, #tpu.memory_space<hbm>>
      tpu.wait_dma2 semaphore(%run_scoped3A_88 : memref<!tpu.dma_semaphore, #tpu.memory_space<semaphore_mem>>) src(%arg41 : memref<6272xf32, #tpu.memory_space<vmem>>) dst(%dma_wait3A_96 : memref<6272xf32, #tpu.memory_space<hbm>>)
      tpu.yield
    }) : () -> ()
    return
  }
}

#map = affine_map<(d0, d1) -> (0)>
#map1 = affine_map<(d0, d1) -> (0, 0, 0)>
module attributes {stable_mosaic.version = 14 : i64} {
  func.func @body(%arg0: i32, %arg1: i32, %arg2: memref<3276800xi32, #tpu.memory_space<hbm>>, %arg3: memref<3276800xi32, #tpu.memory_space<hbm>>, %arg4: memref<3276800xf32, #tpu.memory_space<hbm>>, %arg5: memref<3276800xf32, #tpu.memory_space<hbm>>, %arg6: memref<3276800xf32, #tpu.memory_space<hbm>>, %arg7: memref<100352xf32, #tpu.memory_space<hbm>>, %arg8: memref<100352xf32, #tpu.memory_space<hbm>>, %arg9: memref<2x4x100352xf32, #tpu.memory_space<hbm>>, %arg10: memref<100352xf32, #tpu.memory_space<vmem_shared>>, %arg11: memref<100352xf32, #tpu.memory_space<vmem_shared>>, %arg12: memref<100352xf32, #tpu.memory_space<vmem_shared>>, %arg13: memref<100352xf32, #tpu.memory_space<vmem_shared>>, %arg14: memref<2048xi32, #tpu.memory_space<vmem>>, %arg15: memref<2048xi32, #tpu.memory_space<vmem>>, %arg16: memref<2048xf32, #tpu.memory_space<vmem>>, %arg17: memref<2048xf32, #tpu.memory_space<vmem>>, %arg18: memref<2048xf32, #tpu.memory_space<vmem>>, %arg19: memref<2048xi32, #tpu.memory_space<vmem>>, %arg20: memref<2048xi32, #tpu.memory_space<vmem>>, %arg21: memref<2048xf32, #tpu.memory_space<vmem>>, %arg22: memref<2048xf32, #tpu.memory_space<vmem>>, %arg23: memref<2048xf32, #tpu.memory_space<vmem>>, %arg24: memref<2048xf32, #tpu.memory_space<vmem>>, %arg25: memref<2048xf32, #tpu.memory_space<vmem>>, %arg26: memref<2048xf32, #tpu.memory_space<vmem>>, %arg27: memref<2048xf32, #tpu.memory_space<vmem>>, %arg28: memref<2048xf32, #tpu.memory_space<vmem>>, %arg29: memref<6272xf32, #tpu.memory_space<vmem>>, %arg30: memref<!tpu.dma_semaphore, #tpu.memory_space<semaphore_mem>>, %arg31: memref<!tpu.dma_semaphore, #tpu.memory_space<semaphore_mem>>, %arg32: memref<!tpu.dma_semaphore, #tpu.memory_space<semaphore_mem>>, %arg33: memref<!tpu.dma_semaphore, #tpu.memory_space<semaphore_mem>>) attributes {dimension_semantics = [#tpu.dimension_semantics<core_parallel>, #tpu.dimension_semantics<subcore_parallel>], iteration_bounds = array<i64: 2, 16>, scalar_prefetch = 0 : i64, scratch_operands = 24 : i64, tpu.core_type = #tpu.core_type<sc_vector_subcore>, window_params = [{transform_indices = #map}, {transform_indices = #map}, {transform_indices = #map}, {transform_indices = #map}, {transform_indices = #map}, {transform_indices = #map}, {transform_indices = #map}, {transform_indices = #map1}]} {
    %eq3A = arith.constant 0 : i32
    %eq3A_0 = arith.cmpi eq, %arg0, %eq3A : i32
    %jit3A = arith.constant 56 : i32
    %jit3A_1 = arith.constant 44 : i32
    %select_n3A = arith.select %eq3A_0, %jit3A, %jit3A_1 : i32
    %mul3A = arith.constant 1835008 : i32
    %mul3A_2 = arith.muli %arg0, %mul3A : i32
    %mul3A_3 = arith.constant 2048 : i32
    %mul3A_4 = arith.muli %select_n3A, %mul3A_3 : i32
    %mul3A_5 = arith.muli %arg1, %mul3A_4 : i32
    %add3A = arith.addi %mul3A_2, %mul3A_5 : i32
    %mul3A_6 = arith.constant 6272 : i32
    %mul3A_7 = arith.muli %arg1, %mul3A_6 : i32
    "tpu.region"() ({
      %run_scoped3A_73 = tpu.sem_alloc : memref<!tpu.dma_semaphore, #tpu.memory_space<semaphore_mem>>
      %dma_start3A_74 = tpu.memref_slice %arg8[%mul3A_7] : memref<100352xf32, #tpu.memory_space<hbm>> -> memref<6272xf32, #tpu.memory_space<hbm>>
      %dma_start3A_75 = tpu.memref_slice %arg8[%mul3A_7] : memref<100352xf32, #tpu.memory_space<hbm>> -> memref<6272xf32, #tpu.memory_space<hbm>>
      tpu.enqueue_dma source(%dma_start3A_75 : memref<6272xf32, #tpu.memory_space<hbm>>) target(%arg29 : memref<6272xf32, #tpu.memory_space<vmem>>) target_semaphore(%run_scoped3A_73 : memref<!tpu.dma_semaphore, #tpu.memory_space<semaphore_mem>>)
      %dma_wait3A_76 = tpu.memref_slice %arg8[%mul3A_7] : memref<100352xf32, #tpu.memory_space<hbm>> -> memref<6272xf32, #tpu.memory_space<hbm>>
      %dma_wait3A_77 = tpu.memref_slice %arg8[%mul3A_7] : memref<100352xf32, #tpu.memory_space<hbm>> -> memref<6272xf32, #tpu.memory_space<hbm>>
      tpu.wait_dma2 semaphore(%run_scoped3A_73 : memref<!tpu.dma_semaphore, #tpu.memory_space<semaphore_mem>>) src(%dma_wait3A_77 : memref<6272xf32, #tpu.memory_space<hbm>>) dst(%arg29 : memref<6272xf32, #tpu.memory_space<vmem>>)
      tpu.yield
    }) : () -> ()
    "tpu.region"() ({
      %run_scoped3A_73 = tpu.sem_alloc : memref<!tpu.dma_semaphore, #tpu.memory_space<semaphore_mem>>
      %dma_start3A_74 = tpu.memref_slice %arg10[%mul3A_7] : memref<100352xf32, #tpu.memory_space<vmem_shared>> -> memref<6272xf32, #tpu.memory_space<vmem_shared>>
      %dma_start3A_75 = tpu.memref_slice %arg10[%mul3A_7] : memref<100352xf32, #tpu.memory_space<vmem_shared>> -> memref<6272xf32, #tpu.memory_space<vmem_shared>>
      tpu.enqueue_dma source(%arg29 : memref<6272xf32, #tpu.memory_space<vmem>>) target(%dma_start3A_75 : memref<6272xf32, #tpu.memory_space<vmem_shared>>) target_semaphore(%run_scoped3A_73 : memref<!tpu.dma_semaphore, #tpu.memory_space<semaphore_mem>>)
      %dma_wait3A_76 = tpu.memref_slice %arg10[%mul3A_7] : memref<100352xf32, #tpu.memory_space<vmem_shared>> -> memref<6272xf32, #tpu.memory_space<vmem_shared>>
      %dma_wait3A_77 = tpu.memref_slice %arg10[%mul3A_7] : memref<100352xf32, #tpu.memory_space<vmem_shared>> -> memref<6272xf32, #tpu.memory_space<vmem_shared>>
      tpu.wait_dma2 semaphore(%run_scoped3A_73 : memref<!tpu.dma_semaphore, #tpu.memory_space<semaphore_mem>>) src(%arg29 : memref<6272xf32, #tpu.memory_space<vmem>>) dst(%dma_wait3A_77 : memref<6272xf32, #tpu.memory_space<vmem_shared>>)
      tpu.yield
    }) : () -> ()
    "tpu.region"() ({
      %run_scoped3A_73 = tpu.sem_alloc : memref<!tpu.dma_semaphore, #tpu.memory_space<semaphore_mem>>
      %dma_start3A_74 = tpu.memref_slice %arg8[%mul3A_7] : memref<100352xf32, #tpu.memory_space<hbm>> -> memref<6272xf32, #tpu.memory_space<hbm>>
      %dma_start3A_75 = tpu.memref_slice %arg8[%mul3A_7] : memref<100352xf32, #tpu.memory_space<hbm>> -> memref<6272xf32, #tpu.memory_space<hbm>>
      tpu.enqueue_dma source(%dma_start3A_75 : memref<6272xf32, #tpu.memory_space<hbm>>) target(%arg29 : memref<6272xf32, #tpu.memory_space<vmem>>) target_semaphore(%run_scoped3A_73 : memref<!tpu.dma_semaphore, #tpu.memory_space<semaphore_mem>>)
      %dma_wait3A_76 = tpu.memref_slice %arg8[%mul3A_7] : memref<100352xf32, #tpu.memory_space<hbm>> -> memref<6272xf32, #tpu.memory_space<hbm>>
      %dma_wait3A_77 = tpu.memref_slice %arg8[%mul3A_7] : memref<100352xf32, #tpu.memory_space<hbm>> -> memref<6272xf32, #tpu.memory_space<hbm>>
      tpu.wait_dma2 semaphore(%run_scoped3A_73 : memref<!tpu.dma_semaphore, #tpu.memory_space<semaphore_mem>>) src(%dma_wait3A_77 : memref<6272xf32, #tpu.memory_space<hbm>>) dst(%arg29 : memref<6272xf32, #tpu.memory_space<vmem>>)
      tpu.yield
    }) : () -> ()
    "tpu.region"() ({
      %run_scoped3A_73 = tpu.sem_alloc : memref<!tpu.dma_semaphore, #tpu.memory_space<semaphore_mem>>
      %dma_start3A_74 = tpu.memref_slice %arg11[%mul3A_7] : memref<100352xf32, #tpu.memory_space<vmem_shared>> -> memref<6272xf32, #tpu.memory_space<vmem_shared>>
      %dma_start3A_75 = tpu.memref_slice %arg11[%mul3A_7] : memref<100352xf32, #tpu.memory_space<vmem_shared>> -> memref<6272xf32, #tpu.memory_space<vmem_shared>>
      tpu.enqueue_dma source(%arg29 : memref<6272xf32, #tpu.memory_space<vmem>>) target(%dma_start3A_75 : memref<6272xf32, #tpu.memory_space<vmem_shared>>) target_semaphore(%run_scoped3A_73 : memref<!tpu.dma_semaphore, #tpu.memory_space<semaphore_mem>>)
      %dma_wait3A_76 = tpu.memref_slice %arg11[%mul3A_7] : memref<100352xf32, #tpu.memory_space<vmem_shared>> -> memref<6272xf32, #tpu.memory_space<vmem_shared>>
      %dma_wait3A_77 = tpu.memref_slice %arg11[%mul3A_7] : memref<100352xf32, #tpu.memory_space<vmem_shared>> -> memref<6272xf32, #tpu.memory_space<vmem_shared>>
      tpu.wait_dma2 semaphore(%run_scoped3A_73 : memref<!tpu.dma_semaphore, #tpu.memory_space<semaphore_mem>>) src(%arg29 : memref<6272xf32, #tpu.memory_space<vmem>>) dst(%dma_wait3A_77 : memref<6272xf32, #tpu.memory_space<vmem_shared>>)
      tpu.yield
    }) : () -> ()
    "tpu.region"() ({
      %run_scoped3A_73 = tpu.sem_alloc : memref<!tpu.dma_semaphore, #tpu.memory_space<semaphore_mem>>
      %dma_start3A_74 = tpu.memref_slice %arg8[%mul3A_7] : memref<100352xf32, #tpu.memory_space<hbm>> -> memref<6272xf32, #tpu.memory_space<hbm>>
      %dma_start3A_75 = tpu.memref_slice %arg8[%mul3A_7] : memref<100352xf32, #tpu.memory_space<hbm>> -> memref<6272xf32, #tpu.memory_space<hbm>>
      tpu.enqueue_dma source(%dma_start3A_75 : memref<6272xf32, #tpu.memory_space<hbm>>) target(%arg29 : memref<6272xf32, #tpu.memory_space<vmem>>) target_semaphore(%run_scoped3A_73 : memref<!tpu.dma_semaphore, #tpu.memory_space<semaphore_mem>>)
      %dma_wait3A_76 = tpu.memref_slice %arg8[%mul3A_7] : memref<100352xf32, #tpu.memory_space<hbm>> -> memref<6272xf32, #tpu.memory_space<hbm>>
      %dma_wait3A_77 = tpu.memref_slice %arg8[%mul3A_7] : memref<100352xf32, #tpu.memory_space<hbm>> -> memref<6272xf32, #tpu.memory_space<hbm>>
      tpu.wait_dma2 semaphore(%run_scoped3A_73 : memref<!tpu.dma_semaphore, #tpu.memory_space<semaphore_mem>>) src(%dma_wait3A_77 : memref<6272xf32, #tpu.memory_space<hbm>>) dst(%arg29 : memref<6272xf32, #tpu.memory_space<vmem>>)
      tpu.yield
    }) : () -> ()
    "tpu.region"() ({
      %run_scoped3A_73 = tpu.sem_alloc : memref<!tpu.dma_semaphore, #tpu.memory_space<semaphore_mem>>
      %dma_start3A_74 = tpu.memref_slice %arg12[%mul3A_7] : memref<100352xf32, #tpu.memory_space<vmem_shared>> -> memref<6272xf32, #tpu.memory_space<vmem_shared>>
      %dma_start3A_75 = tpu.memref_slice %arg12[%mul3A_7] : memref<100352xf32, #tpu.memory_space<vmem_shared>> -> memref<6272xf32, #tpu.memory_space<vmem_shared>>
      tpu.enqueue_dma source(%arg29 : memref<6272xf32, #tpu.memory_space<vmem>>) target(%dma_start3A_75 : memref<6272xf32, #tpu.memory_space<vmem_shared>>) target_semaphore(%run_scoped3A_73 : memref<!tpu.dma_semaphore, #tpu.memory_space<semaphore_mem>>)
      %dma_wait3A_76 = tpu.memref_slice %arg12[%mul3A_7] : memref<100352xf32, #tpu.memory_space<vmem_shared>> -> memref<6272xf32, #tpu.memory_space<vmem_shared>>
      %dma_wait3A_77 = tpu.memref_slice %arg12[%mul3A_7] : memref<100352xf32, #tpu.memory_space<vmem_shared>> -> memref<6272xf32, #tpu.memory_space<vmem_shared>>
      tpu.wait_dma2 semaphore(%run_scoped3A_73 : memref<!tpu.dma_semaphore, #tpu.memory_space<semaphore_mem>>) src(%arg29 : memref<6272xf32, #tpu.memory_space<vmem>>) dst(%dma_wait3A_77 : memref<6272xf32, #tpu.memory_space<vmem_shared>>)
      tpu.yield
    }) : () -> ()
    %mul3A_8 = arith.constant 6272 : i32
    %mul3A_9 = arith.muli %arg1, %mul3A_8 : i32
    "tpu.region"() ({
      %run_scoped3A_73 = tpu.sem_alloc : memref<!tpu.dma_semaphore, #tpu.memory_space<semaphore_mem>>
      %dma_start3A_74 = tpu.memref_slice %arg7[%mul3A_9] : memref<100352xf32, #tpu.memory_space<hbm>> -> memref<6272xf32, #tpu.memory_space<hbm>>
      %dma_start3A_75 = tpu.memref_slice %arg7[%mul3A_9] : memref<100352xf32, #tpu.memory_space<hbm>> -> memref<6272xf32, #tpu.memory_space<hbm>>
      tpu.enqueue_dma source(%dma_start3A_75 : memref<6272xf32, #tpu.memory_space<hbm>>) target(%arg29 : memref<6272xf32, #tpu.memory_space<vmem>>) target_semaphore(%run_scoped3A_73 : memref<!tpu.dma_semaphore, #tpu.memory_space<semaphore_mem>>)
      %dma_wait3A_76 = tpu.memref_slice %arg7[%mul3A_9] : memref<100352xf32, #tpu.memory_space<hbm>> -> memref<6272xf32, #tpu.memory_space<hbm>>
      %dma_wait3A_77 = tpu.memref_slice %arg7[%mul3A_9] : memref<100352xf32, #tpu.memory_space<hbm>> -> memref<6272xf32, #tpu.memory_space<hbm>>
      tpu.wait_dma2 semaphore(%run_scoped3A_73 : memref<!tpu.dma_semaphore, #tpu.memory_space<semaphore_mem>>) src(%dma_wait3A_77 : memref<6272xf32, #tpu.memory_space<hbm>>) dst(%arg29 : memref<6272xf32, #tpu.memory_space<vmem>>)
      tpu.yield
    }) : () -> ()
    "tpu.region"() ({
      %run_scoped3A_73 = tpu.sem_alloc : memref<!tpu.dma_semaphore, #tpu.memory_space<semaphore_mem>>
      %dma_start3A_74 = tpu.memref_slice %arg13[%mul3A_9] : memref<100352xf32, #tpu.memory_space<vmem_shared>> -> memref<6272xf32, #tpu.memory_space<vmem_shared>>
      %dma_start3A_75 = tpu.memref_slice %arg13[%mul3A_9] : memref<100352xf32, #tpu.memory_space<vmem_shared>> -> memref<6272xf32, #tpu.memory_space<vmem_shared>>
      tpu.enqueue_dma source(%arg29 : memref<6272xf32, #tpu.memory_space<vmem>>) target(%dma_start3A_75 : memref<6272xf32, #tpu.memory_space<vmem_shared>>) target_semaphore(%run_scoped3A_73 : memref<!tpu.dma_semaphore, #tpu.memory_space<semaphore_mem>>)
      %dma_wait3A_76 = tpu.memref_slice %arg13[%mul3A_9] : memref<100352xf32, #tpu.memory_space<vmem_shared>> -> memref<6272xf32, #tpu.memory_space<vmem_shared>>
      %dma_wait3A_77 = tpu.memref_slice %arg13[%mul3A_9] : memref<100352xf32, #tpu.memory_space<vmem_shared>> -> memref<6272xf32, #tpu.memory_space<vmem_shared>>
      tpu.wait_dma2 semaphore(%run_scoped3A_73 : memref<!tpu.dma_semaphore, #tpu.memory_space<semaphore_mem>>) src(%arg29 : memref<6272xf32, #tpu.memory_space<vmem>>) dst(%dma_wait3A_77 : memref<6272xf32, #tpu.memory_space<vmem_shared>>)
      tpu.yield
    }) : () -> ()
    %barrier3A = arith.constant 0 : index
    tpu.barrier barrier_id(%barrier3A)
    %dma_start3A = tpu.memref_slice %arg2[%add3A] : memref<3276800xi32, #tpu.memory_space<hbm>> -> memref<2048xi32, #tpu.memory_space<hbm>>
    %dma_start3A_10 = tpu.memref_slice %arg2[%add3A] : memref<3276800xi32, #tpu.memory_space<hbm>> -> memref<2048xi32, #tpu.memory_space<hbm>>
    tpu.enqueue_dma source(%dma_start3A_10 : memref<2048xi32, #tpu.memory_space<hbm>>) target(%arg14 : memref<2048xi32, #tpu.memory_space<vmem>>) target_semaphore(%arg30 : memref<!tpu.dma_semaphore, #tpu.memory_space<semaphore_mem>>)
    %dma_start3A_11 = tpu.memref_slice %arg3[%add3A] : memref<3276800xi32, #tpu.memory_space<hbm>> -> memref<2048xi32, #tpu.memory_space<hbm>>
    %dma_start3A_12 = tpu.memref_slice %arg3[%add3A] : memref<3276800xi32, #tpu.memory_space<hbm>> -> memref<2048xi32, #tpu.memory_space<hbm>>
    tpu.enqueue_dma source(%dma_start3A_12 : memref<2048xi32, #tpu.memory_space<hbm>>) target(%arg15 : memref<2048xi32, #tpu.memory_space<vmem>>) target_semaphore(%arg30 : memref<!tpu.dma_semaphore, #tpu.memory_space<semaphore_mem>>)
    %dma_start3A_13 = tpu.memref_slice %arg4[%add3A] : memref<3276800xf32, #tpu.memory_space<hbm>> -> memref<2048xf32, #tpu.memory_space<hbm>>
    %dma_start3A_14 = tpu.memref_slice %arg4[%add3A] : memref<3276800xf32, #tpu.memory_space<hbm>> -> memref<2048xf32, #tpu.memory_space<hbm>>
    tpu.enqueue_dma source(%dma_start3A_14 : memref<2048xf32, #tpu.memory_space<hbm>>) target(%arg16 : memref<2048xf32, #tpu.memory_space<vmem>>) target_semaphore(%arg30 : memref<!tpu.dma_semaphore, #tpu.memory_space<semaphore_mem>>)
    %dma_start3A_15 = tpu.memref_slice %arg5[%add3A] : memref<3276800xf32, #tpu.memory_space<hbm>> -> memref<2048xf32, #tpu.memory_space<hbm>>
    %dma_start3A_16 = tpu.memref_slice %arg5[%add3A] : memref<3276800xf32, #tpu.memory_space<hbm>> -> memref<2048xf32, #tpu.memory_space<hbm>>
    tpu.enqueue_dma source(%dma_start3A_16 : memref<2048xf32, #tpu.memory_space<hbm>>) target(%arg17 : memref<2048xf32, #tpu.memory_space<vmem>>) target_semaphore(%arg30 : memref<!tpu.dma_semaphore, #tpu.memory_space<semaphore_mem>>)
    %dma_start3A_17 = tpu.memref_slice %arg6[%add3A] : memref<3276800xf32, #tpu.memory_space<hbm>> -> memref<2048xf32, #tpu.memory_space<hbm>>
    %dma_start3A_18 = tpu.memref_slice %arg6[%add3A] : memref<3276800xf32, #tpu.memory_space<hbm>> -> memref<2048xf32, #tpu.memory_space<hbm>>
    tpu.enqueue_dma source(%dma_start3A_18 : memref<2048xf32, #tpu.memory_space<hbm>>) target(%arg18 : memref<2048xf32, #tpu.memory_space<vmem>>) target_semaphore(%arg30 : memref<!tpu.dma_semaphore, #tpu.memory_space<semaphore_mem>>)
    %dma_wait3A = tpu.memref_slice %arg2[%add3A] : memref<3276800xi32, #tpu.memory_space<hbm>> -> memref<2048xi32, #tpu.memory_space<hbm>>
    %dma_wait3A_19 = tpu.memref_slice %arg2[%add3A] : memref<3276800xi32, #tpu.memory_space<hbm>> -> memref<2048xi32, #tpu.memory_space<hbm>>
    tpu.wait_dma2 semaphore(%arg30 : memref<!tpu.dma_semaphore, #tpu.memory_space<semaphore_mem>>) src(%dma_wait3A_19 : memref<2048xi32, #tpu.memory_space<hbm>>) dst(%arg14 : memref<2048xi32, #tpu.memory_space<vmem>>)
    %dma_wait3A_20 = tpu.memref_slice %arg3[%add3A] : memref<3276800xi32, #tpu.memory_space<hbm>> -> memref<2048xi32, #tpu.memory_space<hbm>>
    %dma_wait3A_21 = tpu.memref_slice %arg3[%add3A] : memref<3276800xi32, #tpu.memory_space<hbm>> -> memref<2048xi32, #tpu.memory_space<hbm>>
    tpu.wait_dma2 semaphore(%arg30 : memref<!tpu.dma_semaphore, #tpu.memory_space<semaphore_mem>>) src(%dma_wait3A_21 : memref<2048xi32, #tpu.memory_space<hbm>>) dst(%arg15 : memref<2048xi32, #tpu.memory_space<vmem>>)
    %dma_wait3A_22 = tpu.memref_slice %arg4[%add3A] : memref<3276800xf32, #tpu.memory_space<hbm>> -> memref<2048xf32, #tpu.memory_space<hbm>>
    %dma_wait3A_23 = tpu.memref_slice %arg4[%add3A] : memref<3276800xf32, #tpu.memory_space<hbm>> -> memref<2048xf32, #tpu.memory_space<hbm>>
    tpu.wait_dma2 semaphore(%arg30 : memref<!tpu.dma_semaphore, #tpu.memory_space<semaphore_mem>>) src(%dma_wait3A_23 : memref<2048xf32, #tpu.memory_space<hbm>>) dst(%arg16 : memref<2048xf32, #tpu.memory_space<vmem>>)
    %dma_wait3A_24 = tpu.memref_slice %arg5[%add3A] : memref<3276800xf32, #tpu.memory_space<hbm>> -> memref<2048xf32, #tpu.memory_space<hbm>>
    %dma_wait3A_25 = tpu.memref_slice %arg5[%add3A] : memref<3276800xf32, #tpu.memory_space<hbm>> -> memref<2048xf32, #tpu.memory_space<hbm>>
    tpu.wait_dma2 semaphore(%arg30 : memref<!tpu.dma_semaphore, #tpu.memory_space<semaphore_mem>>) src(%dma_wait3A_25 : memref<2048xf32, #tpu.memory_space<hbm>>) dst(%arg17 : memref<2048xf32, #tpu.memory_space<vmem>>)
    %dma_wait3A_26 = tpu.memref_slice %arg6[%add3A] : memref<3276800xf32, #tpu.memory_space<hbm>> -> memref<2048xf32, #tpu.memory_space<hbm>>
    %dma_wait3A_27 = tpu.memref_slice %arg6[%add3A] : memref<3276800xf32, #tpu.memory_space<hbm>> -> memref<2048xf32, #tpu.memory_space<hbm>>
    tpu.wait_dma2 semaphore(%arg30 : memref<!tpu.dma_semaphore, #tpu.memory_space<semaphore_mem>>) src(%dma_wait3A_27 : memref<2048xf32, #tpu.memory_space<hbm>>) dst(%arg18 : memref<2048xf32, #tpu.memory_space<vmem>>)
    %dma_start3A_28 = arith.constant 0 : i32
    %dma_start3A_29 = tpu.memref_slice %arg13[%dma_start3A_28] : memref<100352xf32, #tpu.memory_space<vmem_shared>> -> memref<100352xf32, #tpu.memory_space<vmem_shared>>
    tpu.enqueue_indirect_dma source(%dma_start3A_29 : memref<100352xf32, #tpu.memory_space<vmem_shared>>) target(%arg24 : memref<2048xf32, #tpu.memory_space<vmem>>) offsets(%arg15 : memref<2048xi32, #tpu.memory_space<vmem>>) semaphore(%arg31 : memref<!tpu.dma_semaphore, #tpu.memory_space<semaphore_mem>>)
    %jit3A_30 = arith.constant 2 : i32
    %div3A = arith.divsi %select_n3A, %jit3A_30 : i32
    %sign3A = arith.constant 0 : i32
    %sign3A_31 = arith.cmpi sgt, %select_n3A, %sign3A : i32
    %sign3A_32 = arith.extui %sign3A_31 : i1 to i32
    %sign3A_33 = arith.constant 0 : i32
    %sign3A_34 = arith.cmpi slt, %select_n3A, %sign3A_33 : i32
    %sign3A_35 = arith.extui %sign3A_34 : i1 to i32
    %sign3A_36 = arith.subi %sign3A_32, %sign3A_35 : i32
    %sign3A_37 = arith.constant 0 : i32
    %sign3A_38 = arith.cmpi sgt, %jit3A_30, %sign3A_37 : i32
    %sign3A_39 = arith.extui %sign3A_38 : i1 to i32
    %sign3A_40 = arith.constant 0 : i32
    %sign3A_41 = arith.cmpi slt, %jit3A_30, %sign3A_40 : i32
    %sign3A_42 = arith.extui %sign3A_41 : i1 to i32
    %sign3A_43 = arith.subi %sign3A_39, %sign3A_42 : i32
    %ne3A = arith.cmpi ne, %sign3A_36, %sign3A_43 : i32
    %rem3A = arith.remsi %select_n3A, %jit3A_30 : i32
    %ne3A_44 = arith.constant 0 : i32
    %ne3A_45 = arith.cmpi ne, %rem3A, %ne3A_44 : i32
    %and3A = arith.andi %ne3A, %ne3A_45 : i1
    %sub3A = arith.constant 1 : i32
    %sub3A_46 = arith.subi %div3A, %sub3A : i32
    %select_n3A_47 = arith.select %and3A, %sub3A_46, %div3A : i32
    %sub3A_48 = arith.constant 0 : i32
    %sub3A_49 = arith.subi %select_n3A_47, %sub3A_48 : i32
    %sub3A_50 = arith.constant 1 : i32
    %sub3A_51 = arith.constant 1 : i32
    %sub3A_52 = arith.subi %sub3A_50, %sub3A_51 : i32
    %add3A_53 = arith.addi %sub3A_49, %sub3A_52 : i32
    %div3A_54 = arith.constant 1 : i32
    %div3A_55 = arith.divsi %add3A_53, %div3A_54 : i32
    %while3A = arith.constant 1 : i32
    %while3A_56 = arith.constant 0 : i32
    %while3A_57 = arith.constant 0 : i32
    %while3A_58 = arith.subi %div3A_55, %while3A_57 : i32
    %while3A_59 = arith.addi %while3A_57, %while3A_58 : i32
    %while3A_60 = arith.constant 1 : i32
    %while3A_61 = arith.divsi %while3A_58, %while3A_60 : i32
    %while3A_62 = arith.muli %while3A_61, %while3A_60 : i32
    %while3A_63 = arith.addi %while3A_57, %while3A_62 : i32
    %while3A_64 = arith.constant 1 : i32
    scf.for %while3A_73 = %while3A_57 to %while3A_63 step %while3A_64  : i32 {
      %mul3A_74 = arith.muli %while3A_73, %while3A : i32
      %add3A_75 = arith.addi %while3A_56, %mul3A_74 : i32
      %mul3A_76 = arith.constant 2 : i32
      %mul3A_77 = arith.muli %mul3A_76, %add3A_75 : i32
      %add3A_78 = arith.constant 1 : i32
      %add3A_79 = arith.addi %mul3A_77, %add3A_78 : i32
      %eq3A_80 = arith.cmpi eq, %add3A_79, %select_n3A : i32
      %mul3A_81 = arith.constant 2048 : i32
      %mul3A_82 = arith.muli %add3A_79, %mul3A_81 : i32
      %add3A_83 = arith.addi %add3A, %mul3A_82 : i32
      %select_n3A_84 = arith.select %eq3A_80, %add3A, %add3A_83 : i32
      %dma_start3A_85 = tpu.memref_slice %arg2[%select_n3A_84] : memref<3276800xi32, #tpu.memory_space<hbm>> -> memref<2048xi32, #tpu.memory_space<hbm>>
      %dma_start3A_86 = tpu.memref_slice %arg2[%select_n3A_84] : memref<3276800xi32, #tpu.memory_space<hbm>> -> memref<2048xi32, #tpu.memory_space<hbm>>
      tpu.enqueue_dma source(%dma_start3A_86 : memref<2048xi32, #tpu.memory_space<hbm>>) target(%arg19 : memref<2048xi32, #tpu.memory_space<vmem>>) target_semaphore(%arg30 : memref<!tpu.dma_semaphore, #tpu.memory_space<semaphore_mem>>)
      %dma_start3A_87 = tpu.memref_slice %arg3[%select_n3A_84] : memref<3276800xi32, #tpu.memory_space<hbm>> -> memref<2048xi32, #tpu.memory_space<hbm>>
      %dma_start3A_88 = tpu.memref_slice %arg3[%select_n3A_84] : memref<3276800xi32, #tpu.memory_space<hbm>> -> memref<2048xi32, #tpu.memory_space<hbm>>
      tpu.enqueue_dma source(%dma_start3A_88 : memref<2048xi32, #tpu.memory_space<hbm>>) target(%arg20 : memref<2048xi32, #tpu.memory_space<vmem>>) target_semaphore(%arg30 : memref<!tpu.dma_semaphore, #tpu.memory_space<semaphore_mem>>)
      %dma_start3A_89 = tpu.memref_slice %arg4[%select_n3A_84] : memref<3276800xf32, #tpu.memory_space<hbm>> -> memref<2048xf32, #tpu.memory_space<hbm>>
      %dma_start3A_90 = tpu.memref_slice %arg4[%select_n3A_84] : memref<3276800xf32, #tpu.memory_space<hbm>> -> memref<2048xf32, #tpu.memory_space<hbm>>
      tpu.enqueue_dma source(%dma_start3A_90 : memref<2048xf32, #tpu.memory_space<hbm>>) target(%arg21 : memref<2048xf32, #tpu.memory_space<vmem>>) target_semaphore(%arg30 : memref<!tpu.dma_semaphore, #tpu.memory_space<semaphore_mem>>)
      %dma_start3A_91 = tpu.memref_slice %arg5[%select_n3A_84] : memref<3276800xf32, #tpu.memory_space<hbm>> -> memref<2048xf32, #tpu.memory_space<hbm>>
      %dma_start3A_92 = tpu.memref_slice %arg5[%select_n3A_84] : memref<3276800xf32, #tpu.memory_space<hbm>> -> memref<2048xf32, #tpu.memory_space<hbm>>
      tpu.enqueue_dma source(%dma_start3A_92 : memref<2048xf32, #tpu.memory_space<hbm>>) target(%arg22 : memref<2048xf32, #tpu.memory_space<vmem>>) target_semaphore(%arg30 : memref<!tpu.dma_semaphore, #tpu.memory_space<semaphore_mem>>)
      %dma_start3A_93 = tpu.memref_slice %arg6[%select_n3A_84] : memref<3276800xf32, #tpu.memory_space<hbm>> -> memref<2048xf32, #tpu.memory_space<hbm>>
      %dma_start3A_94 = tpu.memref_slice %arg6[%select_n3A_84] : memref<3276800xf32, #tpu.memory_space<hbm>> -> memref<2048xf32, #tpu.memory_space<hbm>>
      tpu.enqueue_dma source(%dma_start3A_94 : memref<2048xf32, #tpu.memory_space<hbm>>) target(%arg23 : memref<2048xf32, #tpu.memory_space<vmem>>) target_semaphore(%arg30 : memref<!tpu.dma_semaphore, #tpu.memory_space<semaphore_mem>>)
      %dma_wait3A_95 = tpu.memref_slice %arg2[%select_n3A_84] : memref<3276800xi32, #tpu.memory_space<hbm>> -> memref<2048xi32, #tpu.memory_space<hbm>>
      %dma_wait3A_96 = tpu.memref_slice %arg2[%select_n3A_84] : memref<3276800xi32, #tpu.memory_space<hbm>> -> memref<2048xi32, #tpu.memory_space<hbm>>
      tpu.wait_dma2 semaphore(%arg30 : memref<!tpu.dma_semaphore, #tpu.memory_space<semaphore_mem>>) src(%dma_wait3A_96 : memref<2048xi32, #tpu.memory_space<hbm>>) dst(%arg19 : memref<2048xi32, #tpu.memory_space<vmem>>)
      %dma_wait3A_97 = tpu.memref_slice %arg3[%select_n3A_84] : memref<3276800xi32, #tpu.memory_space<hbm>> -> memref<2048xi32, #tpu.memory_space<hbm>>
      %dma_wait3A_98 = tpu.memref_slice %arg3[%select_n3A_84] : memref<3276800xi32, #tpu.memory_space<hbm>> -> memref<2048xi32, #tpu.memory_space<hbm>>
      tpu.wait_dma2 semaphore(%arg30 : memref<!tpu.dma_semaphore, #tpu.memory_space<semaphore_mem>>) src(%dma_wait3A_98 : memref<2048xi32, #tpu.memory_space<hbm>>) dst(%arg20 : memref<2048xi32, #tpu.memory_space<vmem>>)
      %dma_wait3A_99 = tpu.memref_slice %arg4[%select_n3A_84] : memref<3276800xf32, #tpu.memory_space<hbm>> -> memref<2048xf32, #tpu.memory_space<hbm>>
      %dma_wait3A_100 = tpu.memref_slice %arg4[%select_n3A_84] : memref<3276800xf32, #tpu.memory_space<hbm>> -> memref<2048xf32, #tpu.memory_space<hbm>>
      tpu.wait_dma2 semaphore(%arg30 : memref<!tpu.dma_semaphore, #tpu.memory_space<semaphore_mem>>) src(%dma_wait3A_100 : memref<2048xf32, #tpu.memory_space<hbm>>) dst(%arg21 : memref<2048xf32, #tpu.memory_space<vmem>>)
      %dma_wait3A_101 = tpu.memref_slice %arg5[%select_n3A_84] : memref<3276800xf32, #tpu.memory_space<hbm>> -> memref<2048xf32, #tpu.memory_space<hbm>>
      %dma_wait3A_102 = tpu.memref_slice %arg5[%select_n3A_84] : memref<3276800xf32, #tpu.memory_space<hbm>> -> memref<2048xf32, #tpu.memory_space<hbm>>
      tpu.wait_dma2 semaphore(%arg30 : memref<!tpu.dma_semaphore, #tpu.memory_space<semaphore_mem>>) src(%dma_wait3A_102 : memref<2048xf32, #tpu.memory_space<hbm>>) dst(%arg22 : memref<2048xf32, #tpu.memory_space<vmem>>)
      %dma_wait3A_103 = tpu.memref_slice %arg6[%select_n3A_84] : memref<3276800xf32, #tpu.memory_space<hbm>> -> memref<2048xf32, #tpu.memory_space<hbm>>
      %dma_wait3A_104 = tpu.memref_slice %arg6[%select_n3A_84] : memref<3276800xf32, #tpu.memory_space<hbm>> -> memref<2048xf32, #tpu.memory_space<hbm>>
      tpu.wait_dma2 semaphore(%arg30 : memref<!tpu.dma_semaphore, #tpu.memory_space<semaphore_mem>>) src(%dma_wait3A_104 : memref<2048xf32, #tpu.memory_space<hbm>>) dst(%arg23 : memref<2048xf32, #tpu.memory_space<vmem>>)
      %dma_start3A_105 = arith.constant 0 : i32
      %dma_start3A_106 = tpu.memref_slice %arg13[%dma_start3A_105] : memref<100352xf32, #tpu.memory_space<vmem_shared>> -> memref<100352xf32, #tpu.memory_space<vmem_shared>>
      tpu.enqueue_indirect_dma source(%dma_start3A_106 : memref<100352xf32, #tpu.memory_space<vmem_shared>>) target(%arg25 : memref<2048xf32, #tpu.memory_space<vmem>>) offsets(%arg20 : memref<2048xi32, #tpu.memory_space<vmem>>) semaphore(%arg32 : memref<!tpu.dma_semaphore, #tpu.memory_space<semaphore_mem>>)
      %dma_wait3A_107 = arith.constant 0 : i32
      %dma_wait3A_108 = tpu.memref_slice %arg13[%dma_wait3A_107] : memref<100352xf32, #tpu.memory_space<vmem_shared>> -> memref<100352xf32, #tpu.memory_space<vmem_shared>>
      tpu.wait_indirect_dma semaphore(%arg31 : memref<!tpu.dma_semaphore, #tpu.memory_space<semaphore_mem>>) src(%dma_wait3A_108 : memref<100352xf32, #tpu.memory_space<vmem_shared>>) dst(%arg24 : memref<2048xf32, #tpu.memory_space<vmem>>)
      %scan3A = arith.constant 0 : i32
      %scan3A_109 = arith.constant 128 : i32
      %scan3A_110 = arith.addi %scan3A, %scan3A_109 : i32
      %scan3A_111 = arith.constant 1 : i32
      scf.for %scan3A_177 = %scan3A to %scan3A_110 step %scan3A_111  : i32 {
        %mul3A_178 = arith.constant 1 : i32
        %mul3A_179 = arith.muli %scan3A_177, %mul3A_178 : i32
        %add3A_180 = arith.constant 0 : i32
        %add3A_181 = arith.addi %add3A_180, %mul3A_179 : i32
        %mul3A_182 = arith.constant 16 : i32
        %mul3A_183 = arith.muli %add3A_181, %mul3A_182 : i32
        %get3A = arith.index_cast %mul3A_183 : i32 to index
        %get3A_184 = tpu.vector_load %arg16[%get3A] {strides = array<i32>} : memref<2048xf32, #tpu.memory_space<vmem>>, vector<16xf32>,
        %get3A_185 = vector.shape_cast %get3A_184 : vector<16xf32> to vector<16xf32>
        %get3A_186 = arith.index_cast %mul3A_183 : i32 to index
        %get3A_187 = tpu.vector_load %arg17[%get3A_186] {strides = array<i32>} : memref<2048xf32, #tpu.memory_space<vmem>>, vector<16xf32>,
        %get3A_188 = vector.shape_cast %get3A_187 : vector<16xf32> to vector<16xf32>
        %get3A_189 = arith.index_cast %mul3A_183 : i32 to index
        %get3A_190 = tpu.vector_load %arg18[%get3A_189] {strides = array<i32>} : memref<2048xf32, #tpu.memory_space<vmem>>, vector<16xf32>,
        %get3A_191 = vector.shape_cast %get3A_190 : vector<16xf32> to vector<16xf32>
        %jit3A_192 = arith.constant 0.000000e+00 : f32
        %jit3A_193 = arith.constant 1.000000e+00 : f32
        %max3A = vector.broadcast %jit3A_192 : f32 to vector<16xf32>
        %max3A_194 = arith.maximumf %max3A, %get3A_191 : vector<16xf32>
        %min3A = vector.broadcast %jit3A_193 : f32 to vector<16xf32>
        %min3A_195 = arith.minimumf %min3A, %max3A_194 : vector<16xf32>
        %sub3A_196 = arith.constant 1.000000e+00 : f32
        %sub3A_197 = vector.broadcast %sub3A_196 : f32 to vector<16xf32>
        %sub3A_198 = arith.subf %sub3A_197, %min3A_195 : vector<16xf32>
        %mul3A_199 = arith.constant -356507.063 : f32
        %mul3A_200 = vector.broadcast %mul3A_199 : f32 to vector<16xf32>
        %mul3A_201 = arith.mulf %mul3A_200, %min3A_195 : vector<16xf32>
        %mul3A_202 = arith.mulf %mul3A_201, %sub3A_198 : vector<16xf32>
        %mul3A_203 = arith.mulf %mul3A_202, %sub3A_198 : vector<16xf32>
        %mul3A_204 = arith.mulf %mul3A_203, %sub3A_198 : vector<16xf32>
        %mul3A_205 = arith.mulf %mul3A_204, %get3A_185 : vector<16xf32>
        %mul3A_206 = arith.mulf %mul3A_204, %get3A_188 : vector<16xf32>
        %neg3A = arith.constant 0.000000e+00 : f32
        %neg3A_207 = vector.broadcast %neg3A : f32 to vector<16xf32>
        %neg3A_208 = arith.subf %neg3A_207, %get3A_185 : vector<16xf32>
        %mul3A_209 = arith.mulf %neg3A_208, %get3A_191 : vector<16xf32>
        %mul3A_210 = arith.constant 5.000000e-02 : f32
        %mul3A_211 = vector.broadcast %mul3A_210 : f32 to vector<16xf32>
        %mul3A_212 = arith.mulf %mul3A_209, %mul3A_211 : vector<16xf32>
        %neg3A_213 = arith.constant 0.000000e+00 : f32
        %neg3A_214 = vector.broadcast %neg3A_213 : f32 to vector<16xf32>
        %neg3A_215 = arith.subf %neg3A_214, %get3A_188 : vector<16xf32>
        %mul3A_216 = arith.mulf %neg3A_215, %get3A_191 : vector<16xf32>
        %mul3A_217 = arith.constant 5.000000e-02 : f32
        %mul3A_218 = vector.broadcast %mul3A_217 : f32 to vector<16xf32>
        %mul3A_219 = arith.mulf %mul3A_216, %mul3A_218 : vector<16xf32>
        %get3A_220 = arith.index_cast %mul3A_183 : i32 to index
        %get3A_221 = tpu.vector_load %arg24[%get3A_220] {strides = array<i32>} : memref<2048xf32, #tpu.memory_space<vmem>>, vector<16xf32>,
        %get3A_222 = vector.shape_cast %get3A_221 : vector<16xf32> to vector<16xf32>
        %mul3A_223 = arith.constant 2.000000e+00 : f32
        %mul3A_224 = vector.broadcast %mul3A_223 : f32 to vector<16xf32>
        %mul3A_225 = arith.mulf %get3A_222, %mul3A_224 : vector<16xf32>
        %mul3A_226 = arith.mulf %mul3A_212, %mul3A_205 : vector<16xf32>
        %mul3A_227 = arith.mulf %mul3A_226, %mul3A_225 : vector<16xf32>
        %swap3A = arith.index_cast %mul3A_183 : i32 to index
        %swap3A_228 = tpu.vector_load %arg26[%swap3A] {strides = array<i32>} : memref<2048xf32, #tpu.memory_space<vmem>>, vector<16xf32>,
        %swap3A_229 = vector.shape_cast %swap3A_228 : vector<16xf32> to vector<16xf32>
        %swap3A_230 = vector.shape_cast %mul3A_227 : vector<16xf32> to vector<16xf32>
        tpu.vector_store %arg26[%swap3A], %swap3A_230 {strides = array<i32>} : memref<2048xf32, #tpu.memory_space<vmem>>, vector<16xf32>,
        %mul3A_231 = arith.mulf %mul3A_212, %mul3A_206 : vector<16xf32>
        %mul3A_232 = arith.mulf %mul3A_231, %mul3A_225 : vector<16xf32>
        %swap3A_233 = arith.index_cast %mul3A_183 : i32 to index
        %swap3A_234 = tpu.vector_load %arg27[%swap3A_233] {strides = array<i32>} : memref<2048xf32, #tpu.memory_space<vmem>>, vector<16xf32>,
        %swap3A_235 = vector.shape_cast %swap3A_234 : vector<16xf32> to vector<16xf32>
        %swap3A_236 = vector.shape_cast %mul3A_232 : vector<16xf32> to vector<16xf32>
        tpu.vector_store %arg27[%swap3A_233], %swap3A_236 {strides = array<i32>} : memref<2048xf32, #tpu.memory_space<vmem>>, vector<16xf32>,
        %mul3A_237 = arith.mulf %mul3A_219, %mul3A_206 : vector<16xf32>
        %mul3A_238 = arith.mulf %mul3A_237, %mul3A_225 : vector<16xf32>
        %swap3A_239 = arith.index_cast %mul3A_183 : i32 to index
        %swap3A_240 = tpu.vector_load %arg28[%swap3A_239] {strides = array<i32>} : memref<2048xf32, #tpu.memory_space<vmem>>, vector<16xf32>,
        %swap3A_241 = vector.shape_cast %swap3A_240 : vector<16xf32> to vector<16xf32>
        %swap3A_242 = vector.shape_cast %mul3A_238 : vector<16xf32> to vector<16xf32>
        tpu.vector_store %arg28[%swap3A_239], %swap3A_242 {strides = array<i32>} : memref<2048xf32, #tpu.memory_space<vmem>>, vector<16xf32>,
      }
      %scan3A_112 = arith.constant 128 : i32
      %dma_start3A_113 = arith.constant 0 : i32
      %dma_start3A_114 = tpu.memref_slice %arg10[%dma_start3A_113] : memref<100352xf32, #tpu.memory_space<vmem_shared>> -> memref<100352xf32, #tpu.memory_space<vmem_shared>>
      tpu.enqueue_indirect_dma source(%arg26 : memref<2048xf32, #tpu.memory_space<vmem>>) target(%dma_start3A_114 : memref<100352xf32, #tpu.memory_space<vmem_shared>>) offsets(%arg14 : memref<2048xi32, #tpu.memory_space<vmem>>) semaphore(%arg33 : memref<!tpu.dma_semaphore, #tpu.memory_space<semaphore_mem>>) {add = true}
      %dma_start3A_115 = arith.constant 0 : i32
      %dma_start3A_116 = tpu.memref_slice %arg11[%dma_start3A_115] : memref<100352xf32, #tpu.memory_space<vmem_shared>> -> memref<100352xf32, #tpu.memory_space<vmem_shared>>
      tpu.enqueue_indirect_dma source(%arg27 : memref<2048xf32, #tpu.memory_space<vmem>>) target(%dma_start3A_116 : memref<100352xf32, #tpu.memory_space<vmem_shared>>) offsets(%arg14 : memref<2048xi32, #tpu.memory_space<vmem>>) semaphore(%arg33 : memref<!tpu.dma_semaphore, #tpu.memory_space<semaphore_mem>>) {add = true}
      %dma_start3A_117 = arith.constant 0 : i32
      %dma_start3A_118 = tpu.memref_slice %arg12[%dma_start3A_117] : memref<100352xf32, #tpu.memory_space<vmem_shared>> -> memref<100352xf32, #tpu.memory_space<vmem_shared>>
      tpu.enqueue_indirect_dma source(%arg28 : memref<2048xf32, #tpu.memory_space<vmem>>) target(%dma_start3A_118 : memref<100352xf32, #tpu.memory_space<vmem_shared>>) offsets(%arg14 : memref<2048xi32, #tpu.memory_space<vmem>>) semaphore(%arg33 : memref<!tpu.dma_semaphore, #tpu.memory_space<semaphore_mem>>) {add = true}
      %dma_wait3A_119 = arith.constant 0 : i32
      %dma_wait3A_120 = tpu.memref_slice %arg10[%dma_wait3A_119] : memref<100352xf32, #tpu.memory_space<vmem_shared>> -> memref<100352xf32, #tpu.memory_space<vmem_shared>>
      tpu.wait_indirect_dma semaphore(%arg33 : memref<!tpu.dma_semaphore, #tpu.memory_space<semaphore_mem>>) src(%arg26 : memref<2048xf32, #tpu.memory_space<vmem>>) dst(%dma_wait3A_120 : memref<100352xf32, #tpu.memory_space<vmem_shared>>)
      %dma_wait3A_121 = arith.constant 0 : i32
      %dma_wait3A_122 = tpu.memref_slice %arg11[%dma_wait3A_121] : memref<100352xf32, #tpu.memory_space<vmem_shared>> -> memref<100352xf32, #tpu.memory_space<vmem_shared>>
      tpu.wait_indirect_dma semaphore(%arg33 : memref<!tpu.dma_semaphore, #tpu.memory_space<semaphore_mem>>) src(%arg27 : memref<2048xf32, #tpu.memory_space<vmem>>) dst(%dma_wait3A_122 : memref<100352xf32, #tpu.memory_space<vmem_shared>>)
      %dma_wait3A_123 = arith.constant 0 : i32
      %dma_wait3A_124 = tpu.memref_slice %arg12[%dma_wait3A_123] : memref<100352xf32, #tpu.memory_space<vmem_shared>> -> memref<100352xf32, #tpu.memory_space<vmem_shared>>
      tpu.wait_indirect_dma semaphore(%arg33 : memref<!tpu.dma_semaphore, #tpu.memory_space<semaphore_mem>>) src(%arg28 : memref<2048xf32, #tpu.memory_space<vmem>>) dst(%dma_wait3A_124 : memref<100352xf32, #tpu.memory_space<vmem_shared>>)
      %mul3A_125 = arith.constant 2 : i32
      %mul3A_126 = arith.muli %mul3A_125, %add3A_75 : i32
      %add3A_127 = arith.constant 1 : i32
      %add3A_128 = arith.addi %mul3A_126, %add3A_127 : i32
      %add3A_129 = arith.constant 1 : i32
      %add3A_130 = arith.addi %add3A_128, %add3A_129 : i32
      %eq3A_131 = arith.cmpi eq, %add3A_130, %select_n3A : i32
      %mul3A_132 = arith.constant 2048 : i32
      %mul3A_133 = arith.muli %add3A_130, %mul3A_132 : i32
      %add3A_134 = arith.addi %add3A, %mul3A_133 : i32
      %select_n3A_135 = arith.select %eq3A_131, %add3A, %add3A_134 : i32
      %dma_start3A_136 = tpu.memref_slice %arg2[%select_n3A_135] : memref<3276800xi32, #tpu.memory_space<hbm>> -> memref<2048xi32, #tpu.memory_space<hbm>>
      %dma_start3A_137 = tpu.memref_slice %arg2[%select_n3A_135] : memref<3276800xi32, #tpu.memory_space<hbm>> -> memref<2048xi32, #tpu.memory_space<hbm>>
      tpu.enqueue_dma source(%dma_start3A_137 : memref<2048xi32, #tpu.memory_space<hbm>>) target(%arg14 : memref<2048xi32, #tpu.memory_space<vmem>>) target_semaphore(%arg30 : memref<!tpu.dma_semaphore, #tpu.memory_space<semaphore_mem>>)
      %dma_start3A_138 = tpu.memref_slice %arg3[%select_n3A_135] : memref<3276800xi32, #tpu.memory_space<hbm>> -> memref<2048xi32, #tpu.memory_space<hbm>>
      %dma_start3A_139 = tpu.memref_slice %arg3[%select_n3A_135] : memref<3276800xi32, #tpu.memory_space<hbm>> -> memref<2048xi32, #tpu.memory_space<hbm>>
      tpu.enqueue_dma source(%dma_start3A_139 : memref<2048xi32, #tpu.memory_space<hbm>>) target(%arg15 : memref<2048xi32, #tpu.memory_space<vmem>>) target_semaphore(%arg30 : memref<!tpu.dma_semaphore, #tpu.memory_space<semaphore_mem>>)
      %dma_start3A_140 = tpu.memref_slice %arg4[%select_n3A_135] : memref<3276800xf32, #tpu.memory_space<hbm>> -> memref<2048xf32, #tpu.memory_space<hbm>>
      %dma_start3A_141 = tpu.memref_slice %arg4[%select_n3A_135] : memref<3276800xf32, #tpu.memory_space<hbm>> -> memref<2048xf32, #tpu.memory_space<hbm>>
      tpu.enqueue_dma source(%dma_start3A_141 : memref<2048xf32, #tpu.memory_space<hbm>>) target(%arg16 : memref<2048xf32, #tpu.memory_space<vmem>>) target_semaphore(%arg30 : memref<!tpu.dma_semaphore, #tpu.memory_space<semaphore_mem>>)
      %dma_start3A_142 = tpu.memref_slice %arg5[%select_n3A_135] : memref<3276800xf32, #tpu.memory_space<hbm>> -> memref<2048xf32, #tpu.memory_space<hbm>>
      %dma_start3A_143 = tpu.memref_slice %arg5[%select_n3A_135] : memref<3276800xf32, #tpu.memory_space<hbm>> -> memref<2048xf32, #tpu.memory_space<hbm>>
      tpu.enqueue_dma source(%dma_start3A_143 : memref<2048xf32, #tpu.memory_space<hbm>>) target(%arg17 : memref<2048xf32, #tpu.memory_space<vmem>>) target_semaphore(%arg30 : memref<!tpu.dma_semaphore, #tpu.memory_space<semaphore_mem>>)
      %dma_start3A_144 = tpu.memref_slice %arg6[%select_n3A_135] : memref<3276800xf32, #tpu.memory_space<hbm>> -> memref<2048xf32, #tpu.memory_space<hbm>>
      %dma_start3A_145 = tpu.memref_slice %arg6[%select_n3A_135] : memref<3276800xf32, #tpu.memory_space<hbm>> -> memref<2048xf32, #tpu.memory_space<hbm>>
      tpu.enqueue_dma source(%dma_start3A_145 : memref<2048xf32, #tpu.memory_space<hbm>>) target(%arg18 : memref<2048xf32, #tpu.memory_space<vmem>>) target_semaphore(%arg30 : memref<!tpu.dma_semaphore, #tpu.memory_space<semaphore_mem>>)
      %dma_wait3A_146 = tpu.memref_slice %arg2[%select_n3A_135] : memref<3276800xi32, #tpu.memory_space<hbm>> -> memref<2048xi32, #tpu.memory_space<hbm>>
      %dma_wait3A_147 = tpu.memref_slice %arg2[%select_n3A_135] : memref<3276800xi32, #tpu.memory_space<hbm>> -> memref<2048xi32, #tpu.memory_space<hbm>>
      tpu.wait_dma2 semaphore(%arg30 : memref<!tpu.dma_semaphore, #tpu.memory_space<semaphore_mem>>) src(%dma_wait3A_147 : memref<2048xi32, #tpu.memory_space<hbm>>) dst(%arg14 : memref<2048xi32, #tpu.memory_space<vmem>>)
      %dma_wait3A_148 = tpu.memref_slice %arg3[%select_n3A_135] : memref<3276800xi32, #tpu.memory_space<hbm>> -> memref<2048xi32, #tpu.memory_space<hbm>>
      %dma_wait3A_149 = tpu.memref_slice %arg3[%select_n3A_135] : memref<3276800xi32, #tpu.memory_space<hbm>> -> memref<2048xi32, #tpu.memory_space<hbm>>
      tpu.wait_dma2 semaphore(%arg30 : memref<!tpu.dma_semaphore, #tpu.memory_space<semaphore_mem>>) src(%dma_wait3A_149 : memref<2048xi32, #tpu.memory_space<hbm>>) dst(%arg15 : memref<2048xi32, #tpu.memory_space<vmem>>)
      %dma_wait3A_150 = tpu.memref_slice %arg4[%select_n3A_135] : memref<3276800xf32, #tpu.memory_space<hbm>> -> memref<2048xf32, #tpu.memory_space<hbm>>
      %dma_wait3A_151 = tpu.memref_slice %arg4[%select_n3A_135] : memref<3276800xf32, #tpu.memory_space<hbm>> -> memref<2048xf32, #tpu.memory_space<hbm>>
      tpu.wait_dma2 semaphore(%arg30 : memref<!tpu.dma_semaphore, #tpu.memory_space<semaphore_mem>>) src(%dma_wait3A_151 : memref<2048xf32, #tpu.memory_space<hbm>>) dst(%arg16 : memref<2048xf32, #tpu.memory_space<vmem>>)
      %dma_wait3A_152 = tpu.memref_slice %arg5[%select_n3A_135] : memref<3276800xf32, #tpu.memory_space<hbm>> -> memref<2048xf32, #tpu.memory_space<hbm>>
      %dma_wait3A_153 = tpu.memref_slice %arg5[%select_n3A_135] : memref<3276800xf32, #tpu.memory_space<hbm>> -> memref<2048xf32, #tpu.memory_space<hbm>>
      tpu.wait_dma2 semaphore(%arg30 : memref<!tpu.dma_semaphore, #tpu.memory_space<semaphore_mem>>) src(%dma_wait3A_153 : memref<2048xf32, #tpu.memory_space<hbm>>) dst(%arg17 : memref<2048xf32, #tpu.memory_space<vmem>>)
      %dma_wait3A_154 = tpu.memref_slice %arg6[%select_n3A_135] : memref<3276800xf32, #tpu.memory_space<hbm>> -> memref<2048xf32, #tpu.memory_space<hbm>>
      %dma_wait3A_155 = tpu.memref_slice %arg6[%select_n3A_135] : memref<3276800xf32, #tpu.memory_space<hbm>> -> memref<2048xf32, #tpu.memory_space<hbm>>
      tpu.wait_dma2 semaphore(%arg30 : memref<!tpu.dma_semaphore, #tpu.memory_space<semaphore_mem>>) src(%dma_wait3A_155 : memref<2048xf32, #tpu.memory_space<hbm>>) dst(%arg18 : memref<2048xf32, #tpu.memory_space<vmem>>)
      %dma_start3A_156 = arith.constant 0 : i32
      %dma_start3A_157 = tpu.memref_slice %arg13[%dma_start3A_156] : memref<100352xf32, #tpu.memory_space<vmem_shared>> -> memref<100352xf32, #tpu.memory_space<vmem_shared>>
      tpu.enqueue_indirect_dma source(%dma_start3A_157 : memref<100352xf32, #tpu.memory_space<vmem_shared>>) target(%arg24 : memref<2048xf32, #tpu.memory_space<vmem>>) offsets(%arg15 : memref<2048xi32, #tpu.memory_space<vmem>>) semaphore(%arg31 : memref<!tpu.dma_semaphore, #tpu.memory_space<semaphore_mem>>)
      %dma_wait3A_158 = arith.constant 0 : i32
      %dma_wait3A_159 = tpu.memref_slice %arg13[%dma_wait3A_158] : memref<100352xf32, #tpu.memory_space<vmem_shared>> -> memref<100352xf32, #tpu.memory_space<vmem_shared>>
      tpu.wait_indirect_dma semaphore(%arg32 : memref<!tpu.dma_semaphore, #tpu.memory_space<semaphore_mem>>) src(%dma_wait3A_159 : memref<100352xf32, #tpu.memory_space<vmem_shared>>) dst(%arg25 : memref<2048xf32, #tpu.memory_space<vmem>>)
      %scan3A_160 = arith.constant 0 : i32
      %scan3A_161 = arith.constant 128 : i32
      %scan3A_162 = arith.addi %scan3A_160, %scan3A_161 : i32
      %scan3A_163 = arith.constant 1 : i32
      scf.for %scan3A_177 = %scan3A_160 to %scan3A_162 step %scan3A_163  : i32 {
        %mul3A_178 = arith.constant 1 : i32
        %mul3A_179 = arith.muli %scan3A_177, %mul3A_178 : i32
        %add3A_180 = arith.constant 0 : i32
        %add3A_181 = arith.addi %add3A_180, %mul3A_179 : i32
        %mul3A_182 = arith.constant 16 : i32
        %mul3A_183 = arith.muli %add3A_181, %mul3A_182 : i32
        %get3A = arith.index_cast %mul3A_183 : i32 to index
        %get3A_184 = tpu.vector_load %arg21[%get3A] {strides = array<i32>} : memref<2048xf32, #tpu.memory_space<vmem>>, vector<16xf32>,
        %get3A_185 = vector.shape_cast %get3A_184 : vector<16xf32> to vector<16xf32>
        %get3A_186 = arith.index_cast %mul3A_183 : i32 to index
        %get3A_187 = tpu.vector_load %arg22[%get3A_186] {strides = array<i32>} : memref<2048xf32, #tpu.memory_space<vmem>>, vector<16xf32>,
        %get3A_188 = vector.shape_cast %get3A_187 : vector<16xf32> to vector<16xf32>
        %get3A_189 = arith.index_cast %mul3A_183 : i32 to index
        %get3A_190 = tpu.vector_load %arg23[%get3A_189] {strides = array<i32>} : memref<2048xf32, #tpu.memory_space<vmem>>, vector<16xf32>,
        %get3A_191 = vector.shape_cast %get3A_190 : vector<16xf32> to vector<16xf32>
        %jit3A_192 = arith.constant 0.000000e+00 : f32
        %jit3A_193 = arith.constant 1.000000e+00 : f32
        %max3A = vector.broadcast %jit3A_192 : f32 to vector<16xf32>
        %max3A_194 = arith.maximumf %max3A, %get3A_191 : vector<16xf32>
        %min3A = vector.broadcast %jit3A_193 : f32 to vector<16xf32>
        %min3A_195 = arith.minimumf %min3A, %max3A_194 : vector<16xf32>
        %sub3A_196 = arith.constant 1.000000e+00 : f32
        %sub3A_197 = vector.broadcast %sub3A_196 : f32 to vector<16xf32>
        %sub3A_198 = arith.subf %sub3A_197, %min3A_195 : vector<16xf32>
        %mul3A_199 = arith.constant -356507.063 : f32
        %mul3A_200 = vector.broadcast %mul3A_199 : f32 to vector<16xf32>
        %mul3A_201 = arith.mulf %mul3A_200, %min3A_195 : vector<16xf32>
        %mul3A_202 = arith.mulf %mul3A_201, %sub3A_198 : vector<16xf32>
        %mul3A_203 = arith.mulf %mul3A_202, %sub3A_198 : vector<16xf32>
        %mul3A_204 = arith.mulf %mul3A_203, %sub3A_198 : vector<16xf32>
        %mul3A_205 = arith.mulf %mul3A_204, %get3A_185 : vector<16xf32>
        %mul3A_206 = arith.mulf %mul3A_204, %get3A_188 : vector<16xf32>
        %neg3A = arith.constant 0.000000e+00 : f32
        %neg3A_207 = vector.broadcast %neg3A : f32 to vector<16xf32>
        %neg3A_208 = arith.subf %neg3A_207, %get3A_185 : vector<16xf32>
        %mul3A_209 = arith.mulf %neg3A_208, %get3A_191 : vector<16xf32>
        %mul3A_210 = arith.constant 5.000000e-02 : f32
        %mul3A_211 = vector.broadcast %mul3A_210 : f32 to vector<16xf32>
        %mul3A_212 = arith.mulf %mul3A_209, %mul3A_211 : vector<16xf32>
        %neg3A_213 = arith.constant 0.000000e+00 : f32
        %neg3A_214 = vector.broadcast %neg3A_213 : f32 to vector<16xf32>
        %neg3A_215 = arith.subf %neg3A_214, %get3A_188 : vector<16xf32>
        %mul3A_216 = arith.mulf %neg3A_215, %get3A_191 : vector<16xf32>
        %mul3A_217 = arith.constant 5.000000e-02 : f32
        %mul3A_218 = vector.broadcast %mul3A_217 : f32 to vector<16xf32>
        %mul3A_219 = arith.mulf %mul3A_216, %mul3A_218 : vector<16xf32>
        %get3A_220 = arith.index_cast %mul3A_183 : i32 to index
        %get3A_221 = tpu.vector_load %arg25[%get3A_220] {strides = array<i32>} : memref<2048xf32, #tpu.memory_space<vmem>>, vector<16xf32>,
        %get3A_222 = vector.shape_cast %get3A_221 : vector<16xf32> to vector<16xf32>
        %mul3A_223 = arith.constant 2.000000e+00 : f32
        %mul3A_224 = vector.broadcast %mul3A_223 : f32 to vector<16xf32>
        %mul3A_225 = arith.mulf %get3A_222, %mul3A_224 : vector<16xf32>
        %mul3A_226 = arith.mulf %mul3A_212, %mul3A_205 : vector<16xf32>
        %mul3A_227 = arith.mulf %mul3A_226, %mul3A_225 : vector<16xf32>
        %swap3A = arith.index_cast %mul3A_183 : i32 to index
        %swap3A_228 = tpu.vector_load %arg26[%swap3A] {strides = array<i32>} : memref<2048xf32, #tpu.memory_space<vmem>>, vector<16xf32>,
        %swap3A_229 = vector.shape_cast %swap3A_228 : vector<16xf32> to vector<16xf32>
        %swap3A_230 = vector.shape_cast %mul3A_227 : vector<16xf32> to vector<16xf32>
        tpu.vector_store %arg26[%swap3A], %swap3A_230 {strides = array<i32>} : memref<2048xf32, #tpu.memory_space<vmem>>, vector<16xf32>,
        %mul3A_231 = arith.mulf %mul3A_212, %mul3A_206 : vector<16xf32>
        %mul3A_232 = arith.mulf %mul3A_231, %mul3A_225 : vector<16xf32>
        %swap3A_233 = arith.index_cast %mul3A_183 : i32 to index
        %swap3A_234 = tpu.vector_load %arg27[%swap3A_233] {strides = array<i32>} : memref<2048xf32, #tpu.memory_space<vmem>>, vector<16xf32>,
        %swap3A_235 = vector.shape_cast %swap3A_234 : vector<16xf32> to vector<16xf32>
        %swap3A_236 = vector.shape_cast %mul3A_232 : vector<16xf32> to vector<16xf32>
        tpu.vector_store %arg27[%swap3A_233], %swap3A_236 {strides = array<i32>} : memref<2048xf32, #tpu.memory_space<vmem>>, vector<16xf32>,
        %mul3A_237 = arith.mulf %mul3A_219, %mul3A_206 : vector<16xf32>
        %mul3A_238 = arith.mulf %mul3A_237, %mul3A_225 : vector<16xf32>
        %swap3A_239 = arith.index_cast %mul3A_183 : i32 to index
        %swap3A_240 = tpu.vector_load %arg28[%swap3A_239] {strides = array<i32>} : memref<2048xf32, #tpu.memory_space<vmem>>, vector<16xf32>,
        %swap3A_241 = vector.shape_cast %swap3A_240 : vector<16xf32> to vector<16xf32>
        %swap3A_242 = vector.shape_cast %mul3A_238 : vector<16xf32> to vector<16xf32>
        tpu.vector_store %arg28[%swap3A_239], %swap3A_242 {strides = array<i32>} : memref<2048xf32, #tpu.memory_space<vmem>>, vector<16xf32>,
      }
      %scan3A_164 = arith.constant 128 : i32
      %dma_start3A_165 = arith.constant 0 : i32
      %dma_start3A_166 = tpu.memref_slice %arg10[%dma_start3A_165] : memref<100352xf32, #tpu.memory_space<vmem_shared>> -> memref<100352xf32, #tpu.memory_space<vmem_shared>>
      tpu.enqueue_indirect_dma source(%arg26 : memref<2048xf32, #tpu.memory_space<vmem>>) target(%dma_start3A_166 : memref<100352xf32, #tpu.memory_space<vmem_shared>>) offsets(%arg19 : memref<2048xi32, #tpu.memory_space<vmem>>) semaphore(%arg33 : memref<!tpu.dma_semaphore, #tpu.memory_space<semaphore_mem>>) {add = true}
      %dma_start3A_167 = arith.constant 0 : i32
      %dma_start3A_168 = tpu.memref_slice %arg11[%dma_start3A_167] : memref<100352xf32, #tpu.memory_space<vmem_shared>> -> memref<100352xf32, #tpu.memory_space<vmem_shared>>
      tpu.enqueue_indirect_dma source(%arg27 : memref<2048xf32, #tpu.memory_space<vmem>>) target(%dma_start3A_168 : memref<100352xf32, #tpu.memory_space<vmem_shared>>) offsets(%arg19 : memref<2048xi32, #tpu.memory_space<vmem>>) semaphore(%arg33 : memref<!tpu.dma_semaphore, #tpu.memory_space<semaphore_mem>>) {add = true}
      %dma_start3A_169 = arith.constant 0 : i32
      %dma_start3A_170 = tpu.memref_slice %arg12[%dma_start3A_169] : memref<100352xf32, #tpu.memory_space<vmem_shared>> -> memref<100352xf32, #tpu.memory_space<vmem_shared>>
      tpu.enqueue_indirect_dma source(%arg28 : memref<2048xf32, #tpu.memory_space<vmem>>) target(%dma_start3A_170 : memref<100352xf32, #tpu.memory_space<vmem_shared>>) offsets(%arg19 : memref<2048xi32, #tpu.memory_space<vmem>>) semaphore(%arg33 : memref<!tpu.dma_semaphore, #tpu.memory_space<semaphore_mem>>) {add = true}
      %dma_wait3A_171 = arith.constant 0 : i32
      %dma_wait3A_172 = tpu.memref_slice %arg10[%dma_wait3A_171] : memref<100352xf32, #tpu.memory_space<vmem_shared>> -> memref<100352xf32, #tpu.memory_space<vmem_shared>>
      tpu.wait_indirect_dma semaphore(%arg33 : memref<!tpu.dma_semaphore, #tpu.memory_space<semaphore_mem>>) src(%arg26 : memref<2048xf32, #tpu.memory_space<vmem>>) dst(%dma_wait3A_172 : memref<100352xf32, #tpu.memory_space<vmem_shared>>)
      %dma_wait3A_173 = arith.constant 0 : i32
      %dma_wait3A_174 = tpu.memref_slice %arg11[%dma_wait3A_173] : memref<100352xf32, #tpu.memory_space<vmem_shared>> -> memref<100352xf32, #tpu.memory_space<vmem_shared>>
      tpu.wait_indirect_dma semaphore(%arg33 : memref<!tpu.dma_semaphore, #tpu.memory_space<semaphore_mem>>) src(%arg27 : memref<2048xf32, #tpu.memory_space<vmem>>) dst(%dma_wait3A_174 : memref<100352xf32, #tpu.memory_space<vmem_shared>>)
      %dma_wait3A_175 = arith.constant 0 : i32
      %dma_wait3A_176 = tpu.memref_slice %arg12[%dma_wait3A_175] : memref<100352xf32, #tpu.memory_space<vmem_shared>> -> memref<100352xf32, #tpu.memory_space<vmem_shared>>
      tpu.wait_indirect_dma semaphore(%arg33 : memref<!tpu.dma_semaphore, #tpu.memory_space<semaphore_mem>>) src(%arg28 : memref<2048xf32, #tpu.memory_space<vmem>>) dst(%dma_wait3A_176 : memref<100352xf32, #tpu.memory_space<vmem_shared>>)
    }
    %while3A_65 = arith.constant 1 : i32
    scf.for %while3A_73 = %while3A_63 to %while3A_59 step %while3A_65  : i32 {
      %mul3A_74 = arith.muli %while3A_73, %while3A : i32
      %add3A_75 = arith.addi %while3A_56, %mul3A_74 : i32
      %mul3A_76 = arith.constant 2 : i32
      %mul3A_77 = arith.muli %mul3A_76, %add3A_75 : i32
      %add3A_78 = arith.constant 1 : i32
      %add3A_79 = arith.addi %mul3A_77, %add3A_78 : i32
      %eq3A_80 = arith.cmpi eq, %add3A_79, %select_n3A : i32
      %mul3A_81 = arith.constant 2048 : i32
      %mul3A_82 = arith.muli %add3A_79, %mul3A_81 : i32
      %add3A_83 = arith.addi %add3A, %mul3A_82 : i32
      %select_n3A_84 = arith.select %eq3A_80, %add3A, %add3A_83 : i32
      %dma_start3A_85 = tpu.memref_slice %arg2[%select_n3A_84] : memref<3276800xi32, #tpu.memory_space<hbm>> -> memref<2048xi32, #tpu.memory_space<hbm>>
      %dma_start3A_86 = tpu.memref_slice %arg2[%select_n3A_84] : memref<3276800xi32, #tpu.memory_space<hbm>> -> memref<2048xi32, #tpu.memory_space<hbm>>
      tpu.enqueue_dma source(%dma_start3A_86 : memref<2048xi32, #tpu.memory_space<hbm>>) target(%arg19 : memref<2048xi32, #tpu.memory_space<vmem>>) target_semaphore(%arg30 : memref<!tpu.dma_semaphore, #tpu.memory_space<semaphore_mem>>)
      %dma_start3A_87 = tpu.memref_slice %arg3[%select_n3A_84] : memref<3276800xi32, #tpu.memory_space<hbm>> -> memref<2048xi32, #tpu.memory_space<hbm>>
      %dma_start3A_88 = tpu.memref_slice %arg3[%select_n3A_84] : memref<3276800xi32, #tpu.memory_space<hbm>> -> memref<2048xi32, #tpu.memory_space<hbm>>
      tpu.enqueue_dma source(%dma_start3A_88 : memref<2048xi32, #tpu.memory_space<hbm>>) target(%arg20 : memref<2048xi32, #tpu.memory_space<vmem>>) target_semaphore(%arg30 : memref<!tpu.dma_semaphore, #tpu.memory_space<semaphore_mem>>)
      %dma_start3A_89 = tpu.memref_slice %arg4[%select_n3A_84] : memref<3276800xf32, #tpu.memory_space<hbm>> -> memref<2048xf32, #tpu.memory_space<hbm>>
      %dma_start3A_90 = tpu.memref_slice %arg4[%select_n3A_84] : memref<3276800xf32, #tpu.memory_space<hbm>> -> memref<2048xf32, #tpu.memory_space<hbm>>
      tpu.enqueue_dma source(%dma_start3A_90 : memref<2048xf32, #tpu.memory_space<hbm>>) target(%arg21 : memref<2048xf32, #tpu.memory_space<vmem>>) target_semaphore(%arg30 : memref<!tpu.dma_semaphore, #tpu.memory_space<semaphore_mem>>)
      %dma_start3A_91 = tpu.memref_slice %arg5[%select_n3A_84] : memref<3276800xf32, #tpu.memory_space<hbm>> -> memref<2048xf32, #tpu.memory_space<hbm>>
      %dma_start3A_92 = tpu.memref_slice %arg5[%select_n3A_84] : memref<3276800xf32, #tpu.memory_space<hbm>> -> memref<2048xf32, #tpu.memory_space<hbm>>
      tpu.enqueue_dma source(%dma_start3A_92 : memref<2048xf32, #tpu.memory_space<hbm>>) target(%arg22 : memref<2048xf32, #tpu.memory_space<vmem>>) target_semaphore(%arg30 : memref<!tpu.dma_semaphore, #tpu.memory_space<semaphore_mem>>)
      %dma_start3A_93 = tpu.memref_slice %arg6[%select_n3A_84] : memref<3276800xf32, #tpu.memory_space<hbm>> -> memref<2048xf32, #tpu.memory_space<hbm>>
      %dma_start3A_94 = tpu.memref_slice %arg6[%select_n3A_84] : memref<3276800xf32, #tpu.memory_space<hbm>> -> memref<2048xf32, #tpu.memory_space<hbm>>
      tpu.enqueue_dma source(%dma_start3A_94 : memref<2048xf32, #tpu.memory_space<hbm>>) target(%arg23 : memref<2048xf32, #tpu.memory_space<vmem>>) target_semaphore(%arg30 : memref<!tpu.dma_semaphore, #tpu.memory_space<semaphore_mem>>)
      %dma_wait3A_95 = tpu.memref_slice %arg2[%select_n3A_84] : memref<3276800xi32, #tpu.memory_space<hbm>> -> memref<2048xi32, #tpu.memory_space<hbm>>
      %dma_wait3A_96 = tpu.memref_slice %arg2[%select_n3A_84] : memref<3276800xi32, #tpu.memory_space<hbm>> -> memref<2048xi32, #tpu.memory_space<hbm>>
      tpu.wait_dma2 semaphore(%arg30 : memref<!tpu.dma_semaphore, #tpu.memory_space<semaphore_mem>>) src(%dma_wait3A_96 : memref<2048xi32, #tpu.memory_space<hbm>>) dst(%arg19 : memref<2048xi32, #tpu.memory_space<vmem>>)
      %dma_wait3A_97 = tpu.memref_slice %arg3[%select_n3A_84] : memref<3276800xi32, #tpu.memory_space<hbm>> -> memref<2048xi32, #tpu.memory_space<hbm>>
      %dma_wait3A_98 = tpu.memref_slice %arg3[%select_n3A_84] : memref<3276800xi32, #tpu.memory_space<hbm>> -> memref<2048xi32, #tpu.memory_space<hbm>>
      tpu.wait_dma2 semaphore(%arg30 : memref<!tpu.dma_semaphore, #tpu.memory_space<semaphore_mem>>) src(%dma_wait3A_98 : memref<2048xi32, #tpu.memory_space<hbm>>) dst(%arg20 : memref<2048xi32, #tpu.memory_space<vmem>>)
      %dma_wait3A_99 = tpu.memref_slice %arg4[%select_n3A_84] : memref<3276800xf32, #tpu.memory_space<hbm>> -> memref<2048xf32, #tpu.memory_space<hbm>>
      %dma_wait3A_100 = tpu.memref_slice %arg4[%select_n3A_84] : memref<3276800xf32, #tpu.memory_space<hbm>> -> memref<2048xf32, #tpu.memory_space<hbm>>
      tpu.wait_dma2 semaphore(%arg30 : memref<!tpu.dma_semaphore, #tpu.memory_space<semaphore_mem>>) src(%dma_wait3A_100 : memref<2048xf32, #tpu.memory_space<hbm>>) dst(%arg21 : memref<2048xf32, #tpu.memory_space<vmem>>)
      %dma_wait3A_101 = tpu.memref_slice %arg5[%select_n3A_84] : memref<3276800xf32, #tpu.memory_space<hbm>> -> memref<2048xf32, #tpu.memory_space<hbm>>
      %dma_wait3A_102 = tpu.memref_slice %arg5[%select_n3A_84] : memref<3276800xf32, #tpu.memory_space<hbm>> -> memref<2048xf32, #tpu.memory_space<hbm>>
      tpu.wait_dma2 semaphore(%arg30 : memref<!tpu.dma_semaphore, #tpu.memory_space<semaphore_mem>>) src(%dma_wait3A_102 : memref<2048xf32, #tpu.memory_space<hbm>>) dst(%arg22 : memref<2048xf32, #tpu.memory_space<vmem>>)
      %dma_wait3A_103 = tpu.memref_slice %arg6[%select_n3A_84] : memref<3276800xf32, #tpu.memory_space<hbm>> -> memref<2048xf32, #tpu.memory_space<hbm>>
      %dma_wait3A_104 = tpu.memref_slice %arg6[%select_n3A_84] : memref<3276800xf32, #tpu.memory_space<hbm>> -> memref<2048xf32, #tpu.memory_space<hbm>>
      tpu.wait_dma2 semaphore(%arg30 : memref<!tpu.dma_semaphore, #tpu.memory_space<semaphore_mem>>) src(%dma_wait3A_104 : memref<2048xf32, #tpu.memory_space<hbm>>) dst(%arg23 : memref<2048xf32, #tpu.memory_space<vmem>>)
      %dma_start3A_105 = arith.constant 0 : i32
      %dma_start3A_106 = tpu.memref_slice %arg13[%dma_start3A_105] : memref<100352xf32, #tpu.memory_space<vmem_shared>> -> memref<100352xf32, #tpu.memory_space<vmem_shared>>
      tpu.enqueue_indirect_dma source(%dma_start3A_106 : memref<100352xf32, #tpu.memory_space<vmem_shared>>) target(%arg25 : memref<2048xf32, #tpu.memory_space<vmem>>) offsets(%arg20 : memref<2048xi32, #tpu.memory_space<vmem>>) semaphore(%arg32 : memref<!tpu.dma_semaphore, #tpu.memory_space<semaphore_mem>>)
      %dma_wait3A_107 = arith.constant 0 : i32
      %dma_wait3A_108 = tpu.memref_slice %arg13[%dma_wait3A_107] : memref<100352xf32, #tpu.memory_space<vmem_shared>> -> memref<100352xf32, #tpu.memory_space<vmem_shared>>
      tpu.wait_indirect_dma semaphore(%arg31 : memref<!tpu.dma_semaphore, #tpu.memory_space<semaphore_mem>>) src(%dma_wait3A_108 : memref<100352xf32, #tpu.memory_space<vmem_shared>>) dst(%arg24 : memref<2048xf32, #tpu.memory_space<vmem>>)
      %scan3A = arith.constant 0 : i32
      %scan3A_109 = arith.constant 128 : i32
      %scan3A_110 = arith.addi %scan3A, %scan3A_109 : i32
      %scan3A_111 = arith.constant 1 : i32
      scf.for %scan3A_177 = %scan3A to %scan3A_110 step %scan3A_111  : i32 {
        %mul3A_178 = arith.constant 1 : i32
        %mul3A_179 = arith.muli %scan3A_177, %mul3A_178 : i32
        %add3A_180 = arith.constant 0 : i32
        %add3A_181 = arith.addi %add3A_180, %mul3A_179 : i32
        %mul3A_182 = arith.constant 16 : i32
        %mul3A_183 = arith.muli %add3A_181, %mul3A_182 : i32
        %get3A = arith.index_cast %mul3A_183 : i32 to index
        %get3A_184 = tpu.vector_load %arg16[%get3A] {strides = array<i32>} : memref<2048xf32, #tpu.memory_space<vmem>>, vector<16xf32>,
        %get3A_185 = vector.shape_cast %get3A_184 : vector<16xf32> to vector<16xf32>
        %get3A_186 = arith.index_cast %mul3A_183 : i32 to index
        %get3A_187 = tpu.vector_load %arg17[%get3A_186] {strides = array<i32>} : memref<2048xf32, #tpu.memory_space<vmem>>, vector<16xf32>,
        %get3A_188 = vector.shape_cast %get3A_187 : vector<16xf32> to vector<16xf32>
        %get3A_189 = arith.index_cast %mul3A_183 : i32 to index
        %get3A_190 = tpu.vector_load %arg18[%get3A_189] {strides = array<i32>} : memref<2048xf32, #tpu.memory_space<vmem>>, vector<16xf32>,
        %get3A_191 = vector.shape_cast %get3A_190 : vector<16xf32> to vector<16xf32>
        %jit3A_192 = arith.constant 0.000000e+00 : f32
        %jit3A_193 = arith.constant 1.000000e+00 : f32
        %max3A = vector.broadcast %jit3A_192 : f32 to vector<16xf32>
        %max3A_194 = arith.maximumf %max3A, %get3A_191 : vector<16xf32>
        %min3A = vector.broadcast %jit3A_193 : f32 to vector<16xf32>
        %min3A_195 = arith.minimumf %min3A, %max3A_194 : vector<16xf32>
        %sub3A_196 = arith.constant 1.000000e+00 : f32
        %sub3A_197 = vector.broadcast %sub3A_196 : f32 to vector<16xf32>
        %sub3A_198 = arith.subf %sub3A_197, %min3A_195 : vector<16xf32>
        %mul3A_199 = arith.constant -356507.063 : f32
        %mul3A_200 = vector.broadcast %mul3A_199 : f32 to vector<16xf32>
        %mul3A_201 = arith.mulf %mul3A_200, %min3A_195 : vector<16xf32>
        %mul3A_202 = arith.mulf %mul3A_201, %sub3A_198 : vector<16xf32>
        %mul3A_203 = arith.mulf %mul3A_202, %sub3A_198 : vector<16xf32>
        %mul3A_204 = arith.mulf %mul3A_203, %sub3A_198 : vector<16xf32>
        %mul3A_205 = arith.mulf %mul3A_204, %get3A_185 : vector<16xf32>
        %mul3A_206 = arith.mulf %mul3A_204, %get3A_188 : vector<16xf32>
        %neg3A = arith.constant 0.000000e+00 : f32
        %neg3A_207 = vector.broadcast %neg3A : f32 to vector<16xf32>
        %neg3A_208 = arith.subf %neg3A_207, %get3A_185 : vector<16xf32>
        %mul3A_209 = arith.mulf %neg3A_208, %get3A_191 : vector<16xf32>
        %mul3A_210 = arith.constant 5.000000e-02 : f32
        %mul3A_211 = vector.broadcast %mul3A_210 : f32 to vector<16xf32>
        %mul3A_212 = arith.mulf %mul3A_209, %mul3A_211 : vector<16xf32>
        %neg3A_213 = arith.constant 0.000000e+00 : f32
        %neg3A_214 = vector.broadcast %neg3A_213 : f32 to vector<16xf32>
        %neg3A_215 = arith.subf %neg3A_214, %get3A_188 : vector<16xf32>
        %mul3A_216 = arith.mulf %neg3A_215, %get3A_191 : vector<16xf32>
        %mul3A_217 = arith.constant 5.000000e-02 : f32
        %mul3A_218 = vector.broadcast %mul3A_217 : f32 to vector<16xf32>
        %mul3A_219 = arith.mulf %mul3A_216, %mul3A_218 : vector<16xf32>
        %get3A_220 = arith.index_cast %mul3A_183 : i32 to index
        %get3A_221 = tpu.vector_load %arg24[%get3A_220] {strides = array<i32>} : memref<2048xf32, #tpu.memory_space<vmem>>, vector<16xf32>,
        %get3A_222 = vector.shape_cast %get3A_221 : vector<16xf32> to vector<16xf32>
        %mul3A_223 = arith.constant 2.000000e+00 : f32
        %mul3A_224 = vector.broadcast %mul3A_223 : f32 to vector<16xf32>
        %mul3A_225 = arith.mulf %get3A_222, %mul3A_224 : vector<16xf32>
        %mul3A_226 = arith.mulf %mul3A_212, %mul3A_205 : vector<16xf32>
        %mul3A_227 = arith.mulf %mul3A_226, %mul3A_225 : vector<16xf32>
        %swap3A = arith.index_cast %mul3A_183 : i32 to index
        %swap3A_228 = tpu.vector_load %arg26[%swap3A] {strides = array<i32>} : memref<2048xf32, #tpu.memory_space<vmem>>, vector<16xf32>,
        %swap3A_229 = vector.shape_cast %swap3A_228 : vector<16xf32> to vector<16xf32>
        %swap3A_230 = vector.shape_cast %mul3A_227 : vector<16xf32> to vector<16xf32>
        tpu.vector_store %arg26[%swap3A], %swap3A_230 {strides = array<i32>} : memref<2048xf32, #tpu.memory_space<vmem>>, vector<16xf32>,
        %mul3A_231 = arith.mulf %mul3A_212, %mul3A_206 : vector<16xf32>
        %mul3A_232 = arith.mulf %mul3A_231, %mul3A_225 : vector<16xf32>
        %swap3A_233 = arith.index_cast %mul3A_183 : i32 to index
        %swap3A_234 = tpu.vector_load %arg27[%swap3A_233] {strides = array<i32>} : memref<2048xf32, #tpu.memory_space<vmem>>, vector<16xf32>,
        %swap3A_235 = vector.shape_cast %swap3A_234 : vector<16xf32> to vector<16xf32>
        %swap3A_236 = vector.shape_cast %mul3A_232 : vector<16xf32> to vector<16xf32>
        tpu.vector_store %arg27[%swap3A_233], %swap3A_236 {strides = array<i32>} : memref<2048xf32, #tpu.memory_space<vmem>>, vector<16xf32>,
        %mul3A_237 = arith.mulf %mul3A_219, %mul3A_206 : vector<16xf32>
        %mul3A_238 = arith.mulf %mul3A_237, %mul3A_225 : vector<16xf32>
        %swap3A_239 = arith.index_cast %mul3A_183 : i32 to index
        %swap3A_240 = tpu.vector_load %arg28[%swap3A_239] {strides = array<i32>} : memref<2048xf32, #tpu.memory_space<vmem>>, vector<16xf32>,
        %swap3A_241 = vector.shape_cast %swap3A_240 : vector<16xf32> to vector<16xf32>
        %swap3A_242 = vector.shape_cast %mul3A_238 : vector<16xf32> to vector<16xf32>
        tpu.vector_store %arg28[%swap3A_239], %swap3A_242 {strides = array<i32>} : memref<2048xf32, #tpu.memory_space<vmem>>, vector<16xf32>,
      }
      %scan3A_112 = arith.constant 128 : i32
      %dma_start3A_113 = arith.constant 0 : i32
      %dma_start3A_114 = tpu.memref_slice %arg10[%dma_start3A_113] : memref<100352xf32, #tpu.memory_space<vmem_shared>> -> memref<100352xf32, #tpu.memory_space<vmem_shared>>
      tpu.enqueue_indirect_dma source(%arg26 : memref<2048xf32, #tpu.memory_space<vmem>>) target(%dma_start3A_114 : memref<100352xf32, #tpu.memory_space<vmem_shared>>) offsets(%arg14 : memref<2048xi32, #tpu.memory_space<vmem>>) semaphore(%arg33 : memref<!tpu.dma_semaphore, #tpu.memory_space<semaphore_mem>>) {add = true}
      %dma_start3A_115 = arith.constant 0 : i32
      %dma_start3A_116 = tpu.memref_slice %arg11[%dma_start3A_115] : memref<100352xf32, #tpu.memory_space<vmem_shared>> -> memref<100352xf32, #tpu.memory_space<vmem_shared>>
      tpu.enqueue_indirect_dma source(%arg27 : memref<2048xf32, #tpu.memory_space<vmem>>) target(%dma_start3A_116 : memref<100352xf32, #tpu.memory_space<vmem_shared>>) offsets(%arg14 : memref<2048xi32, #tpu.memory_space<vmem>>) semaphore(%arg33 : memref<!tpu.dma_semaphore, #tpu.memory_space<semaphore_mem>>) {add = true}
      %dma_start3A_117 = arith.constant 0 : i32
      %dma_start3A_118 = tpu.memref_slice %arg12[%dma_start3A_117] : memref<100352xf32, #tpu.memory_space<vmem_shared>> -> memref<100352xf32, #tpu.memory_space<vmem_shared>>
      tpu.enqueue_indirect_dma source(%arg28 : memref<2048xf32, #tpu.memory_space<vmem>>) target(%dma_start3A_118 : memref<100352xf32, #tpu.memory_space<vmem_shared>>) offsets(%arg14 : memref<2048xi32, #tpu.memory_space<vmem>>) semaphore(%arg33 : memref<!tpu.dma_semaphore, #tpu.memory_space<semaphore_mem>>) {add = true}
      %dma_wait3A_119 = arith.constant 0 : i32
      %dma_wait3A_120 = tpu.memref_slice %arg10[%dma_wait3A_119] : memref<100352xf32, #tpu.memory_space<vmem_shared>> -> memref<100352xf32, #tpu.memory_space<vmem_shared>>
      tpu.wait_indirect_dma semaphore(%arg33 : memref<!tpu.dma_semaphore, #tpu.memory_space<semaphore_mem>>) src(%arg26 : memref<2048xf32, #tpu.memory_space<vmem>>) dst(%dma_wait3A_120 : memref<100352xf32, #tpu.memory_space<vmem_shared>>)
      %dma_wait3A_121 = arith.constant 0 : i32
      %dma_wait3A_122 = tpu.memref_slice %arg11[%dma_wait3A_121] : memref<100352xf32, #tpu.memory_space<vmem_shared>> -> memref<100352xf32, #tpu.memory_space<vmem_shared>>
      tpu.wait_indirect_dma semaphore(%arg33 : memref<!tpu.dma_semaphore, #tpu.memory_space<semaphore_mem>>) src(%arg27 : memref<2048xf32, #tpu.memory_space<vmem>>) dst(%dma_wait3A_122 : memref<100352xf32, #tpu.memory_space<vmem_shared>>)
      %dma_wait3A_123 = arith.constant 0 : i32
      %dma_wait3A_124 = tpu.memref_slice %arg12[%dma_wait3A_123] : memref<100352xf32, #tpu.memory_space<vmem_shared>> -> memref<100352xf32, #tpu.memory_space<vmem_shared>>
      tpu.wait_indirect_dma semaphore(%arg33 : memref<!tpu.dma_semaphore, #tpu.memory_space<semaphore_mem>>) src(%arg28 : memref<2048xf32, #tpu.memory_space<vmem>>) dst(%dma_wait3A_124 : memref<100352xf32, #tpu.memory_space<vmem_shared>>)
      %mul3A_125 = arith.constant 2 : i32
      %mul3A_126 = arith.muli %mul3A_125, %add3A_75 : i32
      %add3A_127 = arith.constant 1 : i32
      %add3A_128 = arith.addi %mul3A_126, %add3A_127 : i32
      %add3A_129 = arith.constant 1 : i32
      %add3A_130 = arith.addi %add3A_128, %add3A_129 : i32
      %eq3A_131 = arith.cmpi eq, %add3A_130, %select_n3A : i32
      %mul3A_132 = arith.constant 2048 : i32
      %mul3A_133 = arith.muli %add3A_130, %mul3A_132 : i32
      %add3A_134 = arith.addi %add3A, %mul3A_133 : i32
      %select_n3A_135 = arith.select %eq3A_131, %add3A, %add3A_134 : i32
      %dma_start3A_136 = tpu.memref_slice %arg2[%select_n3A_135] : memref<3276800xi32, #tpu.memory_space<hbm>> -> memref<2048xi32, #tpu.memory_space<hbm>>
      %dma_start3A_137 = tpu.memref_slice %arg2[%select_n3A_135] : memref<3276800xi32, #tpu.memory_space<hbm>> -> memref<2048xi32, #tpu.memory_space<hbm>>
      tpu.enqueue_dma source(%dma_start3A_137 : memref<2048xi32, #tpu.memory_space<hbm>>) target(%arg14 : memref<2048xi32, #tpu.memory_space<vmem>>) target_semaphore(%arg30 : memref<!tpu.dma_semaphore, #tpu.memory_space<semaphore_mem>>)
      %dma_start3A_138 = tpu.memref_slice %arg3[%select_n3A_135] : memref<3276800xi32, #tpu.memory_space<hbm>> -> memref<2048xi32, #tpu.memory_space<hbm>>
      %dma_start3A_139 = tpu.memref_slice %arg3[%select_n3A_135] : memref<3276800xi32, #tpu.memory_space<hbm>> -> memref<2048xi32, #tpu.memory_space<hbm>>
      tpu.enqueue_dma source(%dma_start3A_139 : memref<2048xi32, #tpu.memory_space<hbm>>) target(%arg15 : memref<2048xi32, #tpu.memory_space<vmem>>) target_semaphore(%arg30 : memref<!tpu.dma_semaphore, #tpu.memory_space<semaphore_mem>>)
      %dma_start3A_140 = tpu.memref_slice %arg4[%select_n3A_135] : memref<3276800xf32, #tpu.memory_space<hbm>> -> memref<2048xf32, #tpu.memory_space<hbm>>
      %dma_start3A_141 = tpu.memref_slice %arg4[%select_n3A_135] : memref<3276800xf32, #tpu.memory_space<hbm>> -> memref<2048xf32, #tpu.memory_space<hbm>>
      tpu.enqueue_dma source(%dma_start3A_141 : memref<2048xf32, #tpu.memory_space<hbm>>) target(%arg16 : memref<2048xf32, #tpu.memory_space<vmem>>) target_semaphore(%arg30 : memref<!tpu.dma_semaphore, #tpu.memory_space<semaphore_mem>>)
      %dma_start3A_142 = tpu.memref_slice %arg5[%select_n3A_135] : memref<3276800xf32, #tpu.memory_space<hbm>> -> memref<2048xf32, #tpu.memory_space<hbm>>
      %dma_start3A_143 = tpu.memref_slice %arg5[%select_n3A_135] : memref<3276800xf32, #tpu.memory_space<hbm>> -> memref<2048xf32, #tpu.memory_space<hbm>>
      tpu.enqueue_dma source(%dma_start3A_143 : memref<2048xf32, #tpu.memory_space<hbm>>) target(%arg17 : memref<2048xf32, #tpu.memory_space<vmem>>) target_semaphore(%arg30 : memref<!tpu.dma_semaphore, #tpu.memory_space<semaphore_mem>>)
      %dma_start3A_144 = tpu.memref_slice %arg6[%select_n3A_135] : memref<3276800xf32, #tpu.memory_space<hbm>> -> memref<2048xf32, #tpu.memory_space<hbm>>
      %dma_start3A_145 = tpu.memref_slice %arg6[%select_n3A_135] : memref<3276800xf32, #tpu.memory_space<hbm>> -> memref<2048xf32, #tpu.memory_space<hbm>>
      tpu.enqueue_dma source(%dma_start3A_145 : memref<2048xf32, #tpu.memory_space<hbm>>) target(%arg18 : memref<2048xf32, #tpu.memory_space<vmem>>) target_semaphore(%arg30 : memref<!tpu.dma_semaphore, #tpu.memory_space<semaphore_mem>>)
      %dma_wait3A_146 = tpu.memref_slice %arg2[%select_n3A_135] : memref<3276800xi32, #tpu.memory_space<hbm>> -> memref<2048xi32, #tpu.memory_space<hbm>>
      %dma_wait3A_147 = tpu.memref_slice %arg2[%select_n3A_135] : memref<3276800xi32, #tpu.memory_space<hbm>> -> memref<2048xi32, #tpu.memory_space<hbm>>
      tpu.wait_dma2 semaphore(%arg30 : memref<!tpu.dma_semaphore, #tpu.memory_space<semaphore_mem>>) src(%dma_wait3A_147 : memref<2048xi32, #tpu.memory_space<hbm>>) dst(%arg14 : memref<2048xi32, #tpu.memory_space<vmem>>)
      %dma_wait3A_148 = tpu.memref_slice %arg3[%select_n3A_135] : memref<3276800xi32, #tpu.memory_space<hbm>> -> memref<2048xi32, #tpu.memory_space<hbm>>
      %dma_wait3A_149 = tpu.memref_slice %arg3[%select_n3A_135] : memref<3276800xi32, #tpu.memory_space<hbm>> -> memref<2048xi32, #tpu.memory_space<hbm>>
      tpu.wait_dma2 semaphore(%arg30 : memref<!tpu.dma_semaphore, #tpu.memory_space<semaphore_mem>>) src(%dma_wait3A_149 : memref<2048xi32, #tpu.memory_space<hbm>>) dst(%arg15 : memref<2048xi32, #tpu.memory_space<vmem>>)
      %dma_wait3A_150 = tpu.memref_slice %arg4[%select_n3A_135] : memref<3276800xf32, #tpu.memory_space<hbm>> -> memref<2048xf32, #tpu.memory_space<hbm>>
      %dma_wait3A_151 = tpu.memref_slice %arg4[%select_n3A_135] : memref<3276800xf32, #tpu.memory_space<hbm>> -> memref<2048xf32, #tpu.memory_space<hbm>>
      tpu.wait_dma2 semaphore(%arg30 : memref<!tpu.dma_semaphore, #tpu.memory_space<semaphore_mem>>) src(%dma_wait3A_151 : memref<2048xf32, #tpu.memory_space<hbm>>) dst(%arg16 : memref<2048xf32, #tpu.memory_space<vmem>>)
      %dma_wait3A_152 = tpu.memref_slice %arg5[%select_n3A_135] : memref<3276800xf32, #tpu.memory_space<hbm>> -> memref<2048xf32, #tpu.memory_space<hbm>>
      %dma_wait3A_153 = tpu.memref_slice %arg5[%select_n3A_135] : memref<3276800xf32, #tpu.memory_space<hbm>> -> memref<2048xf32, #tpu.memory_space<hbm>>
      tpu.wait_dma2 semaphore(%arg30 : memref<!tpu.dma_semaphore, #tpu.memory_space<semaphore_mem>>) src(%dma_wait3A_153 : memref<2048xf32, #tpu.memory_space<hbm>>) dst(%arg17 : memref<2048xf32, #tpu.memory_space<vmem>>)
      %dma_wait3A_154 = tpu.memref_slice %arg6[%select_n3A_135] : memref<3276800xf32, #tpu.memory_space<hbm>> -> memref<2048xf32, #tpu.memory_space<hbm>>
      %dma_wait3A_155 = tpu.memref_slice %arg6[%select_n3A_135] : memref<3276800xf32, #tpu.memory_space<hbm>> -> memref<2048xf32, #tpu.memory_space<hbm>>
      tpu.wait_dma2 semaphore(%arg30 : memref<!tpu.dma_semaphore, #tpu.memory_space<semaphore_mem>>) src(%dma_wait3A_155 : memref<2048xf32, #tpu.memory_space<hbm>>) dst(%arg18 : memref<2048xf32, #tpu.memory_space<vmem>>)
      %dma_start3A_156 = arith.constant 0 : i32
      %dma_start3A_157 = tpu.memref_slice %arg13[%dma_start3A_156] : memref<100352xf32, #tpu.memory_space<vmem_shared>> -> memref<100352xf32, #tpu.memory_space<vmem_shared>>
      tpu.enqueue_indirect_dma source(%dma_start3A_157 : memref<100352xf32, #tpu.memory_space<vmem_shared>>) target(%arg24 : memref<2048xf32, #tpu.memory_space<vmem>>) offsets(%arg15 : memref<2048xi32, #tpu.memory_space<vmem>>) semaphore(%arg31 : memref<!tpu.dma_semaphore, #tpu.memory_space<semaphore_mem>>)
      %dma_wait3A_158 = arith.constant 0 : i32
      %dma_wait3A_159 = tpu.memref_slice %arg13[%dma_wait3A_158] : memref<100352xf32, #tpu.memory_space<vmem_shared>> -> memref<100352xf32, #tpu.memory_space<vmem_shared>>
      tpu.wait_indirect_dma semaphore(%arg32 : memref<!tpu.dma_semaphore, #tpu.memory_space<semaphore_mem>>) src(%dma_wait3A_159 : memref<100352xf32, #tpu.memory_space<vmem_shared>>) dst(%arg25 : memref<2048xf32, #tpu.memory_space<vmem>>)
      %scan3A_160 = arith.constant 0 : i32
      %scan3A_161 = arith.constant 128 : i32
      %scan3A_162 = arith.addi %scan3A_160, %scan3A_161 : i32
      %scan3A_163 = arith.constant 1 : i32
      scf.for %scan3A_177 = %scan3A_160 to %scan3A_162 step %scan3A_163  : i32 {
        %mul3A_178 = arith.constant 1 : i32
        %mul3A_179 = arith.muli %scan3A_177, %mul3A_178 : i32
        %add3A_180 = arith.constant 0 : i32
        %add3A_181 = arith.addi %add3A_180, %mul3A_179 : i32
        %mul3A_182 = arith.constant 16 : i32
        %mul3A_183 = arith.muli %add3A_181, %mul3A_182 : i32
        %get3A = arith.index_cast %mul3A_183 : i32 to index
        %get3A_184 = tpu.vector_load %arg21[%get3A] {strides = array<i32>} : memref<2048xf32, #tpu.memory_space<vmem>>, vector<16xf32>,
        %get3A_185 = vector.shape_cast %get3A_184 : vector<16xf32> to vector<16xf32>
        %get3A_186 = arith.index_cast %mul3A_183 : i32 to index
        %get3A_187 = tpu.vector_load %arg22[%get3A_186] {strides = array<i32>} : memref<2048xf32, #tpu.memory_space<vmem>>, vector<16xf32>,
        %get3A_188 = vector.shape_cast %get3A_187 : vector<16xf32> to vector<16xf32>
        %get3A_189 = arith.index_cast %mul3A_183 : i32 to index
        %get3A_190 = tpu.vector_load %arg23[%get3A_189] {strides = array<i32>} : memref<2048xf32, #tpu.memory_space<vmem>>, vector<16xf32>,
        %get3A_191 = vector.shape_cast %get3A_190 : vector<16xf32> to vector<16xf32>
        %jit3A_192 = arith.constant 0.000000e+00 : f32
        %jit3A_193 = arith.constant 1.000000e+00 : f32
        %max3A = vector.broadcast %jit3A_192 : f32 to vector<16xf32>
        %max3A_194 = arith.maximumf %max3A, %get3A_191 : vector<16xf32>
        %min3A = vector.broadcast %jit3A_193 : f32 to vector<16xf32>
        %min3A_195 = arith.minimumf %min3A, %max3A_194 : vector<16xf32>
        %sub3A_196 = arith.constant 1.000000e+00 : f32
        %sub3A_197 = vector.broadcast %sub3A_196 : f32 to vector<16xf32>
        %sub3A_198 = arith.subf %sub3A_197, %min3A_195 : vector<16xf32>
        %mul3A_199 = arith.constant -356507.063 : f32
        %mul3A_200 = vector.broadcast %mul3A_199 : f32 to vector<16xf32>
        %mul3A_201 = arith.mulf %mul3A_200, %min3A_195 : vector<16xf32>
        %mul3A_202 = arith.mulf %mul3A_201, %sub3A_198 : vector<16xf32>
        %mul3A_203 = arith.mulf %mul3A_202, %sub3A_198 : vector<16xf32>
        %mul3A_204 = arith.mulf %mul3A_203, %sub3A_198 : vector<16xf32>
        %mul3A_205 = arith.mulf %mul3A_204, %get3A_185 : vector<16xf32>
        %mul3A_206 = arith.mulf %mul3A_204, %get3A_188 : vector<16xf32>
        %neg3A = arith.constant 0.000000e+00 : f32
        %neg3A_207 = vector.broadcast %neg3A : f32 to vector<16xf32>
        %neg3A_208 = arith.subf %neg3A_207, %get3A_185 : vector<16xf32>
        %mul3A_209 = arith.mulf %neg3A_208, %get3A_191 : vector<16xf32>
        %mul3A_210 = arith.constant 5.000000e-02 : f32
        %mul3A_211 = vector.broadcast %mul3A_210 : f32 to vector<16xf32>
        %mul3A_212 = arith.mulf %mul3A_209, %mul3A_211 : vector<16xf32>
        %neg3A_213 = arith.constant 0.000000e+00 : f32
        %neg3A_214 = vector.broadcast %neg3A_213 : f32 to vector<16xf32>
        %neg3A_215 = arith.subf %neg3A_214, %get3A_188 : vector<16xf32>
        %mul3A_216 = arith.mulf %neg3A_215, %get3A_191 : vector<16xf32>
        %mul3A_217 = arith.constant 5.000000e-02 : f32
        %mul3A_218 = vector.broadcast %mul3A_217 : f32 to vector<16xf32>
        %mul3A_219 = arith.mulf %mul3A_216, %mul3A_218 : vector<16xf32>
        %get3A_220 = arith.index_cast %mul3A_183 : i32 to index
        %get3A_221 = tpu.vector_load %arg25[%get3A_220] {strides = array<i32>} : memref<2048xf32, #tpu.memory_space<vmem>>, vector<16xf32>,
        %get3A_222 = vector.shape_cast %get3A_221 : vector<16xf32> to vector<16xf32>
        %mul3A_223 = arith.constant 2.000000e+00 : f32
        %mul3A_224 = vector.broadcast %mul3A_223 : f32 to vector<16xf32>
        %mul3A_225 = arith.mulf %get3A_222, %mul3A_224 : vector<16xf32>
        %mul3A_226 = arith.mulf %mul3A_212, %mul3A_205 : vector<16xf32>
        %mul3A_227 = arith.mulf %mul3A_226, %mul3A_225 : vector<16xf32>
        %swap3A = arith.index_cast %mul3A_183 : i32 to index
        %swap3A_228 = tpu.vector_load %arg26[%swap3A] {strides = array<i32>} : memref<2048xf32, #tpu.memory_space<vmem>>, vector<16xf32>,
        %swap3A_229 = vector.shape_cast %swap3A_228 : vector<16xf32> to vector<16xf32>
        %swap3A_230 = vector.shape_cast %mul3A_227 : vector<16xf32> to vector<16xf32>
        tpu.vector_store %arg26[%swap3A], %swap3A_230 {strides = array<i32>} : memref<2048xf32, #tpu.memory_space<vmem>>, vector<16xf32>,
        %mul3A_231 = arith.mulf %mul3A_212, %mul3A_206 : vector<16xf32>
        %mul3A_232 = arith.mulf %mul3A_231, %mul3A_225 : vector<16xf32>
        %swap3A_233 = arith.index_cast %mul3A_183 : i32 to index
        %swap3A_234 = tpu.vector_load %arg27[%swap3A_233] {strides = array<i32>} : memref<2048xf32, #tpu.memory_space<vmem>>, vector<16xf32>,
        %swap3A_235 = vector.shape_cast %swap3A_234 : vector<16xf32> to vector<16xf32>
        %swap3A_236 = vector.shape_cast %mul3A_232 : vector<16xf32> to vector<16xf32>
        tpu.vector_store %arg27[%swap3A_233], %swap3A_236 {strides = array<i32>} : memref<2048xf32, #tpu.memory_space<vmem>>, vector<16xf32>,
        %mul3A_237 = arith.mulf %mul3A_219, %mul3A_206 : vector<16xf32>
        %mul3A_238 = arith.mulf %mul3A_237, %mul3A_225 : vector<16xf32>
        %swap3A_239 = arith.index_cast %mul3A_183 : i32 to index
        %swap3A_240 = tpu.vector_load %arg28[%swap3A_239] {strides = array<i32>} : memref<2048xf32, #tpu.memory_space<vmem>>, vector<16xf32>,
        %swap3A_241 = vector.shape_cast %swap3A_240 : vector<16xf32> to vector<16xf32>
        %swap3A_242 = vector.shape_cast %mul3A_238 : vector<16xf32> to vector<16xf32>
        tpu.vector_store %arg28[%swap3A_239], %swap3A_242 {strides = array<i32>} : memref<2048xf32, #tpu.memory_space<vmem>>, vector<16xf32>,
      }
      %scan3A_164 = arith.constant 128 : i32
      %dma_start3A_165 = arith.constant 0 : i32
      %dma_start3A_166 = tpu.memref_slice %arg10[%dma_start3A_165] : memref<100352xf32, #tpu.memory_space<vmem_shared>> -> memref<100352xf32, #tpu.memory_space<vmem_shared>>
      tpu.enqueue_indirect_dma source(%arg26 : memref<2048xf32, #tpu.memory_space<vmem>>) target(%dma_start3A_166 : memref<100352xf32, #tpu.memory_space<vmem_shared>>) offsets(%arg19 : memref<2048xi32, #tpu.memory_space<vmem>>) semaphore(%arg33 : memref<!tpu.dma_semaphore, #tpu.memory_space<semaphore_mem>>) {add = true}
      %dma_start3A_167 = arith.constant 0 : i32
      %dma_start3A_168 = tpu.memref_slice %arg11[%dma_start3A_167] : memref<100352xf32, #tpu.memory_space<vmem_shared>> -> memref<100352xf32, #tpu.memory_space<vmem_shared>>
      tpu.enqueue_indirect_dma source(%arg27 : memref<2048xf32, #tpu.memory_space<vmem>>) target(%dma_start3A_168 : memref<100352xf32, #tpu.memory_space<vmem_shared>>) offsets(%arg19 : memref<2048xi32, #tpu.memory_space<vmem>>) semaphore(%arg33 : memref<!tpu.dma_semaphore, #tpu.memory_space<semaphore_mem>>) {add = true}
      %dma_start3A_169 = arith.constant 0 : i32
      %dma_start3A_170 = tpu.memref_slice %arg12[%dma_start3A_169] : memref<100352xf32, #tpu.memory_space<vmem_shared>> -> memref<100352xf32, #tpu.memory_space<vmem_shared>>
      tpu.enqueue_indirect_dma source(%arg28 : memref<2048xf32, #tpu.memory_space<vmem>>) target(%dma_start3A_170 : memref<100352xf32, #tpu.memory_space<vmem_shared>>) offsets(%arg19 : memref<2048xi32, #tpu.memory_space<vmem>>) semaphore(%arg33 : memref<!tpu.dma_semaphore, #tpu.memory_space<semaphore_mem>>) {add = true}
      %dma_wait3A_171 = arith.constant 0 : i32
      %dma_wait3A_172 = tpu.memref_slice %arg10[%dma_wait3A_171] : memref<100352xf32, #tpu.memory_space<vmem_shared>> -> memref<100352xf32, #tpu.memory_space<vmem_shared>>
      tpu.wait_indirect_dma semaphore(%arg33 : memref<!tpu.dma_semaphore, #tpu.memory_space<semaphore_mem>>) src(%arg26 : memref<2048xf32, #tpu.memory_space<vmem>>) dst(%dma_wait3A_172 : memref<100352xf32, #tpu.memory_space<vmem_shared>>)
      %dma_wait3A_173 = arith.constant 0 : i32
      %dma_wait3A_174 = tpu.memref_slice %arg11[%dma_wait3A_173] : memref<100352xf32, #tpu.memory_space<vmem_shared>> -> memref<100352xf32, #tpu.memory_space<vmem_shared>>
      tpu.wait_indirect_dma semaphore(%arg33 : memref<!tpu.dma_semaphore, #tpu.memory_space<semaphore_mem>>) src(%arg27 : memref<2048xf32, #tpu.memory_space<vmem>>) dst(%dma_wait3A_174 : memref<100352xf32, #tpu.memory_space<vmem_shared>>)
      %dma_wait3A_175 = arith.constant 0 : i32
      %dma_wait3A_176 = tpu.memref_slice %arg12[%dma_wait3A_175] : memref<100352xf32, #tpu.memory_space<vmem_shared>> -> memref<100352xf32, #tpu.memory_space<vmem_shared>>
      tpu.wait_indirect_dma semaphore(%arg33 : memref<!tpu.dma_semaphore, #tpu.memory_space<semaphore_mem>>) src(%arg28 : memref<2048xf32, #tpu.memory_space<vmem>>) dst(%dma_wait3A_176 : memref<100352xf32, #tpu.memory_space<vmem_shared>>)
    }
    %dma_wait3A_66 = arith.constant 0 : i32
    %dma_wait3A_67 = tpu.memref_slice %arg13[%dma_wait3A_66] : memref<100352xf32, #tpu.memory_space<vmem_shared>> -> memref<100352xf32, #tpu.memory_space<vmem_shared>>
    tpu.wait_indirect_dma semaphore(%arg31 : memref<!tpu.dma_semaphore, #tpu.memory_space<semaphore_mem>>) src(%dma_wait3A_67 : memref<100352xf32, #tpu.memory_space<vmem_shared>>) dst(%arg24 : memref<2048xf32, #tpu.memory_space<vmem>>)
    %barrier3A_68 = arith.constant 0 : index
    tpu.barrier barrier_id(%barrier3A_68)
    %mul3A_69 = arith.constant 6272 : i32
    %mul3A_70 = arith.muli %arg1, %mul3A_69 : i32
    "tpu.region"() ({
      %run_scoped3A_73 = tpu.sem_alloc : memref<!tpu.dma_semaphore, #tpu.memory_space<semaphore_mem>>
      %dma_start3A_74 = tpu.memref_slice %arg10[%mul3A_70] : memref<100352xf32, #tpu.memory_space<vmem_shared>> -> memref<6272xf32, #tpu.memory_space<vmem_shared>>
      %dma_start3A_75 = tpu.memref_slice %arg10[%mul3A_70] : memref<100352xf32, #tpu.memory_space<vmem_shared>> -> memref<6272xf32, #tpu.memory_space<vmem_shared>>
      tpu.enqueue_dma source(%dma_start3A_75 : memref<6272xf32, #tpu.memory_space<vmem_shared>>) target(%arg29 : memref<6272xf32, #tpu.memory_space<vmem>>) target_semaphore(%run_scoped3A_73 : memref<!tpu.dma_semaphore, #tpu.memory_space<semaphore_mem>>)
      %dma_wait3A_76 = tpu.memref_slice %arg10[%mul3A_70] : memref<100352xf32, #tpu.memory_space<vmem_shared>> -> memref<6272xf32, #tpu.memory_space<vmem_shared>>
      %dma_wait3A_77 = tpu.memref_slice %arg10[%mul3A_70] : memref<100352xf32, #tpu.memory_space<vmem_shared>> -> memref<6272xf32, #tpu.memory_space<vmem_shared>>
      tpu.wait_dma2 semaphore(%run_scoped3A_73 : memref<!tpu.dma_semaphore, #tpu.memory_space<semaphore_mem>>) src(%dma_wait3A_77 : memref<6272xf32, #tpu.memory_space<vmem_shared>>) dst(%arg29 : memref<6272xf32, #tpu.memory_space<vmem>>)
      tpu.yield
    }) : () -> ()
    %run_scoped3A = arith.constant 0 : i32
    "tpu.region"() ({
      %run_scoped3A_73 = tpu.sem_alloc : memref<!tpu.dma_semaphore, #tpu.memory_space<semaphore_mem>>
      %dma_start3A_74 = tpu.memref_slice %arg9[%arg0, %run_scoped3A, %mul3A_70] : memref<2x4x100352xf32, #tpu.memory_space<hbm>> -> memref<1x1x6272xf32, #tpu.memory_space<hbm>>
      %dma_start3A_75 = tpu.memref_squeeze %dma_start3A_74 : memref<1x1x6272xf32, #tpu.memory_space<hbm>> -> memref<6272xf32, #tpu.memory_space<hbm>>
      %dma_start3A_76 = tpu.memref_slice %arg9[%arg0, %run_scoped3A, %mul3A_70] : memref<2x4x100352xf32, #tpu.memory_space<hbm>> -> memref<1x1x6272xf32, #tpu.memory_space<hbm>>
      %dma_start3A_77 = tpu.memref_squeeze %dma_start3A_76 : memref<1x1x6272xf32, #tpu.memory_space<hbm>> -> memref<6272xf32, #tpu.memory_space<hbm>>
      tpu.enqueue_dma source(%arg29 : memref<6272xf32, #tpu.memory_space<vmem>>) target(%dma_start3A_77 : memref<6272xf32, #tpu.memory_space<hbm>>) target_semaphore(%run_scoped3A_73 : memref<!tpu.dma_semaphore, #tpu.memory_space<semaphore_mem>>)
      %dma_wait3A_78 = tpu.memref_slice %arg9[%arg0, %run_scoped3A, %mul3A_70] : memref<2x4x100352xf32, #tpu.memory_space<hbm>> -> memref<1x1x6272xf32, #tpu.memory_space<hbm>>
      %dma_wait3A_79 = tpu.memref_squeeze %dma_wait3A_78 : memref<1x1x6272xf32, #tpu.memory_space<hbm>> -> memref<6272xf32, #tpu.memory_space<hbm>>
      %dma_wait3A_80 = tpu.memref_slice %arg9[%arg0, %run_scoped3A, %mul3A_70] : memref<2x4x100352xf32, #tpu.memory_space<hbm>> -> memref<1x1x6272xf32, #tpu.memory_space<hbm>>
      %dma_wait3A_81 = tpu.memref_squeeze %dma_wait3A_80 : memref<1x1x6272xf32, #tpu.memory_space<hbm>> -> memref<6272xf32, #tpu.memory_space<hbm>>
      tpu.wait_dma2 semaphore(%run_scoped3A_73 : memref<!tpu.dma_semaphore, #tpu.memory_space<semaphore_mem>>) src(%arg29 : memref<6272xf32, #tpu.memory_space<vmem>>) dst(%dma_wait3A_81 : memref<6272xf32, #tpu.memory_space<hbm>>)
      tpu.yield
    }) : () -> ()
    "tpu.region"() ({
      %run_scoped3A_73 = tpu.sem_alloc : memref<!tpu.dma_semaphore, #tpu.memory_space<semaphore_mem>>
      %dma_start3A_74 = tpu.memref_slice %arg11[%mul3A_70] : memref<100352xf32, #tpu.memory_space<vmem_shared>> -> memref<6272xf32, #tpu.memory_space<vmem_shared>>
      %dma_start3A_75 = tpu.memref_slice %arg11[%mul3A_70] : memref<100352xf32, #tpu.memory_space<vmem_shared>> -> memref<6272xf32, #tpu.memory_space<vmem_shared>>
      tpu.enqueue_dma source(%dma_start3A_75 : memref<6272xf32, #tpu.memory_space<vmem_shared>>) target(%arg29 : memref<6272xf32, #tpu.memory_space<vmem>>) target_semaphore(%run_scoped3A_73 : memref<!tpu.dma_semaphore, #tpu.memory_space<semaphore_mem>>)
      %dma_wait3A_76 = tpu.memref_slice %arg11[%mul3A_70] : memref<100352xf32, #tpu.memory_space<vmem_shared>> -> memref<6272xf32, #tpu.memory_space<vmem_shared>>
      %dma_wait3A_77 = tpu.memref_slice %arg11[%mul3A_70] : memref<100352xf32, #tpu.memory_space<vmem_shared>> -> memref<6272xf32, #tpu.memory_space<vmem_shared>>
      tpu.wait_dma2 semaphore(%run_scoped3A_73 : memref<!tpu.dma_semaphore, #tpu.memory_space<semaphore_mem>>) src(%dma_wait3A_77 : memref<6272xf32, #tpu.memory_space<vmem_shared>>) dst(%arg29 : memref<6272xf32, #tpu.memory_space<vmem>>)
      tpu.yield
    }) : () -> ()
    %run_scoped3A_71 = arith.constant 1 : i32
    "tpu.region"() ({
      %run_scoped3A_73 = tpu.sem_alloc : memref<!tpu.dma_semaphore, #tpu.memory_space<semaphore_mem>>
      %dma_start3A_74 = tpu.memref_slice %arg9[%arg0, %run_scoped3A_71, %mul3A_70] : memref<2x4x100352xf32, #tpu.memory_space<hbm>> -> memref<1x1x6272xf32, #tpu.memory_space<hbm>>
      %dma_start3A_75 = tpu.memref_squeeze %dma_start3A_74 : memref<1x1x6272xf32, #tpu.memory_space<hbm>> -> memref<6272xf32, #tpu.memory_space<hbm>>
      %dma_start3A_76 = tpu.memref_slice %arg9[%arg0, %run_scoped3A_71, %mul3A_70] : memref<2x4x100352xf32, #tpu.memory_space<hbm>> -> memref<1x1x6272xf32, #tpu.memory_space<hbm>>
      %dma_start3A_77 = tpu.memref_squeeze %dma_start3A_76 : memref<1x1x6272xf32, #tpu.memory_space<hbm>> -> memref<6272xf32, #tpu.memory_space<hbm>>
      tpu.enqueue_dma source(%arg29 : memref<6272xf32, #tpu.memory_space<vmem>>) target(%dma_start3A_77 : memref<6272xf32, #tpu.memory_space<hbm>>) target_semaphore(%run_scoped3A_73 : memref<!tpu.dma_semaphore, #tpu.memory_space<semaphore_mem>>)
      %dma_wait3A_78 = tpu.memref_slice %arg9[%arg0, %run_scoped3A_71, %mul3A_70] : memref<2x4x100352xf32, #tpu.memory_space<hbm>> -> memref<1x1x6272xf32, #tpu.memory_space<hbm>>
      %dma_wait3A_79 = tpu.memref_squeeze %dma_wait3A_78 : memref<1x1x6272xf32, #tpu.memory_space<hbm>> -> memref<6272xf32, #tpu.memory_space<hbm>>
      %dma_wait3A_80 = tpu.memref_slice %arg9[%arg0, %run_scoped3A_71, %mul3A_70] : memref<2x4x100352xf32, #tpu.memory_space<hbm>> -> memref<1x1x6272xf32, #tpu.memory_space<hbm>>
      %dma_wait3A_81 = tpu.memref_squeeze %dma_wait3A_80 : memref<1x1x6272xf32, #tpu.memory_space<hbm>> -> memref<6272xf32, #tpu.memory_space<hbm>>
      tpu.wait_dma2 semaphore(%run_scoped3A_73 : memref<!tpu.dma_semaphore, #tpu.memory_space<semaphore_mem>>) src(%arg29 : memref<6272xf32, #tpu.memory_space<vmem>>) dst(%dma_wait3A_81 : memref<6272xf32, #tpu.memory_space<hbm>>)
      tpu.yield
    }) : () -> ()
    "tpu.region"() ({
      %run_scoped3A_73 = tpu.sem_alloc : memref<!tpu.dma_semaphore, #tpu.memory_space<semaphore_mem>>
      %dma_start3A_74 = tpu.memref_slice %arg12[%mul3A_70] : memref<100352xf32, #tpu.memory_space<vmem_shared>> -> memref<6272xf32, #tpu.memory_space<vmem_shared>>
      %dma_start3A_75 = tpu.memref_slice %arg12[%mul3A_70] : memref<100352xf32, #tpu.memory_space<vmem_shared>> -> memref<6272xf32, #tpu.memory_space<vmem_shared>>
      tpu.enqueue_dma source(%dma_start3A_75 : memref<6272xf32, #tpu.memory_space<vmem_shared>>) target(%arg29 : memref<6272xf32, #tpu.memory_space<vmem>>) target_semaphore(%run_scoped3A_73 : memref<!tpu.dma_semaphore, #tpu.memory_space<semaphore_mem>>)
      %dma_wait3A_76 = tpu.memref_slice %arg12[%mul3A_70] : memref<100352xf32, #tpu.memory_space<vmem_shared>> -> memref<6272xf32, #tpu.memory_space<vmem_shared>>
      %dma_wait3A_77 = tpu.memref_slice %arg12[%mul3A_70] : memref<100352xf32, #tpu.memory_space<vmem_shared>> -> memref<6272xf32, #tpu.memory_space<vmem_shared>>
      tpu.wait_dma2 semaphore(%run_scoped3A_73 : memref<!tpu.dma_semaphore, #tpu.memory_space<semaphore_mem>>) src(%dma_wait3A_77 : memref<6272xf32, #tpu.memory_space<vmem_shared>>) dst(%arg29 : memref<6272xf32, #tpu.memory_space<vmem>>)
      tpu.yield
    }) : () -> ()
    %run_scoped3A_72 = arith.constant 2 : i32
    "tpu.region"() ({
      %run_scoped3A_73 = tpu.sem_alloc : memref<!tpu.dma_semaphore, #tpu.memory_space<semaphore_mem>>
      %dma_start3A_74 = tpu.memref_slice %arg9[%arg0, %run_scoped3A_72, %mul3A_70] : memref<2x4x100352xf32, #tpu.memory_space<hbm>> -> memref<1x1x6272xf32, #tpu.memory_space<hbm>>
      %dma_start3A_75 = tpu.memref_squeeze %dma_start3A_74 : memref<1x1x6272xf32, #tpu.memory_space<hbm>> -> memref<6272xf32, #tpu.memory_space<hbm>>
      %dma_start3A_76 = tpu.memref_slice %arg9[%arg0, %run_scoped3A_72, %mul3A_70] : memref<2x4x100352xf32, #tpu.memory_space<hbm>> -> memref<1x1x6272xf32, #tpu.memory_space<hbm>>
      %dma_start3A_77 = tpu.memref_squeeze %dma_start3A_76 : memref<1x1x6272xf32, #tpu.memory_space<hbm>> -> memref<6272xf32, #tpu.memory_space<hbm>>
      tpu.enqueue_dma source(%arg29 : memref<6272xf32, #tpu.memory_space<vmem>>) target(%dma_start3A_77 : memref<6272xf32, #tpu.memory_space<hbm>>) target_semaphore(%run_scoped3A_73 : memref<!tpu.dma_semaphore, #tpu.memory_space<semaphore_mem>>)
      %dma_wait3A_78 = tpu.memref_slice %arg9[%arg0, %run_scoped3A_72, %mul3A_70] : memref<2x4x100352xf32, #tpu.memory_space<hbm>> -> memref<1x1x6272xf32, #tpu.memory_space<hbm>>
      %dma_wait3A_79 = tpu.memref_squeeze %dma_wait3A_78 : memref<1x1x6272xf32, #tpu.memory_space<hbm>> -> memref<6272xf32, #tpu.memory_space<hbm>>
      %dma_wait3A_80 = tpu.memref_slice %arg9[%arg0, %run_scoped3A_72, %mul3A_70] : memref<2x4x100352xf32, #tpu.memory_space<hbm>> -> memref<1x1x6272xf32, #tpu.memory_space<hbm>>
      %dma_wait3A_81 = tpu.memref_squeeze %dma_wait3A_80 : memref<1x1x6272xf32, #tpu.memory_space<hbm>> -> memref<6272xf32, #tpu.memory_space<hbm>>
      tpu.wait_dma2 semaphore(%run_scoped3A_73 : memref<!tpu.dma_semaphore, #tpu.memory_space<semaphore_mem>>) src(%arg29 : memref<6272xf32, #tpu.memory_space<vmem>>) dst(%dma_wait3A_81 : memref<6272xf32, #tpu.memory_space<hbm>>)
      tpu.yield
    }) : () -> ()
    return
  }
}

module attributes {stable_mosaic.version = 14 : i64} {
  func.func @_tc_pinv_body(%arg0: memref<2x4x196x512xf32, #tpu.memory_space<vmem>>, %arg1: memref<196x512xf32, #tpu.memory_space<vmem>>, %arg2: memref<196x512xf32, #tpu.memory_space<vmem>>, %arg3: memref<196x512xf32, #tpu.memory_space<vmem>>, %arg4: memref<196x512xf32, #tpu.memory_space<vmem>>, %arg5: memref<196x512xf32, #tpu.memory_space<vmem>>, %arg6: memref<196x512xf32, #tpu.memory_space<vmem>>) attributes {dimension_semantics = [], scalar_prefetch = 0 : i64, scratch_operands = 0 : i64, tpu.core_type = #tpu.core_type<tc>} {
    %get3A = arith.constant 0 : index
    %get3A_0 = arith.constant 0 : index
    %get3A_1 = arith.constant 0 : index
    %get3A_2 = arith.constant 0 : index
    %get3A_3 = vector.load %arg0[%get3A, %get3A_0, %get3A_1, %get3A_2] : memref<2x4x196x512xf32, #tpu.memory_space<vmem>>, vector<1x1x196x512xf32>
    %get3A_4 = vector.shape_cast %get3A_3 : vector<1x1x196x512xf32> to vector<196x512xf32>
    %get3A_5 = arith.constant 1 : index
    %get3A_6 = arith.constant 0 : index
    %get3A_7 = arith.constant 0 : index
    %get3A_8 = arith.constant 0 : index
    %get3A_9 = vector.load %arg0[%get3A_5, %get3A_6, %get3A_7, %get3A_8] : memref<2x4x196x512xf32, #tpu.memory_space<vmem>>, vector<1x1x196x512xf32>
    %get3A_10 = vector.shape_cast %get3A_9 : vector<1x1x196x512xf32> to vector<196x512xf32>
    %add3A = arith.addf %get3A_4, %get3A_10 : vector<196x512xf32>
    %get3A_11 = arith.constant 0 : index
    %get3A_12 = arith.constant 1 : index
    %get3A_13 = arith.constant 0 : index
    %get3A_14 = arith.constant 0 : index
    %get3A_15 = vector.load %arg0[%get3A_11, %get3A_12, %get3A_13, %get3A_14] : memref<2x4x196x512xf32, #tpu.memory_space<vmem>>, vector<1x1x196x512xf32>
    %get3A_16 = vector.shape_cast %get3A_15 : vector<1x1x196x512xf32> to vector<196x512xf32>
    %get3A_17 = arith.constant 1 : index
    %get3A_18 = arith.constant 1 : index
    %get3A_19 = arith.constant 0 : index
    %get3A_20 = arith.constant 0 : index
    %get3A_21 = vector.load %arg0[%get3A_17, %get3A_18, %get3A_19, %get3A_20] : memref<2x4x196x512xf32, #tpu.memory_space<vmem>>, vector<1x1x196x512xf32>
    %get3A_22 = vector.shape_cast %get3A_21 : vector<1x1x196x512xf32> to vector<196x512xf32>
    %add3A_23 = arith.addf %get3A_16, %get3A_22 : vector<196x512xf32>
    %get3A_24 = arith.constant 0 : index
    %get3A_25 = arith.constant 2 : index
    %get3A_26 = arith.constant 0 : index
    %get3A_27 = arith.constant 0 : index
    %get3A_28 = vector.load %arg0[%get3A_24, %get3A_25, %get3A_26, %get3A_27] : memref<2x4x196x512xf32, #tpu.memory_space<vmem>>, vector<1x1x196x512xf32>
    %get3A_29 = vector.shape_cast %get3A_28 : vector<1x1x196x512xf32> to vector<196x512xf32>
    %get3A_30 = arith.constant 1 : index
    %get3A_31 = arith.constant 2 : index
    %get3A_32 = arith.constant 0 : index
    %get3A_33 = arith.constant 0 : index
    %get3A_34 = vector.load %arg0[%get3A_30, %get3A_31, %get3A_32, %get3A_33] : memref<2x4x196x512xf32, #tpu.memory_space<vmem>>, vector<1x1x196x512xf32>
    %get3A_35 = vector.shape_cast %get3A_34 : vector<1x1x196x512xf32> to vector<196x512xf32>
    %add3A_36 = arith.addf %get3A_29, %get3A_35 : vector<196x512xf32>
    %mul3A = arith.mulf %add3A, %add3A_36 : vector<196x512xf32>
    %mul3A_37 = arith.mulf %add3A_23, %add3A_23 : vector<196x512xf32>
    %sub3A = arith.subf %mul3A, %mul3A_37 : vector<196x512xf32>
    %mul3A_38 = arith.mulf %add3A, %add3A : vector<196x512xf32>
    %mul3A_39 = arith.mulf %add3A_23, %add3A_23 : vector<196x512xf32>
    %mul3A_40 = arith.constant 2.000000e+00 : f32
    %mul3A_41 = vector.broadcast %mul3A_40 : f32 to vector<196x512xf32>
    %mul3A_42 = arith.mulf %mul3A_41, %mul3A_39 : vector<196x512xf32>
    %add3A_43 = arith.addf %mul3A_38, %mul3A_42 : vector<196x512xf32>
    %mul3A_44 = arith.mulf %add3A_36, %add3A_36 : vector<196x512xf32>
    %add3A_45 = arith.addf %add3A_43, %mul3A_44 : vector<196x512xf32>
    %abs3A = math.absf %sub3A : vector<196x512xf32>
    %mul3A_46 = arith.constant 9.99999997E-7 : f32
    %mul3A_47 = vector.broadcast %mul3A_46 : f32 to vector<196x512xf32>
    %mul3A_48 = arith.mulf %mul3A_47, %add3A_45 : vector<196x512xf32>
    %gt3A = arith.cmpf ogt, %abs3A, %mul3A_48 : vector<196x512xf32>
    %jit3A = arith.constant 1.000000e+00 : f32
    %broadcast_in_dim3A = vector.broadcast %jit3A : f32 to vector<196x512xf32>
    %select_n3A = arith.select %gt3A, %sub3A, %broadcast_in_dim3A : vector<196x512xi1>, vector<196x512xf32>
    %max3A = arith.constant 1.000000e-30 : f32
    %max3A_49 = vector.broadcast %max3A : f32 to vector<196x512xf32>
    %max3A_50 = arith.maximumf %add3A_45, %max3A_49 : vector<196x512xf32>
    %div3A = arith.divf %add3A_36, %select_n3A : vector<196x512xf32>
    %div3A_51 = arith.divf %add3A, %max3A_50 : vector<196x512xf32>
    %select_n3A_52 = arith.select %gt3A, %div3A, %div3A_51 : vector<196x512xi1>, vector<196x512xf32>
    %swap3A = arith.constant 0 : index
    %swap3A_53 = arith.constant 0 : index
    %swap3A_54 = vector.load %arg3[%swap3A, %swap3A_53] : memref<196x512xf32, #tpu.memory_space<vmem>>, vector<196x512xf32>
    tpu.vector_store %arg3[%swap3A, %swap3A_53], %select_n3A_52 {strides = array<i32>} : memref<196x512xf32, #tpu.memory_space<vmem>>, vector<196x512xf32>,
    %neg3A = arith.constant 0.000000e+00 : f32
    %neg3A_55 = vector.broadcast %neg3A : f32 to vector<196x512xf32>
    %neg3A_56 = arith.subf %neg3A_55, %add3A_23 : vector<196x512xf32>
    %div3A_57 = arith.divf %neg3A_56, %select_n3A : vector<196x512xf32>
    %div3A_58 = arith.divf %add3A_23, %max3A_50 : vector<196x512xf32>
    %select_n3A_59 = arith.select %gt3A, %div3A_57, %div3A_58 : vector<196x512xi1>, vector<196x512xf32>
    %swap3A_60 = arith.constant 0 : index
    %swap3A_61 = arith.constant 0 : index
    %swap3A_62 = vector.load %arg4[%swap3A_60, %swap3A_61] : memref<196x512xf32, #tpu.memory_space<vmem>>, vector<196x512xf32>
    tpu.vector_store %arg4[%swap3A_60, %swap3A_61], %select_n3A_59 {strides = array<i32>} : memref<196x512xf32, #tpu.memory_space<vmem>>, vector<196x512xf32>,
    %div3A_63 = arith.divf %add3A, %select_n3A : vector<196x512xf32>
    %div3A_64 = arith.divf %add3A_36, %max3A_50 : vector<196x512xf32>
    %select_n3A_65 = arith.select %gt3A, %div3A_63, %div3A_64 : vector<196x512xi1>, vector<196x512xf32>
    %swap3A_66 = arith.constant 0 : index
    %swap3A_67 = arith.constant 0 : index
    %swap3A_68 = vector.load %arg5[%swap3A_66, %swap3A_67] : memref<196x512xf32, #tpu.memory_space<vmem>>, vector<196x512xf32>
    tpu.vector_store %arg5[%swap3A_66, %swap3A_67], %select_n3A_65 {strides = array<i32>} : memref<196x512xf32, #tpu.memory_space<vmem>>, vector<196x512xf32>,
    %get3A_69 = arith.constant 0 : index
    %get3A_70 = arith.constant 0 : index
    %get3A_71 = vector.load %arg1[%get3A_69, %get3A_70] : memref<196x512xf32, #tpu.memory_space<vmem>>, vector<196x512xf32>
    %mul3A_72 = arith.constant 1.000000e+03 : f32
    %mul3A_73 = vector.broadcast %mul3A_72 : f32 to vector<196x512xf32>
    %mul3A_74 = arith.mulf %get3A_71, %mul3A_73 : vector<196x512xf32>
    %get3A_75 = arith.constant 0 : index
    %get3A_76 = arith.constant 0 : index
    %get3A_77 = vector.load %arg2[%get3A_75, %get3A_76] : memref<196x512xf32, #tpu.memory_space<vmem>>, vector<196x512xf32>
    %convert_element_type3A = arith.truncf %mul3A_74 : vector<196x512xf32> to vector<196x512xbf16>
    %bitcast_convert_type3A = tpu.bitcast %convert_element_type3A : vector<196x512xbf16> -> vector<196x512xi16>
    %convert_element_type3A_78 = arith.truncf %get3A_77 : vector<196x512xf32> to vector<196x512xbf16>
    %bitcast_convert_type3A_79 = tpu.bitcast %convert_element_type3A_78 : vector<196x512xbf16> -> vector<196x512xi16>
    %convert_element_type3A_80 = arith.extui %bitcast_convert_type3A : vector<196x512xi16> to vector<196x512xi32>
    %shift_left3A = arith.constant 16 : i32
    %shift_left3A_81 = vector.broadcast %shift_left3A : i32 to vector<196x512xi32>
    %shift_left3A_82 = arith.shli %convert_element_type3A_80, %shift_left3A_81 : vector<196x512xi32>
    %convert_element_type3A_83 = arith.extui %bitcast_convert_type3A_79 : vector<196x512xi16> to vector<196x512xi32>
    %or3A = arith.ori %shift_left3A_82, %convert_element_type3A_83 : vector<196x512xi32>
    %bitcast_convert_type3A_84 = tpu.bitcast %or3A : vector<196x512xi32> -> vector<196x512xf32>
    %swap3A_85 = arith.constant 0 : index
    %swap3A_86 = arith.constant 0 : index
    %swap3A_87 = vector.load %arg6[%swap3A_85, %swap3A_86] : memref<196x512xf32, #tpu.memory_space<vmem>>, vector<196x512xf32>
    tpu.vector_store %arg6[%swap3A_85, %swap3A_86], %bitcast_convert_type3A_84 {strides = array<i32>} : memref<196x512xf32, #tpu.memory_space<vmem>>, vector<196x512xf32>,
    return
  }
}

module attributes {stable_mosaic.version = 14 : i64} {
  func.func @_tc_combine2_body(%arg0: memref<2x2x196x512xf32, #tpu.memory_space<vmem>>, %arg1: memref<196x512xf32, #tpu.memory_space<vmem>>) attributes {dimension_semantics = [], scalar_prefetch = 0 : i64, scratch_operands = 0 : i64, tpu.core_type = #tpu.core_type<tc>} {
    %get3A = arith.constant 0 : index
    %get3A_0 = arith.constant 0 : index
    %get3A_1 = arith.constant 0 : index
    %get3A_2 = arith.constant 0 : index
    %get3A_3 = vector.load %arg0[%get3A, %get3A_0, %get3A_1, %get3A_2] : memref<2x2x196x512xf32, #tpu.memory_space<vmem>>, vector<1x1x196x512xf32>
    %get3A_4 = vector.shape_cast %get3A_3 : vector<1x1x196x512xf32> to vector<196x512xf32>
    %get3A_5 = arith.constant 1 : index
    %get3A_6 = arith.constant 0 : index
    %get3A_7 = arith.constant 0 : index
    %get3A_8 = arith.constant 0 : index
    %get3A_9 = vector.load %arg0[%get3A_5, %get3A_6, %get3A_7, %get3A_8] : memref<2x2x196x512xf32, #tpu.memory_space<vmem>>, vector<1x1x196x512xf32>
    %get3A_10 = vector.shape_cast %get3A_9 : vector<1x1x196x512xf32> to vector<196x512xf32>
    %add3A = arith.addf %get3A_4, %get3A_10 : vector<196x512xf32>
    %get3A_11 = arith.constant 0 : index
    %get3A_12 = arith.constant 1 : index
    %get3A_13 = arith.constant 0 : index
    %get3A_14 = arith.constant 0 : index
    %get3A_15 = vector.load %arg0[%get3A_11, %get3A_12, %get3A_13, %get3A_14] : memref<2x2x196x512xf32, #tpu.memory_space<vmem>>, vector<1x1x196x512xf32>
    %get3A_16 = vector.shape_cast %get3A_15 : vector<1x1x196x512xf32> to vector<196x512xf32>
    %get3A_17 = arith.constant 1 : index
    %get3A_18 = arith.constant 1 : index
    %get3A_19 = arith.constant 0 : index
    %get3A_20 = arith.constant 0 : index
    %get3A_21 = vector.load %arg0[%get3A_17, %get3A_18, %get3A_19, %get3A_20] : memref<2x2x196x512xf32, #tpu.memory_space<vmem>>, vector<1x1x196x512xf32>
    %get3A_22 = vector.shape_cast %get3A_21 : vector<1x1x196x512xf32> to vector<196x512xf32>
    %add3A_23 = arith.addf %get3A_16, %get3A_22 : vector<196x512xf32>
    %convert_element_type3A = arith.truncf %add3A : vector<196x512xf32> to vector<196x512xbf16>
    %bitcast_convert_type3A = tpu.bitcast %convert_element_type3A : vector<196x512xbf16> -> vector<196x512xi16>
    %convert_element_type3A_24 = arith.truncf %add3A_23 : vector<196x512xf32> to vector<196x512xbf16>
    %bitcast_convert_type3A_25 = tpu.bitcast %convert_element_type3A_24 : vector<196x512xbf16> -> vector<196x512xi16>
    %convert_element_type3A_26 = arith.extui %bitcast_convert_type3A : vector<196x512xi16> to vector<196x512xi32>
    %shift_left3A = arith.constant 16 : i32
    %shift_left3A_27 = vector.broadcast %shift_left3A : i32 to vector<196x512xi32>
    %shift_left3A_28 = arith.shli %convert_element_type3A_26, %shift_left3A_27 : vector<196x512xi32>
    %convert_element_type3A_29 = arith.extui %bitcast_convert_type3A_25 : vector<196x512xi16> to vector<196x512xi32>
    %or3A = arith.ori %shift_left3A_28, %convert_element_type3A_29 : vector<196x512xi32>
    %bitcast_convert_type3A_30 = tpu.bitcast %or3A : vector<196x512xi32> -> vector<196x512xf32>
    %swap3A = arith.constant 0 : index
    %swap3A_31 = arith.constant 0 : index
    %swap3A_32 = vector.load %arg1[%swap3A, %swap3A_31] : memref<196x512xf32, #tpu.memory_space<vmem>>, vector<196x512xf32>
    tpu.vector_store %arg1[%swap3A, %swap3A_31], %bitcast_convert_type3A_30 {strides = array<i32>} : memref<196x512xf32, #tpu.memory_space<vmem>>, vector<196x512xf32>,
    return
  }
}

module attributes {stable_mosaic.version = 14 : i64} {
  func.func @_tc_final_body(%arg0: memref<2x1x196x512xf32, #tpu.memory_space<vmem>>, %arg1: memref<196x512xf32, #tpu.memory_space<vmem>>) attributes {dimension_semantics = [], scalar_prefetch = 0 : i64, scratch_operands = 0 : i64, tpu.core_type = #tpu.core_type<tc>} {
    %get3A = arith.constant 0 : index
    %get3A_0 = arith.constant 0 : index
    %get3A_1 = arith.constant 0 : index
    %get3A_2 = arith.constant 0 : index
    %get3A_3 = vector.load %arg0[%get3A, %get3A_0, %get3A_1, %get3A_2] : memref<2x1x196x512xf32, #tpu.memory_space<vmem>>, vector<1x1x196x512xf32>
    %get3A_4 = vector.shape_cast %get3A_3 : vector<1x1x196x512xf32> to vector<196x512xf32>
    %get3A_5 = arith.constant 1 : index
    %get3A_6 = arith.constant 0 : index
    %get3A_7 = arith.constant 0 : index
    %get3A_8 = arith.constant 0 : index
    %get3A_9 = vector.load %arg0[%get3A_5, %get3A_6, %get3A_7, %get3A_8] : memref<2x1x196x512xf32, #tpu.memory_space<vmem>>, vector<1x1x196x512xf32>
    %get3A_10 = vector.shape_cast %get3A_9 : vector<1x1x196x512xf32> to vector<196x512xf32>
    %add3A = arith.addf %get3A_4, %get3A_10 : vector<196x512xf32>
    %mul3A = arith.constant 0.242610797 : f32
    %mul3A_11 = vector.broadcast %mul3A : f32 to vector<196x512xf32>
    %mul3A_12 = arith.mulf %mul3A_11, %add3A : vector<196x512xf32>
    %swap3A = arith.constant 0 : index
    %swap3A_13 = arith.constant 0 : index
    %swap3A_14 = vector.load %arg1[%swap3A, %swap3A_13] : memref<196x512xf32, #tpu.memory_space<vmem>>, vector<196x512xf32>
    tpu.vector_store %arg1[%swap3A, %swap3A_13], %mul3A_12 {strides = array<i32>} : memref<196x512xf32, #tpu.memory_space<vmem>>, vector<196x512xf32>,
    return
  }
}

</mosaic_0001>

<sc_bundles>
// kernel: kernel.11.cloned.1.call-start
scs
__scs_entry_jumppad:
0x0: {  	(pc) =	sbr.rel $0x88, $3  }
0x1: {  	(tag) =	ssettag $0x0;
	lr =	simm.s32 $0x1  }
0x2: {  	[smem:$0x3F9B] =	sst lr;
	_ =	strace $0xD0000000  }
0x3: {  	_ = 	snop  }
0x4: {  	_ = 	snop  }
0x5: {  	_ = 	snop  }
0x6: {  	_ = 	snop  }
0x7: {  	_ = 	snop  }
__scs_overlays_trampoline_lowered:
0x8: {  	[smem:$0x3FAA] =	sst s0  }
0x9: {  	[smem:$0x3FAB] =	sst s1  }
0xa: {  	[smem:$0x3FAC] =	sst s2  }
0xb: {  	[smem:$0x3FAD] =	sst s3  }
0xc: {  	[smem:$0x3FAE] =	sst s4  }
0xd: {  	[smem:$0x3FAF] =	sst s5  }
0xe: {  	[smem:$0x3FB0] =	sst s6  }
0xf: {  	[smem:$0x3FB1] =	sst s7  }
0x10: {  	[smem:$0x3FB2] =	sst s8  }
0x11: {  	[smem:$0x3FB3] =	sst s9;
	s0 =	simm.s32 @!p0 $0x0  }
0x12: {  	s1 =	sld [smem:$0x3F99];
	s0 =	simm.s32 @p0 $0x1  }
0x13: {  	[smem:$0x3FB4] =	sst s0;
	s0 =	simm.s32 @!p1 $0x0  }
0x14: {  	s2 =	sld [smem:$0x3F98];
	s0 =	simm.s32 @p1 $0x1  }
0x15: {  	[smem:$0x3FB5] =	sst s0;
	s0 =	simm.s32 @!p2 $0x0  }
0x16: {  	s3 =	sld [smem:$0x3FDB];
	s0 =	simm.s32 @p2 $0x1  }
0x17: {  	s4 =	simm.s32 $0x1BF5;
	[smem:$0x3FB7] =	sst s0  }
0x18: {  	s0 =	sld [smem:$0x3F9A];
	_ =	swait.ge [sflag:s4], $0x0  }
0x19: {  	s7 =	sld [smem:$0x3F9B]  }
0x1a: {  	s8 =	sadd.s32 $0xFFFFE003, lr  }
0x1b: {  	s9 =	sadd.s32 $0xFFFFFEF7, lr;
	s5 =	simm.s32 $0xFFFFFFFF;
	p2 =	slt.u32 s8, $0xFFFFF086  }
0x1c: {  	p1 =	slt.u32 s9, $0xF7A;
	s5 =	simm.s32 @!p2 $0x0  }
0x1d: {  	s5 =	simm.s32 @p1 $0x1;
	p0 =	seq.s32 s7, s2  }
0x1e: {  	s7 =	smul.u32 @!p0 $0xF7A, s2;
	p2 =	seq.s32 @!p0 s5, $0x0  }
0x1f: {  	s9 =	smul.u32 $0xF7A, s1;
	s8 =	simm.s32 @!p0 $0x1BF5;
	p2 =	por !p2, p0  }
0x20: {  	[sflag:s8] =	ssyncset.s32 @!p0 $0xFFFFF086;
	s6 =	sadd.s32 @!p0 s3, s7;
	s7 =	simm.s32 @!p0 $0x108  }
0x21: {  	s3 =	sadd.s32 s3, s9;
	s6 =	sadd.s32 @!p0 $0x88, s6;
	s7 =	simm.s32 @p2 $0x1082  }
0x22: {  	[simem:s7], [sflag:s8] =	dma.local @!p0 [hbm:s6], $0xF7A  }
0x23: {  	s9 =	sor.u32 $0xD0000000, s2;
	s6 =	simm.s32 $0x108;
	_ =	swait.ge @!p0 [sflag:s8], $0x0  }
0x24: {  	s3 =	sadd.s32 $0x88, s3;
	s6 =	simm.s32 @!p1 $0x1082;
	[sflag:s4] =	ssyncset.s32 $0xFFFFF086  }
0x25: {  	[simem:s6], [sflag:s4] =	dma.local [hbm:s3], $0xF7A  }
0x26: {  	[smem:$0x3F9B] =	sst s1;
	(tag) =	ssettag s2;
	_ =	strace s9  }
0x27: {  	s1 =	sld [smem:$0x3FAB]  }
0x28: {  	s2 =	sld [smem:$0x3FAC]  }
0x29: {  	s4 =	sld [smem:$0x3FAE]  }
0x2a: {  	p0 =	seq.s32 s5, $0x0;
	s5 =	sld [smem:$0x3FAF]  }
0x2b: {  	s6 =	sld [smem:$0x3FB0]  }
0x2c: {  	s7 =	sld [smem:$0x3FB1]  }
0x2d: {  	s3 =	simm.s32 $0x108;
	s8 =	sld [smem:$0x3FB2]  }
0x2e: {  	s3 =	simm.s32 @!p0 $0x1082;
	s9 =	sld [smem:$0x3FB3]  }
0x2f: {  	lr =	sadd.s32 s0, s3;
	s0 =	sld [smem:$0x3FAA]  }
0x30: {  	s3 =	sld [smem:$0x3FAD]  }
0x31: {  	[smem:$0x3FB6] =	sst s10  }
0x32: {  	s10 =	sld [smem:$0x3FB4];
	_ =	sdelay $0x3  }
0x33: {  	p0 =	seq.s32 s10, $0x1;
	s10 =	sld [smem:$0x3FB6];
	_ =	sdelay $0x3  }
0x34: {  	[smem:$0x3FB6] =	sst s10  }
0x35: {  	s10 =	sld [smem:$0x3FB5];
	_ =	sdelay $0x3  }
0x36: {  	p1 =	seq.s32 s10, $0x1;
	s10 =	sld [smem:$0x3FB6];
	_ =	sdelay $0x3  }
0x37: {  	[smem:$0x3FB6] =	sst s10  }
0x38: {  	s10 =	sld [smem:$0x3FB7]  }
0x39: {  	_ = 	snop;
	(pc) =	sbr.ind lr, $3  }
0x3a: {  	_ = 	snop  }
0x3b: {  	_ = 	snop  }
0x3c: {  	p2 =	seq.s32 s10, $0x1;
	s10 =	sld [smem:$0x3FB6]  }
0x3d: {  	_ =	shalt  }
0x3e: {  	_ =	shalt  }
0x3f: {  	_ =	shalt  }
0x40: {  	_ =	shalt  }
0x41: {  	_ =	shalt  }
0x42: {  	_ =	shalt  }
0x43: {  	_ =	shalt  }
0x44: {  	_ =	shalt  }
0x45: {  	_ =	shalt  }
0x46: {  	_ =	shalt  }
0x47: {  	_ =	shalt  }
0x48: {  	_ =	shalt  }
0x49: {  	_ =	shalt  }
0x4a: {  	_ =	shalt  }
0x4b: {  	_ =	shalt  }
0x4c: {  	_ =	shalt  }
0x4d: {  	_ =	shalt  }
0x4e: {  	_ =	shalt  }
0x4f: {  	_ =	shalt  }
0x50: {  	_ =	shalt  }
0x51: {  	_ =	shalt  }
0x52: {  	_ =	shalt  }
0x53: {  	_ =	shalt  }
0x54: {  	_ =	shalt  }
0x55: {  	_ =	shalt  }
0x56: {  	_ =	shalt  }
0x57: {  	_ =	shalt  }
0x58: {  	_ =	shalt  }
0x59: {  	_ =	shalt  }
0x5a: {  	_ =	shalt  }
0x5b: {  	_ =	shalt  }
0x5c: {  	_ =	shalt  }
0x5d: {  	_ =	shalt  }
0x5e: {  	_ =	shalt  }
0x5f: {  	_ =	shalt  }
0x60: {  	_ =	shalt  }
0x61: {  	_ =	shalt  }
0x62: {  	_ =	shalt  }
0x63: {  	_ =	shalt  }
0x64: {  	_ =	shalt  }
0x65: {  	_ =	shalt  }
0x66: {  	_ =	shalt  }
0x67: {  	_ =	shalt  }
0x68: {  	_ =	shalt  }
0x69: {  	_ =	shalt  }
0x6a: {  	_ =	shalt  }
0x6b: {  	_ =	shalt  }
0x6c: {  	_ =	shalt  }
0x6d: {  	_ =	shalt  }
0x6e: {  	_ =	shalt  }
0x6f: {  	_ =	shalt  }
0x70: {  	_ =	shalt  }
0x71: {  	_ =	shalt  }
0x72: {  	_ =	shalt  }
0x73: {  	_ =	shalt  }
0x74: {  	_ =	shalt  }
0x75: {  	_ =	shalt  }
0x76: {  	_ =	shalt  }
0x77: {  	_ =	shalt  }
0x78: {  	_ =	shalt  }
0x79: {  	_ =	shalt  }
0x7a: {  	_ =	shalt  }
0x7b: {  	_ =	shalt  }
0x7c: {  	_ =	shalt  }
0x7d: {  	_ =	shalt  }
0x7e: {  	_ =	shalt  }
0x7f: {  	_ =	shalt  }
0x80: {  	_ =	shalt  }
0x81: {  	_ =	shalt  }
0x82: {  	_ =	shalt  }
0x83: {  	_ =	shalt  }
0x84: {  	_ =	shalt  }
0x85: {  	_ =	shalt  }
0x86: {  	_ =	shalt  }
0x87: {  	_ =	shalt  }
.Lfunc_end0:
.L_simem_size_0:
called_computation.1_lowered:
.L_overlay_start_0:
0x88: {  	s2 =	sld [smem:$0x3FD9]  }
0x89: {  	s3 =	sld [smem:$0x3FFE];
	_ =	sdelay $0x1  }
0x8a: {  	s1 =	srdreg.scid  }
0x8b: {  	s0 =	sand.u32 $0x1, s1  }
0x8c: {  	s17 =	sshll.u32 s0, $0xA;
	s2 =	sadd.s32 s3, s2  }
0x8d: {  	s2 =	sadd.s32 s2, s17  }
0x8e: {  	[smem:$0x3FC2] =	sst s2  }
0x8f: {  	_ = 	snop  }
0x90: {  	s2 =	sld [smem:$0x3FD0];
	(tm) =	ssettm $0x1  }
0x91: {  	s18 =	sld [smem:$0x3FFB];
	_ =	sdelay $0x3  }
0x92: {  	_ =	strace s18  }
0x93: {  	s3 =	sld [smem:$0x3FFC];
	_ =	sdelay $0x3  }
0x94: {  	_ =	strace s3  }
0x95: {  	s3 =	sld [smem:$0x3FFD];
	_ =	sdelay $0x3  }
0x96: {  	_ =	strace s3  }
0x97: {  	_ =	strace $0x8FFFFFFF  }
0x98: {  	s19 =	sld [smem:$0x3FDB];
	_ =	sdelay $0x1  }
0x99: {  	s4 =	simm.s32 $_scs_section_size  }
0x9a: {  	s5 =	simm.s32 $_size__tile_overlayer_lowered;
	s6 =	simm.s32 $_tile_overlayer_lowered  }
0x9b: {  	s22 =	simm.s32 $0x1BFF;
	s21 =	sshll.u32 s6, $0x1;
	s3 =	sadd.s32 s4, s19  }
0x9c: {  	s7 =	simm.s32 $0x0;
	s20 =	sshll.u32 s5, $0x1;
	s5 =	sadd.s32 s21, s3  }
0x9d: {  	[timem:s7], [sflag:s22] =	dma.local [hbm:s5], s20  }
0x9e: {  	_ =	swait.ge [sflag:s22], s20  }
0x9f: {  	s4 =	ssub.s32 $0x0, s20;
	[sflag:s22] =	ssyncset.done $0x0  }
0xa0: {  	[sflag:s22] =	ssyncadd.s32 s4;
	_ =	sdelay $0x1  }
0xa1: {  	s23 =	simm.s32 $0x1B8B  }
0xa2: {  	_ =	swait.ge [sflag:s23], $0x1  }
0xa3: {  	[sflag:s23] =	ssyncset.done $0x0  }
0xa4: {  	s25 =	simm.s32 $0x1B8E;
	s24 =	sld [smem:$0x3FFE];
	[sflag:s23] =	ssyncadd.s32 $0xFFFFFFFF  }
0xa5: {  	s26 =	simm.s32 $execute0_lowered;
	[smem:$0x3FD2] =	sst s25  }
0xa6: {  	s5 =	sshll.u32 s26, $0x1;
	_ =	strace $0x80000049;
	[dreg:$0x1] =	wrdreg $0xFFFFFFFF  }
0xa7: {  	s28 =	simm.s32 $_size_execute0_lowered;
	s3 =	sadd.s32 s3, s5;
	[dreg:$0x0] =	wrdreg $0x0  }
0xa8: {  	s5 =	sshll.u32 s28, $0x1;
	[dreg:$0x2] =	wrdreg s3  }
0xa9: {  	[dreg:$0x3] =	wrdreg s5  }
0xaa: {  	[dreg:$0x4] =	wrdreg $0xC0  }
0xab: {  	_ =	task [dreg:s7], $0x5FFFF  }
0xac: {  	[dreg:$0x1] =	wrdreg $0xFFFFFFFF  }
0xad: {  	[dreg:$0x0] =	wrdreg $0x60  }
0xae: {  	[dreg:$0x2] =	wrdreg s24  }
0xaf: {  	[dreg:$0x3] =	wrdreg s2  }
0xb0: {  	[dreg:$0x4] =	wrdreg $0x0  }
0xb1: {  	[dreg:$0x5] =	wrdreg $0x18800  }
0xb2: {  	[dreg:$0x6] =	wrdreg $0x31000  }
0xb3: {  	[dreg:$0x7] =	wrdreg $0x49800  }
0xb4: {  	[dreg:$0x8] =	wrdreg $0x62000  }
0xb5: {  	[dreg:$0x9] =	wrdreg $0x7A800  }
0xb6: {  	[dreg:$0xa] =	wrdreg $0x9  }
0xb7: {  	_ =	task.clear_ibuf [dreg:s7], $0xBFFFF;
	_ =	strace $0x90000049  }
0xb8: {  	s29 =	simm.s32 $0x9;
	_ =	strace $0x8000004B  }
0xb9: {  	_ =	swait.ge [sflag:s29], $0x1  }
0xba: {  	[sflag:s29] =	ssyncadd.s32 $0xFFFFFFFF  }
0xbb: {  	_ =	strace $0x9000004B  }
0xbc: {  	_ =	sfence  }
0xbd: {  	s30 =	sld [smem:$0x0];
	_ =	sdelay $0x2  }
0xbe: {  	s31 =	sshll.u32 s1, $0xD;
	s1 =	sshrl.u32 s1, $0x2  }
0xbf: {  	s3 =	sand.u32 $0x4000, s31;
	s1 =	sadd.s32 s1, s30  }
0xc0: {  	s0 =	sor.u32 s3, s0;
	s1 =	sshll.u32 s1, $0x11  }
0xc1: {  	s0 =	sor.u32 s1, s0  }
0xc2: {  	s0 =	sadd.s32 $0x8F2B, s0  }
0xc3: {  	[sflag:s0] =	ssyncadd.remote.s32 $0x1  }
0xc4: {  	_ =	sfence.sel $0xFFFF  }
0xc5: {  	[dreg:$0x0] =	wrdreg $0xFFFFFFFF;
	(pc) =	sbr.abs _section_cstart, $3  }
0xc6: {  	[dreg:$0x1] =	wrdreg $0xFFFFFFFF  }
0xc7: {  	_ =	task.clear_ibuf [dreg:s7], $0x2FFFF;
	_ =	strace $0x9FFFFFFF  }
0xc8: {  	(tm) =	ssettm $0x7FFFFFFF  }
0xc9: {  	_ =	shalt  }
tec
execute0_lowered:
.L_overlay_start_1:
0x0: {  	(tag) =	ssettag $0x1  }
0x1: {  	s0 =	rddreg [dreg:$0x0]  }
0x2: {  	s1 =	rddreg [dreg:$0x1]  }
0x3: {  	s3 =	rddreg [dreg:$0x2]  }
0x4: {  	s4 =	rddreg [dreg:$0x3]  }
0x5: {  	s23 =	rddreg [dreg:$0x4]  }
0x6: {  	s24 =	rddreg [dreg:$0x5]  }
0x7: {  	s25 =	rddreg [dreg:$0x6]  }
0x8: {  	s6 =	rddreg [dreg:$0x7];
	s2 =	simm.s32 $0x0;
	s5 =	stileid.u32  }
0x9: {  	s7 =	srdreg.scid;
	s26 =	simm.s32 $0x38;
	s31 =	simm.s32 $0x1  }
0xa: {  	s28 =	simm.s32 $0x13300;
	[smem:$0x7FF] =	sst s2;
	s9 =	sadd.s32 $0xCC200, s0  }
0xb: {  	s10 =	sadd.s32 $0x130200, s0;
	s11 =	sadd.s32 $0x4200, s0;
	s8 =	smul.u32 $0x1880, s5  }
0xc: {  	s7 =	sand.u32 $0x1, s7;
	s17 =	smul.u32 $0x3100, s5;
	s14 =	sadd.s32 $0x194200, s0  }
0xd: {  	s12 =	sadd.s32 $0x68200, s0;
	_ =	strace $0x8000004A;
	s15 =	smul.u32 $0x31000, s7  }
0xe: {  	p0 =	seq.s32 s7, $0x0;
	s13 =	ssub.s32 $0x2, s7;
	s7 =	smul.u32 $0x1C0000, s7  }
0xf: {  	s16 =	sshrl.u32 s8, $0x3;
	s26 =	simm.s32 @!p0 $0x2C;
	s20 =	sshrl.u32 s13, $0x1  }
0x10: {  	s2 =	sadd.s32 s8, s24;
	s15 =	sadd.s32 s17, s15;
	s17 =	ssub.s32 s13, s20  }
0x11: {  	s20 =	sadd.s32 s8, s4;
	s1 =	sadd.s32 s1, s16;
	[dreg:$0x11] =	wrdreg s2  }
0x12: {  	s4 =	smov.u32 s23;
	s23 =	sadd.s32 s8, s23;
	[dreg:$0xc] =	wrdreg s1  }
0x13: {  	s18 =	sadd.s32 s16, s0;
	s19 =	smul.u32 s26, s5;
	[dreg:$0x10] =	wrdreg s23  }
0x14: {  	s15 =	sshrl.u32 s15, $0x3;
	s16 =	sadd.s32 $0x1FE600, s18;
	[dreg:$0xb] =	wrdreg s20  }
0x15: {  	s21 =	sadd.s32 $0x201800, s18;
	s22 =	sadd.s32 $0x1FB400, s18;
	[dreg:$0xd] =	wrdreg s16  }
0x16: {  	s19 =	sshll.u32 s19, $0xB;
	s0 =	sadd.s32 s15, s0;
	[dreg:$0xe] =	wrdreg s21  }
0x17: {  	s15 =	sadd.s32 $0x1F8200, s18;
	[dreg:$0xf] =	wrdreg s22;
	s7 =	sadd.s32 s7, s19  }
0x18: {  	[dreg:$0x9] =	wrdreg s15;
	s19 =	sadd.s32 s8, s3;
	s3 =	sadd.s32 s8, s25  }
0x19: {  	s29 =	simm.s32 $0x13B00;
	s15 =	sadd.s32 s8, s6;
	[dreg:$0x12] =	wrdreg s3  }
0x1a: {  	s5 =	smov.u32 s24;
	s24 =	sadd.s32 $0x204A00, s0;
	[dreg:$0x13] =	wrdreg s15  }
0x1b: {  	s30 =	simm.s32 $0x4;
	s0 =	sadd.s32 $0x204A10, s0;
	[dreg:$0x19] =	wrdreg s24  }
0x1c: {  	s13 =	smov.u32 s25;
	s25 =	smax.u32 s17, $0x1;
	[dreg:$0x1a] =	wrdreg s0  }
0x1d: {  	s17 =	simm.s32 $0x14300;
	s16 =	sshrl.u32 s7, $0x3;
	[dreg:$0x1b] =	wrdreg s25  }
0x1e: {  	s8 =	simm.s32 $0x3;
	[dreg:$0xa] =	wrdreg s19;
	s18 =	sadd.s32 s9, s16  }
0x1f: {  	s15 =	smov.u32 s26;
	s21 =	sadd.s32 s10, s16;
	[dreg:$0x14] =	wrdreg s18  }
0x20: {  	s2 =	smov.u32 s7;
	s22 =	sadd.s32 s11, s16;
	[dreg:$0x15] =	wrdreg s21  }
0x21: {  	s24 =	simm.s32 $0x5;
	s23 =	sadd.s32 s12, s16;
	[dreg:$0x16] =	wrdreg s22  }
0x22: {  	s25 =	simm.s32 $0x9300;
	s1 =	sadd.s32 s14, s16;
	[dreg:$0x17] =	wrdreg s23  }
0x23: {  	s0 =	simm.s32 $0x800;
	s3 =	simm.s32 $0x0;
	[dreg:$0x18] =	wrdreg s1  }
0x24: {  	s21 =	sshrl.u32 s26, $0x1;
	s22 =	sor.u32 $0x800, s7;
	s26 =	simm.s32 $0x9B00  }
0x25: {  	s18 =	simm.s32 $0xBB00;
	s7 =	simm.s32 $0xC300;
	s23 =	simm.s32 $0x2  }
.LBB2_1:
0x26: {  	[dreg:$0x1c] =	wrdreg s3  }
0x27: {  	s1 =	simm.s32 $0x0;
	s16 =	rddreg [dreg:$0x9]  }
0x28: {  	[tilespmem:s17], [sflag:$0x5] =	stream.linear.gather [hbm4b:s16+s1], $0x1880, $0x38;
	[tilespmem:$0x15B80] =	vst v63  }
0x29: {  	_ =	swait.ge [sflag:s24], $0x1880  }
0x2a: {  	[sflag:s24] =	ssyncset.done $0x0  }
0x2b: {  	[sflag:s24] =	ssyncadd.s32 $0xFFFFE780  }
0x2c: {  	[spmem:s19] =	stream.linear.scatter [tilespmem:s17], [sflag:$0x5], $0x1880, $0x38;
	[tilespmem:$0x15B80] =	vst v63  }
0x2d: {  	_ =	swait.ge [sflag:s24], $0x1880  }
0x2e: {  	[sflag:s24] =	ssyncset.done $0x0  }
0x2f: {  	[sflag:s24] =	ssyncadd.s32 $0xFFFFE780  }
0x30: {  	[tilespmem:s17], [sflag:$0x5] =	stream.linear.gather [hbm4b:s16+s1], $0x1880, $0x38;
	[tilespmem:$0x15B80] =	vst v63  }
0x31: {  	_ =	swait.ge [sflag:s24], $0x1880  }
0x32: {  	[sflag:s24] =	ssyncset.done $0x0  }
0x33: {  	[sflag:s24] =	ssyncadd.s32 $0xFFFFE780  }
0x34: {  	[spmem:s20] =	stream.linear.scatter [tilespmem:s17], [sflag:$0x5], $0x1880, $0x38;
	[tilespmem:$0x15B80] =	vst v63  }
0x35: {  	_ =	swait.ge [sflag:s24], $0x1880  }
0x36: {  	[sflag:s24] =	ssyncset.done $0x0  }
0x37: {  	s20 =	rddreg [dreg:$0xc];
	[sflag:s24] =	ssyncadd.s32 $0xFFFFE780  }
0x38: {  	[tilespmem:s17], [sflag:$0x5] =	stream.linear.gather [hbm4b:s20+s1], $0x1880, $0x38;
	[tilespmem:$0x15B80] =	vst v63  }
0x39: {  	_ =	swait.ge [sflag:s24], $0x1880  }
0x3a: {  	[sflag:s24] =	ssyncset.done $0x0  }
0x3b: {  	s3 =	rddreg [dreg:$0x10];
	[sflag:s24] =	ssyncadd.s32 $0xFFFFE780  }
0x3c: {  	[spmem:s3] =	stream.linear.scatter [tilespmem:s17], [sflag:$0x5], $0x1880, $0x38;
	[tilespmem:$0x15B80] =	vst v63  }
0x3d: {  	_ =	swait.ge [sflag:s24], $0x1880  }
0x3e: {  	[sflag:s24] =	ssyncset.done $0x0  }
0x3f: {  	s19 =	rddreg [dreg:$0xd];
	[sflag:s24] =	ssyncadd.s32 $0xFFFFE780  }
0x40: {  	[tilespmem:s17], [sflag:$0x5] =	stream.linear.gather [hbm4b:s19+s1], $0x1880, $0x38;
	[tilespmem:$0x15B80] =	vst v63  }
0x41: {  	_ =	swait.ge [sflag:s24], $0x1880  }
0x42: {  	[sflag:s24] =	ssyncset.done $0x0  }
0x43: {  	s20 =	rddreg [dreg:$0x11];
	[sflag:s24] =	ssyncadd.s32 $0xFFFFE780  }
0x44: {  	[spmem:s20] =	stream.linear.scatter [tilespmem:s17], [sflag:$0x5], $0x1880, $0x38;
	[tilespmem:$0x15B80] =	vst v63  }
0x45: {  	_ =	swait.ge [sflag:s24], $0x1880  }
0x46: {  	[sflag:s24] =	ssyncset.done $0x0  }
0x47: {  	s3 =	rddreg [dreg:$0xe];
	[sflag:s24] =	ssyncadd.s32 $0xFFFFE780  }
0x48: {  	[tilespmem:s17], [sflag:$0x5] =	stream.linear.gather [hbm4b:s3+s1], $0x1880, $0x38;
	[tilespmem:$0x15B80] =	vst v63  }
0x49: {  	_ =	swait.ge [sflag:s24], $0x1880  }
0x4a: {  	[sflag:s24] =	ssyncset.done $0x0  }
0x4b: {  	s19 =	rddreg [dreg:$0x12];
	[sflag:s24] =	ssyncadd.s32 $0xFFFFE780  }
0x4c: {  	[spmem:s19] =	stream.linear.scatter [tilespmem:s17], [sflag:$0x5], $0x1880, $0x38;
	[tilespmem:$0x15B80] =	vst v63  }
0x4d: {  	_ =	swait.ge [sflag:s24], $0x1880  }
0x4e: {  	[sflag:s24] =	ssyncset.done $0x0  }
0x4f: {  	s20 =	rddreg [dreg:$0xf];
	[sflag:s24] =	ssyncadd.s32 $0xFFFFE780  }
0x50: {  	[tilespmem:s17], [sflag:$0x5] =	stream.linear.gather [hbm4b:s20+s1], $0x1880, $0x38;
	[tilespmem:$0x15B80] =	vst v63  }
0x51: {  	_ =	swait.ge [sflag:s24], $0x1880  }
0x52: {  	[sflag:s24] =	ssyncset.done $0x0  }
0x53: {  	s3 =	rddreg [dreg:$0x13];
	[sflag:s24] =	ssyncadd.s32 $0xFFFFE780  }
0x54: {  	[spmem:s3] =	stream.linear.scatter [tilespmem:s17], [sflag:$0x5], $0x1880, $0x38;
	[tilespmem:$0x15B80] =	vst v63  }
0x55: {  	_ =	swait.ge [sflag:s24], $0x1880  }
0x56: {  	[sflag:s24] =	ssyncset.done $0x0  }
0x57: {  	[sflag:s24] =	ssyncadd.s32 $0xFFFFE780  }
0x58: {  	[bflag:$0x0] =	sbarrier.arrive $0xFFFF  }
0x59: {  	s19 =	rddreg [dreg:$0x14]  }
0x5a: {  	[tilespmem:s25], [sflag:$0x1] =	stream.linear.gather [hbm4b:s19+s1], $0x800, $0x38;
	[tilespmem:$0x15B80] =	vst v63  }
0x5b: {  	s20 =	rddreg [dreg:$0x15]  }
0x5c: {  	[tilespmem:s26], [sflag:$0x1] =	stream.linear.gather [hbm4b:s20+s1], $0x800, $0x38;
	[tilespmem:$0x15B80] =	vst v63  }
0x5d: {  	s3 =	simm.s32 $0xA300;
	s24 =	rddreg [dreg:$0x16]  }
0x5e: {  	[tilespmem:s3], [sflag:$0x1] =	stream.linear.gather [hbm4b:s24+s1], $0x800, $0x38;
	[tilespmem:$0x15B80] =	vst v63  }
0x5f: {  	s19 =	rddreg [dreg:$0x17];
	s20 =	simm.s32 $0xAB00  }
0x60: {  	[tilespmem:s20], [sflag:$0x1] =	stream.linear.gather [hbm4b:s19+s1], $0x800, $0x38;
	[tilespmem:$0x15B80] =	vst v63  }
0x61: {  	s24 =	rddreg [dreg:$0x18];
	s3 =	simm.s32 $0xB300  }
0x62: {  	[tilespmem:s3], [sflag:$0x1] =	stream.linear.gather [hbm4b:s24+s1], $0x800, $0x38;
	[tilespmem:$0x15B80] =	vst v63  }
0x63: {  	_ =	swait.ge [sflag:s31], $0x800  }
0x64: {  	[sflag:s31] =	ssyncset.done $0x0  }
0x65: {  	[sflag:s31] =	ssyncadd.s32 $0xFFFFF800  }
0x66: {  	_ =	swait.ge [sflag:s31], $0x800  }
0x67: {  	[sflag:s31] =	ssyncset.done $0x0  }
0x68: {  	[sflag:s31] =	ssyncadd.s32 $0xFFFFF800  }
0x69: {  	_ =	swait.ge [sflag:s31], $0x800  }
0x6a: {  	[sflag:s31] =	ssyncset.done $0x0  }
0x6b: {  	[sflag:s31] =	ssyncadd.s32 $0xFFFFF800  }
0x6c: {  	_ =	swait.ge [sflag:s31], $0x800  }
0x6d: {  	[sflag:s31] =	ssyncset.done $0x0  }
0x6e: {  	[sflag:s31] =	ssyncadd.s32 $0xFFFFF800  }
0x6f: {  	_ =	swait.ge [sflag:s31], $0x800  }
0x70: {  	[sflag:s31] =	ssyncset.done $0x0  }
0x71: {  	s16 =	simm.s32 $0xE300;
	[sflag:s31] =	ssyncadd.s32 $0xFFFFF800  }
0x72: {  	[tilespmem:s16], [sflag:$0x2] =	stream.indirect.gather [spmem:s4], $0x1, s25, s0, $0xb8;
	[tilespmem:$0x15B80] =	vst v63  }
0x73: {  	s17 =	simm.s32 $0xEB00  }
0x74: {  	[tilespmem:s17], [sflag:$0x2] =	stream.indirect.gather [spmem:s5], $0x1, s25, s0, $0xb8;
	[tilespmem:$0x15B80] =	vst v63  }
0x75: {  	s19 =	simm.s32 $0xF300  }
0x76: {  	[tilespmem:s19], [sflag:$0x2] =	stream.indirect.gather [spmem:s13], $0x1, s25, s0, $0xb8;
	[tilespmem:$0x15B80] =	vst v63  }
0x77: {  	s20 =	simm.s32 $0xFB00  }
0x78: {  	[tilespmem:s20], [sflag:$0x2] =	stream.indirect.gather [spmem:s6], $0x1, s25, s0, $0xb8;
	[tilespmem:$0x15B80] =	vst v63  }
0x79: {  	s24 =	simm.s32 $0x10300;
	s19 =	simm.s32 $0x0  }
0x7a: {  	[tilespmem:s24], [sflag:$0x2] =	stream.indirect.gather [spmem:s6], $0x1, s26, s0, $0xb8;
	[tilespmem:$0x15B80] =	vst v63  }
.LBB2_2:
0x7b: {  	s1 =	sshll.u32 s19, $0xC  }
0x7c: {  	s1 =	sadd.s32 s1, s22  }
0x7d: {  	s1 =	sshrl.u32 s1, $0x3  }
0x7e: {  	s17 =	simm.s32 $0x0;
	s16 =	sadd.s32 s9, s1  }
0x7f: {  	[tilespmem:s18], [sflag:$0x1] =	stream.linear.gather [hbm4b:s16+s17], $0x800, $0x38;
	[tilespmem:$0x15B80] =	vst v63  }
0x80: {  	s24 =	sadd.s32 s10, s1  }
0x81: {  	[tilespmem:s7], [sflag:$0x1] =	stream.linear.gather [hbm4b:s24+s17], $0x800, $0x38;
	[tilespmem:$0x15B80] =	vst v63  }
0x82: {  	s20 =	simm.s32 $0xCB00;
	s3 =	sadd.s32 s11, s1  }
0x83: {  	[tilespmem:s20], [sflag:$0x1] =	stream.linear.gather [hbm4b:s3+s17], $0x800, $0x38;
	[tilespmem:$0x15B80] =	vst v63  }
0x84: {  	s24 =	sadd.s32 s12, s1;
	s3 =	simm.s32 $0xD300  }
0x85: {  	[tilespmem:s3], [sflag:$0x1] =	stream.linear.gather [hbm4b:s24+s17], $0x800, $0x38;
	[tilespmem:$0x15B80] =	vst v63  }
0x86: {  	s1 =	sadd.s32 s14, s1;
	s24 =	simm.s32 $0xDB00  }
0x87: {  	[tilespmem:s24], [sflag:$0x1] =	stream.linear.gather [hbm4b:s1+s17], $0x800, $0x38;
	[tilespmem:$0x15B80] =	vst v63  }
0x88: {  	_ =	swait.ge [sflag:s31], $0x800  }
0x89: {  	[sflag:s31] =	ssyncset.done $0x0  }
0x8a: {  	[sflag:s31] =	ssyncadd.s32 $0xFFFFF800  }
0x8b: {  	_ =	swait.ge [sflag:s31], $0x800  }
0x8c: {  	[sflag:s31] =	ssyncset.done $0x0  }
0x8d: {  	[sflag:s31] =	ssyncadd.s32 $0xFFFFF800  }
0x8e: {  	_ =	swait.ge [sflag:s31], $0x800  }
0x8f: {  	[sflag:s31] =	ssyncset.done $0x0  }
0x90: {  	[sflag:s31] =	ssyncadd.s32 $0xFFFFF800  }
0x91: {  	_ =	swait.ge [sflag:s31], $0x800  }
0x92: {  	[sflag:s31] =	ssyncset.done $0x0  }
0x93: {  	[sflag:s31] =	ssyncadd.s32 $0xFFFFF800  }
0x94: {  	_ =	swait.ge [sflag:s31], $0x800  }
0x95: {  	[sflag:s31] =	ssyncset.done $0x0  }
0x96: {  	s3 =	simm.s32 $0x10B00;
	[sflag:s31] =	ssyncadd.s32 $0xFFFFF800  }
0x97: {  	[tilespmem:s3], [sflag:$0x3] =	stream.indirect.gather [spmem:s4], $0x1, s18, s0, $0xb8;
	[tilespmem:$0x15B80] =	vst v63  }
0x98: {  	s16 =	simm.s32 $0x11300  }
0x99: {  	[tilespmem:s16], [sflag:$0x3] =	stream.indirect.gather [spmem:s5], $0x1, s18, s0, $0xb8;
	[tilespmem:$0x15B80] =	vst v63  }
0x9a: {  	s17 =	simm.s32 $0x11B00  }
0x9b: {  	[tilespmem:s17], [sflag:$0x3] =	stream.indirect.gather [spmem:s13], $0x1, s18, s0, $0xb8;
	[tilespmem:$0x15B80] =	vst v63  }
0x9c: {  	s20 =	simm.s32 $0x12300  }
0x9d: {  	[tilespmem:s20], [sflag:$0x3] =	stream.indirect.gather [spmem:s6], $0x1, s18, s0, $0xb8;
	[tilespmem:$0x15B80] =	vst v63  }
0x9e: {  	s24 =	simm.s32 $0x12B00  }
0x9f: {  	[tilespmem:s24], [sflag:$0x3] =	stream.indirect.gather [spmem:s6], $0x1, s7, s0, $0xb8;
	[tilespmem:$0x15B80] =	vst v63  }
0xa0: {  	_ =	swait.ge [sflag:s23], $0x800  }
0xa1: {  	[sflag:s23] =	ssyncset.done $0x0  }
0xa2: {  	[sflag:s23] =	ssyncadd.s32 $0xFFFFF800  }
0xa3: {  	_ =	swait.ge [sflag:s23], $0x800  }
0xa4: {  	[sflag:s23] =	ssyncset.done $0x0  }
0xa5: {  	[sflag:s23] =	ssyncadd.s32 $0xFFFFF800  }
0xa6: {  	_ =	swait.ge [sflag:s23], $0x800  }
0xa7: {  	[sflag:s23] =	ssyncset.done $0x0  }
0xa8: {  	[sflag:s23] =	ssyncadd.s32 $0xFFFFF800  }
0xa9: {  	_ =	swait.ge [sflag:s23], $0x800  }
0xaa: {  	[sflag:s23] =	ssyncset.done $0x0  }
0xab: {  	[sflag:s23] =	ssyncadd.s32 $0xFFFFF800  }
0xac: {  	_ =	swait.ge [sflag:s23], $0x800  }
0xad: {  	[sflag:s23] =	ssyncset.done $0x0  }
0xae: {  	s17 =	simm.s32 $0x0;
	[sflag:s23] =	ssyncadd.s32 $0xFFFFF800  }
0xaf: {  	v0 =	vld [tilespmem:s17+$0xB300];
	_ =	sdelay $0x4  }
0xb0: {  	v0 =	vmax.f32 v0, $0.0e+00  }
0xb1: {  	v0 =	vmin.f32 v0, $1.000000000e+00  }
0xb2: {  	v1 =	vsub.f32 $1.000000000e+00, v0;
	v0 =	vmul.f32 $-3.565070630e+05, v0  }
0xb3: {  	s16 =	simm.s32 $0x10;
	v2 =	vld [tilespmem:s17+$0xA300]  }
0xb4: {  	v4 =	vld [tilespmem:s16+$0xB300];
	v0 =	vmul.f32 v1, v0  }
0xb5: {  	v3 =	vld [tilespmem:s17+$0xAB00]  }
0xb6: {  	v0 =	vmul.f32 v0, v1;
	_ =	sdelay $0x1  }
0xb7: {  	v0 =	vmul.f32 v0, v1  }
0xb8: {  	v1 =	vmax.f32 v4, $0.0e+00;
	v4 =	vld [tilespmem:s17+$0xF300]  }
0xb9: {  	v6 =	vmul.f32 v0, v2;
	v3 =	vmul.f32 v0, v3;
	v0 =	vld [tilespmem:s17+$0xE300]  }
0xba: {  	v2 =	vld [tilespmem:s17+$0xEB00]  }
0xbb: {  	v1 =	vmin.f32 v1, $1.000000000e+00;
	v5 =	vand.u32 $0x7FFFFFFF, v6;
	v7 =	vand.u32 $0x7FFFFFFF, v3  }
0xbc: {  	v8 =	vsub.f32 $1.000000000e+00, v1;
	v1 =	vmul.f32 $-3.565070630e+05, v1;
	v5 =	vadd.f32 v7, v5  }
0xbd: {  	v10 =	vld [tilespmem:s17+$0xFB00]  }
0xbe: {  	s20 =	simm.s32 $0x20;
	v11 =	vld [tilespmem:s16+$0xA300];
	v1 =	vmul.f32 v8, v1;
	v4 =	vmul.f32 v3, v4;
	v9 =	vadd.f32 $4.999999870e-06, v5  }
0xbf: {  	v13 =	vld [tilespmem:s20+$0xB300];
	v0 =	vmul.f32 v6, v0;
	v12 =	vmul.f32 v3, v2  }
0xc0: {  	v7 =	vld [tilespmem:s17+$0x10300];
	v2 =	vmul.f32 v6, v2;
	(erf) = vrcp.f32 v9  }
0xc1: {  	v1 =	vmul.f32 v1, v8;
	v9 =	vld [tilespmem:s16+$0xAB00]  }
0xc2: {  	v12 =	vadd.f32 v12, v0;
	v14 =	vadd.f32 v4, v2  }
0xc3: {  	v1 =	vmul.f32 v1, v8;
	v2 =	vand.u32 $0xFFFF0000, v10  }
0xc4: {  	v10 =	vmax.f32 v13, $0.0e+00;
	v4 =	vand.u32 $0x7FFFFFFF, v12;
	v8 =	vand.u32 $0x7FFFFFFF, v14  }
0xc5: {  	v0 =	vand.u32 $0xFFFF0000, v7;
	v10 =	vmin.f32 v10, $1.000000000e+00;
	v4 =	vadd.f32 v8, v4  }
0xc6: {  	v13 =	vld [tilespmem:s16+$0xF300];
	v8 =	vsub.f32 v0, v2;
	v0 =	vmul.f32 v1, v11;
	v1 =	vmul.f32 v1, v9  }
0xc7: {  	v7 =	vshll.u32 v7, $0x10;
	v2 =	vsub.f32 $1.000000000e+00, v10;
	v11 =	vld [tilespmem:s16+$0xEB00];
	v5 =	vsub.f32 v4, v5  }
0xc8: {  	v10 =	vmul.f32 $-3.565070630e+05, v10;
	v9 =	vld [tilespmem:s16+$0xE300];
	v4 =	vand.u32 $0x7FFFFFFF, v0;
	v15 =	vand.u32 $0x7FFFFFFF, v1  }
0xc9: {  	v7 =	vmul.f32 v7, v8;
	v4 =	vadd.f32 v15, v4;
	v15 =	vand.u32 $0x7FFFFFFF, v5;
	v16 =	vpop (erf)  }
0xca: {  	v17 =	vld [tilespmem:s16+$0xFB00];
	v10 =	vmul.f32 v2, v10;
	v8 =	vmul.f32 v15, v16  }
0xcb: {  	v18 =	vadd.f32 v7, v7;
	v13 =	vmul.f32 v1, v13;
	v5 =	vld [tilespmem:s16+$0x10300];
	v62 =	vadd.f32 $4.999999870e-06, v4  }
0xcc: {  	s24 =	simm.s32 $0x30;
	v7 =	vld [tilespmem:s20+$0xA300];
	v19 =	vmul.f32 v1, v11;
	v11 =	vmul.f32 v0, v11;
	vm0 =	vlt.f32 v8, $1.000000010e-01  }
0xcd: {  	v15 =	vmul.f32 v0, v9;
	v9 =	vld [tilespmem:s24+$0xB300];
	(erf) = vrcp.f32 v62;
	v3 =	vsel vm0, v14, v3  }
0xce: {  	v10 =	vmul.f32 v10, v2;
	v8 =	vld [tilespmem:s20+$0xAB00];
	v63 =	vmul.f32 v3, v18  }
0xcf: {  	v14 =	vsel vm0, v12, v6;
	v6 =	vadd.f32 v13, v11;
	v3 =	vadd.f32 v19, v15  }
0xd0: {  	s1 =	simm.s32 $0x100;
	v11 =	vand.u32 $0xFFFF0000, v5;
	v12 =	vand.u32 $0xFFFF0000, v17;
	v13 =	vmul.f32 v14, v18;
	[tilespmem:s17+$0x13B00] =	vst v63  }
.LBB2_3:
0xd1: {  	p0 =	sne.s32 s1, $0x1FC0;
	v2 =	vmul.f32 v10, v2;
	v10 =	vand.u32 $0x7FFFFFFF, v3;
	v14 =	vand.u32 $0x7FFFFFFF, v6  }
0xd2: {  	v11 =	vsub.f32 v11, v12;
	v9 =	vmax.f32 v9, $0.0e+00;
	v10 =	vadd.f32 v14, v10;
	[tilespmem:s17+$0x13300] =	vst v13;
	s17 =	smov.u32 s16;
	s16 =	smov.u32 s20;
	s20 =	smov.u32 s24  }
0xd3: {  	v9 =	vmin.f32 v9, $1.000000000e+00;
	v12 =	vmul.f32 v2, v7;
	v8 =	vmul.f32 v2, v8;
	v7 =	vld [tilespmem:s16+$0xE300]  }
0xd4: {  	v5 =	vshll.u32 v5, $0x10;
	v2 =	vsub.f32 $1.000000000e+00, v9;
	v13 =	vld [tilespmem:s16+$0xEB00];
	v10 =	vsub.f32 v10, v4  }
0xd5: {  	v9 =	vmul.f32 $-3.565070630e+05, v9;
	v14 =	vld [tilespmem:s16+$0xF300];
	v4 =	vand.u32 $0x7FFFFFFF, v12;
	v16 =	vand.u32 $0x7FFFFFFF, v8  }
0xd6: {  	v11 =	vmul.f32 v5, v11;
	v4 =	vadd.f32 v16, v4;
	v10 =	vand.u32 $0x7FFFFFFF, v10;
	v15 =	vpop (erf)  }
0xd7: {  	v16 =	vmul.f32 v2, v9;
	v5 =	vld [tilespmem:s16+$0x10300];
	v9 =	vmul.f32 v10, v15  }
0xd8: {  	v18 =	vadd.f32 v11, v11;
	v15 =	vmul.f32 v12, v7;
	v10 =	vadd.f32 $4.999999870e-06, v4;
	v17 =	vld [tilespmem:s16+$0xFB00]  }
.Ltmp0:
0xd9: {  	s24 =	sshra.s32 s1, $0x2;
	v7 =	vld [tilespmem:s20+$0xA300];
	v11 =	vmul.f32 v8, v13;
	v13 =	vmul.f32 v12, v13;
	vm0 =	vlt.f32 v9, $1.000000010e-01;
	(pc) =	sbr.rel @p0 .LBB2_3-.Ltmp0, $4  }
0xda: {  	v9 =	vld [tilespmem:s24+$0xB300];
	v14 =	vmul.f32 v8, v14;
	(erf) = vrcp.f32 v10;
	v6 =	vsel vm0, v6, v1;
	v1 =	vmovc v8  }
0xdb: {  	v19 =	vsel vm0, v3, v0;
	v0 =	vmov v12;
	v8 =	vld [tilespmem:s20+$0xAB00];
	v20 =	vmul.f32 v6, v18  }
0xdc: {  	v10 =	vmul.f32 v16, v2;
	v3 =	vadd.f32 v11, v15;
	v6 =	vadd.f32 v14, v13  }
0xdd: {  	s1 =	sadd.s32 $0x40, s1;
	v11 =	vand.u32 $0xFFFF0000, v5;
	v13 =	vmul.f32 v19, v18;
	v12 =	vand.u32 $0xFFFF0000, v17;
	[tilespmem:s17+$0x13B00] =	vst v20  }
0xde: {  	v14 =	vand.u32 $0x7FFFFFFF, v3;
	v15 =	vand.u32 $0x7FFFFFFF, v6  }
0xdf: {  	v14 =	vadd.f32 v15, v14;
	_ =	sdelay $0x1  }
0xe0: {  	v11 =	vsub.f32 v11, v12;
	v4 =	vsub.f32 v14, v4  }
0xe1: {  	v5 =	vshll.u32 v5, $0x10;
	v9 =	vmax.f32 v9, $0.0e+00  }
0xe2: {  	[tilespmem:s17+$0x13300] =	vst v13;
	v9 =	vmin.f32 v9, $1.000000000e+00;
	v5 =	vmul.f32 v5, v11;
	v4 =	vand.u32 $0x7FFFFFFF, v4;
	v14 =	vpop (erf)  }
0xe3: {  	v12 =	vld [tilespmem:s20+$0xE300];
	v13 =	vmul.f32 $-3.565070630e+05, v9;
	v9 =	vsub.f32 $1.000000000e+00, v9;
	v4 =	vmul.f32 v4, v14  }
0xe4: {  	v2 =	vmul.f32 v10, v2;
	v15 =	vld [tilespmem:s20+$0xEB00]  }
0xe5: {  	v5 =	vadd.f32 v5, v5;
	v11 =	vmul.f32 v9, v13;
	v13 =	vld [tilespmem:s24+$0xA300];
	vm0 =	vlt.f32 v4, $1.000000010e-01  }
0xe6: {  	v4 =	vmul.f32 v2, v7;
	v2 =	vmul.f32 v2, v8;
	v1 =	vsel vm0, v6, v1;
	v6 =	vld [tilespmem:s24+$0xAB00]  }
0xe7: {  	v10 =	vld [tilespmem:s20+$0xF300];
	v0 =	vsel vm0, v3, v0;
	v3 =	vmul.f32 v11, v9;
	v1 =	vmul.f32 v1, v5  }
0xe8: {  	v7 =	vld [tilespmem:s20+$0x10300];
	v0 =	vmul.f32 v0, v5  }
0xe9: {  	v8 =	vld [tilespmem:s20+$0xFB00];
	v5 =	vand.u32 $0x7FFFFFFF, v4;
	v11 =	vand.u32 $0x7FFFFFFF, v2;
	[tilespmem:s16+$0x13B00] =	vst v1;
	v1 =	vmul.f32 v3, v9  }
0xea: {  	v3 =	vadd.f32 v11, v5;
	[tilespmem:s16+$0x13300] =	vst v0  }
0xeb: {  	v5 =	vld [tilespmem:s24+$0xE300];
	v0 =	vmul.f32 v1, v13;
	v1 =	vmul.f32 v1, v6  }
0xec: {  	v11 =	vld [tilespmem:s24+$0xEB00];
	v6 =	vmul.f32 v4, v12;
	v9 =	vadd.f32 $4.999999870e-06, v3  }
0xed: {  	v12 =	vmul.f32 v2, v15;
	v13 =	vld [tilespmem:s24+$0xF300];
	v14 =	vand.u32 $0x7FFFFFFF, v0;
	v16 =	vand.u32 $0x7FFFFFFF, v1  }
0xee: {  	v10 =	vmul.f32 v2, v10;
	v15 =	vmul.f32 v4, v15;
	v14 =	vadd.f32 v16, v14  }
0xef: {  	(erf) = vrcp.f32 v9;
	v6 =	vadd.f32 v12, v6  }
0xf0: {  	v9 =	vadd.f32 v10, v15;
	v5 =	vmul.f32 v0, v5;
	v10 =	vadd.f32 $4.999999870e-06, v14  }
0xf1: {  	v12 =	vand.u32 $0x7FFFFFFF, v6;
	v15 =	vmul.f32 v1, v11;
	v11 =	vmul.f32 v0, v11  }
0xf2: {  	v58 =	vand.u32 $0x7FFFFFFF, v9;
	v13 =	vmul.f32 v1, v13;
	(erf) = vrcp.f32 v10  }
0xf3: {  	v8 =	vand.u32 $0xFFFF0000, v8;
	v17 =	vld [tilespmem:s24+$0xFB00];
	v12 =	vadd.f32 v58, v12  }
0xf4: {  	v59 =	vld [tilespmem:s24+$0x10300];
	v5 =	vadd.f32 v15, v5;
	v10 =	vand.u32 $0xFFFF0000, v7;
	v11 =	vadd.f32 v13, v11  }
0xf5: {  	v8 =	vsub.f32 v10, v8  }
0xf6: {  	v3 =	vsub.f32 v12, v3;
	v10 =	vand.u32 $0x7FFFFFFF, v5;
	v12 =	vand.u32 $0x7FFFFFFF, v11  }
0xf7: {  	v10 =	vadd.f32 v12, v10  }
0xf8: {  	v7 =	vshll.u32 v7, $0x10;
	v13 =	vand.u32 $0xFFFF0000, v17;
	v3 =	vand.u32 $0x7FFFFFFF, v3  }
0xf9: {  	v7 =	vmul.f32 v7, v8;
	v12 =	vand.u32 $0xFFFF0000, v59;
	v8 =	vpop (erf);
	v10 =	vsub.f32 v10, v14  }
0xfa: {  	v3 =	vmul.f32 v3, v8;
	v8 =	vsub.f32 v12, v13  }
0xfb: {  	v7 =	vadd.f32 v7, v7;
	v12 =	vshll.u32 v59, $0x10;
	v10 =	vand.u32 $0x7FFFFFFF, v10;
	v13 =	vpop (erf)  }
0xfc: {  	vm13 =	vlt.f32 v3, $1.000000010e-01;
	v3 =	vmul.f32 v12, v8;
	v8 =	vmul.f32 v10, v13  }
0xfd: {  	v2 =	vsel vm13, v9, v2;
	v4 =	vsel vm13, v6, v4  }
0xfe: {  	v2 =	vmul.f32 v2, v7;
	v3 =	vadd.f32 v3, v3;
	vm14 =	vlt.f32 v8, $1.000000010e-01  }
0xff: {  	v4 =	vmul.f32 v4, v7;
	v1 =	vsel vm14, v11, v1  }
0x100: {  	[tilespmem:s20+$0x13B00] =	vst v2;
	v0 =	vsel vm14, v5, v0;
	v1 =	vmul.f32 v1, v3  }
0x101: {  	[tilespmem:s20+$0x13300] =	vst v4;
	v0 =	vmul.f32 v0, v3  }
0x102: {  	[tilespmem:s24+$0x13B00] =	vst v1  }
0x103: {  	s1 =	rddreg [dreg:$0x2];
	[tilespmem:s24+$0x13300] =	vst v0  }
0x104: {  	[spmem:s1] =	stream.indirect.scatter.add.f32 [tilespmem:s28], [sflag:$0x4], $0x1, s25, s0, $0xb8;
	[tilespmem:$0x15B80] =	vst v63  }
0x105: {  	s3 =	rddreg [dreg:$0x3];
	s24 =	sshll.u32 s19, $0x1  }
0x106: {  	[spmem:s3] =	stream.indirect.scatter.add.f32 [tilespmem:s29], [sflag:$0x4], $0x1, s25, s0, $0xb8;
	[tilespmem:$0x15B80] =	vst v63  }
0x107: {  	s1 =	sadd.s32 $0x2, s24;
	_ =	swait.ge [sflag:s30], $0x800  }
0x108: {  	p0 =	seq.s32 s1, s15;
	s1 =	sshll.u32 s1, $0xB;
	[sflag:s30] =	ssyncset.done $0x0  }
0x109: {  	s1 =	simm.s32 @p0 $0x0;
	[sflag:s30] =	ssyncadd.s32 $0xFFFFF800  }
0x10a: {  	s1 =	sadd.s32 s2, s1;
	_ =	swait.ge [sflag:s30], $0x800  }
0x10b: {  	s1 =	sshrl.u32 s1, $0x3;
	[sflag:s30] =	ssyncset.done $0x0  }
0x10c: {  	s17 =	simm.s32 $0x0;
	s3 =	sadd.s32 s9, s1;
	[sflag:s30] =	ssyncadd.s32 $0xFFFFF800  }
0x10d: {  	[tilespmem:s25], [sflag:$0x1] =	stream.linear.gather [hbm4b:s3+s17], $0x800, $0x38;
	[tilespmem:$0x15B80] =	vst v63  }
0x10e: {  	s20 =	sadd.s32 s10, s1  }
0x10f: {  	[tilespmem:s26], [sflag:$0x1] =	stream.linear.gather [hbm4b:s20+s17], $0x800, $0x38;
	[tilespmem:$0x15B80] =	vst v63  }
0x110: {  	s24 =	sadd.s32 s11, s1;
	s3 =	simm.s32 $0xA300  }
0x111: {  	[tilespmem:s3], [sflag:$0x1] =	stream.linear.gather [hbm4b:s24+s17], $0x800, $0x38;
	[tilespmem:$0x15B80] =	vst v63  }
0x112: {  	s24 =	sadd.s32 s12, s1;
	s3 =	simm.s32 $0xAB00  }
0x113: {  	[tilespmem:s3], [sflag:$0x1] =	stream.linear.gather [hbm4b:s24+s17], $0x800, $0x38;
	[tilespmem:$0x15B80] =	vst v63  }
0x114: {  	s1 =	sadd.s32 s14, s1;
	s24 =	simm.s32 $0xB300  }
0x115: {  	[tilespmem:s24], [sflag:$0x1] =	stream.linear.gather [hbm4b:s1+s17], $0x800, $0x38;
	[tilespmem:$0x15B80] =	vst v63  }
0x116: {  	_ =	swait.ge [sflag:s31], $0x800  }
0x117: {  	[sflag:s31] =	ssyncset.done $0x0  }
0x118: {  	[sflag:s31] =	ssyncadd.s32 $0xFFFFF800  }
0x119: {  	_ =	swait.ge [sflag:s31], $0x800  }
0x11a: {  	[sflag:s31] =	ssyncset.done $0x0  }
0x11b: {  	[sflag:s31] =	ssyncadd.s32 $0xFFFFF800  }
0x11c: {  	_ =	swait.ge [sflag:s31], $0x800  }
0x11d: {  	[sflag:s31] =	ssyncset.done $0x0  }
0x11e: {  	[sflag:s31] =	ssyncadd.s32 $0xFFFFF800  }
0x11f: {  	_ =	swait.ge [sflag:s31], $0x800  }
0x120: {  	[sflag:s31] =	ssyncset.done $0x0  }
0x121: {  	[sflag:s31] =	ssyncadd.s32 $0xFFFFF800  }
0x122: {  	_ =	swait.ge [sflag:s31], $0x800  }
0x123: {  	[sflag:s31] =	ssyncset.done $0x0  }
0x124: {  	s3 =	simm.s32 $0xE300;
	[sflag:s31] =	ssyncadd.s32 $0xFFFFF800  }
0x125: {  	[tilespmem:s3], [sflag:$0x2] =	stream.indirect.gather [spmem:s4], $0x1, s25, s0, $0xb8;
	[tilespmem:$0x15B80] =	vst v63  }
0x126: {  	s16 =	simm.s32 $0xEB00  }
0x127: {  	[tilespmem:s16], [sflag:$0x2] =	stream.indirect.gather [spmem:s5], $0x1, s25, s0, $0xb8;
	[tilespmem:$0x15B80] =	vst v63  }
0x128: {  	s17 =	simm.s32 $0xF300  }
0x129: {  	[tilespmem:s17], [sflag:$0x2] =	stream.indirect.gather [spmem:s13], $0x1, s25, s0, $0xb8;
	[tilespmem:$0x15B80] =	vst v63  }
0x12a: {  	s20 =	simm.s32 $0xFB00  }
0x12b: {  	[tilespmem:s20], [sflag:$0x2] =	stream.indirect.gather [spmem:s6], $0x1, s25, s0, $0xb8;
	[tilespmem:$0x15B80] =	vst v63  }
0x12c: {  	s24 =	simm.s32 $0x10300  }
0x12d: {  	[tilespmem:s24], [sflag:$0x2] =	stream.indirect.gather [spmem:s6], $0x1, s26, s0, $0xb8;
	[tilespmem:$0x15B80] =	vst v63  }
0x12e: {  	_ =	swait.ge [sflag:s8], $0x800  }
0x12f: {  	[sflag:s8] =	ssyncset.done $0x0  }
0x130: {  	[sflag:s8] =	ssyncadd.s32 $0xFFFFF800  }
0x131: {  	_ =	swait.ge [sflag:s8], $0x800  }
0x132: {  	[sflag:s8] =	ssyncset.done $0x0  }
0x133: {  	[sflag:s8] =	ssyncadd.s32 $0xFFFFF800  }
0x134: {  	_ =	swait.ge [sflag:s8], $0x800  }
0x135: {  	[sflag:s8] =	ssyncset.done $0x0  }
0x136: {  	[sflag:s8] =	ssyncadd.s32 $0xFFFFF800  }
0x137: {  	_ =	swait.ge [sflag:s8], $0x800  }
0x138: {  	[sflag:s8] =	ssyncset.done $0x0  }
0x139: {  	[sflag:s8] =	ssyncadd.s32 $0xFFFFF800  }
0x13a: {  	_ =	swait.ge [sflag:s8], $0x800  }
0x13b: {  	[sflag:s8] =	ssyncset.done $0x0  }
0x13c: {  	s17 =	simm.s32 $0x0;
	[sflag:s8] =	ssyncadd.s32 $0xFFFFF800  }
0x13d: {  	v0 =	vld [tilespmem:s17+$0xDB00];
	_ =	sdelay $0x4  }
0x13e: {  	v0 =	vmax.f32 v0, $0.0e+00  }
0x13f: {  	v0 =	vmin.f32 v0, $1.000000000e+00  }
0x140: {  	v1 =	vsub.f32 $1.000000000e+00, v0;
	v0 =	vmul.f32 $-3.565070630e+05, v0  }
0x141: {  	s16 =	simm.s32 $0x10;
	v2 =	vld [tilespmem:s17+$0xCB00]  }
0x142: {  	v4 =	vld [tilespmem:s16+$0xDB00];
	v0 =	vmul.f32 v1, v0  }
0x143: {  	v3 =	vld [tilespmem:s17+$0xD300]  }
0x144: {  	v0 =	vmul.f32 v0, v1;
	_ =	sdelay $0x1  }
0x145: {  	v0 =	vmul.f32 v0, v1  }
0x146: {  	v1 =	vmax.f32 v4, $0.0e+00;
	v4 =	vld [tilespmem:s17+$0x11B00]  }
0x147: {  	v6 =	vmul.f32 v0, v2;
	v3 =	vmul.f32 v0, v3;
	v0 =	vld [tilespmem:s17+$0x10B00]  }
0x148: {  	v2 =	vld [tilespmem:s17+$0x11300]  }
0x149: {  	v1 =	vmin.f32 v1, $1.000000000e+00;
	v5 =	vand.u32 $0x7FFFFFFF, v6;
	v7 =	vand.u32 $0x7FFFFFFF, v3  }
0x14a: {  	v8 =	vsub.f32 $1.000000000e+00, v1;
	v1 =	vmul.f32 $-3.565070630e+05, v1;
	v5 =	vadd.f32 v7, v5  }
0x14b: {  	v10 =	vld [tilespmem:s17+$0x12300]  }
0x14c: {  	s20 =	simm.s32 $0x20;
	v11 =	vld [tilespmem:s16+$0xCB00];
	v1 =	vmul.f32 v8, v1;
	v4 =	vmul.f32 v3, v4;
	v9 =	vadd.f32 $4.999999870e-06, v5  }
0x14d: {  	v13 =	vld [tilespmem:s20+$0xDB00];
	v0 =	vmul.f32 v6, v0;
	v12 =	vmul.f32 v3, v2  }
0x14e: {  	v7 =	vld [tilespmem:s17+$0x12B00];
	v2 =	vmul.f32 v6, v2;
	(erf) = vrcp.f32 v9  }
0x14f: {  	v1 =	vmul.f32 v1, v8;
	v9 =	vld [tilespmem:s16+$0xD300]  }
0x150: {  	v12 =	vadd.f32 v12, v0;
	v14 =	vadd.f32 v4, v2  }
0x151: {  	v1 =	vmul.f32 v1, v8;
	v2 =	vand.u32 $0xFFFF0000, v10  }
0x152: {  	v10 =	vmax.f32 v13, $0.0e+00;
	v4 =	vand.u32 $0x7FFFFFFF, v12;
	v8 =	vand.u32 $0x7FFFFFFF, v14  }
0x153: {  	v0 =	vand.u32 $0xFFFF0000, v7;
	v10 =	vmin.f32 v10, $1.000000000e+00;
	v4 =	vadd.f32 v8, v4  }
0x154: {  	v13 =	vld [tilespmem:s16+$0x11B00];
	v8 =	vsub.f32 v0, v2;
	v0 =	vmul.f32 v1, v11;
	v1 =	vmul.f32 v1, v9  }
0x155: {  	v7 =	vshll.u32 v7, $0x10;
	v2 =	vsub.f32 $1.000000000e+00, v10;
	v11 =	vld [tilespmem:s16+$0x11300];
	v5 =	vsub.f32 v4, v5  }
0x156: {  	v10 =	vmul.f32 $-3.565070630e+05, v10;
	v9 =	vld [tilespmem:s16+$0x10B00];
	v4 =	vand.u32 $0x7FFFFFFF, v0;
	v15 =	vand.u32 $0x7FFFFFFF, v1  }
0x157: {  	v7 =	vmul.f32 v7, v8;
	v4 =	vadd.f32 v15, v4;
	v15 =	vand.u32 $0x7FFFFFFF, v5;
	v60 =	vpop (erf)  }
0x158: {  	v62 =	vld [tilespmem:s16+$0x12300];
	v10 =	vmul.f32 v2, v10;
	v8 =	vmul.f32 v15, v60  }
0x159: {  	v18 =	vadd.f32 v7, v7;
	v13 =	vmul.f32 v1, v13;
	v5 =	vld [tilespmem:s16+$0x12B00];
	v61 =	vadd.f32 $4.999999870e-06, v4  }
0x15a: {  	s24 =	simm.s32 $0x30;
	v7 =	vld [tilespmem:s20+$0xCB00];
	v19 =	vmul.f32 v1, v11;
	v11 =	vmul.f32 v0, v11;
	vm15 =	vlt.f32 v8, $1.000000010e-01  }
0x15b: {  	v15 =	vmul.f32 v0, v9;
	v9 =	vld [tilespmem:s24+$0xDB00];
	(erf) = vrcp.f32 v61;
	v3 =	vsel vm15, v14, v3  }
0x15c: {  	v10 =	vmul.f32 v10, v2;
	v8 =	vld [tilespmem:s20+$0xD300];
	v63 =	vmul.f32 v3, v18  }
0x15d: {  	v14 =	vsel vm15, v12, v6;
	v6 =	vadd.f32 v13, v11;
	v3 =	vadd.f32 v19, v15  }
0x15e: {  	s1 =	simm.s32 $0x100;
	v11 =	vand.u32 $0xFFFF0000, v5;
	v12 =	vand.u32 $0xFFFF0000, v62;
	v13 =	vmul.f32 v14, v18;
	[tilespmem:s17+$0x13B00] =	vst v63  }
.LBB2_5:
0x15f: {  	p0 =	sne.s32 s1, $0x1FC0;
	v2 =	vmul.f32 v10, v2;
	v10 =	vand.u32 $0x7FFFFFFF, v3;
	v14 =	vand.u32 $0x7FFFFFFF, v6  }
0x160: {  	v11 =	vsub.f32 v11, v12;
	v9 =	vmax.f32 v9, $0.0e+00;
	v10 =	vadd.f32 v14, v10;
	[tilespmem:s17+$0x13300] =	vst v13;
	s17 =	smov.u32 s16;
	s16 =	smov.u32 s20;
	s20 =	smov.u32 s24  }
0x161: {  	v9 =	vmin.f32 v9, $1.000000000e+00;
	v12 =	vmul.f32 v2, v7;
	v8 =	vmul.f32 v2, v8;
	v7 =	vld [tilespmem:s16+$0x10B00]  }
0x162: {  	v5 =	vshll.u32 v5, $0x10;
	v2 =	vsub.f32 $1.000000000e+00, v9;
	v13 =	vld [tilespmem:s16+$0x11300];
	v10 =	vsub.f32 v10, v4  }
0x163: {  	v9 =	vmul.f32 $-3.565070630e+05, v9;
	v14 =	vld [tilespmem:s16+$0x11B00];
	v4 =	vand.u32 $0x7FFFFFFF, v12;
	v16 =	vand.u32 $0x7FFFFFFF, v8  }
0x164: {  	v11 =	vmul.f32 v5, v11;
	v4 =	vadd.f32 v16, v4;
	v10 =	vand.u32 $0x7FFFFFFF, v10;
	v15 =	vpop (erf)  }
0x165: {  	v16 =	vmul.f32 v2, v9;
	v5 =	vld [tilespmem:s16+$0x12B00];
	v9 =	vmul.f32 v10, v15  }
0x166: {  	v18 =	vadd.f32 v11, v11;
	v15 =	vmul.f32 v12, v7;
	v10 =	vadd.f32 $4.999999870e-06, v4;
	v17 =	vld [tilespmem:s16+$0x12300]  }
.Ltmp1:
0x167: {  	s24 =	sshra.s32 s1, $0x2;
	v7 =	vld [tilespmem:s20+$0xCB00];
	v11 =	vmul.f32 v8, v13;
	v13 =	vmul.f32 v12, v13;
	vm0 =	vlt.f32 v9, $1.000000010e-01;
	(pc) =	sbr.rel @p0 .LBB2_5-.Ltmp1, $4  }
0x168: {  	v9 =	vld [tilespmem:s24+$0xDB00];
	v14 =	vmul.f32 v8, v14;
	(erf) = vrcp.f32 v10;
	v6 =	vsel vm0, v6, v1;
	v1 =	vmovc v8  }
0x169: {  	v19 =	vsel vm0, v3, v0;
	v0 =	vmov v12;
	v8 =	vld [tilespmem:s20+$0xD300];
	v20 =	vmul.f32 v6, v18  }
0x16a: {  	v10 =	vmul.f32 v16, v2;
	v3 =	vadd.f32 v11, v15;
	v6 =	vadd.f32 v14, v13  }
0x16b: {  	s1 =	sadd.s32 $0x40, s1;
	v11 =	vand.u32 $0xFFFF0000, v5;
	v13 =	vmul.f32 v19, v18;
	v12 =	vand.u32 $0xFFFF0000, v17;
	[tilespmem:s17+$0x13B00] =	vst v20  }
0x16c: {  	v14 =	vand.u32 $0x7FFFFFFF, v3;
	v15 =	vand.u32 $0x7FFFFFFF, v6  }
0x16d: {  	v14 =	vadd.f32 v15, v14;
	_ =	sdelay $0x1  }
0x16e: {  	v11 =	vsub.f32 v11, v12;
	v4 =	vsub.f32 v14, v4  }
0x16f: {  	v5 =	vshll.u32 v5, $0x10;
	v9 =	vmax.f32 v9, $0.0e+00  }
0x170: {  	[tilespmem:s17+$0x13300] =	vst v13;
	v9 =	vmin.f32 v9, $1.000000000e+00;
	v5 =	vmul.f32 v5, v11;
	v4 =	vand.u32 $0x7FFFFFFF, v4;
	v26 =	vpop (erf)  }
0x171: {  	v24 =	vld [tilespmem:s20+$0x10B00];
	v25 =	vmul.f32 $-3.565070630e+05, v9;
	v9 =	vsub.f32 $1.000000000e+00, v9;
	v4 =	vmul.f32 v4, v26  }
0x172: {  	v2 =	vmul.f32 v10, v2;
	v27 =	vld [tilespmem:s20+$0x11300]  }
0x173: {  	v30 =	vld [tilespmem:s24+$0xCB00];
	v5 =	vadd.f32 v5, v5;
	v29 =	vmul.f32 v9, v25;
	vm0 =	vlt.f32 v4, $1.000000010e-01  }
0x174: {  	v31 =	vmul.f32 v2, v7;
	v2 =	vmul.f32 v2, v8;
	v32 =	vld [tilespmem:s24+$0xD300];
	v1 =	vsel vm0, v6, v1  }
0x175: {  	v28 =	vld [tilespmem:s20+$0x11B00];
	v34 =	vmul.f32 v29, v9;
	v0 =	vsel vm0, v3, v0;
	v1 =	vmul.f32 v1, v5  }
0x176: {  	v33 =	vld [tilespmem:s20+$0x12B00];
	v0 =	vmul.f32 v0, v5  }
0x177: {  	v35 =	vld [tilespmem:s20+$0x12300];
	v36 =	vand.u32 $0x7FFFFFFF, v31;
	v37 =	vand.u32 $0x7FFFFFFF, v2;
	v38 =	vmul.f32 v34, v9;
	[tilespmem:s16+$0x13B00] =	vst v1  }
0x178: {  	v39 =	vadd.f32 v37, v36;
	[tilespmem:s16+$0x13300] =	vst v0  }
0x179: {  	v40 =	vmul.f32 v38, v30;
	v1 =	vmul.f32 v38, v32;
	v41 =	vld [tilespmem:s24+$0x10B00]  }
0x17a: {  	v42 =	vmul.f32 v31, v24;
	v43 =	vadd.f32 $4.999999870e-06, v39;
	v44 =	vld [tilespmem:s24+$0x11300]  }
0x17b: {  	v45 =	vmul.f32 v2, v27;
	v46 =	vld [tilespmem:s24+$0x11B00];
	v47 =	vand.u32 $0x7FFFFFFF, v40;
	v16 =	vand.u32 $0x7FFFFFFF, v1  }
0x17c: {  	v15 =	vmul.f32 v31, v27;
	v10 =	vmul.f32 v2, v28;
	v14 =	vadd.f32 v16, v47  }
0x17d: {  	(erf) = vrcp.f32 v43;
	v6 =	vadd.f32 v45, v42  }
0x17e: {  	v48 =	vadd.f32 v10, v15;
	v49 =	vadd.f32 $4.999999870e-06, v14;
	v5 =	vmul.f32 v40, v41  }
0x17f: {  	v12 =	vand.u32 $0x7FFFFFFF, v6;
	v50 =	vmul.f32 v1, v44;
	v11 =	vmul.f32 v40, v44  }
0x180: {  	v51 =	vand.u32 $0x7FFFFFFF, v48;
	v13 =	vmul.f32 v1, v46;
	(erf) = vrcp.f32 v49  }
0x181: {  	v52 =	vand.u32 $0xFFFF0000, v33;
	v12 =	vadd.f32 v51, v12;
	v53 =	vld [tilespmem:s24+$0x12B00]  }
0x182: {  	v8 =	vand.u32 $0xFFFF0000, v35;
	v17 =	vld [tilespmem:s24+$0x12300];
	v5 =	vadd.f32 v50, v5;
	v11 =	vadd.f32 v13, v11  }
0x183: {  	v8 =	vsub.f32 v52, v8  }
0x184: {  	v3 =	vsub.f32 v12, v39;
	v54 =	vand.u32 $0x7FFFFFFF, v5;
	v55 =	vand.u32 $0x7FFFFFFF, v11  }
0x185: {  	v7 =	vshll.u32 v33, $0x10;
	v10 =	vadd.f32 v55, v54  }
0x186: {  	v7 =	vmul.f32 v7, v8;
	v3 =	vand.u32 $0x7FFFFFFF, v3  }
0x187: {  	v56 =	vpop (erf);
	v57 =	vand.u32 $0xFFFF0000, v53;
	v58 =	vand.u32 $0xFFFF0000, v17;
	v10 =	vsub.f32 v10, v14  }
0x188: {  	v3 =	vmul.f32 v3, v56;
	v59 =	vsub.f32 v57, v58  }
0x189: {  	v7 =	vadd.f32 v7, v7;
	v60 =	vshll.u32 v53, $0x10;
	v10 =	vand.u32 $0x7FFFFFFF, v10;
	v61 =	vpop (erf)  }
0x18a: {  	vm14 =	vlt.f32 v3, $1.000000010e-01;
	v62 =	vmul.f32 v60, v59;
	v63 =	vmul.f32 v10, v61  }
0x18b: {  	v2 =	vsel vm14, v48, v2;
	v4 =	vsel vm14, v6, v31  }
0x18c: {  	v2 =	vmul.f32 v2, v7;
	v3 =	vadd.f32 v62, v62;
	vm15 =	vlt.f32 v63, $1.000000010e-01  }
0x18d: {  	v4 =	vmul.f32 v4, v7;
	v1 =	vsel vm15, v11, v1  }
0x18e: {  	[tilespmem:s20+$0x13B00] =	vst v2;
	v0 =	vsel vm15, v5, v40;
	v1 =	vmul.f32 v1, v3  }
0x18f: {  	[tilespmem:s20+$0x13300] =	vst v4;
	v0 =	vmul.f32 v0, v3  }
0x190: {  	[tilespmem:s24+$0x13B00] =	vst v1  }
0x191: {  	s1 =	rddreg [dreg:$0x2];
	[tilespmem:s24+$0x13300] =	vst v0  }
0x192: {  	[spmem:s1] =	stream.indirect.scatter.add.f32 [tilespmem:s28], [sflag:$0x4], $0x1, s18, s0, $0xb8;
	[tilespmem:$0x15B80] =	vst v63  }
0x193: {  	s19 =	sadd.s32 $0x1, s19;
	s24 =	rddreg [dreg:$0x3]  }
0x194: {  	[spmem:s24] =	stream.indirect.scatter.add.f32 [tilespmem:s29], [sflag:$0x4], $0x1, s18, s0, $0xb8;
	[tilespmem:$0x15B80] =	vst v63  }
0x195: {  	p0 =	sne.s32 s19, s21;
	_ =	swait.ge [sflag:s30], $0x800  }
.Ltmp2:
0x196: {  	[sflag:s30] =	ssyncset.done $0x0;
	(pc) =	sbr.rel @p0 .LBB2_2-.Ltmp2, $4  }
0x197: {  	[sflag:s30] =	ssyncadd.s32 $0xFFFFF800  }
0x198: {  	_ =	swait.ge [sflag:s30], $0x800  }
0x199: {  	[sflag:s30] =	ssyncset.done $0x0  }
0x19a: {  	[sflag:s30] =	ssyncadd.s32 $0xFFFFF800  }
0x19b: {  	_ =	swait.ge [sflag:s23], $0x800  }
0x19c: {  	[sflag:s23] =	ssyncset.done $0x0  }
0x19d: {  	[sflag:s23] =	ssyncadd.s32 $0xFFFFF800  }
0x19e: {  	_ =	swait.ge [sflag:s23], $0x800  }
0x19f: {  	[sflag:s23] =	ssyncset.done $0x0  }
0x1a0: {  	[sflag:s23] =	ssyncadd.s32 $0xFFFFF800  }
0x1a1: {  	_ =	swait.ge [sflag:s23], $0x800  }
0x1a2: {  	[sflag:s23] =	ssyncset.done $0x0  }
0x1a3: {  	[sflag:s23] =	ssyncadd.s32 $0xFFFFF800  }
0x1a4: {  	_ =	swait.ge [sflag:s23], $0x800  }
0x1a5: {  	[sflag:s23] =	ssyncset.done $0x0  }
0x1a6: {  	[sflag:s23] =	ssyncadd.s32 $0xFFFFF800  }
0x1a7: {  	_ =	swait.ge [sflag:s23], $0x800  }
0x1a8: {  	[sflag:s23] =	ssyncset.done $0x0  }
0x1a9: {  	[sflag:s23] =	ssyncadd.s32 $0xFFFFF800  }
0x1aa: {  	[bflag:$0x0] =	sbarrier.arrive $0xFFFF  }
0x1ab: {  	s17 =	simm.s32 $0x14300;
	s24 =	simm.s32 $0x5;
	s19 =	rddreg [dreg:$0xa]  }
0x1ac: {  	[tilespmem:s17], [sflag:$0x5] =	stream.linear.gather [spmem:s19], $0x1880, $0x38;
	[tilespmem:$0x15B80] =	vst v63  }
0x1ad: {  	_ =	swait.ge [sflag:s24], $0x1880  }
0x1ae: {  	s16 =	simm.s32 $0x80;
	[sflag:s24] =	ssyncset.done $0x0  }
0x1af: {  	s3 =	simm.s32 $0x100;
	s1 =	rddreg [dreg:$0x19];
	[sflag:s24] =	ssyncadd.s32 $0xFFFFE780  }
0x1b0: {  	[hbm4b:s1+s16] =	stream.strided.scatter [tilespmem:s17], [sflag:$0x5], $0x1880, s3, s16, $0x38;
	[tilespmem:$0x15B80] =	vst v63  }
0x1b1: {  	_ =	swait.ge [sflag:s24], $0x1880  }
0x1b2: {  	[sflag:s24] =	ssyncset.done $0x0  }
0x1b3: {  	s20 =	rddreg [dreg:$0xb];
	[sflag:s24] =	ssyncadd.s32 $0xFFFFE780  }
0x1b4: {  	[tilespmem:s17], [sflag:$0x5] =	stream.linear.gather [spmem:s20], $0x1880, $0x38;
	[tilespmem:$0x15B80] =	vst v63  }
0x1b5: {  	_ =	swait.ge [sflag:s24], $0x1880  }
0x1b6: {  	[sflag:s24] =	ssyncset.done $0x0  }
0x1b7: {  	s1 =	rddreg [dreg:$0x1a];
	[sflag:s24] =	ssyncadd.s32 $0xFFFFE780  }
0x1b8: {  	[hbm4b:s1+s16] =	stream.strided.scatter [tilespmem:s17], [sflag:$0x5], $0x1880, s3, s16, $0x38;
	[tilespmem:$0x15B80] =	vst v63  }
0x1b9: {  	_ =	swait.ge [sflag:s24], $0x1880  }
0x1ba: {  	s1 =	rddreg [dreg:$0x1c]  }
0x1bb: {  	s16 =	rddreg [dreg:$0x1b];
	s3 =	sadd.s32 $0x1, s1  }
0x1bc: {  	p0 =	sne.s32 s3, s16  }
.Ltmp3:
0x1bd: {  	_ = 	snop;
	(pc) =	sbr.rel @p0 .LBB2_1-.Ltmp3, $3  }
0x1be: {  	_ =	sdelay $0x1  }
0x1bf: {  	[sflag:s24] =	ssyncset.done $0x0  }
0x1c0: {  	[sflag:s24] =	ssyncadd.s32 $0xFFFFE780  }
0x1c1: {  	_ =	sfence.sel $0x180000  }
0x1c2: {  	[bflag:$0x0] =	sbarrier.arrive $0xFFFF  }
0x1c3: {  	_ =	strace $0x9000004A  }
0x1c4: {  	s0 =	stileid.u32;
	[bflag:$0x2] =	sbarrier.arrive $0xFFFF  }
0x1c5: {  	p0 =	sne.s32 s0, $0x0;
	s0 =	rddreg [dreg:$0x8]  }
0x1c6: {  	s0 =	sadd.s32 @!p0 $0x100000, s0  }
0x1c7: {  	[sflag:s0] =	ssyncadd.tile.s32 @!p0 $0x1;
	_ =	shalt  }
.Lfunc_end2:
_tile_overlayer_lowered:
.L_overlay_start_2:
0x1c8: {  	(tag) =	ssettag $0x2  }
0x1c9: {  	s0 =	rddreg [dreg:$0x0];
	s2 =	stileid.u32  }
0x1ca: {  	s1 =	rddreg [dreg:$0x1];
	p0 =	sne.s32 s2, $0x0  }
0x1cb: {  	s3 =	rddreg [dreg:$0x2];
	[bflag:$0x3] =	sbarrier.arrive $0xFFFF;
	s2 =	simm.s32 @!p0 $0x1C05  }
0x1cc: {  	[timem:s3], [sflag:s2] =	dma.local @!p0 [hbm:s0], s1  }
0x1cd: {  	s0 =	simm.s32 @!p0 $0x5  }
0x1ce: {  	_ =	swait.ge @!p0 [sflag:s0], s1  }
0x1cf: {  	s1 =	ssub.s32 @!p0 $0x0, s1;
	[sflag:s0] =	ssyncset.done @!p0 $0x0  }
0x1d0: {  	[sflag:s0] =	ssyncadd.s32 @!p0 s1  }
0x1d1: {  	[bflag:$0x3] =	sbarrier.arrive $0xFFFF  }
0x1d2: {  	_ =	shalt  }

// kernel: kernel.14.cloned.1.call-start
scs
__scs_entry_jumppad:
0x0: {  	(pc) =	sbr.rel $0x88, $3  }
0x1: {  	(tag) =	ssettag $0x0;
	lr =	simm.s32 $0x1  }
0x2: {  	[smem:$0x3F9B] =	sst lr;
	_ =	strace $0xD0000000  }
0x3: {  	_ = 	snop  }
0x4: {  	_ = 	snop  }
0x5: {  	_ = 	snop  }
0x6: {  	_ = 	snop  }
0x7: {  	_ = 	snop  }
__scs_overlays_trampoline_lowered:
0x8: {  	[smem:$0x3FAA] =	sst s0  }
0x9: {  	[smem:$0x3FAB] =	sst s1  }
0xa: {  	[smem:$0x3FAC] =	sst s2  }
0xb: {  	[smem:$0x3FAD] =	sst s3  }
0xc: {  	[smem:$0x3FAE] =	sst s4  }
0xd: {  	[smem:$0x3FAF] =	sst s5  }
0xe: {  	[smem:$0x3FB0] =	sst s6  }
0xf: {  	[smem:$0x3FB1] =	sst s7  }
0x10: {  	[smem:$0x3FB2] =	sst s8  }
0x11: {  	[smem:$0x3FB3] =	sst s9;
	s0 =	simm.s32 @!p0 $0x0  }
0x12: {  	s1 =	sld [smem:$0x3F99];
	s0 =	simm.s32 @p0 $0x1  }
0x13: {  	[smem:$0x3FB4] =	sst s0;
	s0 =	simm.s32 @!p1 $0x0  }
0x14: {  	s2 =	sld [smem:$0x3F98];
	s0 =	simm.s32 @p1 $0x1  }
0x15: {  	[smem:$0x3FB5] =	sst s0;
	s0 =	simm.s32 @!p2 $0x0  }
0x16: {  	s3 =	sld [smem:$0x3FDB];
	s0 =	simm.s32 @p2 $0x1  }
0x17: {  	s4 =	simm.s32 $0x1BF5;
	[smem:$0x3FB7] =	sst s0  }
0x18: {  	s0 =	sld [smem:$0x3F9A];
	_ =	swait.ge [sflag:s4], $0x0  }
0x19: {  	s7 =	sld [smem:$0x3F9B]  }
0x1a: {  	s8 =	sadd.s32 $0xFFFFE003, lr  }
0x1b: {  	s9 =	sadd.s32 $0xFFFFFEF7, lr;
	s5 =	simm.s32 $0xFFFFFFFF;
	p2 =	slt.u32 s8, $0xFFFFF086  }
0x1c: {  	p1 =	slt.u32 s9, $0xF7A;
	s5 =	simm.s32 @!p2 $0x0  }
0x1d: {  	s5 =	simm.s32 @p1 $0x1;
	p0 =	seq.s32 s7, s2  }
0x1e: {  	s7 =	smul.u32 @!p0 $0xF7A, s2;
	p2 =	seq.s32 @!p0 s5, $0x0  }
0x1f: {  	s9 =	smul.u32 $0xF7A, s1;
	s8 =	simm.s32 @!p0 $0x1BF5;
	p2 =	por !p2, p0  }
0x20: {  	[sflag:s8] =	ssyncset.s32 @!p0 $0xFFFFF086;
	s6 =	sadd.s32 @!p0 s3, s7;
	s7 =	simm.s32 @!p0 $0x108  }
0x21: {  	s3 =	sadd.s32 s3, s9;
	s6 =	sadd.s32 @!p0 $0x88, s6;
	s7 =	simm.s32 @p2 $0x1082  }
0x22: {  	[simem:s7], [sflag:s8] =	dma.local @!p0 [hbm:s6], $0xF7A  }
0x23: {  	s9 =	sor.u32 $0xD0000000, s2;
	s6 =	simm.s32 $0x108;
	_ =	swait.ge @!p0 [sflag:s8], $0x0  }
0x24: {  	s3 =	sadd.s32 $0x88, s3;
	s6 =	simm.s32 @!p1 $0x1082;
	[sflag:s4] =	ssyncset.s32 $0xFFFFF086  }
0x25: {  	[simem:s6], [sflag:s4] =	dma.local [hbm:s3], $0xF7A  }
0x26: {  	[smem:$0x3F9B] =	sst s1;
	(tag) =	ssettag s2;
	_ =	strace s9  }
0x27: {  	s1 =	sld [smem:$0x3FAB]  }
0x28: {  	s2 =	sld [smem:$0x3FAC]  }
0x29: {  	s4 =	sld [smem:$0x3FAE]  }
0x2a: {  	p0 =	seq.s32 s5, $0x0;
	s5 =	sld [smem:$0x3FAF]  }
0x2b: {  	s6 =	sld [smem:$0x3FB0]  }
0x2c: {  	s7 =	sld [smem:$0x3FB1]  }
0x2d: {  	s3 =	simm.s32 $0x108;
	s8 =	sld [smem:$0x3FB2]  }
0x2e: {  	s3 =	simm.s32 @!p0 $0x1082;
	s9 =	sld [smem:$0x3FB3]  }
0x2f: {  	lr =	sadd.s32 s0, s3;
	s0 =	sld [smem:$0x3FAA]  }
0x30: {  	s3 =	sld [smem:$0x3FAD]  }
0x31: {  	[smem:$0x3FB6] =	sst s10  }
0x32: {  	s10 =	sld [smem:$0x3FB4];
	_ =	sdelay $0x3  }
0x33: {  	p0 =	seq.s32 s10, $0x1;
	s10 =	sld [smem:$0x3FB6];
	_ =	sdelay $0x3  }
0x34: {  	[smem:$0x3FB6] =	sst s10  }
0x35: {  	s10 =	sld [smem:$0x3FB5];
	_ =	sdelay $0x3  }
0x36: {  	p1 =	seq.s32 s10, $0x1;
	s10 =	sld [smem:$0x3FB6];
	_ =	sdelay $0x3  }
0x37: {  	[smem:$0x3FB6] =	sst s10  }
0x38: {  	s10 =	sld [smem:$0x3FB7]  }
0x39: {  	_ = 	snop;
	(pc) =	sbr.ind lr, $3  }
0x3a: {  	_ = 	snop  }
0x3b: {  	_ = 	snop  }
0x3c: {  	p2 =	seq.s32 s10, $0x1;
	s10 =	sld [smem:$0x3FB6]  }
0x3d: {  	_ =	shalt  }
0x3e: {  	_ =	shalt  }
0x3f: {  	_ =	shalt  }
0x40: {  	_ =	shalt  }
0x41: {  	_ =	shalt  }
0x42: {  	_ =	shalt  }
0x43: {  	_ =	shalt  }
0x44: {  	_ =	shalt  }
0x45: {  	_ =	shalt  }
0x46: {  	_ =	shalt  }
0x47: {  	_ =	shalt  }
0x48: {  	_ =	shalt  }
0x49: {  	_ =	shalt  }
0x4a: {  	_ =	shalt  }
0x4b: {  	_ =	shalt  }
0x4c: {  	_ =	shalt  }
0x4d: {  	_ =	shalt  }
0x4e: {  	_ =	shalt  }
0x4f: {  	_ =	shalt  }
0x50: {  	_ =	shalt  }
0x51: {  	_ =	shalt  }
0x52: {  	_ =	shalt  }
0x53: {  	_ =	shalt  }
0x54: {  	_ =	shalt  }
0x55: {  	_ =	shalt  }
0x56: {  	_ =	shalt  }
0x57: {  	_ =	shalt  }
0x58: {  	_ =	shalt  }
0x59: {  	_ =	shalt  }
0x5a: {  	_ =	shalt  }
0x5b: {  	_ =	shalt  }
0x5c: {  	_ =	shalt  }
0x5d: {  	_ =	shalt  }
0x5e: {  	_ =	shalt  }
0x5f: {  	_ =	shalt  }
0x60: {  	_ =	shalt  }
0x61: {  	_ =	shalt  }
0x62: {  	_ =	shalt  }
0x63: {  	_ =	shalt  }
0x64: {  	_ =	shalt  }
0x65: {  	_ =	shalt  }
0x66: {  	_ =	shalt  }
0x67: {  	_ =	shalt  }
0x68: {  	_ =	shalt  }
0x69: {  	_ =	shalt  }
0x6a: {  	_ =	shalt  }
0x6b: {  	_ =	shalt  }
0x6c: {  	_ =	shalt  }
0x6d: {  	_ =	shalt  }
0x6e: {  	_ =	shalt  }
0x6f: {  	_ =	shalt  }
0x70: {  	_ =	shalt  }
0x71: {  	_ =	shalt  }
0x72: {  	_ =	shalt  }
0x73: {  	_ =	shalt  }
0x74: {  	_ =	shalt  }
0x75: {  	_ =	shalt  }
0x76: {  	_ =	shalt  }
0x77: {  	_ =	shalt  }
0x78: {  	_ =	shalt  }
0x79: {  	_ =	shalt  }
0x7a: {  	_ =	shalt  }
0x7b: {  	_ =	shalt  }
0x7c: {  	_ =	shalt  }
0x7d: {  	_ =	shalt  }
0x7e: {  	_ =	shalt  }
0x7f: {  	_ =	shalt  }
0x80: {  	_ =	shalt  }
0x81: {  	_ =	shalt  }
0x82: {  	_ =	shalt  }
0x83: {  	_ =	shalt  }
0x84: {  	_ =	shalt  }
0x85: {  	_ =	shalt  }
0x86: {  	_ =	shalt  }
0x87: {  	_ =	shalt  }
.Lfunc_end0:
.L_simem_size_0:
called_computation.2_lowered:
.L_overlay_start_0:
0x88: {  	s2 =	sld [smem:$0x3FD9]  }
0x89: {  	s3 =	sld [smem:$0x3FFE];
	_ =	sdelay $0x1  }
0x8a: {  	s1 =	srdreg.scid  }
0x8b: {  	s0 =	sand.u32 $0x1, s1  }
0x8c: {  	s17 =	sshll.u32 s0, $0xA;
	s2 =	sadd.s32 s3, s2  }
0x8d: {  	s2 =	sadd.s32 s2, s17  }
0x8e: {  	[smem:$0x3FC2] =	sst s2  }
0x8f: {  	_ = 	snop  }
0x90: {  	s2 =	sld [smem:$0x3FD0];
	(tm) =	ssettm $0x1  }
0x91: {  	s18 =	sld [smem:$0x3FFB];
	_ =	sdelay $0x3  }
0x92: {  	_ =	strace s18  }
0x93: {  	s3 =	sld [smem:$0x3FFC];
	_ =	sdelay $0x3  }
0x94: {  	_ =	strace s3  }
0x95: {  	s3 =	sld [smem:$0x3FFD];
	_ =	sdelay $0x3  }
0x96: {  	_ =	strace s3  }
0x97: {  	_ =	strace $0x8FFFFFFF  }
0x98: {  	s19 =	sld [smem:$0x3FDB];
	_ =	sdelay $0x1  }
0x99: {  	s4 =	simm.s32 $_scs_section_size  }
0x9a: {  	s5 =	simm.s32 $_size__tile_overlayer_lowered;
	s6 =	simm.s32 $_tile_overlayer_lowered  }
0x9b: {  	s22 =	simm.s32 $0x1BFF;
	s21 =	sshll.u32 s6, $0x1;
	s3 =	sadd.s32 s4, s19  }
0x9c: {  	s7 =	simm.s32 $0x0;
	s20 =	sshll.u32 s5, $0x1;
	s5 =	sadd.s32 s21, s3  }
0x9d: {  	[timem:s7], [sflag:s22] =	dma.local [hbm:s5], s20  }
0x9e: {  	_ =	swait.ge [sflag:s22], s20  }
0x9f: {  	s4 =	ssub.s32 $0x0, s20;
	[sflag:s22] =	ssyncset.done $0x0  }
0xa0: {  	[sflag:s22] =	ssyncadd.s32 s4;
	_ =	sdelay $0x1  }
0xa1: {  	s23 =	simm.s32 $0x1B8B  }
0xa2: {  	_ =	swait.ge [sflag:s23], $0x1  }
0xa3: {  	[sflag:s23] =	ssyncset.done $0x0  }
0xa4: {  	s25 =	simm.s32 $0x1B8E;
	s24 =	sld [smem:$0x3FFE];
	[sflag:s23] =	ssyncadd.s32 $0xFFFFFFFF  }
0xa5: {  	s26 =	simm.s32 $execute0_lowered;
	[smem:$0x3FD2] =	sst s25  }
0xa6: {  	s5 =	sshll.u32 s26, $0x1;
	_ =	strace $0x8000004C;
	[dreg:$0x1] =	wrdreg $0xFFFFFFFF  }
0xa7: {  	s28 =	simm.s32 $_size_execute0_lowered;
	s3 =	sadd.s32 s3, s5;
	[dreg:$0x0] =	wrdreg $0x0  }
0xa8: {  	s5 =	sshll.u32 s28, $0x1;
	[dreg:$0x2] =	wrdreg s3  }
0xa9: {  	[dreg:$0x3] =	wrdreg s5  }
0xaa: {  	[dreg:$0x4] =	wrdreg $0xC0  }
0xab: {  	_ =	task [dreg:s7], $0x5FFFF  }
0xac: {  	[dreg:$0x1] =	wrdreg $0xFFFFFFFF  }
0xad: {  	[dreg:$0x0] =	wrdreg $0x60  }
0xae: {  	[dreg:$0x2] =	wrdreg s24  }
0xaf: {  	[dreg:$0x3] =	wrdreg s2  }
0xb0: {  	[dreg:$0x4] =	wrdreg $0x0  }
0xb1: {  	[dreg:$0x5] =	wrdreg $0x18800  }
0xb2: {  	[dreg:$0x6] =	wrdreg $0x31000  }
0xb3: {  	[dreg:$0x7] =	wrdreg $0x9  }
0xb4: {  	_ =	task.clear_ibuf [dreg:s7], $0x8FFFF;
	_ =	strace $0x9000004C  }
0xb5: {  	s29 =	simm.s32 $0x9;
	_ =	strace $0x8000004E  }
0xb6: {  	_ =	swait.ge [sflag:s29], $0x1  }
0xb7: {  	[sflag:s29] =	ssyncadd.s32 $0xFFFFFFFF  }
0xb8: {  	_ =	strace $0x9000004E  }
0xb9: {  	_ =	sfence  }
0xba: {  	s30 =	sld [smem:$0x0];
	_ =	sdelay $0x2  }
0xbb: {  	s31 =	sshll.u32 s1, $0xD;
	s1 =	sshrl.u32 s1, $0x2  }
0xbc: {  	s3 =	sand.u32 $0x4000, s31;
	s1 =	sadd.s32 s1, s30  }
0xbd: {  	s0 =	sor.u32 s3, s0;
	s1 =	sshll.u32 s1, $0x11  }
0xbe: {  	s0 =	sor.u32 s1, s0  }
0xbf: {  	s0 =	sadd.s32 $0x8F2B, s0  }
0xc0: {  	[sflag:s0] =	ssyncadd.remote.s32 $0x1  }
0xc1: {  	_ =	sfence.sel $0xFFFF  }
0xc2: {  	[dreg:$0x0] =	wrdreg $0xFFFFFFFF;
	(pc) =	sbr.abs _section_cstart, $3  }
0xc3: {  	[dreg:$0x1] =	wrdreg $0xFFFFFFFF  }
0xc4: {  	_ =	task.clear_ibuf [dreg:s7], $0x2FFFF;
	_ =	strace $0x9FFFFFFF  }
0xc5: {  	(tm) =	ssettm $0x7FFFFFFF  }
tec
execute0_lowered:
.L_overlay_start_1:
0x0: {  	(tag) =	ssettag $0x1  }
0x1: {  	s0 =	rddreg [dreg:$0x0]  }
0x2: {  	s4 =	rddreg [dreg:$0x1]  }
0x3: {  	s1 =	rddreg [dreg:$0x2]  }
0x4: {  	s2 =	rddreg [dreg:$0x3]  }
0x5: {  	s3 =	rddreg [dreg:$0x4]  }
0x6: {  	s24 =	simm.s32 $0x0;
	s16 =	stileid.u32;
	s5 =	srdreg.scid  }
0x7: {  	s10 =	simm.s32 $0x38;
	s31 =	simm.s32 $0x4980;
	s29 =	simm.s32 $0x4  }
0x8: {  	[smem:$0x7FF] =	sst s24;
	s6 =	sadd.s32 $0xCC200, s0;
	s7 =	sadd.s32 $0x130200, s0  }
0x9: {  	s8 =	sadd.s32 $0x4200, s0;
	s9 =	sadd.s32 $0x68200, s0;
	s13 =	smul.u32 $0x1880, s16  }
0xa: {  	s5 =	sand.u32 $0x1, s5;
	s11 =	sadd.s32 $0x194200, s0;
	_ =	strace $0x8000004D  }
0xb: {  	s12 =	smul.u32 $0x18800, s5;
	p0 =	seq.s32 s5, $0x0;
	s17 =	ssub.s32 $0x2, s5  }
0xc: {  	s5 =	smul.u32 $0x1C0000, s5;
	s14 =	sshrl.u32 s13, $0x3;
	s10 =	simm.s32 @!p0 $0x2C  }
0xd: {  	s25 =	sshrl.u32 s17, $0x1;
	s30 =	sadd.s32 s13, s1;
	s19 =	sadd.s32 s13, s3  }
0xe: {  	s15 =	sadd.s32 s14, s0;
	s12 =	sadd.s32 s13, s12;
	s16 =	smul.u32 s10, s16  }
0xf: {  	s17 =	ssub.s32 s17, s25;
	s4 =	sadd.s32 s4, s14;
	[dreg:$0xb] =	wrdreg s19  }
0x10: {  	s19 =	simm.s32 $0xA180;
	s14 =	simm.s32 $0xD980;
	[dreg:$0x7] =	wrdreg s30  }
0x11: {  	s12 =	sshrl.u32 s12, $0x3;
	s26 =	sadd.s32 $0x1F8200, s15;
	[dreg:$0x8] =	wrdreg s4  }
0x12: {  	s18 =	sadd.s32 $0x1FB400, s15;
	s15 =	simm.s32 $0x5;
	[dreg:$0x6] =	wrdreg s26  }
0x13: {  	s0 =	sadd.s32 s12, s0;
	s16 =	sshll.u32 s16, $0xB;
	[dreg:$0xa] =	wrdreg s18  }
0x14: {  	s26 =	smax.u32 s17, $0x1;
	s17 =	simm.s32 $0x800;
	s18 =	simm.s32 $0x9980  }
0x15: {  	s12 =	sadd.s32 s5, s16;
	s16 =	sadd.s32 s13, s2;
	[dreg:$0x12] =	wrdreg s26  }
0x16: {  	s0 =	sadd.s32 $0x1FE600, s0;
	s26 =	sshrl.u32 s10, $0x1;
	[dreg:$0x9] =	wrdreg s16  }
0x17: {  	s5 =	simm.s32 $0x0;
	s20 =	sshrl.u32 s12, $0x3;
	[dreg:$0x11] =	wrdreg s0  }
0x18: {  	s13 =	simm.s32 $0xE180;
	[dreg:$0x13] =	wrdreg s5;
	s21 =	sadd.s32 s6, s20  }
0x19: {  	s28 =	sor.u32 $0x800, s12;
	s22 =	sadd.s32 s7, s20;
	[dreg:$0xc] =	wrdreg s21  }
0x1a: {  	s0 =	simm.s32 $0x5180;
	s23 =	sadd.s32 s8, s20;
	[dreg:$0xd] =	wrdreg s22  }
0x1b: {  	s16 =	simm.s32 $0x1;
	s25 =	sadd.s32 s9, s20;
	[dreg:$0xe] =	wrdreg s23  }
0x1c: {  	s4 =	sadd.s32 s11, s20;
	s20 =	simm.s32 $0xA980;
	[dreg:$0xf] =	wrdreg s25  }
0x1d: {  	[dreg:$0x10] =	wrdreg s4;
	s21 =	simm.s32 $0xB180;
	s22 =	simm.s32 $0x7180  }
0x1e: {  	s23 =	simm.s32 $0x7980;
	s25 =	simm.s32 $0x2;
	s4 =	simm.s32 $0x3  }
.LBB2_1:
0x1f: {  	s5 =	rddreg [dreg:$0x6]  }
0x20: {  	[tilespmem:s13], [sflag:$0x5] =	stream.linear.gather [hbm4b:s5+s24], $0x1880, $0x38;
	[tilespmem:$0xFA00] =	vst v63  }
0x21: {  	_ =	swait.ge [sflag:s15], $0x1880  }
0x22: {  	[sflag:s15] =	ssyncset.done $0x0  }
0x23: {  	[sflag:s15] =	ssyncadd.s32 $0xFFFFE780  }
0x24: {  	[spmem:s30] =	stream.linear.scatter [tilespmem:s13], [sflag:$0x5], $0x1880, $0x38;
	[tilespmem:$0xFA00] =	vst v63  }
0x25: {  	_ =	swait.ge [sflag:s15], $0x1880  }
0x26: {  	[sflag:s15] =	ssyncset.done $0x0  }
0x27: {  	s5 =	rddreg [dreg:$0x8];
	[sflag:s15] =	ssyncadd.s32 $0xFFFFE780  }
0x28: {  	[tilespmem:s13], [sflag:$0x5] =	stream.linear.gather [hbm4b:s5+s24], $0x1880, $0x38;
	[tilespmem:$0xFA00] =	vst v63  }
0x29: {  	_ =	swait.ge [sflag:s15], $0x1880  }
0x2a: {  	[sflag:s15] =	ssyncset.done $0x0  }
0x2b: {  	s5 =	rddreg [dreg:$0x9];
	[sflag:s15] =	ssyncadd.s32 $0xFFFFE780  }
0x2c: {  	[spmem:s5] =	stream.linear.scatter [tilespmem:s13], [sflag:$0x5], $0x1880, $0x38;
	[tilespmem:$0xFA00] =	vst v63  }
0x2d: {  	_ =	swait.ge [sflag:s15], $0x1880  }
0x2e: {  	[sflag:s15] =	ssyncset.done $0x0  }
0x2f: {  	s5 =	rddreg [dreg:$0xa];
	[sflag:s15] =	ssyncadd.s32 $0xFFFFE780  }
0x30: {  	[tilespmem:s13], [sflag:$0x5] =	stream.linear.gather [hbm4b:s5+s24], $0x1880, $0x38;
	[tilespmem:$0xFA00] =	vst v63  }
0x31: {  	_ =	swait.ge [sflag:s15], $0x1880  }
0x32: {  	[sflag:s15] =	ssyncset.done $0x0  }
0x33: {  	s5 =	rddreg [dreg:$0xb];
	[sflag:s15] =	ssyncadd.s32 $0xFFFFE780  }
0x34: {  	[spmem:s5] =	stream.linear.scatter [tilespmem:s13], [sflag:$0x5], $0x1880, $0x38;
	[tilespmem:$0xFA00] =	vst v63  }
0x35: {  	_ =	swait.ge [sflag:s15], $0x1880  }
0x36: {  	[sflag:s15] =	ssyncset.done $0x0  }
0x37: {  	[sflag:s15] =	ssyncadd.s32 $0xFFFFE780  }
0x38: {  	[bflag:$0x0] =	sbarrier.arrive $0xFFFF  }
0x39: {  	s13 =	rddreg [dreg:$0xc]  }
0x3a: {  	[tilespmem:s31], [sflag:$0x1] =	stream.linear.gather [hbm4b:s13+s24], $0x800, $0x38;
	[tilespmem:$0xFA00] =	vst v63  }
0x3b: {  	s15 =	rddreg [dreg:$0xd]  }
0x3c: {  	[tilespmem:s0], [sflag:$0x1] =	stream.linear.gather [hbm4b:s15+s24], $0x800, $0x38;
	[tilespmem:$0xFA00] =	vst v63  }
0x3d: {  	s13 =	rddreg [dreg:$0xe];
	s15 =	simm.s32 $0x5980  }
0x3e: {  	[tilespmem:s15], [sflag:$0x1] =	stream.linear.gather [hbm4b:s13+s24], $0x800, $0x38;
	[tilespmem:$0xFA00] =	vst v63  }
0x3f: {  	s13 =	rddreg [dreg:$0xf];
	s15 =	simm.s32 $0x6180  }
0x40: {  	[tilespmem:s15], [sflag:$0x1] =	stream.linear.gather [hbm4b:s13+s24], $0x800, $0x38;
	[tilespmem:$0xFA00] =	vst v63  }
0x41: {  	s13 =	rddreg [dreg:$0x10];
	s15 =	simm.s32 $0x6980  }
0x42: {  	[tilespmem:s15], [sflag:$0x1] =	stream.linear.gather [hbm4b:s13+s24], $0x800, $0x38;
	[tilespmem:$0xFA00] =	vst v63  }
0x43: {  	_ =	swait.ge [sflag:s16], $0x800  }
0x44: {  	[sflag:s16] =	ssyncset.done $0x0  }
0x45: {  	[sflag:s16] =	ssyncadd.s32 $0xFFFFF800  }
0x46: {  	_ =	swait.ge [sflag:s16], $0x800  }
0x47: {  	[sflag:s16] =	ssyncset.done $0x0  }
0x48: {  	[sflag:s16] =	ssyncadd.s32 $0xFFFFF800  }
0x49: {  	_ =	swait.ge [sflag:s16], $0x800  }
0x4a: {  	[sflag:s16] =	ssyncset.done $0x0  }
0x4b: {  	[sflag:s16] =	ssyncadd.s32 $0xFFFFF800  }
0x4c: {  	_ =	swait.ge [sflag:s16], $0x800  }
0x4d: {  	[sflag:s16] =	ssyncset.done $0x0  }
0x4e: {  	[sflag:s16] =	ssyncadd.s32 $0xFFFFF800  }
0x4f: {  	_ =	swait.ge [sflag:s16], $0x800  }
0x50: {  	[sflag:s16] =	ssyncset.done $0x0  }
0x51: {  	[sflag:s16] =	ssyncadd.s32 $0xFFFFF800  }
0x52: {  	[tilespmem:s18], [sflag:$0x2] =	stream.indirect.gather [spmem:s2], $0x1, s31, s17, $0xb8;
	[tilespmem:$0xFA00] =	vst v63  }
0x53: {  	_ = 	snop  }
0x54: {  	[tilespmem:s19], [sflag:$0x2] =	stream.indirect.gather [spmem:s3], $0x1, s31, s17, $0xb8;
	[tilespmem:$0xFA00] =	vst v63  }
0x55: {  	_ = 	snop  }
0x56: {  	[tilespmem:s20], [sflag:$0x2] =	stream.indirect.gather [spmem:s2], $0x1, s0, s17, $0xb8;
	[tilespmem:$0xFA00] =	vst v63  }
0x57: {  	s30 =	simm.s32 $0x0  }
0x58: {  	[tilespmem:s21], [sflag:$0x2] =	stream.indirect.gather [spmem:s3], $0x1, s0, s17, $0xb8;
	[tilespmem:$0xFA00] =	vst v63  }
.LBB2_2:
0x59: {  	s5 =	sshll.u32 s30, $0xC  }
0x5a: {  	s5 =	sadd.s32 s5, s28  }
0x5b: {  	s5 =	sshrl.u32 s5, $0x3  }
0x5c: {  	s15 =	simm.s32 $0x0;
	s13 =	sadd.s32 s6, s5  }
0x5d: {  	[tilespmem:s22], [sflag:$0x1] =	stream.linear.gather [hbm4b:s13+s15], $0x800, $0x38;
	[tilespmem:$0xFA00] =	vst v63  }
0x5e: {  	s24 =	sadd.s32 s7, s5  }
0x5f: {  	[tilespmem:s23], [sflag:$0x1] =	stream.linear.gather [hbm4b:s24+s15], $0x800, $0x38;
	[tilespmem:$0xFA00] =	vst v63  }
0x60: {  	s13 =	sadd.s32 s8, s5;
	s24 =	simm.s32 $0x8180  }
0x61: {  	[tilespmem:s24], [sflag:$0x1] =	stream.linear.gather [hbm4b:s13+s15], $0x800, $0x38;
	[tilespmem:$0xFA00] =	vst v63  }
0x62: {  	s13 =	sadd.s32 s9, s5;
	s24 =	simm.s32 $0x8980  }
0x63: {  	[tilespmem:s24], [sflag:$0x1] =	stream.linear.gather [hbm4b:s13+s15], $0x800, $0x38;
	[tilespmem:$0xFA00] =	vst v63  }
0x64: {  	s5 =	sadd.s32 s11, s5;
	s24 =	simm.s32 $0x9180  }
0x65: {  	[tilespmem:s24], [sflag:$0x1] =	stream.linear.gather [hbm4b:s5+s15], $0x800, $0x38;
	[tilespmem:$0xFA00] =	vst v63  }
0x66: {  	_ =	swait.ge [sflag:s16], $0x800  }
0x67: {  	[sflag:s16] =	ssyncset.done $0x0  }
0x68: {  	[sflag:s16] =	ssyncadd.s32 $0xFFFFF800  }
0x69: {  	_ =	swait.ge [sflag:s16], $0x800  }
0x6a: {  	[sflag:s16] =	ssyncset.done $0x0  }
0x6b: {  	[sflag:s16] =	ssyncadd.s32 $0xFFFFF800  }
0x6c: {  	_ =	swait.ge [sflag:s16], $0x800  }
0x6d: {  	[sflag:s16] =	ssyncset.done $0x0  }
0x6e: {  	[sflag:s16] =	ssyncadd.s32 $0xFFFFF800  }
0x6f: {  	_ =	swait.ge [sflag:s16], $0x800  }
0x70: {  	[sflag:s16] =	ssyncset.done $0x0  }
0x71: {  	[sflag:s16] =	ssyncadd.s32 $0xFFFFF800  }
0x72: {  	_ =	swait.ge [sflag:s16], $0x800  }
0x73: {  	[sflag:s16] =	ssyncset.done $0x0  }
0x74: {  	s24 =	simm.s32 $0xB980;
	[sflag:s16] =	ssyncadd.s32 $0xFFFFF800  }
0x75: {  	[tilespmem:s24], [sflag:$0x3] =	stream.indirect.gather [spmem:s2], $0x1, s22, s17, $0xb8;
	[tilespmem:$0xFA00] =	vst v63  }
0x76: {  	s13 =	simm.s32 $0xC180  }
0x77: {  	[tilespmem:s13], [sflag:$0x3] =	stream.indirect.gather [spmem:s3], $0x1, s22, s17, $0xb8;
	[tilespmem:$0xFA00] =	vst v63  }
0x78: {  	s15 =	simm.s32 $0xC980  }
0x79: {  	[tilespmem:s15], [sflag:$0x3] =	stream.indirect.gather [spmem:s2], $0x1, s23, s17, $0xb8;
	[tilespmem:$0xFA00] =	vst v63  }
0x7a: {  	s24 =	simm.s32 $0xD180  }
0x7b: {  	[tilespmem:s24], [sflag:$0x3] =	stream.indirect.gather [spmem:s3], $0x1, s23, s17, $0xb8;
	[tilespmem:$0xFA00] =	vst v63  }
0x7c: {  	_ =	swait.ge [sflag:s25], $0x800  }
0x7d: {  	[sflag:s25] =	ssyncset.done $0x0  }
0x7e: {  	[sflag:s25] =	ssyncadd.s32 $0xFFFFF800  }
0x7f: {  	_ =	swait.ge [sflag:s25], $0x800  }
0x80: {  	[sflag:s25] =	ssyncset.done $0x0  }
0x81: {  	[sflag:s25] =	ssyncadd.s32 $0xFFFFF800  }
0x82: {  	_ =	swait.ge [sflag:s25], $0x800  }
0x83: {  	[sflag:s25] =	ssyncset.done $0x0  }
0x84: {  	[sflag:s25] =	ssyncadd.s32 $0xFFFFF800  }
0x85: {  	_ =	swait.ge [sflag:s25], $0x800  }
0x86: {  	[sflag:s25] =	ssyncset.done $0x0  }
0x87: {  	s5 =	simm.s32 $0x0;
	[sflag:s25] =	ssyncadd.s32 $0xFFFFF800  }
0x88: {  	v2 =	vld [tilespmem:s5+$0x5980]  }
0x89: {  	v3 =	vld [tilespmem:s5+$0x6180];
	_ =	sdelay $0x1  }
0x8a: {  	v0 =	vld [tilespmem:s5+$0x6980];
	_ =	sdelay $0x2  }
0x8b: {  	v1 =	vsub.f32 $0.0e+00, v2;
	v4 =	vsub.f32 $0.0e+00, v3;
	_ =	sdelay $0x1  }
0x8c: {  	v1 =	vmul.f32 v0, v1;
	v4 =	vmul.f32 v0, v4;
	_ =	sdelay $0x1  }
0x8d: {  	v7 =	vld [tilespmem:s5+$0xA980];
	v5 =	vmul.f32 $5.000000070e-02, v1;
	v4 =	vmul.f32 $5.000000070e-02, v4  }
0x8e: {  	s24 =	simm.s32 $0x10;
	v6 =	vld [tilespmem:s5+$0x9980];
	v0 =	vmax.f32 v0, $0.0e+00  }
0x8f: {  	v8 =	vmin.f32 v0, $1.000000000e+00;
	v0 =	vld [tilespmem:s24+$0x6180];
	v9 =	vmul.f32 v5, v5;
	v10 =	vmul.f32 v4, v4  }
0x90: {  	v12 =	vld [tilespmem:s24+$0x6980]  }
0x91: {  	v1 =	vld [tilespmem:s24+$0x5980];
	v11 =	vsub.f32 $1.000000000e+00, v8;
	v8 =	vmul.f32 $-3.565070630e+05, v8;
	v9 =	vadd.f32 v10, v9  }
0x92: {  	v13 =	vand.u32 $0xFFFF0000, v7  }
0x93: {  	v14 =	vld [tilespmem:s5+$0xB180];
	v7 =	vshll.u32 v7, $0x10;
	v8 =	vmul.f32 v11, v8;
	v9 =	vadd.f32 $2.500000120e-04, v9  }
0x94: {  	v16 =	vld [tilespmem:s5+$0xA180];
	v10 =	vand.u32 $0xFFFF0000, v6;
	v6 =	vshll.u32 v6, $0x10;
	v17 =	vsub.f32 $0.0e+00, v0  }
0x95: {  	v8 =	vmul.f32 v8, v11;
	v10 =	vadd.f32 v13, v10;
	(erf) = vrcp.f32 v9  }
0x96: {  	v15 =	vsub.f32 $0.0e+00, v1;
	v6 =	vadd.f32 v7, v6;
	v7 =	vmul.f32 v12, v17  }
0x97: {  	v8 =	vmul.f32 v8, v11;
	v10 =	vmul.f32 v10, v5  }
0x98: {  	v11 =	vand.u32 $0xFFFF0000, v14;
	v6 =	vmul.f32 v6, v4;
	v9 =	vmul.f32 v12, v15  }
0x99: {  	v13 =	vmul.f32 v8, v2;
	v8 =	vmul.f32 v8, v3;
	v15 =	vand.u32 $0xFFFF0000, v16  }
0x9a: {  	v12 =	vmax.f32 v12, $0.0e+00;
	v2 =	vmul.f32 $5.000000070e-02, v7;
	v7 =	vld [tilespmem:s24+$0x9980];
	v3 =	vmul.f32 $5.000000070e-02, v9  }
0x9b: {  	v9 =	vadd.f32 v6, v10;
	v5 =	vmul.f32 v13, v5;
	v8 =	vmul.f32 v8, v4;
	v6 =	vld [tilespmem:s24+$0xA980]  }
0x9c: {  	s13 =	simm.s32 $0x20;
	v15 =	vsub.f32 v11, v15;
	v10 =	vmin.f32 v12, $1.000000000e+00;
	v13 =	vmul.f32 v2, v2  }
0x9d: {  	v4 =	vld [tilespmem:s13+$0x5980];
	v12 =	vmul.f32 v3, v3;
	v62 =	vmul.f32 $5.000000000e-01, v9;
	v63 =	vadd.f32 v8, v5  }
0x9e: {  	v11 =	vmul.f32 $-3.565070630e+05, v10;
	v5 =	vld [tilespmem:s13+$0x6180];
	v9 =	vsub.f32 $1.000000000e+00, v10;
	v10 =	vshll.u32 v14, $0x10;
	v14 =	vpop (erf)  }
0x9f: {  	s15 =	simm.s32 $0xC0;
	v8 =	vld [tilespmem:s13+$0x6980];
	v12 =	vadd.f32 v13, v12;
	v13 =	vmul.f32 v63, v14;
	v14 =	vadd.f32 v62, v15  }
.LBB2_3:
0xa0: {  	p0 =	sne.s32 s15, $0x1FC0;
	v11 =	vmul.f32 v9, v11;
	v15 =	vand.u32 $0xFFFF0000, v7;
	v16 =	vand.u32 $0xFFFF0000, v6  }
0xa1: {  	v7 =	vshll.u32 v7, $0x10;
	v12 =	vadd.f32 $2.500000120e-04, v12;
	v17 =	vld [tilespmem:s24+$0xB180];
	v13 =	vmul.f32 v13, v14  }
0xa2: {  	v6 =	vshll.u32 v6, $0x10;
	v14 =	vsub.f32 $0.0e+00, v4;
	v11 =	vmul.f32 v11, v9;
	v18 =	vld [tilespmem:s24+$0xA180]  }
0xa3: {  	v19 =	vsub.f32 $0.0e+00, v5;
	(erf) = vrcp.f32 v12;
	v10 =	vmul.f32 v10, v13  }
0xa4: {  	v6 =	vadd.f32 v6, v7;
	v13 =	vadd.f32 v16, v15;
	v12 =	vmul.f32 v8, v14  }
0xa5: {  	v9 =	vmul.f32 v11, v9;
	v7 =	vmul.f32 v8, v19;
	[tilespmem:s5+$0xD980] =	vst v10;
	s5 =	smov.u32 s24;
	s24 =	smov.u32 s13  }
0xa6: {  	v11 =	vmul.f32 v6, v2;
	v10 =	vmul.f32 v13, v3;
	v13 =	vand.u32 $0xFFFF0000, v17  }
0xa7: {  	v14 =	vmul.f32 v9, v1;
	v9 =	vmul.f32 v9, v0;
	v1 =	vmovc v4;
	v0 =	vmovc v5;
	v15 =	vand.u32 $0xFFFF0000, v18  }
0xa8: {  	v4 =	vmax.f32 v8, $0.0e+00;
	v5 =	vmul.f32 $5.000000070e-02, v12;
	v8 =	vmul.f32 $5.000000070e-02, v7;
	v7 =	vld [tilespmem:s24+$0x9980]  }
.Ltmp0:
0xa9: {  	v10 =	vadd.f32 v11, v10;
	v11 =	vmul.f32 v14, v3;
	v9 =	vmul.f32 v9, v2;
	v6 =	vld [tilespmem:s24+$0xA980];
	(pc) =	sbr.rel @p0 .LBB2_3-.Ltmp0, $4  }
0xaa: {  	s13 =	sshra.s32 s15, $0x2;
	v12 =	vmin.f32 v4, $1.000000000e+00;
	v14 =	vmul.f32 v5, v5;
	v15 =	vsub.f32 v13, v15;
	v3 =	vmovc v5;
	v2 =	vmovc v8  }
0xab: {  	v16 =	vmul.f32 $5.000000000e-01, v10;
	v13 =	vmul.f32 v8, v2;
	v18 =	vadd.f32 v9, v11;
	v4 =	vld [tilespmem:s13+$0x5980]  }
0xac: {  	v10 =	vshll.u32 v17, $0x10;
	v9 =	vsub.f32 $1.000000000e+00, v12;
	v11 =	vmul.f32 $-3.565070630e+05, v12;
	v5 =	vld [tilespmem:s13+$0x6180];
	v17 =	vpop (erf)  }
0xad: {  	s15 =	sadd.s32 $0x40, s15;
	v12 =	vadd.f32 v13, v14;
	v14 =	vadd.f32 v16, v15;
	v8 =	vld [tilespmem:s13+$0x6980];
	v13 =	vmul.f32 v18, v17  }
0xae: {  	_ =	sdelay $0x1  }
0xaf: {  	v13 =	vmul.f32 v13, v14  }
0xb0: {  	v11 =	vmul.f32 v9, v11;
	v14 =	vsub.f32 $0.0e+00, v4;
	v15 =	vsub.f32 $0.0e+00, v5  }
0xb1: {  	v17 =	vand.u32 $0xFFFF0000, v6;
	v12 =	vadd.f32 $2.500000120e-04, v12;
	v10 =	vmul.f32 v10, v13  }
0xb2: {  	v6 =	vshll.u32 v6, $0x10;
	v14 =	vmul.f32 v8, v14;
	v15 =	vmul.f32 v8, v15  }
0xb3: {  	v16 =	vld [tilespmem:s24+$0xB180];
	v11 =	vmul.f32 v11, v9;
	v13 =	vand.u32 $0xFFFF0000, v7;
	(erf) = vrcp.f32 v12  }
0xb4: {  	v18 =	vld [tilespmem:s24+$0xA180];
	v7 =	vshll.u32 v7, $0x10;
	[tilespmem:s5+$0xD980] =	vst v10;
	v10 =	vmul.f32 $5.000000070e-02, v14;
	v14 =	vmul.f32 $5.000000070e-02, v15  }
0xb5: {  	v12 =	vadd.f32 v17, v13;
	v6 =	vadd.f32 v6, v7;
	v8 =	vmax.f32 v8, $0.0e+00  }
0xb6: {  	v8 =	vmin.f32 v8, $1.000000000e+00;
	v57 =	vmul.f32 v10, v10;
	v19 =	vmul.f32 v14, v14  }
0xb7: {  	v7 =	vmul.f32 v11, v9;
	v13 =	vld [tilespmem:s13+$0x9980];
	v9 =	vsub.f32 $1.000000000e+00, v8;
	v8 =	vmul.f32 $-3.565070630e+05, v8  }
0xb8: {  	v12 =	vmul.f32 v12, v3;
	v15 =	vld [tilespmem:s13+$0xA980];
	v11 =	vadd.f32 v19, v57  }
0xb9: {  	v1 =	vmul.f32 v7, v1;
	v8 =	vmul.f32 v9, v8  }
0xba: {  	v6 =	vmul.f32 v6, v2;
	v0 =	vmul.f32 v7, v0;
	v11 =	vadd.f32 $2.500000120e-04, v11  }
0xbb: {  	v1 =	vmul.f32 v1, v3;
	v8 =	vmul.f32 v8, v9  }
0xbc: {  	v58 =	vand.u32 $0xFFFF0000, v13;
	v13 =	vshll.u32 v13, $0x10;
	(erf) = vrcp.f32 v11  }
0xbd: {  	v7 =	vld [tilespmem:s13+$0xB180];
	v59 =	vand.u32 $0xFFFF0000, v15;
	v15 =	vshll.u32 v15, $0x10;
	v8 =	vmul.f32 v8, v9  }
0xbe: {  	v3 =	vld [tilespmem:s13+$0xA180];
	v0 =	vmul.f32 v0, v2;
	v13 =	vadd.f32 v15, v13;
	v11 =	vadd.f32 v59, v58  }
0xbf: {  	v6 =	vadd.f32 v6, v12;
	v4 =	vmul.f32 v8, v4;
	v5 =	vmul.f32 v8, v5  }
0xc0: {  	v12 =	vand.u32 $0xFFFF0000, v18;
	v9 =	vmul.f32 v11, v10;
	v11 =	vmul.f32 v13, v14  }
0xc1: {  	v6 =	vmul.f32 $5.000000000e-01, v6;
	v0 =	vadd.f32 v0, v1;
	v5 =	vmul.f32 v5, v14  }
0xc2: {  	v15 =	vand.u32 $0xFFFF0000, v16;
	v4 =	vmul.f32 v4, v10;
	v8 =	vadd.f32 v11, v9  }
0xc3: {  	v1 =	vand.u32 $0xFFFF0000, v7;
	v3 =	vand.u32 $0xFFFF0000, v3;
	v2 =	vsub.f32 v15, v12  }
0xc4: {  	v1 =	vsub.f32 v1, v3;
	v4 =	vadd.f32 v5, v4;
	v9 =	vpop (erf);
	v3 =	vmul.f32 $5.000000000e-01, v8  }
0xc5: {  	v2 =	vadd.f32 v6, v2;
	v0 =	vmul.f32 v0, v9;
	v5 =	vpop (erf)  }
0xc6: {  	v1 =	vadd.f32 v3, v1;
	v4 =	vmul.f32 v4, v5  }
0xc7: {  	v0 =	vmul.f32 v0, v2  }
0xc8: {  	v2 =	vshll.u32 v16, $0x10;
	v1 =	vmul.f32 v4, v1  }
0xc9: {  	s15 =	sshll.u32 s30, $0x1;
	v0 =	vmul.f32 v2, v0;
	v2 =	vshll.u32 v7, $0x10  }
0xca: {  	s5 =	sadd.s32 $0x2, s15;
	v1 =	vmul.f32 v2, v1  }
0xcb: {  	p0 =	seq.s32 s5, s10;
	s5 =	sshll.u32 s5, $0xB;
	[tilespmem:s24+$0xD980] =	vst v0  }
0xcc: {  	s5 =	simm.s32 @p0 $0x0;
	[tilespmem:s13+$0xD980] =	vst v1  }
0xcd: {  	[spmem:s1] =	stream.indirect.scatter.add.f32 [tilespmem:s14], [sflag:$0x4], $0x1, s31, s17, $0xb8;
	[tilespmem:$0xFA00] =	vst v63  }
0xce: {  	s5 =	sadd.s32 s12, s5;
	_ =	swait.ge [sflag:s29], $0x800  }
0xcf: {  	s5 =	sshrl.u32 s5, $0x3;
	[sflag:s29] =	ssyncset.done $0x0  }
0xd0: {  	s15 =	simm.s32 $0x0;
	s24 =	sadd.s32 s6, s5;
	[sflag:s29] =	ssyncadd.s32 $0xFFFFF800  }
0xd1: {  	[tilespmem:s31], [sflag:$0x1] =	stream.linear.gather [hbm4b:s24+s15], $0x800, $0x38;
	[tilespmem:$0xFA00] =	vst v63  }
0xd2: {  	s24 =	sadd.s32 s7, s5  }
0xd3: {  	[tilespmem:s0], [sflag:$0x1] =	stream.linear.gather [hbm4b:s24+s15], $0x800, $0x38;
	[tilespmem:$0xFA00] =	vst v63  }
0xd4: {  	s13 =	sadd.s32 s8, s5;
	s24 =	simm.s32 $0x5980  }
0xd5: {  	[tilespmem:s24], [sflag:$0x1] =	stream.linear.gather [hbm4b:s13+s15], $0x800, $0x38;
	[tilespmem:$0xFA00] =	vst v63  }
0xd6: {  	s13 =	sadd.s32 s9, s5;
	s24 =	simm.s32 $0x6180  }
0xd7: {  	[tilespmem:s24], [sflag:$0x1] =	stream.linear.gather [hbm4b:s13+s15], $0x800, $0x38;
	[tilespmem:$0xFA00] =	vst v63  }
0xd8: {  	s5 =	sadd.s32 s11, s5;
	s24 =	simm.s32 $0x6980  }
0xd9: {  	[tilespmem:s24], [sflag:$0x1] =	stream.linear.gather [hbm4b:s5+s15], $0x800, $0x38;
	[tilespmem:$0xFA00] =	vst v63  }
0xda: {  	_ =	swait.ge [sflag:s16], $0x800  }
0xdb: {  	[sflag:s16] =	ssyncset.done $0x0  }
0xdc: {  	[sflag:s16] =	ssyncadd.s32 $0xFFFFF800  }
0xdd: {  	_ =	swait.ge [sflag:s16], $0x800  }
0xde: {  	[sflag:s16] =	ssyncset.done $0x0  }
0xdf: {  	[sflag:s16] =	ssyncadd.s32 $0xFFFFF800  }
0xe0: {  	_ =	swait.ge [sflag:s16], $0x800  }
0xe1: {  	[sflag:s16] =	ssyncset.done $0x0  }
0xe2: {  	[sflag:s16] =	ssyncadd.s32 $0xFFFFF800  }
0xe3: {  	_ =	swait.ge [sflag:s16], $0x800  }
0xe4: {  	[sflag:s16] =	ssyncset.done $0x0  }
0xe5: {  	[sflag:s16] =	ssyncadd.s32 $0xFFFFF800  }
0xe6: {  	_ =	swait.ge [sflag:s16], $0x800  }
0xe7: {  	[sflag:s16] =	ssyncset.done $0x0  }
0xe8: {  	[sflag:s16] =	ssyncadd.s32 $0xFFFFF800  }
0xe9: {  	[tilespmem:s18], [sflag:$0x2] =	stream.indirect.gather [spmem:s2], $0x1, s31, s17, $0xb8;
	[tilespmem:$0xFA00] =	vst v63  }
0xea: {  	_ = 	snop  }
0xeb: {  	[tilespmem:s19], [sflag:$0x2] =	stream.indirect.gather [spmem:s3], $0x1, s31, s17, $0xb8;
	[tilespmem:$0xFA00] =	vst v63  }
0xec: {  	_ = 	snop  }
0xed: {  	[tilespmem:s20], [sflag:$0x2] =	stream.indirect.gather [spmem:s2], $0x1, s0, s17, $0xb8;
	[tilespmem:$0xFA00] =	vst v63  }
0xee: {  	_ = 	snop  }
0xef: {  	[tilespmem:s21], [sflag:$0x2] =	stream.indirect.gather [spmem:s3], $0x1, s0, s17, $0xb8;
	[tilespmem:$0xFA00] =	vst v63  }
0xf0: {  	_ =	swait.ge [sflag:s4], $0x800  }
0xf1: {  	[sflag:s4] =	ssyncset.done $0x0  }
0xf2: {  	[sflag:s4] =	ssyncadd.s32 $0xFFFFF800  }
0xf3: {  	_ =	swait.ge [sflag:s4], $0x800  }
0xf4: {  	[sflag:s4] =	ssyncset.done $0x0  }
0xf5: {  	[sflag:s4] =	ssyncadd.s32 $0xFFFFF800  }
0xf6: {  	_ =	swait.ge [sflag:s4], $0x800  }
0xf7: {  	[sflag:s4] =	ssyncset.done $0x0  }
0xf8: {  	[sflag:s4] =	ssyncadd.s32 $0xFFFFF800  }
0xf9: {  	_ =	swait.ge [sflag:s4], $0x800  }
0xfa: {  	[sflag:s4] =	ssyncset.done $0x0  }
0xfb: {  	s5 =	simm.s32 $0x0;
	[sflag:s4] =	ssyncadd.s32 $0xFFFFF800  }
0xfc: {  	v2 =	vld [tilespmem:s5+$0x8180]  }
0xfd: {  	v3 =	vld [tilespmem:s5+$0x8980];
	_ =	sdelay $0x1  }
0xfe: {  	v0 =	vld [tilespmem:s5+$0x9180];
	_ =	sdelay $0x2  }
0xff: {  	v1 =	vsub.f32 $0.0e+00, v2;
	v4 =	vsub.f32 $0.0e+00, v3;
	_ =	sdelay $0x1  }
0x100: {  	v1 =	vmul.f32 v0, v1;
	v4 =	vmul.f32 v0, v4;
	_ =	sdelay $0x1  }
0x101: {  	v7 =	vld [tilespmem:s5+$0xC980];
	v5 =	vmul.f32 $5.000000070e-02, v1;
	v4 =	vmul.f32 $5.000000070e-02, v4  }
0x102: {  	s24 =	simm.s32 $0x10;
	v6 =	vld [tilespmem:s5+$0xB980];
	v0 =	vmax.f32 v0, $0.0e+00  }
0x103: {  	v8 =	vmin.f32 v0, $1.000000000e+00;
	v0 =	vld [tilespmem:s24+$0x8980];
	v9 =	vmul.f32 v5, v5;
	v10 =	vmul.f32 v4, v4  }
0x104: {  	v12 =	vld [tilespmem:s24+$0x9180]  }
0x105: {  	v1 =	vld [tilespmem:s24+$0x8180];
	v11 =	vsub.f32 $1.000000000e+00, v8;
	v8 =	vmul.f32 $-3.565070630e+05, v8;
	v9 =	vadd.f32 v10, v9  }
0x106: {  	v13 =	vand.u32 $0xFFFF0000, v7  }
0x107: {  	v14 =	vld [tilespmem:s5+$0xD180];
	v7 =	vshll.u32 v7, $0x10;
	v8 =	vmul.f32 v11, v8;
	v9 =	vadd.f32 $2.500000120e-04, v9  }
0x108: {  	v60 =	vld [tilespmem:s5+$0xC180];
	v10 =	vand.u32 $0xFFFF0000, v6;
	v6 =	vshll.u32 v6, $0x10;
	v61 =	vsub.f32 $0.0e+00, v0  }
0x109: {  	v8 =	vmul.f32 v8, v11;
	v10 =	vadd.f32 v13, v10;
	(erf) = vrcp.f32 v9  }
0x10a: {  	v15 =	vsub.f32 $0.0e+00, v1;
	v6 =	vadd.f32 v7, v6;
	v7 =	vmul.f32 v12, v61  }
0x10b: {  	v8 =	vmul.f32 v8, v11;
	v10 =	vmul.f32 v10, v5  }
0x10c: {  	v11 =	vand.u32 $0xFFFF0000, v14;
	v6 =	vmul.f32 v6, v4;
	v9 =	vmul.f32 v12, v15  }
0x10d: {  	v13 =	vmul.f32 v8, v2;
	v8 =	vmul.f32 v8, v3;
	v15 =	vand.u32 $0xFFFF0000, v60  }
0x10e: {  	v12 =	vmax.f32 v12, $0.0e+00;
	v2 =	vmul.f32 $5.000000070e-02, v7;
	v7 =	vld [tilespmem:s24+$0xB980];
	v3 =	vmul.f32 $5.000000070e-02, v9  }
0x10f: {  	v9 =	vadd.f32 v6, v10;
	v5 =	vmul.f32 v13, v5;
	v8 =	vmul.f32 v8, v4;
	v6 =	vld [tilespmem:s24+$0xC980]  }
0x110: {  	s13 =	simm.s32 $0x20;
	v15 =	vsub.f32 v11, v15;
	v10 =	vmin.f32 v12, $1.000000000e+00;
	v13 =	vmul.f32 v2, v2  }
0x111: {  	v4 =	vld [tilespmem:s13+$0x8180];
	v12 =	vmul.f32 v3, v3;
	v62 =	vmul.f32 $5.000000000e-01, v9;
	v63 =	vadd.f32 v8, v5  }
0x112: {  	v11 =	vmul.f32 $-3.565070630e+05, v10;
	v5 =	vld [tilespmem:s13+$0x8980];
	v9 =	vsub.f32 $1.000000000e+00, v10;
	v10 =	vshll.u32 v14, $0x10;
	v14 =	vpop (erf)  }
0x113: {  	s15 =	simm.s32 $0xC0;
	v8 =	vld [tilespmem:s13+$0x9180];
	v12 =	vadd.f32 v13, v12;
	v13 =	vmul.f32 v63, v14;
	v14 =	vadd.f32 v62, v15  }
.LBB2_5:
0x114: {  	p0 =	sne.s32 s15, $0x1FC0;
	v11 =	vmul.f32 v9, v11;
	v15 =	vand.u32 $0xFFFF0000, v7;
	v16 =	vand.u32 $0xFFFF0000, v6  }
0x115: {  	v7 =	vshll.u32 v7, $0x10;
	v12 =	vadd.f32 $2.500000120e-04, v12;
	v17 =	vld [tilespmem:s24+$0xD180];
	v13 =	vmul.f32 v13, v14  }
0x116: {  	v6 =	vshll.u32 v6, $0x10;
	v14 =	vsub.f32 $0.0e+00, v4;
	v11 =	vmul.f32 v11, v9;
	v18 =	vld [tilespmem:s24+$0xC180]  }
0x117: {  	v19 =	vsub.f32 $0.0e+00, v5;
	(erf) = vrcp.f32 v12;
	v10 =	vmul.f32 v10, v13  }
0x118: {  	v6 =	vadd.f32 v6, v7;
	v13 =	vadd.f32 v16, v15;
	v12 =	vmul.f32 v8, v14  }
0x119: {  	v9 =	vmul.f32 v11, v9;
	v7 =	vmul.f32 v8, v19;
	[tilespmem:s5+$0xD980] =	vst v10;
	s5 =	smov.u32 s24;
	s24 =	smov.u32 s13  }
0x11a: {  	v11 =	vmul.f32 v6, v2;
	v10 =	vmul.f32 v13, v3;
	v13 =	vand.u32 $0xFFFF0000, v17  }
0x11b: {  	v14 =	vmul.f32 v9, v1;
	v9 =	vmul.f32 v9, v0;
	v1 =	vmovc v4;
	v0 =	vmovc v5;
	v15 =	vand.u32 $0xFFFF0000, v18  }
0x11c: {  	v4 =	vmax.f32 v8, $0.0e+00;
	v5 =	vmul.f32 $5.000000070e-02, v12;
	v8 =	vmul.f32 $5.000000070e-02, v7;
	v7 =	vld [tilespmem:s24+$0xB980]  }
.Ltmp1:
0x11d: {  	v10 =	vadd.f32 v11, v10;
	v11 =	vmul.f32 v14, v3;
	v9 =	vmul.f32 v9, v2;
	v6 =	vld [tilespmem:s24+$0xC980];
	(pc) =	sbr.rel @p0 .LBB2_5-.Ltmp1, $4  }
0x11e: {  	s13 =	sshra.s32 s15, $0x2;
	v12 =	vmin.f32 v4, $1.000000000e+00;
	v14 =	vmul.f32 v5, v5;
	v15 =	vsub.f32 v13, v15;
	v3 =	vmovc v5;
	v2 =	vmovc v8  }
0x11f: {  	v16 =	vmul.f32 $5.000000000e-01, v10;
	v13 =	vmul.f32 v8, v2;
	v18 =	vadd.f32 v9, v11;
	v4 =	vld [tilespmem:s13+$0x8180]  }
0x120: {  	v10 =	vshll.u32 v17, $0x10;
	v9 =	vsub.f32 $1.000000000e+00, v12;
	v11 =	vmul.f32 $-3.565070630e+05, v12;
	v5 =	vld [tilespmem:s13+$0x8980];
	v17 =	vpop (erf)  }
0x121: {  	s15 =	sadd.s32 $0x40, s15;
	v12 =	vadd.f32 v13, v14;
	v14 =	vadd.f32 v16, v15;
	v8 =	vld [tilespmem:s13+$0x9180];
	v13 =	vmul.f32 v18, v17  }
0x122: {  	_ =	sdelay $0x1  }
0x123: {  	v13 =	vmul.f32 v13, v14  }
0x124: {  	v11 =	vmul.f32 v9, v11;
	v31 =	vsub.f32 $0.0e+00, v4;
	v15 =	vsub.f32 $0.0e+00, v5  }
0x125: {  	v32 =	vand.u32 $0xFFFF0000, v7;
	v17 =	vand.u32 $0xFFFF0000, v6;
	v10 =	vmul.f32 v10, v13  }
0x126: {  	v33 =	vshll.u32 v7, $0x10;
	v14 =	vmul.f32 v8, v31;
	v15 =	vmul.f32 v8, v15  }
0x127: {  	v16 =	vld [tilespmem:s24+$0xD180];
	v36 =	vshll.u32 v6, $0x10;
	v12 =	vadd.f32 $2.500000120e-04, v12;
	v37 =	vadd.f32 v17, v32  }
0x128: {  	v18 =	vld [tilespmem:s24+$0xC180];
	v6 =	vadd.f32 v36, v33;
	[tilespmem:s5+$0xD980] =	vst v10;
	v34 =	vmul.f32 $5.000000070e-02, v14;
	v35 =	vmul.f32 $5.000000070e-02, v15  }
0x129: {  	v11 =	vmul.f32 v11, v9;
	(erf) = vrcp.f32 v12;
	v39 =	vmax.f32 v8, $0.0e+00;
	v38 =	vld [tilespmem:s13+$0xB980]  }
0x12a: {  	v8 =	vmin.f32 v39, $1.000000000e+00;
	v40 =	vld [tilespmem:s13+$0xC980];
	v41 =	vmul.f32 v34, v34;
	v19 =	vmul.f32 v35, v35  }
0x12b: {  	v12 =	vmul.f32 v37, v3;
	v43 =	vsub.f32 $1.000000000e+00, v8;
	v8 =	vmul.f32 $-3.565070630e+05, v8  }
0x12c: {  	v6 =	vmul.f32 v6, v2;
	v42 =	vmul.f32 v11, v9;
	v44 =	vadd.f32 v19, v41  }
0x12d: {  	v8 =	vmul.f32 v43, v8  }
0x12e: {  	v6 =	vadd.f32 v6, v12;
	v1 =	vmul.f32 v42, v1;
	v11 =	vadd.f32 $2.500000120e-04, v44  }
0x12f: {  	v8 =	vmul.f32 v8, v43;
	v45 =	vand.u32 $0xFFFF0000, v38;
	v46 =	vand.u32 $0xFFFF0000, v40  }
0x130: {  	v13 =	vshll.u32 v38, $0x10;
	v15 =	vshll.u32 v40, $0x10;
	(erf) = vrcp.f32 v11  }
0x131: {  	v0 =	vmul.f32 v42, v0;
	v47 =	vld [tilespmem:s13+$0xD180];
	v48 =	vadd.f32 v46, v45;
	v13 =	vadd.f32 v15, v13  }
0x132: {  	v50 =	vld [tilespmem:s13+$0xC180];
	v6 =	vmul.f32 $5.000000000e-01, v6;
	v8 =	vmul.f32 v8, v43  }
0x133: {  	v49 =	vand.u32 $0xFFFF0000, v16;
	v51 =	vmul.f32 v48, v34;
	v52 =	vmul.f32 v13, v35  }
0x134: {  	v53 =	vand.u32 $0xFFFF0000, v18;
	v54 =	vmul.f32 v8, v4;
	v55 =	vmul.f32 v8, v5  }
0x135: {  	v56 =	vsub.f32 v49, v53;
	v1 =	vmul.f32 v1, v3;
	v0 =	vmul.f32 v0, v2  }
0x136: {  	v57 =	vadd.f32 v52, v51;
	v4 =	vmul.f32 v54, v34;
	v5 =	vmul.f32 v55, v35  }
0x137: {  	v0 =	vadd.f32 v0, v1;
	v58 =	vand.u32 $0xFFFF0000, v47;
	v3 =	vand.u32 $0xFFFF0000, v50  }
0x138: {  	v59 =	vpop (erf);
	v1 =	vsub.f32 v58, v3;
	v60 =	vmul.f32 $5.000000000e-01, v57;
	v4 =	vadd.f32 v5, v4  }
0x139: {  	v2 =	vadd.f32 v6, v56;
	v0 =	vmul.f32 v0, v59;
	v61 =	vpop (erf)  }
0x13a: {  	v1 =	vadd.f32 v60, v1;
	v4 =	vmul.f32 v4, v61  }
0x13b: {  	v0 =	vmul.f32 v0, v2  }
0x13c: {  	v62 =	vshll.u32 v16, $0x10;
	v1 =	vmul.f32 v4, v1  }
0x13d: {  	v63 =	vshll.u32 v47, $0x10;
	v0 =	vmul.f32 v62, v0  }
0x13e: {  	s30 =	sadd.s32 $0x1, s30;
	v1 =	vmul.f32 v63, v1  }
0x13f: {  	p0 =	sne.s32 s30, s26;
	[tilespmem:s24+$0xD980] =	vst v0  }
.Ltmp2:
0x140: {  	[tilespmem:s13+$0xD980] =	vst v1;
	(pc) =	sbr.rel @p0 .LBB2_2-.Ltmp2, $4  }
0x141: {  	[spmem:s1] =	stream.indirect.scatter.add.f32 [tilespmem:s14], [sflag:$0x4], $0x1, s22, s17, $0xb8;
	[tilespmem:$0xFA00] =	vst v63  }
0x142: {  	_ =	swait.ge [sflag:s29], $0x800  }
0x143: {  	[sflag:s29] =	ssyncset.done $0x0  }
0x144: {  	[sflag:s29] =	ssyncadd.s32 $0xFFFFF800  }
0x145: {  	_ =	swait.ge [sflag:s25], $0x800  }
0x146: {  	[sflag:s25] =	ssyncset.done $0x0  }
0x147: {  	[sflag:s25] =	ssyncadd.s32 $0xFFFFF800  }
0x148: {  	_ =	swait.ge [sflag:s25], $0x800  }
0x149: {  	[sflag:s25] =	ssyncset.done $0x0  }
0x14a: {  	[sflag:s25] =	ssyncadd.s32 $0xFFFFF800  }
0x14b: {  	_ =	swait.ge [sflag:s25], $0x800  }
0x14c: {  	[sflag:s25] =	ssyncset.done $0x0  }
0x14d: {  	[sflag:s25] =	ssyncadd.s32 $0xFFFFF800  }
0x14e: {  	_ =	swait.ge [sflag:s25], $0x800  }
0x14f: {  	[sflag:s25] =	ssyncset.done $0x0  }
0x150: {  	[sflag:s25] =	ssyncadd.s32 $0xFFFFF800  }
0x151: {  	[bflag:$0x0] =	sbarrier.arrive $0xFFFF  }
0x152: {  	s13 =	simm.s32 $0xE180;
	s15 =	simm.s32 $0x5;
	s30 =	rddreg [dreg:$0x7]  }
0x153: {  	[tilespmem:s13], [sflag:$0x5] =	stream.linear.gather [spmem:s30], $0x1880, $0x38;
	[tilespmem:$0xFA00] =	vst v63  }
0x154: {  	_ =	swait.ge [sflag:s15], $0x1880  }
0x155: {  	[sflag:s15] =	ssyncset.done $0x0  }
0x156: {  	s24 =	simm.s32 $0x0;
	s5 =	rddreg [dreg:$0x11];
	[sflag:s15] =	ssyncadd.s32 $0xFFFFE780  }
0x157: {  	[hbm4b:s5+s24] =	stream.linear.scatter [tilespmem:s13], [sflag:$0x5], $0x1880, $0x38;
	[tilespmem:$0xFA00] =	vst v63  }
0x158: {  	_ =	swait.ge [sflag:s15], $0x1880  }
0x159: {  	s18 =	rddreg [dreg:$0x13]  }
0x15a: {  	s5 =	rddreg [dreg:$0x12];
	s18 =	sadd.s32 $0x1, s18  }
0x15b: {  	p0 =	sne.s32 s18, s5  }
.Ltmp3:
0x15c: {  	_ = 	snop;
	(pc) =	sbr.rel @p0 .LBB2_1-.Ltmp3, $3  }
0x15d: {  	_ =	sdelay $0x1  }
0x15e: {  	[sflag:s15] =	ssyncset.done $0x0  }
0x15f: {  	[sflag:s15] =	ssyncadd.s32 $0xFFFFE780;
	[dreg:$0x13] =	wrdreg s18;
	s18 =	simm.s32 $0x9980  }
0x160: {  	_ =	sfence.sel $0x180000  }
0x161: {  	[bflag:$0x0] =	sbarrier.arrive $0xFFFF  }
0x162: {  	_ =	strace $0x9000004D  }
0x163: {  	s0 =	stileid.u32;
	[bflag:$0x2] =	sbarrier.arrive $0xFFFF  }
0x164: {  	p0 =	sne.s32 s0, $0x0;
	s0 =	rddreg [dreg:$0x5]  }
0x165: {  	s0 =	sadd.s32 @!p0 $0x100000, s0  }
0x166: {  	[sflag:s0] =	ssyncadd.tile.s32 @!p0 $0x1;
	_ =	shalt  }
.Lfunc_end2:
_tile_overlayer_lowered:
.L_overlay_start_2:
0x167: {  	(tag) =	ssettag $0x2  }
0x168: {  	s0 =	rddreg [dreg:$0x0];
	s2 =	stileid.u32  }
0x169: {  	s1 =	rddreg [dreg:$0x1];
	p0 =	sne.s32 s2, $0x0  }
0x16a: {  	s3 =	rddreg [dreg:$0x2];
	[bflag:$0x3] =	sbarrier.arrive $0xFFFF;
	s2 =	simm.s32 @!p0 $0x1C05  }
0x16b: {  	[timem:s3], [sflag:s2] =	dma.local @!p0 [hbm:s0], s1  }
0x16c: {  	s0 =	simm.s32 @!p0 $0x5  }
0x16d: {  	_ =	swait.ge @!p0 [sflag:s0], s1  }
0x16e: {  	s1 =	ssub.s32 @!p0 $0x0, s1;
	[sflag:s0] =	ssyncset.done @!p0 $0x0  }
0x16f: {  	[sflag:s0] =	ssyncadd.s32 @!p0 s1  }
0x170: {  	[bflag:$0x3] =	sbarrier.arrive $0xFFFF  }
0x171: {  	_ =	shalt  }

// kernel: kernel.8.cloned.1.call-start
scs
__scs_entry_jumppad:
0x0: {  	(pc) =	sbr.rel $0x88, $3  }
0x1: {  	(tag) =	ssettag $0x0;
	lr =	simm.s32 $0x1  }
0x2: {  	[smem:$0x3F9B] =	sst lr;
	_ =	strace $0xD0000000  }
0x3: {  	_ = 	snop  }
0x4: {  	_ = 	snop  }
0x5: {  	_ = 	snop  }
0x6: {  	_ = 	snop  }
0x7: {  	_ = 	snop  }
__scs_overlays_trampoline_lowered:
0x8: {  	[smem:$0x3FAA] =	sst s0  }
0x9: {  	[smem:$0x3FAB] =	sst s1  }
0xa: {  	[smem:$0x3FAC] =	sst s2  }
0xb: {  	[smem:$0x3FAD] =	sst s3  }
0xc: {  	[smem:$0x3FAE] =	sst s4  }
0xd: {  	[smem:$0x3FAF] =	sst s5  }
0xe: {  	[smem:$0x3FB0] =	sst s6  }
0xf: {  	[smem:$0x3FB1] =	sst s7  }
0x10: {  	[smem:$0x3FB2] =	sst s8  }
0x11: {  	[smem:$0x3FB3] =	sst s9;
	s0 =	simm.s32 @!p0 $0x0  }
0x12: {  	s1 =	sld [smem:$0x3F99];
	s0 =	simm.s32 @p0 $0x1  }
0x13: {  	[smem:$0x3FB4] =	sst s0;
	s0 =	simm.s32 @!p1 $0x0  }
0x14: {  	s2 =	sld [smem:$0x3F98];
	s0 =	simm.s32 @p1 $0x1  }
0x15: {  	[smem:$0x3FB5] =	sst s0;
	s0 =	simm.s32 @!p2 $0x0  }
0x16: {  	s3 =	sld [smem:$0x3FDB];
	s0 =	simm.s32 @p2 $0x1  }
0x17: {  	s4 =	simm.s32 $0x1BF5;
	[smem:$0x3FB7] =	sst s0  }
0x18: {  	s0 =	sld [smem:$0x3F9A];
	_ =	swait.ge [sflag:s4], $0x0  }
0x19: {  	s7 =	sld [smem:$0x3F9B]  }
0x1a: {  	s8 =	sadd.s32 $0xFFFFE003, lr  }
0x1b: {  	s9 =	sadd.s32 $0xFFFFFEF7, lr;
	s5 =	simm.s32 $0xFFFFFFFF;
	p2 =	slt.u32 s8, $0xFFFFF086  }
0x1c: {  	p1 =	slt.u32 s9, $0xF7A;
	s5 =	simm.s32 @!p2 $0x0  }
0x1d: {  	s5 =	simm.s32 @p1 $0x1;
	p0 =	seq.s32 s7, s2  }
0x1e: {  	s7 =	smul.u32 @!p0 $0xF7A, s2;
	p2 =	seq.s32 @!p0 s5, $0x0  }
0x1f: {  	s9 =	smul.u32 $0xF7A, s1;
	s8 =	simm.s32 @!p0 $0x1BF5;
	p2 =	por !p2, p0  }
0x20: {  	[sflag:s8] =	ssyncset.s32 @!p0 $0xFFFFF086;
	s6 =	sadd.s32 @!p0 s3, s7;
	s7 =	simm.s32 @!p0 $0x108  }
0x21: {  	s3 =	sadd.s32 s3, s9;
	s6 =	sadd.s32 @!p0 $0x88, s6;
	s7 =	simm.s32 @p2 $0x1082  }
0x22: {  	[simem:s7], [sflag:s8] =	dma.local @!p0 [hbm:s6], $0xF7A  }
0x23: {  	s9 =	sor.u32 $0xD0000000, s2;
	s6 =	simm.s32 $0x108;
	_ =	swait.ge @!p0 [sflag:s8], $0x0  }
0x24: {  	s3 =	sadd.s32 $0x88, s3;
	s6 =	simm.s32 @!p1 $0x1082;
	[sflag:s4] =	ssyncset.s32 $0xFFFFF086  }
0x25: {  	[simem:s6], [sflag:s4] =	dma.local [hbm:s3], $0xF7A  }
0x26: {  	[smem:$0x3F9B] =	sst s1;
	(tag) =	ssettag s2;
	_ =	strace s9  }
0x27: {  	s1 =	sld [smem:$0x3FAB]  }
0x28: {  	s2 =	sld [smem:$0x3FAC]  }
0x29: {  	s4 =	sld [smem:$0x3FAE]  }
0x2a: {  	p0 =	seq.s32 s5, $0x0;
	s5 =	sld [smem:$0x3FAF]  }
0x2b: {  	s6 =	sld [smem:$0x3FB0]  }
0x2c: {  	s7 =	sld [smem:$0x3FB1]  }
0x2d: {  	s3 =	simm.s32 $0x108;
	s8 =	sld [smem:$0x3FB2]  }
0x2e: {  	s3 =	simm.s32 @!p0 $0x1082;
	s9 =	sld [smem:$0x3FB3]  }
0x2f: {  	lr =	sadd.s32 s0, s3;
	s0 =	sld [smem:$0x3FAA]  }
0x30: {  	s3 =	sld [smem:$0x3FAD]  }
0x31: {  	[smem:$0x3FB6] =	sst s10  }
0x32: {  	s10 =	sld [smem:$0x3FB4];
	_ =	sdelay $0x3  }
0x33: {  	p0 =	seq.s32 s10, $0x1;
	s10 =	sld [smem:$0x3FB6];
	_ =	sdelay $0x3  }
0x34: {  	[smem:$0x3FB6] =	sst s10  }
0x35: {  	s10 =	sld [smem:$0x3FB5];
	_ =	sdelay $0x3  }
0x36: {  	p1 =	seq.s32 s10, $0x1;
	s10 =	sld [smem:$0x3FB6];
	_ =	sdelay $0x3  }
0x37: {  	[smem:$0x3FB6] =	sst s10  }
0x38: {  	s10 =	sld [smem:$0x3FB7]  }
0x39: {  	_ = 	snop;
	(pc) =	sbr.ind lr, $3  }
0x3a: {  	_ = 	snop  }
0x3b: {  	_ = 	snop  }
0x3c: {  	p2 =	seq.s32 s10, $0x1;
	s10 =	sld [smem:$0x3FB6]  }
0x3d: {  	_ =	shalt  }
0x3e: {  	_ =	shalt  }
0x3f: {  	_ =	shalt  }
0x40: {  	_ =	shalt  }
0x41: {  	_ =	shalt  }
0x42: {  	_ =	shalt  }
0x43: {  	_ =	shalt  }
0x44: {  	_ =	shalt  }
0x45: {  	_ =	shalt  }
0x46: {  	_ =	shalt  }
0x47: {  	_ =	shalt  }
0x48: {  	_ =	shalt  }
0x49: {  	_ =	shalt  }
0x4a: {  	_ =	shalt  }
0x4b: {  	_ =	shalt  }
0x4c: {  	_ =	shalt  }
0x4d: {  	_ =	shalt  }
0x4e: {  	_ =	shalt  }
0x4f: {  	_ =	shalt  }
0x50: {  	_ =	shalt  }
0x51: {  	_ =	shalt  }
0x52: {  	_ =	shalt  }
0x53: {  	_ =	shalt  }
0x54: {  	_ =	shalt  }
0x55: {  	_ =	shalt  }
0x56: {  	_ =	shalt  }
0x57: {  	_ =	shalt  }
0x58: {  	_ =	shalt  }
0x59: {  	_ =	shalt  }
0x5a: {  	_ =	shalt  }
0x5b: {  	_ =	shalt  }
0x5c: {  	_ =	shalt  }
0x5d: {  	_ =	shalt  }
0x5e: {  	_ =	shalt  }
0x5f: {  	_ =	shalt  }
0x60: {  	_ =	shalt  }
0x61: {  	_ =	shalt  }
0x62: {  	_ =	shalt  }
0x63: {  	_ =	shalt  }
0x64: {  	_ =	shalt  }
0x65: {  	_ =	shalt  }
0x66: {  	_ =	shalt  }
0x67: {  	_ =	shalt  }
0x68: {  	_ =	shalt  }
0x69: {  	_ =	shalt  }
0x6a: {  	_ =	shalt  }
0x6b: {  	_ =	shalt  }
0x6c: {  	_ =	shalt  }
0x6d: {  	_ =	shalt  }
0x6e: {  	_ =	shalt  }
0x6f: {  	_ =	shalt  }
0x70: {  	_ =	shalt  }
0x71: {  	_ =	shalt  }
0x72: {  	_ =	shalt  }
0x73: {  	_ =	shalt  }
0x74: {  	_ =	shalt  }
0x75: {  	_ =	shalt  }
0x76: {  	_ =	shalt  }
0x77: {  	_ =	shalt  }
0x78: {  	_ =	shalt  }
0x79: {  	_ =	shalt  }
0x7a: {  	_ =	shalt  }
0x7b: {  	_ =	shalt  }
0x7c: {  	_ =	shalt  }
0x7d: {  	_ =	shalt  }
0x7e: {  	_ =	shalt  }
0x7f: {  	_ =	shalt  }
0x80: {  	_ =	shalt  }
0x81: {  	_ =	shalt  }
0x82: {  	_ =	shalt  }
0x83: {  	_ =	shalt  }
0x84: {  	_ =	shalt  }
0x85: {  	_ =	shalt  }
0x86: {  	_ =	shalt  }
0x87: {  	_ =	shalt  }
.Lfunc_end0:
.L_simem_size_0:
called_computation_lowered:
.L_overlay_start_0:
0x88: {  	s2 =	sld [smem:$0x3FD9]  }
0x89: {  	s3 =	sld [smem:$0x3FFE];
	_ =	sdelay $0x1  }
0x8a: {  	s1 =	srdreg.scid  }
0x8b: {  	s0 =	sand.u32 $0x1, s1  }
0x8c: {  	s17 =	sshll.u32 s0, $0xA;
	s2 =	sadd.s32 s3, s2  }
0x8d: {  	s2 =	sadd.s32 s2, s17  }
0x8e: {  	[smem:$0x3FC2] =	sst s2  }
0x8f: {  	_ = 	snop  }
0x90: {  	s2 =	sld [smem:$0x3FD0];
	(tm) =	ssettm $0x1  }
0x91: {  	s18 =	sld [smem:$0x3FFB];
	_ =	sdelay $0x3  }
0x92: {  	_ =	strace s18  }
0x93: {  	s3 =	sld [smem:$0x3FFC];
	_ =	sdelay $0x3  }
0x94: {  	_ =	strace s3  }
0x95: {  	s3 =	sld [smem:$0x3FFD];
	_ =	sdelay $0x3  }
0x96: {  	_ =	strace s3  }
0x97: {  	_ =	strace $0x8FFFFFFF  }
0x98: {  	s19 =	sld [smem:$0x3FDB];
	_ =	sdelay $0x1  }
0x99: {  	s4 =	simm.s32 $_scs_section_size  }
0x9a: {  	s5 =	simm.s32 $_size__tile_overlayer_lowered;
	s6 =	simm.s32 $_tile_overlayer_lowered  }
0x9b: {  	s22 =	simm.s32 $0x1BFF;
	s21 =	sshll.u32 s6, $0x1;
	s3 =	sadd.s32 s4, s19  }
0x9c: {  	s7 =	simm.s32 $0x0;
	s20 =	sshll.u32 s5, $0x1;
	s5 =	sadd.s32 s21, s3  }
0x9d: {  	[timem:s7], [sflag:s22] =	dma.local [hbm:s5], s20  }
0x9e: {  	_ =	swait.ge [sflag:s22], s20  }
0x9f: {  	s4 =	ssub.s32 $0x0, s20;
	[sflag:s22] =	ssyncset.done $0x0  }
0xa0: {  	[sflag:s22] =	ssyncadd.s32 s4;
	_ =	sdelay $0x1  }
0xa1: {  	s23 =	simm.s32 $0x1B8B  }
0xa2: {  	_ =	swait.ge [sflag:s23], $0x1  }
0xa3: {  	[sflag:s23] =	ssyncset.done $0x0  }
0xa4: {  	s25 =	simm.s32 $0x1B8E;
	s24 =	sld [smem:$0x3FFE];
	[sflag:s23] =	ssyncadd.s32 $0xFFFFFFFF  }
0xa5: {  	s26 =	simm.s32 $execute0_lowered;
	[smem:$0x3FD2] =	sst s25  }
0xa6: {  	s5 =	sshll.u32 s26, $0x1;
	_ =	strace $0x80000046;
	[dreg:$0x1] =	wrdreg $0xFFFFFFFF  }
0xa7: {  	s28 =	simm.s32 $_size_execute0_lowered;
	s3 =	sadd.s32 s3, s5;
	[dreg:$0x0] =	wrdreg $0x0  }
0xa8: {  	s5 =	sshll.u32 s28, $0x1;
	[dreg:$0x2] =	wrdreg s3  }
0xa9: {  	[dreg:$0x3] =	wrdreg s5  }
0xaa: {  	[dreg:$0x4] =	wrdreg $0xC0  }
0xab: {  	_ =	task [dreg:s7], $0x5FFFF  }
0xac: {  	[dreg:$0x1] =	wrdreg $0xFFFFFFFF  }
0xad: {  	[dreg:$0x0] =	wrdreg $0x60  }
0xae: {  	[dreg:$0x2] =	wrdreg s24  }
0xaf: {  	[dreg:$0x3] =	wrdreg s2  }
0xb0: {  	[dreg:$0x4] =	wrdreg $0x0  }
0xb1: {  	[dreg:$0x5] =	wrdreg $0x18800  }
0xb2: {  	[dreg:$0x6] =	wrdreg $0x31000  }
0xb3: {  	[dreg:$0x7] =	wrdreg $0x49800  }
0xb4: {  	[dreg:$0x8] =	wrdreg $0x9  }
0xb5: {  	_ =	task.clear_ibuf [dreg:s7], $0x9FFFF;
	_ =	strace $0x90000046  }
0xb6: {  	s29 =	simm.s32 $0x9;
	_ =	strace $0x80000048  }
0xb7: {  	_ =	swait.ge [sflag:s29], $0x1  }
0xb8: {  	[sflag:s29] =	ssyncadd.s32 $0xFFFFFFFF  }
0xb9: {  	_ =	strace $0x90000048  }
0xba: {  	_ =	sfence  }
0xbb: {  	s30 =	sld [smem:$0x0];
	_ =	sdelay $0x2  }
0xbc: {  	s31 =	sshll.u32 s1, $0xD;
	s1 =	sshrl.u32 s1, $0x2  }
0xbd: {  	s3 =	sand.u32 $0x4000, s31;
	s1 =	sadd.s32 s1, s30  }
0xbe: {  	s0 =	sor.u32 s3, s0;
	s1 =	sshll.u32 s1, $0x11  }
0xbf: {  	s0 =	sor.u32 s1, s0  }
0xc0: {  	s0 =	sadd.s32 $0x8F2B, s0  }
0xc1: {  	[sflag:s0] =	ssyncadd.remote.s32 $0x1  }
0xc2: {  	_ =	sfence.sel $0xFFFF  }
0xc3: {  	[dreg:$0x0] =	wrdreg $0xFFFFFFFF;
	(pc) =	sbr.abs _section_cstart, $3  }
0xc4: {  	[dreg:$0x1] =	wrdreg $0xFFFFFFFF  }
0xc5: {  	_ =	task.clear_ibuf [dreg:s7], $0x2FFFF;
	_ =	strace $0x9FFFFFFF  }
0xc6: {  	(tm) =	ssettm $0x7FFFFFFF  }
0xc7: {  	_ =	shalt  }
tec
execute0_lowered:
.L_overlay_start_1:
0x0: {  	(tag) =	ssettag $0x1  }
0x1: {  	s0 =	rddreg [dreg:$0x0]  }
0x2: {  	s5 =	rddreg [dreg:$0x1]  }
0x3: {  	s1 =	rddreg [dreg:$0x2]  }
0x4: {  	s2 =	rddreg [dreg:$0x3]  }
0x5: {  	s3 =	rddreg [dreg:$0x4]  }
0x6: {  	s4 =	rddreg [dreg:$0x5]  }
0x7: {  	s6 =	simm.s32 $0x0;
	s18 =	stileid.u32;
	s22 =	srdreg.scid  }
0x8: {  	s11 =	simm.s32 $0x38;
	s28 =	simm.s32 $0x9200;
	s29 =	simm.s32 $0xD200  }
0x9: {  	[smem:$0x7FF] =	sst s6;
	s7 =	sadd.s32 $0xCC200, s0;
	s8 =	sadd.s32 $0x130200, s0  }
0xa: {  	s14 =	smul.u32 $0x1880, s18;
	s6 =	sand.u32 $0x1, s22;
	s9 =	sadd.s32 $0x4200, s0  }
0xb: {  	s10 =	sadd.s32 $0x68200, s0;
	s15 =	smul.u32 $0x6200, s18;
	s12 =	sadd.s32 $0x194200, s0  }
0xc: {  	_ =	strace $0x80000047;
	s13 =	smul.u32 $0x62000, s6;
	p0 =	seq.s32 s6, $0x0  }
0xd: {  	s24 =	ssub.s32 $0x2, s6;
	s6 =	smul.u32 $0x1C0000, s6;
	s16 =	sshrl.u32 s14, $0x3  }
0xe: {  	s11 =	simm.s32 @!p0 $0x2C;
	s25 =	sshrl.u32 s24, $0x1;
	s21 =	sadd.s32 s14, s1  }
0xf: {  	s22 =	sadd.s32 s14, s2;
	s17 =	sadd.s32 s16, s0;
	s13 =	sadd.s32 s15, s13  }
0x10: {  	s23 =	smul.u32 s11, s18;
	s18 =	ssub.s32 s24, s25;
	[dreg:$0x8] =	wrdreg s21  }
0x11: {  	s25 =	sadd.s32 s14, s3;
	s5 =	sadd.s32 s5, s16;
	[dreg:$0x9] =	wrdreg s22  }
0x12: {  	s14 =	sadd.s32 s14, s4;
	s30 =	sshrl.u32 s11, $0x1;
	[dreg:$0xb] =	wrdreg s5  }
0x13: {  	s13 =	sshrl.u32 s13, $0x3;
	s26 =	sadd.s32 $0x1F8200, s17;
	[dreg:$0xc] =	wrdreg s14  }
0x14: {  	s14 =	simm.s32 $0x2;
	[dreg:$0xa] =	wrdreg s25;
	s0 =	sadd.s32 s13, s0  }
0x15: {  	s15 =	sshll.u32 s23, $0xB;
	[dreg:$0x7] =	wrdreg s26;
	s26 =	smax.u32 s18, $0x1  }
0x16: {  	s18 =	simm.s32 $0x6200;
	s23 =	sadd.s32 $0x1FB400, s0;
	[dreg:$0x15] =	wrdreg s26  }
0x17: {  	s13 =	sadd.s32 s6, s15;
	s24 =	sadd.s32 $0x1FB410, s0;
	[dreg:$0x12] =	wrdreg s23  }
0x18: {  	s0 =	sadd.s32 $0x1FB420, s0;
	s15 =	sshrl.u32 s13, $0x3;
	[dreg:$0x13] =	wrdreg s24  }
0x19: {  	s26 =	simm.s32 $0x8A00;
	[dreg:$0x14] =	wrdreg s0;
	s16 =	sadd.s32 s7, s15  }
0x1a: {  	s6 =	simm.s32 $0xC200;
	s17 =	sadd.s32 s8, s15;
	[dreg:$0xd] =	wrdreg s16  }
0x1b: {  	s31 =	sor.u32 $0x800, s13;
	s19 =	sadd.s32 s9, s15;
	[dreg:$0xe] =	wrdreg s17  }
0x1c: {  	s23 =	simm.s32 $0x1;
	s20 =	sadd.s32 s10, s15;
	[dreg:$0xf] =	wrdreg s19  }
0x1d: {  	s24 =	simm.s32 $0x800;
	s5 =	sadd.s32 s12, s15;
	[dreg:$0x10] =	wrdreg s20  }
0x1e: {  	s0 =	simm.s32 $0xCA00;
	s15 =	simm.s32 $0x4;
	[dreg:$0x11] =	wrdreg s5  }
0x1f: {  	s19 =	simm.s32 $0x6A00;
	s16 =	simm.s32 $0x3;
	s5 =	simm.s32 $0x0  }
.LBB2_1:
0x20: {  	[dreg:$0x16] =	wrdreg s5;
	s17 =	simm.s32 $0x0  }
0x21: {  	s5 =	simm.s32 $0xDA00;
	s1 =	simm.s32 $0x5;
	s20 =	rddreg [dreg:$0x7]  }
0x22: {  	[tilespmem:s5], [sflag:$0x5] =	stream.linear.gather [hbm4b:s20+s17], $0x1880, $0x38;
	[tilespmem:$0xF280] =	vst v63  }
0x23: {  	_ =	swait.ge [sflag:s1], $0x1880  }
0x24: {  	[sflag:s1] =	ssyncset.done $0x0  }
0x25: {  	[sflag:s1] =	ssyncadd.s32 $0xFFFFE780  }
0x26: {  	[spmem:s21] =	stream.linear.scatter [tilespmem:s5], [sflag:$0x5], $0x1880, $0x38;
	[tilespmem:$0xF280] =	vst v63  }
0x27: {  	_ =	swait.ge [sflag:s1], $0x1880  }
0x28: {  	[sflag:s1] =	ssyncset.done $0x0  }
0x29: {  	[sflag:s1] =	ssyncadd.s32 $0xFFFFE780  }
0x2a: {  	[tilespmem:s5], [sflag:$0x5] =	stream.linear.gather [hbm4b:s20+s17], $0x1880, $0x38;
	[tilespmem:$0xF280] =	vst v63  }
0x2b: {  	_ =	swait.ge [sflag:s1], $0x1880  }
0x2c: {  	[sflag:s1] =	ssyncset.done $0x0  }
0x2d: {  	[sflag:s1] =	ssyncadd.s32 $0xFFFFE780  }
0x2e: {  	[spmem:s22] =	stream.linear.scatter [tilespmem:s5], [sflag:$0x5], $0x1880, $0x38;
	[tilespmem:$0xF280] =	vst v63  }
0x2f: {  	_ =	swait.ge [sflag:s1], $0x1880  }
0x30: {  	[sflag:s1] =	ssyncset.done $0x0  }
0x31: {  	[sflag:s1] =	ssyncadd.s32 $0xFFFFE780  }
0x32: {  	[tilespmem:s5], [sflag:$0x5] =	stream.linear.gather [hbm4b:s20+s17], $0x1880, $0x38;
	[tilespmem:$0xF280] =	vst v63  }
0x33: {  	_ =	swait.ge [sflag:s1], $0x1880  }
0x34: {  	[sflag:s1] =	ssyncset.done $0x0  }
0x35: {  	[sflag:s1] =	ssyncadd.s32 $0xFFFFE780  }
0x36: {  	[spmem:s25] =	stream.linear.scatter [tilespmem:s5], [sflag:$0x5], $0x1880, $0x38;
	[tilespmem:$0xF280] =	vst v63  }
0x37: {  	_ =	swait.ge [sflag:s1], $0x1880  }
0x38: {  	[sflag:s1] =	ssyncset.done $0x0  }
0x39: {  	s22 =	rddreg [dreg:$0xb];
	[sflag:s1] =	ssyncadd.s32 $0xFFFFE780  }
0x3a: {  	[tilespmem:s5], [sflag:$0x5] =	stream.linear.gather [hbm4b:s22+s17], $0x1880, $0x38;
	[tilespmem:$0xF280] =	vst v63  }
0x3b: {  	_ =	swait.ge [sflag:s1], $0x1880  }
0x3c: {  	[sflag:s1] =	ssyncset.done $0x0  }
0x3d: {  	s25 =	rddreg [dreg:$0xc];
	[sflag:s1] =	ssyncadd.s32 $0xFFFFE780  }
0x3e: {  	[spmem:s25] =	stream.linear.scatter [tilespmem:s5], [sflag:$0x5], $0x1880, $0x38;
	[tilespmem:$0xF280] =	vst v63  }
0x3f: {  	_ =	swait.ge [sflag:s1], $0x1880  }
0x40: {  	[sflag:s1] =	ssyncset.done $0x0  }
0x41: {  	[sflag:s1] =	ssyncadd.s32 $0xFFFFE780  }
0x42: {  	[bflag:$0x0] =	sbarrier.arrive $0xFFFF  }
0x43: {  	s1 =	rddreg [dreg:$0xd]  }
0x44: {  	[tilespmem:s18], [sflag:$0x1] =	stream.linear.gather [hbm4b:s1+s17], $0x800, $0x38;
	[tilespmem:$0xF280] =	vst v63  }
0x45: {  	s5 =	rddreg [dreg:$0xe]  }
0x46: {  	[tilespmem:s19], [sflag:$0x1] =	stream.linear.gather [hbm4b:s5+s17], $0x800, $0x38;
	[tilespmem:$0xF280] =	vst v63  }
0x47: {  	s21 =	rddreg [dreg:$0xf];
	s5 =	simm.s32 $0x7200  }
0x48: {  	[tilespmem:s5], [sflag:$0x1] =	stream.linear.gather [hbm4b:s21+s17], $0x800, $0x38;
	[tilespmem:$0xF280] =	vst v63  }
0x49: {  	s25 =	simm.s32 $0x7A00;
	s22 =	rddreg [dreg:$0x10]  }
0x4a: {  	[tilespmem:s25], [sflag:$0x1] =	stream.linear.gather [hbm4b:s22+s17], $0x800, $0x38;
	[tilespmem:$0xF280] =	vst v63  }
0x4b: {  	s21 =	rddreg [dreg:$0x11];
	s22 =	simm.s32 $0x8200  }
0x4c: {  	[tilespmem:s22], [sflag:$0x1] =	stream.linear.gather [hbm4b:s21+s17], $0x800, $0x38;
	[tilespmem:$0xF280] =	vst v63  }
0x4d: {  	_ =	swait.ge [sflag:s23], $0x800  }
0x4e: {  	[sflag:s23] =	ssyncset.done $0x0  }
0x4f: {  	[sflag:s23] =	ssyncadd.s32 $0xFFFFF800  }
0x50: {  	_ =	swait.ge [sflag:s23], $0x800  }
0x51: {  	[sflag:s23] =	ssyncset.done $0x0  }
0x52: {  	[sflag:s23] =	ssyncadd.s32 $0xFFFFF800  }
0x53: {  	_ =	swait.ge [sflag:s23], $0x800  }
0x54: {  	[sflag:s23] =	ssyncset.done $0x0  }
0x55: {  	[sflag:s23] =	ssyncadd.s32 $0xFFFFF800  }
0x56: {  	_ =	swait.ge [sflag:s23], $0x800  }
0x57: {  	[sflag:s23] =	ssyncset.done $0x0  }
0x58: {  	[sflag:s23] =	ssyncadd.s32 $0xFFFFF800  }
0x59: {  	_ =	swait.ge [sflag:s23], $0x800  }
0x5a: {  	[sflag:s23] =	ssyncset.done $0x0  }
0x5b: {  	s25 =	simm.s32 $0xB200;
	[sflag:s23] =	ssyncadd.s32 $0xFFFFF800  }
0x5c: {  	[tilespmem:s25], [sflag:$0x2] =	stream.indirect.gather [spmem:s4], $0x1, s19, s24, $0xb8;
	[tilespmem:$0xF280] =	vst v63  }
0x5d: {  	s17 =	simm.s32 $0x0;
	s1 =	rddreg [dreg:$0x2]  }
.LBB2_2:
0x5e: {  	s20 =	sshll.u32 s17, $0xC  }
0x5f: {  	s20 =	sadd.s32 s20, s31  }
0x60: {  	s20 =	sshrl.u32 s20, $0x3  }
0x61: {  	s22 =	simm.s32 $0x0;
	s21 =	sadd.s32 s7, s20  }
0x62: {  	[tilespmem:s26], [sflag:$0x1] =	stream.linear.gather [hbm4b:s21+s22], $0x800, $0x38;
	[tilespmem:$0xF280] =	vst v63  }
0x63: {  	s25 =	sadd.s32 s8, s20  }
0x64: {  	[tilespmem:s28], [sflag:$0x1] =	stream.linear.gather [hbm4b:s25+s22], $0x800, $0x38;
	[tilespmem:$0xF280] =	vst v63  }
0x65: {  	s21 =	sadd.s32 s9, s20;
	s25 =	simm.s32 $0x9A00  }
0x66: {  	[tilespmem:s25], [sflag:$0x1] =	stream.linear.gather [hbm4b:s21+s22], $0x800, $0x38;
	[tilespmem:$0xF280] =	vst v63  }
0x67: {  	s21 =	sadd.s32 s10, s20;
	s25 =	simm.s32 $0xA200  }
0x68: {  	[tilespmem:s25], [sflag:$0x1] =	stream.linear.gather [hbm4b:s21+s22], $0x800, $0x38;
	[tilespmem:$0xF280] =	vst v63  }
0x69: {  	s20 =	sadd.s32 s12, s20;
	s25 =	simm.s32 $0xAA00  }
0x6a: {  	[tilespmem:s25], [sflag:$0x1] =	stream.linear.gather [hbm4b:s20+s22], $0x800, $0x38;
	[tilespmem:$0xF280] =	vst v63  }
0x6b: {  	_ =	swait.ge [sflag:s23], $0x800  }
0x6c: {  	[sflag:s23] =	ssyncset.done $0x0  }
0x6d: {  	[sflag:s23] =	ssyncadd.s32 $0xFFFFF800  }
0x6e: {  	_ =	swait.ge [sflag:s23], $0x800  }
0x6f: {  	[sflag:s23] =	ssyncset.done $0x0  }
0x70: {  	[sflag:s23] =	ssyncadd.s32 $0xFFFFF800  }
0x71: {  	_ =	swait.ge [sflag:s23], $0x800  }
0x72: {  	[sflag:s23] =	ssyncset.done $0x0  }
0x73: {  	[sflag:s23] =	ssyncadd.s32 $0xFFFFF800  }
0x74: {  	_ =	swait.ge [sflag:s23], $0x800  }
0x75: {  	[sflag:s23] =	ssyncset.done $0x0  }
0x76: {  	[sflag:s23] =	ssyncadd.s32 $0xFFFFF800  }
0x77: {  	_ =	swait.ge [sflag:s23], $0x800  }
0x78: {  	[sflag:s23] =	ssyncset.done $0x0  }
0x79: {  	s25 =	simm.s32 $0xBA00;
	[sflag:s23] =	ssyncadd.s32 $0xFFFFF800  }
0x7a: {  	[tilespmem:s25], [sflag:$0x3] =	stream.indirect.gather [spmem:s4], $0x1, s28, s24, $0xb8;
	[tilespmem:$0xF280] =	vst v63  }
0x7b: {  	_ =	swait.ge [sflag:s14], $0x800  }
0x7c: {  	[sflag:s14] =	ssyncset.done $0x0  }
0x7d: {  	s22 =	simm.s32 $0x0;
	[sflag:s14] =	ssyncadd.s32 $0xFFFFF800  }
0x7e: {  	v2 =	vld [tilespmem:s22+$0x8200];
	_ =	sdelay $0x3  }
0x7f: {  	v6 =	vld [tilespmem:s22+$0x7200]  }
0x80: {  	v4 =	vld [tilespmem:s22+$0x7A00];
	v0 =	vmax.f32 v2, $0.0e+00  }
0x81: {  	v0 =	vmin.f32 v0, $1.000000000e+00  }
0x82: {  	v3 =	vsub.f32 $1.000000000e+00, v0;
	v0 =	vmul.f32 $-3.565070630e+05, v0  }
0x83: {  	s20 =	simm.s32 $0x10  }
0x84: {  	v1 =	vld [tilespmem:s20+$0x8200];
	v5 =	vmul.f32 v3, v0  }
0x85: {  	v7 =	vsub.f32 $0.0e+00, v6;
	v8 =	vsub.f32 $0.0e+00, v4  }
0x86: {  	v0 =	vld [tilespmem:s20+$0x7200];
	v5 =	vmul.f32 v5, v3  }
0x87: {  	v10 =	vld [tilespmem:s22+$0xB200];
	v7 =	vmul.f32 v2, v7;
	v2 =	vmul.f32 v2, v8  }
0x88: {  	v9 =	vmul.f32 v5, v3  }
0x89: {  	v11 =	vmul.f32 $5.000000070e-02, v2;
	v5 =	vmax.f32 v1, $0.0e+00  }
0x8a: {  	v2 =	vld [tilespmem:s20+$0x7A00];
	v3 =	vmul.f32 $5.000000070e-02, v7;
	v7 =	vmin.f32 v5, $1.000000000e+00;
	v4 =	vmul.f32 v9, v4  }
0x8b: {  	v5 =	vsub.f32 $1.000000000e+00, v7;
	v8 =	vmul.f32 $-3.565070630e+05, v7;
	v7 =	vsub.f32 $0.0e+00, v0  }
0x8c: {  	s21 =	simm.s32 $0x20;
	s25 =	simm.s32 $0xC0;
	v9 =	vmul.f32 v9, v6;
	v6 =	vadd.f32 v10, v10;
	v10 =	vmul.f32 v4, v11  }
.LBB2_3:
0x8d: {  	p0 =	sne.s32 s25, $0x1FC0;
	v11 =	vld [tilespmem:s21+$0x8200];
	v8 =	vmul.f32 v5, v8;
	v7 =	vmul.f32 v1, v7  }
0x8e: {  	v12 =	vld [tilespmem:s21+$0x7200];
	v9 =	vmul.f32 v9, v3;
	v10 =	vmul.f32 v10, v6  }
0x8f: {  	v8 =	vmul.f32 v8, v5;
	v7 =	vmul.f32 $5.000000070e-02, v7;
	v13 =	vsub.f32 $0.0e+00, v2  }
0x90: {  	v4 =	vmul.f32 v4, v3;
	v14 =	vld [tilespmem:s20+$0xB200];
	v9 =	vmul.f32 v9, v6;
	[tilespmem:s22+$0xD200] =	vst v10  }
.Ltmp0:
0x91: {  	v10 =	vmul.f32 v8, v5;
	v5 =	vmul.f32 v1, v13;
	v3 =	vmov v7;
	(pc) =	sbr.rel @p0 .LBB2_3-.Ltmp0, $4  }
0x92: {  	v6 =	vmul.f32 v4, v6;
	v7 =	vmax.f32 v11, $0.0e+00;
	[tilespmem:s22+$0xC200] =	vst v9;
	v1 =	vmov v11  }
0x93: {  	v7 =	vmin.f32 v7, $1.000000000e+00;
	v4 =	vmul.f32 v10, v2;
	v2 =	vld [tilespmem:s21+$0x7A00];
	v11 =	vmul.f32 $5.000000070e-02, v5  }
0x94: {  	v5 =	vsub.f32 $1.000000000e+00, v7;
	v8 =	vmul.f32 $-3.565070630e+05, v7;
	v7 =	vsub.f32 $0.0e+00, v12;
	[tilespmem:s22+$0xCA00] =	vst v6;
	s22 =	smov.u32 s20;
	s20 =	smov.u32 s21  }
0x95: {  	v9 =	vmul.f32 v10, v0;
	v0 =	vmovc v12;
	s21 =	sshra.s32 s25, $0x2;
	s25 =	sadd.s32 $0x40, s25;
	v6 =	vadd.f32 v14, v14;
	v10 =	vmul.f32 v4, v11  }
0x96: {  	v11 =	vld [tilespmem:s21+$0x8200]  }
0x97: {  	v9 =	vmul.f32 v9, v3  }
0x98: {  	v8 =	vmul.f32 v5, v8;
	v10 =	vmul.f32 v10, v6  }
0x99: {  	v12 =	vld [tilespmem:s21+$0x7200];
	v7 =	vmul.f32 v1, v7;
	v9 =	vmul.f32 v9, v6  }
0x9a: {  	v13 =	vld [tilespmem:s20+$0xB200];
	v8 =	vmul.f32 v8, v5;
	[tilespmem:s22+$0xD200] =	vst v10  }
0x9b: {  	v3 =	vmul.f32 v4, v3;
	v7 =	vmul.f32 $5.000000070e-02, v7;
	v14 =	vmax.f32 v11, $0.0e+00;
	[tilespmem:s22+$0xC200] =	vst v9  }
0x9c: {  	v10 =	vsub.f32 $0.0e+00, v2;
	v4 =	vmul.f32 v8, v5;
	v5 =	vld [tilespmem:s21+$0x7A00];
	v8 =	vmin.f32 v14, $1.000000000e+00  }
0x9d: {  	v3 =	vmul.f32 v3, v6;
	v9 =	vsub.f32 $1.000000000e+00, v8;
	v8 =	vmul.f32 $-3.565070630e+05, v8  }
0x9e: {  	v1 =	vmul.f32 v1, v10;
	v0 =	vmul.f32 v4, v0  }
0x9f: {  	v2 =	vmul.f32 v4, v2;
	v6 =	vmul.f32 v9, v8  }
0xa0: {  	v1 =	vmul.f32 $5.000000070e-02, v1;
	v0 =	vmul.f32 v0, v7  }
0xa1: {  	[tilespmem:s22+$0xCA00] =	vst v3;
	v8 =	vsub.f32 $0.0e+00, v12;
	v3 =	vmul.f32 v6, v9;
	v4 =	vsub.f32 $0.0e+00, v5  }
0xa2: {  	v10 =	vld [tilespmem:s21+$0xB200];
	v1 =	vmul.f32 v2, v1;
	v2 =	vmul.f32 v2, v7;
	v6 =	vadd.f32 v13, v13  }
0xa3: {  	v3 =	vmul.f32 v3, v9;
	v4 =	vmul.f32 v11, v4  }
0xa4: {  	v8 =	vmul.f32 v11, v8;
	v1 =	vmul.f32 v1, v6  }
0xa5: {  	v5 =	vmul.f32 v3, v5;
	v4 =	vmul.f32 $5.000000070e-02, v4  }
0xa6: {  	v8 =	vmul.f32 $5.000000070e-02, v8;
	v3 =	vmul.f32 v3, v12  }
0xa7: {  	v7 =	vadd.f32 v10, v10;
	v0 =	vmul.f32 v0, v6;
	v4 =	vmul.f32 v5, v4  }
0xa8: {  	[tilespmem:s20+$0xD200] =	vst v1;
	v1 =	vmul.f32 v2, v6;
	v2 =	vmul.f32 v3, v8  }
0xa9: {  	[tilespmem:s20+$0xC200] =	vst v0;
	v3 =	vmul.f32 v5, v8;
	v0 =	vmul.f32 v4, v7  }
0xaa: {  	[tilespmem:s20+$0xCA00] =	vst v1;
	v1 =	vmul.f32 v2, v7  }
0xab: {  	[tilespmem:s21+$0xD200] =	vst v0;
	v0 =	vmul.f32 v3, v7  }
0xac: {  	[tilespmem:s21+$0xC200] =	vst v1  }
0xad: {  	[tilespmem:s21+$0xCA00] =	vst v0  }
0xae: {  	[spmem:s1] =	stream.indirect.scatter.add.f32 [tilespmem:s6], [sflag:$0x4], $0x1, s18, s24, $0xb8;
	[tilespmem:$0xF280] =	vst v63  }
0xaf: {  	_ = 	snop  }
0xb0: {  	[spmem:s2] =	stream.indirect.scatter.add.f32 [tilespmem:s0], [sflag:$0x4], $0x1, s18, s24, $0xb8;
	[tilespmem:$0xF280] =	vst v63  }
0xb1: {  	_ = 	snop  }
0xb2: {  	[spmem:s3] =	stream.indirect.scatter.add.f32 [tilespmem:s29], [sflag:$0x4], $0x1, s18, s24, $0xb8;
	[tilespmem:$0xF280] =	vst v63  }
0xb3: {  	_ =	swait.ge [sflag:s15], $0x800  }
0xb4: {  	[sflag:s15] =	ssyncset.done $0x0  }
0xb5: {  	s22 =	sshll.u32 s17, $0x1;
	[sflag:s15] =	ssyncadd.s32 $0xFFFFF800  }
0xb6: {  	s20 =	sadd.s32 $0x2, s22;
	_ =	swait.ge [sflag:s15], $0x800  }
0xb7: {  	p0 =	seq.s32 s20, s11;
	s20 =	sshll.u32 s20, $0xB;
	[sflag:s15] =	ssyncset.done $0x0  }
0xb8: {  	s20 =	simm.s32 @p0 $0x0;
	[sflag:s15] =	ssyncadd.s32 $0xFFFFF800  }
0xb9: {  	s20 =	sadd.s32 s13, s20;
	_ =	swait.ge [sflag:s15], $0x800  }
0xba: {  	s20 =	sshrl.u32 s20, $0x3;
	[sflag:s15] =	ssyncset.done $0x0  }
0xbb: {  	s22 =	simm.s32 $0x0;
	s25 =	sadd.s32 s7, s20;
	[sflag:s15] =	ssyncadd.s32 $0xFFFFF800  }
0xbc: {  	[tilespmem:s18], [sflag:$0x1] =	stream.linear.gather [hbm4b:s25+s22], $0x800, $0x38;
	[tilespmem:$0xF280] =	vst v63  }
0xbd: {  	s25 =	sadd.s32 s8, s20  }
0xbe: {  	[tilespmem:s19], [sflag:$0x1] =	stream.linear.gather [hbm4b:s25+s22], $0x800, $0x38;
	[tilespmem:$0xF280] =	vst v63  }
0xbf: {  	s25 =	sadd.s32 s9, s20  }
0xc0: {  	[tilespmem:s5], [sflag:$0x1] =	stream.linear.gather [hbm4b:s25+s22], $0x800, $0x38;
	[tilespmem:$0xF280] =	vst v63  }
0xc1: {  	s21 =	sadd.s32 s10, s20;
	s25 =	simm.s32 $0x7A00  }
0xc2: {  	[tilespmem:s25], [sflag:$0x1] =	stream.linear.gather [hbm4b:s21+s22], $0x800, $0x38;
	[tilespmem:$0xF280] =	vst v63  }
0xc3: {  	s20 =	sadd.s32 s12, s20;
	s25 =	simm.s32 $0x8200  }
0xc4: {  	[tilespmem:s25], [sflag:$0x1] =	stream.linear.gather [hbm4b:s20+s22], $0x800, $0x38;
	[tilespmem:$0xF280] =	vst v63  }
0xc5: {  	_ =	swait.ge [sflag:s23], $0x800  }
0xc6: {  	[sflag:s23] =	ssyncset.done $0x0  }
0xc7: {  	[sflag:s23] =	ssyncadd.s32 $0xFFFFF800  }
0xc8: {  	_ =	swait.ge [sflag:s23], $0x800  }
0xc9: {  	[sflag:s23] =	ssyncset.done $0x0  }
0xca: {  	[sflag:s23] =	ssyncadd.s32 $0xFFFFF800  }
0xcb: {  	_ =	swait.ge [sflag:s23], $0x800  }
0xcc: {  	[sflag:s23] =	ssyncset.done $0x0  }
0xcd: {  	[sflag:s23] =	ssyncadd.s32 $0xFFFFF800  }
0xce: {  	_ =	swait.ge [sflag:s23], $0x800  }
0xcf: {  	[sflag:s23] =	ssyncset.done $0x0  }
0xd0: {  	[sflag:s23] =	ssyncadd.s32 $0xFFFFF800  }
0xd1: {  	_ =	swait.ge [sflag:s23], $0x800  }
0xd2: {  	[sflag:s23] =	ssyncset.done $0x0  }
0xd3: {  	s25 =	simm.s32 $0xB200;
	[sflag:s23] =	ssyncadd.s32 $0xFFFFF800  }
0xd4: {  	[tilespmem:s25], [sflag:$0x2] =	stream.indirect.gather [spmem:s4], $0x1, s19, s24, $0xb8;
	[tilespmem:$0xF280] =	vst v63  }
0xd5: {  	_ =	swait.ge [sflag:s16], $0x800  }
0xd6: {  	[sflag:s16] =	ssyncset.done $0x0  }
0xd7: {  	s22 =	simm.s32 $0x0;
	[sflag:s16] =	ssyncadd.s32 $0xFFFFF800  }
0xd8: {  	v2 =	vld [tilespmem:s22+$0xAA00];
	_ =	sdelay $0x3  }
0xd9: {  	v6 =	vld [tilespmem:s22+$0x9A00]  }
0xda: {  	v4 =	vld [tilespmem:s22+$0xA200];
	v0 =	vmax.f32 v2, $0.0e+00  }
0xdb: {  	v0 =	vmin.f32 v0, $1.000000000e+00  }
0xdc: {  	v3 =	vsub.f32 $1.000000000e+00, v0;
	v0 =	vmul.f32 $-3.565070630e+05, v0  }
0xdd: {  	s20 =	simm.s32 $0x10  }
0xde: {  	v1 =	vld [tilespmem:s20+$0xAA00];
	v5 =	vmul.f32 v3, v0  }
0xdf: {  	v7 =	vsub.f32 $0.0e+00, v6;
	v8 =	vsub.f32 $0.0e+00, v4  }
0xe0: {  	v0 =	vld [tilespmem:s20+$0x9A00];
	v5 =	vmul.f32 v5, v3  }
0xe1: {  	v10 =	vld [tilespmem:s22+$0xBA00];
	v7 =	vmul.f32 v2, v7;
	v2 =	vmul.f32 v2, v8  }
0xe2: {  	v9 =	vmul.f32 v5, v3  }
0xe3: {  	v11 =	vmul.f32 $5.000000070e-02, v2;
	v5 =	vmax.f32 v1, $0.0e+00  }
0xe4: {  	v2 =	vld [tilespmem:s20+$0xA200];
	v3 =	vmul.f32 $5.000000070e-02, v7;
	v7 =	vmin.f32 v5, $1.000000000e+00;
	v4 =	vmul.f32 v9, v4  }
0xe5: {  	v5 =	vsub.f32 $1.000000000e+00, v7;
	v8 =	vmul.f32 $-3.565070630e+05, v7;
	v7 =	vsub.f32 $0.0e+00, v0  }
0xe6: {  	s21 =	simm.s32 $0x20;
	s25 =	simm.s32 $0xC0;
	v9 =	vmul.f32 v9, v6;
	v6 =	vadd.f32 v10, v10;
	v10 =	vmul.f32 v4, v11  }
.LBB2_5:
0xe7: {  	p0 =	sne.s32 s25, $0x1FC0;
	v11 =	vld [tilespmem:s21+$0xAA00];
	v8 =	vmul.f32 v5, v8;
	v7 =	vmul.f32 v1, v7  }
0xe8: {  	v12 =	vld [tilespmem:s21+$0x9A00];
	v9 =	vmul.f32 v9, v3;
	v10 =	vmul.f32 v10, v6  }
0xe9: {  	v8 =	vmul.f32 v8, v5;
	v7 =	vmul.f32 $5.000000070e-02, v7;
	v13 =	vsub.f32 $0.0e+00, v2  }
0xea: {  	v4 =	vmul.f32 v4, v3;
	v14 =	vld [tilespmem:s20+$0xBA00];
	v9 =	vmul.f32 v9, v6;
	[tilespmem:s22+$0xD200] =	vst v10  }
.Ltmp1:
0xeb: {  	v10 =	vmul.f32 v8, v5;
	v5 =	vmul.f32 v1, v13;
	v3 =	vmov v7;
	(pc) =	sbr.rel @p0 .LBB2_5-.Ltmp1, $4  }
0xec: {  	v6 =	vmul.f32 v4, v6;
	v7 =	vmax.f32 v11, $0.0e+00;
	[tilespmem:s22+$0xC200] =	vst v9;
	v1 =	vmov v11  }
0xed: {  	v7 =	vmin.f32 v7, $1.000000000e+00;
	v4 =	vmul.f32 v10, v2;
	v2 =	vld [tilespmem:s21+$0xA200];
	v11 =	vmul.f32 $5.000000070e-02, v5  }
0xee: {  	v5 =	vsub.f32 $1.000000000e+00, v7;
	v8 =	vmul.f32 $-3.565070630e+05, v7;
	v7 =	vsub.f32 $0.0e+00, v12;
	[tilespmem:s22+$0xCA00] =	vst v6;
	s22 =	smov.u32 s20;
	s20 =	smov.u32 s21  }
0xef: {  	v9 =	vmul.f32 v10, v0;
	v0 =	vmovc v12;
	s21 =	sshra.s32 s25, $0x2;
	s25 =	sadd.s32 $0x40, s25;
	v6 =	vadd.f32 v14, v14;
	v10 =	vmul.f32 v4, v11  }
0xf0: {  	v11 =	vld [tilespmem:s21+$0xAA00]  }
0xf1: {  	v9 =	vmul.f32 v9, v3  }
0xf2: {  	v8 =	vmul.f32 v5, v8;
	v10 =	vmul.f32 v10, v6  }
0xf3: {  	v12 =	vld [tilespmem:s21+$0x9A00];
	v9 =	vmul.f32 v9, v6  }
0xf4: {  	v13 =	vld [tilespmem:s20+$0xBA00];
	v8 =	vmul.f32 v8, v5;
	[tilespmem:s22+$0xD200] =	vst v10  }
0xf5: {  	v7 =	vmul.f32 v1, v7;
	v43 =	vsub.f32 $0.0e+00, v2;
	v14 =	vmax.f32 v11, $0.0e+00;
	[tilespmem:s22+$0xC200] =	vst v9  }
0xf6: {  	v44 =	vmul.f32 v4, v3;
	v45 =	vmul.f32 v8, v5;
	v46 =	vld [tilespmem:s21+$0xA200];
	v47 =	vmin.f32 v14, $1.000000000e+00  }
0xf7: {  	v48 =	vmul.f32 v1, v43;
	v49 =	vsub.f32 $1.000000000e+00, v47;
	v8 =	vmul.f32 $-3.565070630e+05, v47  }
0xf8: {  	v3 =	vmul.f32 v44, v6;
	v50 =	vmul.f32 v45, v2  }
0xf9: {  	v1 =	vmul.f32 $5.000000070e-02, v48;
	v51 =	vmul.f32 v49, v8  }
0xfa: {  	v7 =	vmul.f32 $5.000000070e-02, v7;
	v52 =	vsub.f32 $0.0e+00, v12;
	v0 =	vmul.f32 v45, v0  }
0xfb: {  	[tilespmem:s22+$0xCA00] =	vst v3;
	v1 =	vmul.f32 v50, v1;
	v53 =	vmul.f32 v51, v49;
	v54 =	vsub.f32 $0.0e+00, v46  }
0xfc: {  	v55 =	vadd.f32 v13, v13;
	v56 =	vld [tilespmem:s21+$0xBA00];
	v0 =	vmul.f32 v0, v7;
	v2 =	vmul.f32 v50, v7  }
0xfd: {  	v3 =	vmul.f32 v53, v49;
	v4 =	vmul.f32 v11, v54  }
0xfe: {  	v8 =	vmul.f32 v11, v52;
	v1 =	vmul.f32 v1, v55  }
0xff: {  	v5 =	vmul.f32 v3, v46;
	v4 =	vmul.f32 $5.000000070e-02, v4  }
0x100: {  	v8 =	vmul.f32 $5.000000070e-02, v8;
	v3 =	vmul.f32 v3, v12  }
0x101: {  	v0 =	vmul.f32 v0, v55;
	v57 =	vadd.f32 v56, v56;
	v4 =	vmul.f32 v5, v4  }
0x102: {  	v58 =	vmul.f32 v2, v55;
	[tilespmem:s20+$0xD200] =	vst v1;
	v59 =	vmul.f32 v3, v8  }
0x103: {  	[tilespmem:s20+$0xC200] =	vst v0;
	v61 =	vmul.f32 v5, v8;
	v60 =	vmul.f32 v4, v57  }
0x104: {  	[tilespmem:s20+$0xCA00] =	vst v58;
	v62 =	vmul.f32 v59, v57  }
0x105: {  	v63 =	vmul.f32 v61, v57;
	[tilespmem:s21+$0xD200] =	vst v60  }
0x106: {  	[tilespmem:s21+$0xC200] =	vst v62  }
0x107: {  	[tilespmem:s21+$0xCA00] =	vst v63  }
0x108: {  	[spmem:s1] =	stream.indirect.scatter.add.f32 [tilespmem:s6], [sflag:$0x4], $0x1, s26, s24, $0xb8;
	[tilespmem:$0xF280] =	vst v63  }
0x109: {  	_ = 	snop  }
0x10a: {  	[spmem:s2] =	stream.indirect.scatter.add.f32 [tilespmem:s0], [sflag:$0x4], $0x1, s26, s24, $0xb8;
	[tilespmem:$0xF280] =	vst v63  }
0x10b: {  	_ = 	snop  }
0x10c: {  	[spmem:s3] =	stream.indirect.scatter.add.f32 [tilespmem:s29], [sflag:$0x4], $0x1, s26, s24, $0xb8;
	[tilespmem:$0xF280] =	vst v63  }
0x10d: {  	_ =	swait.ge [sflag:s15], $0x800  }
0x10e: {  	[sflag:s15] =	ssyncset.done $0x0  }
0x10f: {  	s17 =	sadd.s32 $0x1, s17;
	[sflag:s15] =	ssyncadd.s32 $0xFFFFF800  }
0x110: {  	p0 =	sne.s32 s17, s30;
	_ =	swait.ge [sflag:s15], $0x800  }
.Ltmp2:
0x111: {  	[sflag:s15] =	ssyncset.done $0x0;
	(pc) =	sbr.rel @p0 .LBB2_2-.Ltmp2, $4  }
0x112: {  	[sflag:s15] =	ssyncadd.s32 $0xFFFFF800  }
0x113: {  	_ =	swait.ge [sflag:s15], $0x800  }
0x114: {  	[sflag:s15] =	ssyncset.done $0x0  }
0x115: {  	[sflag:s15] =	ssyncadd.s32 $0xFFFFF800  }
0x116: {  	_ =	swait.ge [sflag:s14], $0x800  }
0x117: {  	[sflag:s14] =	ssyncset.done $0x0  }
0x118: {  	[sflag:s14] =	ssyncadd.s32 $0xFFFFF800  }
0x119: {  	[bflag:$0x0] =	sbarrier.arrive $0xFFFF  }
0x11a: {  	s5 =	simm.s32 $0xDA00;
	s1 =	rddreg [dreg:$0x8]  }
0x11b: {  	[tilespmem:s5], [sflag:$0x5] =	stream.linear.gather [spmem:s1], $0x1880, $0x38;
	[tilespmem:$0xF280] =	vst v63  }
0x11c: {  	s1 =	simm.s32 $0x5  }
0x11d: {  	_ =	swait.ge [sflag:s1], $0x1880  }
0x11e: {  	s20 =	simm.s32 $0x80;
	[sflag:s1] =	ssyncset.done $0x0  }
0x11f: {  	s25 =	simm.s32 $0x200;
	s17 =	rddreg [dreg:$0x12];
	[sflag:s1] =	ssyncadd.s32 $0xFFFFE780  }
0x120: {  	[hbm4b:s17+s20] =	stream.strided.scatter [tilespmem:s5], [sflag:$0x5], $0x1880, s25, s20, $0x38;
	[tilespmem:$0xF280] =	vst v63  }
0x121: {  	_ =	swait.ge [sflag:s1], $0x1880  }
0x122: {  	[sflag:s1] =	ssyncset.done $0x0  }
0x123: {  	s22 =	rddreg [dreg:$0x9];
	[sflag:s1] =	ssyncadd.s32 $0xFFFFE780  }
0x124: {  	[tilespmem:s5], [sflag:$0x5] =	stream.linear.gather [spmem:s22], $0x1880, $0x38;
	[tilespmem:$0xF280] =	vst v63  }
0x125: {  	_ =	swait.ge [sflag:s1], $0x1880  }
0x126: {  	[sflag:s1] =	ssyncset.done $0x0  }
0x127: {  	s21 =	rddreg [dreg:$0x13];
	[sflag:s1] =	ssyncadd.s32 $0xFFFFE780  }
0x128: {  	[hbm4b:s21+s20] =	stream.strided.scatter [tilespmem:s5], [sflag:$0x5], $0x1880, s25, s20, $0x38;
	[tilespmem:$0xF280] =	vst v63  }
0x129: {  	_ =	swait.ge [sflag:s1], $0x1880  }
0x12a: {  	s20 =	simm.s32 $0x200;
	[sflag:s1] =	ssyncset.done $0x0  }
0x12b: {  	s21 =	smov.u32 s13;
	s25 =	rddreg [dreg:$0xa];
	[sflag:s1] =	ssyncadd.s32 $0xFFFFE780  }
0x12c: {  	[tilespmem:s5], [sflag:$0x5] =	stream.linear.gather [spmem:s25], $0x1880, $0x38;
	[tilespmem:$0xF280] =	vst v63  }
0x12d: {  	s13 =	smov.u32 s11;
	s11 =	smov.u32 s4;
	_ =	swait.ge [sflag:s1], $0x1880  }
0x12e: {  	s4 =	smov.u32 s3;
	s3 =	smov.u32 s2;
	[sflag:s1] =	ssyncset.done $0x0  }
0x12f: {  	s2 =	simm.s32 $0x80;
	s17 =	rddreg [dreg:$0x14];
	[sflag:s1] =	ssyncadd.s32 $0xFFFFE780  }
0x130: {  	[hbm4b:s17+s2] =	stream.strided.scatter [tilespmem:s5], [sflag:$0x5], $0x1880, s20, s2, $0x38;
	[tilespmem:$0xF280] =	vst v63  }
0x131: {  	s2 =	smov.u32 s3  }
0x132: {  	s3 =	smov.u32 s4;
	s4 =	smov.u32 s11;
	s11 =	smov.u32 s13  }
0x133: {  	s13 =	smov.u32 s21;
	s21 =	rddreg [dreg:$0x8];
	_ =	swait.ge [sflag:s1], $0x1880  }
0x134: {  	s17 =	rddreg [dreg:$0x16]  }
0x135: {  	s20 =	rddreg [dreg:$0x15];
	s5 =	sadd.s32 $0x1, s17  }
0x136: {  	p0 =	sne.s32 s5, s20  }
.Ltmp3:
0x137: {  	_ = 	snop;
	(pc) =	sbr.rel @p0 .LBB2_1-.Ltmp3, $3  }
0x138: {  	_ =	sdelay $0x1  }
0x139: {  	[sflag:s1] =	ssyncset.done $0x0  }
0x13a: {  	[sflag:s1] =	ssyncadd.s32 $0xFFFFE780  }
0x13b: {  	_ =	sfence.sel $0x180000  }
0x13c: {  	[bflag:$0x0] =	sbarrier.arrive $0xFFFF  }
0x13d: {  	_ =	strace $0x90000047  }
0x13e: {  	s0 =	stileid.u32;
	[bflag:$0x2] =	sbarrier.arrive $0xFFFF  }
0x13f: {  	p0 =	sne.s32 s0, $0x0;
	s0 =	rddreg [dreg:$0x6]  }
0x140: {  	s0 =	sadd.s32 @!p0 $0x100000, s0  }
0x141: {  	[sflag:s0] =	ssyncadd.tile.s32 @!p0 $0x1;
	_ =	shalt  }
.Lfunc_end2:
_tile_overlayer_lowered:
.L_overlay_start_2:
0x142: {  	(tag) =	ssettag $0x2  }
0x143: {  	s0 =	rddreg [dreg:$0x0];
	s2 =	stileid.u32  }
0x144: {  	s1 =	rddreg [dreg:$0x1];
	p0 =	sne.s32 s2, $0x0  }
0x145: {  	s3 =	rddreg [dreg:$0x2];
	[bflag:$0x3] =	sbarrier.arrive $0xFFFF;
	s2 =	simm.s32 @!p0 $0x1C05  }
0x146: {  	[timem:s3], [sflag:s2] =	dma.local @!p0 [hbm:s0], s1  }
0x147: {  	s0 =	simm.s32 @!p0 $0x5  }
0x148: {  	_ =	swait.ge @!p0 [sflag:s0], s1  }
0x149: {  	s1 =	ssub.s32 @!p0 $0x0, s1;
	[sflag:s0] =	ssyncset.done @!p0 $0x0  }
0x14a: {  	[sflag:s0] =	ssyncadd.s32 @!p0 s1  }
0x14b: {  	[bflag:$0x3] =	sbarrier.arrive $0xFFFF  }
0x14c: {  	_ =	shalt  }

</sc_bundles>
